<compile_context>
chip_gen: v7x
topology: tpu7x:2x2x1
jax: 0.10.2.dev20260603
libtpu: 0.0.44.dev20260713+nightly
codegen_flags: <defaults>
</compile_context>

<pallas_src>
import functools

import jax
import jax.numpy as jnp
from jax import lax
from jax.experimental import pallas as pl
from jax.experimental.pallas import tpu as pltpu
from jax.experimental.pallas import tpu_sc as plsc

N = 10000
E = 320000
D = 128
H = 16
C = 16

NC, NS = 2, 16
NW = NC * NS
TPW = E // NW
JW = 80
J = TPW // JW
NPAD = 10240
NPT = NPAD // NS

_mesh = plsc.VectorSubcoreMesh(core_axis_name="c", subcore_axis_name="s")
_sc_params = pltpu.CompilerParams(use_tc_tiling_on_sc=False)



def _acc_zero(s, zeros_hbm, obuf, acc):
    pltpu.sync_copy(zeros_hbm.at[pl.ds(s * NPT, NPT)], obuf)
    pltpu.sync_copy(obuf, acc.at[pl.ds(s * NPT, NPT)])
    plsc.subcore_barrier()


def _acc_dump(c, s, obuf, acc, out_hbm):
    plsc.subcore_barrier()
    pltpu.sync_copy(acc.at[pl.ds(s * NPT, NPT)], obuf)
    pltpu.sync_copy(obuf, out_hbm.at[c, pl.ds(s * NPT, NPT)])


@functools.partial(
    pl.kernel, mesh=_mesh, compiler_params=_sc_params,
    out_type=jax.ShapeDtypeStruct((NC, NPAD, H), jnp.float32),
    scratch_types=[
        pltpu.VMEM((J, JW), jnp.int32),
        pltpu.VMEM((NPT, H), jnp.float32),
        pltpu.VMEM((JW, H), jnp.float32),
        pltpu.VMEM_SHARED((NPAD, H), jnp.float32),
    ],
)
def _sc_deg(col_hbm, zeros_hbm, ones_hbm, out_hbm, idx_c, obuf, ones_v, acc):
    c, s = lax.axis_index("c"), lax.axis_index("s")
    wid = s * NC + c
    _acc_zero(s, zeros_hbm, obuf, acc)
    pltpu.sync_copy(ones_hbm, ones_v)
    pltpu.sync_copy(col_hbm.at[wid], idx_c)

    def body(j, carry):
        pltpu.sync_copy(ones_v, acc.at[idx_c.at[j]], add=True)
        return carry

    lax.fori_loop(0, J, body, 0)
    _acc_dump(c, s, obuf, acc, out_hbm)


@functools.partial(
    pl.kernel, mesh=_mesh, compiler_params=_sc_params,
    out_type=jax.ShapeDtypeStruct((NC, NPAD, H), jnp.float32),
    scratch_types=[
        pltpu.VMEM((J, JW), jnp.int32),
        pltpu.VMEM((J, JW), jnp.int32),
        pltpu.VMEM((NPT, H), jnp.float32),
        pltpu.VMEM((JW, H), jnp.float32),
        pltpu.VMEM_SHARED((NPAD, H), jnp.float32),
        pltpu.SemaphoreType.DMA,
    ],
)
def _sc_hop(zs_hbm, row_hbm, col_hbm, zeros_hbm, out_hbm,
            idx_r, idx_c, obuf, rows, acc, sem):
    c, s = lax.axis_index("c"), lax.axis_index("s")
    wid = s * NC + c
    _acc_zero(s, zeros_hbm, obuf, acc)
    pltpu.sync_copy(row_hbm.at[wid], idx_r)
    pltpu.sync_copy(col_hbm.at[wid], idx_c)

    def body(j, carry):
        pltpu.async_copy(zs_hbm.at[idx_r.at[j]], rows, sem).wait()
        pltpu.sync_copy(rows, acc.at[idx_c.at[j]], add=True)
        return carry

    lax.fori_loop(0, J, body, 0)
    _acc_dump(c, s, obuf, acc, out_hbm)


@functools.partial(
    pl.kernel, mesh=_mesh, compiler_params=_sc_params,
    out_type=(jax.ShapeDtypeStruct((E, H), jnp.float32),
              jax.ShapeDtypeStruct((E, H), jnp.float32)),
    scratch_types=[
        pltpu.VMEM((J, JW), jnp.int32),
        pltpu.VMEM((J, JW), jnp.int32),
        pltpu.VMEM((JW, H), jnp.float32),
        pltpu.VMEM((JW, H), jnp.float32),
        pltpu.SemaphoreType.DMA,
        pltpu.SemaphoreType.DMA,
    ],
)
def _sc_edge(a_hbm, b_hbm, row_hbm, col_hbm, ga_hbm, gb_hbm,
             idx_r, idx_c, ra, rb, sem_a, sem_b):
    c, s = lax.axis_index("c"), lax.axis_index("s")
    wid = s * NC + c
    pltpu.sync_copy(row_hbm.at[wid], idx_r)
    pltpu.sync_copy(col_hbm.at[wid], idx_c)
    base = wid * TPW

    def body(j, carry):
        da = pltpu.async_copy(a_hbm.at[idx_r.at[j]], ra, sem_a)
        db = pltpu.async_copy(b_hbm.at[idx_c.at[j]], rb, sem_b)
        da.wait()
        db.wait()
        pltpu.sync_copy(ra, ga_hbm.at[pl.ds(base + j * JW, JW)])
        pltpu.sync_copy(rb, gb_hbm.at[pl.ds(base + j * JW, JW)])
        return carry

    lax.fori_loop(0, J, body, 0)



_BN = 1000
_BE = 4000


def _tc1_body(x_ref, w_ref, degp_ref, y_ref, zs_ref, dis_ref):
    Y = jnp.dot(x_ref[...], w_ref[...], preferred_element_type=jnp.float32)
    deg = degp_ref[0, :, 0:1] + degp_ref[1, :, 0:1]
    dis = jnp.where(deg > 0, lax.rsqrt(jnp.where(deg > 0, deg, 1.0)), 0.0)
    for k in range(4):
        y_ref[k] = Y[:, k * H:(k + 1) * H]
    zs_ref[...] = dis * Y[:, 3 * H:4 * H]
    dis_ref[...] = dis


_tc1 = pl.pallas_call(
    _tc1_body,
    grid=(N // _BN,),
    in_specs=[
        pl.BlockSpec((_BN, D), lambda i: (i, 0)),
        pl.BlockSpec((D, 4 * H), lambda i: (0, 0)),
        pl.BlockSpec((NC, _BN, H), lambda i: (0, i, 0)),
    ],
    out_specs=[
        pl.BlockSpec((4, _BN, H), lambda i: (0, i, 0)),
        pl.BlockSpec((_BN, H), lambda i: (i, 0)),
        pl.BlockSpec((_BN, 1), lambda i: (i, 0)),
    ],
    out_shape=[
        jax.ShapeDtypeStruct((4, N, H), jnp.float32),
        jax.ShapeDtypeStruct((N, H), jnp.float32),
        jax.ShapeDtypeStruct((N, 1), jnp.float32),
    ],
)


def _comb_body(p_ref, y_ref, dis_ref, zs_ref):
    dis = dis_ref[...]
    z = y_ref[0] + dis * (p_ref[0] + p_ref[1])
    zs_ref[...] = dis * z


def _make_comb(k):
    return pl.pallas_call(
        _comb_body,
        grid=(N // _BN,),
        in_specs=[
            pl.BlockSpec((NC, _BN, H), lambda i: (0, i, 0)),
            pl.BlockSpec((1, _BN, H), lambda i, k=k: (k, i, 0)),
            pl.BlockSpec((_BN, 1), lambda i: (i, 0)),
        ],
        out_specs=pl.BlockSpec((_BN, H), lambda i: (i, 0)),
        out_shape=jax.ShapeDtypeStruct((N, H), jnp.float32),
    )


_comb_k2 = _make_comb(2)
_comb_k1 = _make_comb(1)


def _fin1_body(p_ref, y_ref, dis_ref, b_ref, w2_ref, y2_ref, zs_ref):
    dis = dis_ref[...]
    h1 = jnp.maximum(y_ref[0] + dis * (p_ref[0] + p_ref[1]) + b_ref[0:1, :], 0.0)
    Y2 = jnp.dot(h1, w2_ref[...], preferred_element_type=jnp.float32)
    for k in range(4):
        y2_ref[k] = Y2[:, k * H:(k + 1) * H]
    zs_ref[...] = dis * Y2[:, 3 * H:4 * H]


_fin1 = pl.pallas_call(
    _fin1_body,
    grid=(N // _BN,),
    in_specs=[
        pl.BlockSpec((NC, _BN, H), lambda i: (0, i, 0)),
        pl.BlockSpec((1, _BN, H), lambda i: (0, i, 0)),
        pl.BlockSpec((_BN, 1), lambda i: (i, 0)),
        pl.BlockSpec((8, H), lambda i: (0, 0)),
        pl.BlockSpec((H, 4 * H), lambda i: (0, 0)),
    ],
    out_specs=[
        pl.BlockSpec((4, _BN, H), lambda i: (0, i, 0)),
        pl.BlockSpec((_BN, H), lambda i: (i, 0)),
    ],
    out_shape=[
        jax.ShapeDtypeStruct((4, N, H), jnp.float32),
        jax.ShapeDtypeStruct((N, H), jnp.float32),
    ],
)


def _fin2_body(p_ref, y_ref, dis_ref, b_ref, wc_ref, bc_ref, a_ref, bb_ref):
    dis = dis_ref[...]
    h2 = jnp.maximum(y_ref[0] + dis * (p_ref[0] + p_ref[1]) + b_ref[0:1, :], 0.0)
    Wc = wc_ref[...]
    a_ref[...] = (jnp.dot(h2, Wc[:H], preferred_element_type=jnp.float32)
                  + bc_ref[0:1, :])
    bb_ref[...] = jnp.dot(h2, Wc[H:2 * H], preferred_element_type=jnp.float32)


_fin2 = pl.pallas_call(
    _fin2_body,
    grid=(N // _BN,),
    in_specs=[
        pl.BlockSpec((NC, _BN, H), lambda i: (0, i, 0)),
        pl.BlockSpec((1, _BN, H), lambda i: (0, i, 0)),
        pl.BlockSpec((_BN, 1), lambda i: (i, 0)),
        pl.BlockSpec((8, H), lambda i: (0, 0)),
        pl.BlockSpec((2 * H, C), lambda i: (0, 0)),
        pl.BlockSpec((8, C), lambda i: (0, 0)),
    ],
    out_specs=[
        pl.BlockSpec((_BN, C), lambda i: (i, 0)),
        pl.BlockSpec((_BN, C), lambda i: (i, 0)),
    ],
    out_shape=[
        jax.ShapeDtypeStruct((N, C), jnp.float32),
        jax.ShapeDtypeStruct((N, C), jnp.float32),
    ],
)


def _final_body(ga_ref, gb_ref, o_ref):
    t = ga_ref[...] + gb_ref[...]
    m = jnp.max(t, axis=1, keepdims=True)
    e = jnp.exp(t - m)
    o_ref[...] = (t - m) - jnp.log(jnp.sum(e, axis=1, keepdims=True))


_final = pl.pallas_call(
    _final_body,
    grid=(E // _BE,),
    in_specs=[
        pl.BlockSpec((_BE, C), lambda i: (i, 0)),
        pl.BlockSpec((_BE, C), lambda i: (i, 0)),
    ],
    out_specs=pl.BlockSpec((_BE, C), lambda i: (i, 0)),
    out_shape=jax.ShapeDtypeStruct((E, C), jnp.float32),
)



def kernel(x, edge_index, W1, b1, W2, b2, Wc, bc):
    ei = edge_index.astype(jnp.int32)
    row3 = ei[0].reshape(NW, J, JW)
    col3 = ei[1].reshape(NW, J, JW)
    W1c = jnp.transpose(W1, (1, 0, 2)).reshape(D, 4 * H)
    W2c = jnp.transpose(W2, (1, 0, 2)).reshape(H, 4 * H)
    b1t = jnp.tile(b1.reshape(1, H), (8, 1))
    b2t = jnp.tile(b2.reshape(1, H), (8, 1))
    bct = jnp.tile(bc.reshape(1, C), (8, 1))
    zeros_nh = jnp.zeros((NPAD, H), jnp.float32)
    ones_jw = jnp.ones((JW, H), jnp.float32)

    degp = _sc_deg(col3, zeros_nh, ones_jw)
    Y1, zs, dis = _tc1(x, W1c, degp)
    for comb in (_comb_k2, _comb_k1):
        p = _sc_hop(zs, row3, col3, zeros_nh)
        zs = comb(p, Y1, dis)
    p = _sc_hop(zs, row3, col3, zeros_nh)
    Y2, zs = _fin1(p, Y1, dis, b1t, W2c)
    for comb in (_comb_k2, _comb_k1):
        p = _sc_hop(zs, row3, col3, zeros_nh)
        zs = comb(p, Y2, dis)
    p = _sc_hop(zs, row3, col3, zeros_nh)
    a, bb = _fin2(p, Y2, dis, b2t, Wc, bct)
    ga, gb = _sc_edge(a, bb, row3, col3)
    return _final(ga, gb)

# --- scband reference (transcript-rebuilt; emitter-appended) ---
"""Pipeline reference for scband-tagcnedge-74320114090102 (READ-ONLY COPY).

The authoritative reference and input builder live on the scoring server;
editing this copy changes nothing except your own understanding.
"""

import jax, jax.numpy as jnp
import numpy as np


def tag_conv(x, edge_index, W, b):
    # TAGConv (K=3): out = sum_k lin_k(S^k x), S = D^{-1/2} A D^{-1/2} (no self loops)
    row, col = edge_index[0], edge_index[1]
    n = x.shape[0]
    e = row.shape[0]
    deg = jax.ops.segment_sum(jnp.ones((e,), dtype=x.dtype), col, num_segments=n)
    deg_inv_sqrt = jnp.where(deg > 0, jax.lax.rsqrt(jnp.where(deg > 0, deg, 1.0)), 0.0)
    norm = deg_inv_sqrt[row] * deg_inv_sqrt[col]
    out = x @ W[0]
    h = x
    for k in range(1, W.shape[0]):
        msg = h[row] * norm[:, None]
        h = jax.ops.segment_sum(msg, col, num_segments=n)
        out = out + h @ W[k]
    return out + b


def setup_inputs(seed: int = 0):
    key = jax.random.key(seed)
    ks = jax.random.split(key, 8)
    N, E, D, H, C = 10000, 320000, 128, 16, 16
    x = jax.random.normal(ks[0], (N, D), dtype=jnp.float32)
    edge_index = jax.random.randint(ks[1], (2, E), 0, N, dtype=jnp.int32).astype(jnp.int64)
    W1 = jax.random.normal(ks[2], (4, D, H), dtype=jnp.float32) / np.sqrt(D)
    b1 = jnp.zeros((H,), dtype=jnp.float32)
    W2 = jax.random.normal(ks[3], (4, H, H), dtype=jnp.float32) / np.sqrt(H)
    b2 = jnp.zeros((H,), dtype=jnp.float32)
    Wc = jax.random.normal(ks[4], (2 * H, C), dtype=jnp.float32) / np.sqrt(2 * H)
    bc = jnp.zeros((C,), dtype=jnp.float32)
    return {"x": x, "edge_index": edge_index, "W1": W1, "b1": b1, "W2": W2, "b2": b2, "Wc": Wc, "bc": bc}


def reference(x, edge_index, W1, b1, W2, b2, Wc, bc):
    h = jax.nn.relu(tag_conv(x, edge_index, W1, b1))
    # dropout is identity in eval mode
    h = jax.nn.relu(tag_conv(h, edge_index, W2, b2))
    row, col = edge_index[0], edge_index[1]
    x_src = h[row]
    x_dst = h[col]
    edge_feat = jnp.concatenate([x_src, x_dst], axis=-1)
    out = edge_feat @ Wc + bc
    return jax.nn.log_softmax(out, axis=1)

if __name__ == "__main__":
    import jax
    _d = setup_inputs()
    print(jax.jit(kernel)(*tuple(_d.values())))

</pallas_src>

<mosaic_0001>
#map = affine_map<(d0, d1) -> (0, 0)>
#map1 = affine_map<(d0, d1) -> (0, 0, 0)>
module attributes {stable_mosaic.version = 14 : i64} {
  func.func @_sc_hop(%arg0: i32, %arg1: i32, %arg2: memref<10000x16xf32, #tpu.memory_space<hbm>>, %arg3: memref<32x125x80xi32, #tpu.memory_space<hbm>>, %arg4: memref<32x125x80xi32, #tpu.memory_space<hbm>>, %arg5: memref<10240x16xf32, #tpu.memory_space<hbm>>, %arg6: memref<2x10240x16xf32, #tpu.memory_space<hbm>>, %arg7: memref<125x80xi32, #tpu.memory_space<vmem>>, %arg8: memref<125x80xi32, #tpu.memory_space<vmem>>, %arg9: memref<640x16xf32, #tpu.memory_space<vmem>>, %arg10: memref<80x16xf32, #tpu.memory_space<vmem>>, %arg11: memref<10240x16xf32, #tpu.memory_space<vmem_shared>>, %arg12: memref<!tpu.dma_semaphore, #tpu.memory_space<semaphore_mem>>) attributes {dimension_semantics = [#tpu.dimension_semantics<core_parallel>, #tpu.dimension_semantics<subcore_parallel>], iteration_bounds = array<i64: 2, 16>, scalar_prefetch = 0 : i64, scratch_operands = 6 : i64, tpu.core_type = #tpu.core_type<sc_vector_subcore>, window_params = [{transform_indices = #map}, {transform_indices = #map1}, {transform_indices = #map1}, {transform_indices = #map}, {transform_indices = #map1}]} {
    %mul3A = arith.constant 2 : i32
    %mul3A_0 = arith.muli %arg1, %mul3A : i32
    %add3A = arith.addi %mul3A_0, %arg0 : i32
    %mul3A_1 = arith.constant 640 : i32
    %mul3A_2 = arith.muli %arg1, %mul3A_1 : i32
    "tpu.region"() ({
      %run_scoped3A = tpu.sem_alloc : memref<!tpu.dma_semaphore, #tpu.memory_space<semaphore_mem>>
      %dma_start3A = arith.constant 0 : i32
      %dma_start3A_15 = tpu.memref_slice %arg5[%mul3A_2, %dma_start3A] : memref<10240x16xf32, #tpu.memory_space<hbm>> -> memref<640x16xf32, #tpu.memory_space<hbm>>
      %dma_start3A_16 = arith.constant 0 : i32
      %dma_start3A_17 = tpu.memref_slice %arg5[%mul3A_2, %dma_start3A_16] : memref<10240x16xf32, #tpu.memory_space<hbm>> -> memref<640x16xf32, #tpu.memory_space<hbm>>
      tpu.enqueue_dma source(%dma_start3A_17 : memref<640x16xf32, #tpu.memory_space<hbm>>) target(%arg9 : memref<640x16xf32, #tpu.memory_space<vmem>>) target_semaphore(%run_scoped3A : memref<!tpu.dma_semaphore, #tpu.memory_space<semaphore_mem>>)
      %dma_wait3A = arith.constant 0 : i32
      %dma_wait3A_18 = tpu.memref_slice %arg5[%mul3A_2, %dma_wait3A] : memref<10240x16xf32, #tpu.memory_space<hbm>> -> memref<640x16xf32, #tpu.memory_space<hbm>>
      %dma_wait3A_19 = arith.constant 0 : i32
      %dma_wait3A_20 = tpu.memref_slice %arg5[%mul3A_2, %dma_wait3A_19] : memref<10240x16xf32, #tpu.memory_space<hbm>> -> memref<640x16xf32, #tpu.memory_space<hbm>>
      tpu.wait_dma2 semaphore(%run_scoped3A : memref<!tpu.dma_semaphore, #tpu.memory_space<semaphore_mem>>) src(%dma_wait3A_20 : memref<640x16xf32, #tpu.memory_space<hbm>>) dst(%arg9 : memref<640x16xf32, #tpu.memory_space<vmem>>)
      tpu.yield
    }) : () -> ()
    %mul3A_3 = arith.constant 640 : i32
    %mul3A_4 = arith.muli %arg1, %mul3A_3 : i32
    "tpu.region"() ({
      %run_scoped3A = tpu.sem_alloc : memref<!tpu.dma_semaphore, #tpu.memory_space<semaphore_mem>>
      %dma_start3A = arith.constant 0 : i32
      %dma_start3A_15 = tpu.memref_slice %arg11[%mul3A_4, %dma_start3A] : memref<10240x16xf32, #tpu.memory_space<vmem_shared>> -> memref<640x16xf32, #tpu.memory_space<vmem_shared>>
      %dma_start3A_16 = arith.constant 0 : i32
      %dma_start3A_17 = tpu.memref_slice %arg11[%mul3A_4, %dma_start3A_16] : memref<10240x16xf32, #tpu.memory_space<vmem_shared>> -> memref<640x16xf32, #tpu.memory_space<vmem_shared>>
      tpu.enqueue_dma source(%arg9 : memref<640x16xf32, #tpu.memory_space<vmem>>) target(%dma_start3A_17 : memref<640x16xf32, #tpu.memory_space<vmem_shared>>) target_semaphore(%run_scoped3A : memref<!tpu.dma_semaphore, #tpu.memory_space<semaphore_mem>>)
      %dma_wait3A = arith.constant 0 : i32
      %dma_wait3A_18 = tpu.memref_slice %arg11[%mul3A_4, %dma_wait3A] : memref<10240x16xf32, #tpu.memory_space<vmem_shared>> -> memref<640x16xf32, #tpu.memory_space<vmem_shared>>
      %dma_wait3A_19 = arith.constant 0 : i32
      %dma_wait3A_20 = tpu.memref_slice %arg11[%mul3A_4, %dma_wait3A_19] : memref<10240x16xf32, #tpu.memory_space<vmem_shared>> -> memref<640x16xf32, #tpu.memory_space<vmem_shared>>
      tpu.wait_dma2 semaphore(%run_scoped3A : memref<!tpu.dma_semaphore, #tpu.memory_space<semaphore_mem>>) src(%arg9 : memref<640x16xf32, #tpu.memory_space<vmem>>) dst(%dma_wait3A_20 : memref<640x16xf32, #tpu.memory_space<vmem_shared>>)
      tpu.yield
    }) : () -> ()
    %barrier3A = arith.constant 0 : index
    tpu.barrier barrier_id(%barrier3A)
    "tpu.region"() ({
      %run_scoped3A = tpu.sem_alloc : memref<!tpu.dma_semaphore, #tpu.memory_space<semaphore_mem>>
      %dma_start3A = arith.constant 0 : i32
      %dma_start3A_15 = arith.constant 0 : i32
      %dma_start3A_16 = tpu.memref_slice %arg3[%add3A, %dma_start3A, %dma_start3A_15] : memref<32x125x80xi32, #tpu.memory_space<hbm>> -> memref<1x125x80xi32, #tpu.memory_space<hbm>>
      %dma_start3A_17 = tpu.memref_squeeze %dma_start3A_16 : memref<1x125x80xi32, #tpu.memory_space<hbm>> -> memref<125x80xi32, #tpu.memory_space<hbm>>
      %dma_start3A_18 = arith.constant 0 : i32
      %dma_start3A_19 = arith.constant 0 : i32
      %dma_start3A_20 = tpu.memref_slice %arg3[%add3A, %dma_start3A_18, %dma_start3A_19] : memref<32x125x80xi32, #tpu.memory_space<hbm>> -> memref<1x125x80xi32, #tpu.memory_space<hbm>>
      %dma_start3A_21 = tpu.memref_squeeze %dma_start3A_20 : memref<1x125x80xi32, #tpu.memory_space<hbm>> -> memref<125x80xi32, #tpu.memory_space<hbm>>
      tpu.enqueue_dma source(%dma_start3A_21 : memref<125x80xi32, #tpu.memory_space<hbm>>) target(%arg7 : memref<125x80xi32, #tpu.memory_space<vmem>>) target_semaphore(%run_scoped3A : memref<!tpu.dma_semaphore, #tpu.memory_space<semaphore_mem>>)
      %dma_wait3A = arith.constant 0 : i32
      %dma_wait3A_22 = arith.constant 0 : i32
      %dma_wait3A_23 = tpu.memref_slice %arg3[%add3A, %dma_wait3A, %dma_wait3A_22] : memref<32x125x80xi32, #tpu.memory_space<hbm>> -> memref<1x125x80xi32, #tpu.memory_space<hbm>>
      %dma_wait3A_24 = tpu.memref_squeeze %dma_wait3A_23 : memref<1x125x80xi32, #tpu.memory_space<hbm>> -> memref<125x80xi32, #tpu.memory_space<hbm>>
      %dma_wait3A_25 = arith.constant 0 : i32
      %dma_wait3A_26 = arith.constant 0 : i32
      %dma_wait3A_27 = tpu.memref_slice %arg3[%add3A, %dma_wait3A_25, %dma_wait3A_26] : memref<32x125x80xi32, #tpu.memory_space<hbm>> -> memref<1x125x80xi32, #tpu.memory_space<hbm>>
      %dma_wait3A_28 = tpu.memref_squeeze %dma_wait3A_27 : memref<1x125x80xi32, #tpu.memory_space<hbm>> -> memref<125x80xi32, #tpu.memory_space<hbm>>
      tpu.wait_dma2 semaphore(%run_scoped3A : memref<!tpu.dma_semaphore, #tpu.memory_space<semaphore_mem>>) src(%dma_wait3A_28 : memref<125x80xi32, #tpu.memory_space<hbm>>) dst(%arg7 : memref<125x80xi32, #tpu.memory_space<vmem>>)
      tpu.yield
    }) : () -> ()
    "tpu.region"() ({
      %run_scoped3A = tpu.sem_alloc : memref<!tpu.dma_semaphore, #tpu.memory_space<semaphore_mem>>
      %dma_start3A = arith.constant 0 : i32
      %dma_start3A_15 = arith.constant 0 : i32
      %dma_start3A_16 = tpu.memref_slice %arg4[%add3A, %dma_start3A, %dma_start3A_15] : memref<32x125x80xi32, #tpu.memory_space<hbm>> -> memref<1x125x80xi32, #tpu.memory_space<hbm>>
      %dma_start3A_17 = tpu.memref_squeeze %dma_start3A_16 : memref<1x125x80xi32, #tpu.memory_space<hbm>> -> memref<125x80xi32, #tpu.memory_space<hbm>>
      %dma_start3A_18 = arith.constant 0 : i32
      %dma_start3A_19 = arith.constant 0 : i32
      %dma_start3A_20 = tpu.memref_slice %arg4[%add3A, %dma_start3A_18, %dma_start3A_19] : memref<32x125x80xi32, #tpu.memory_space<hbm>> -> memref<1x125x80xi32, #tpu.memory_space<hbm>>
      %dma_start3A_21 = tpu.memref_squeeze %dma_start3A_20 : memref<1x125x80xi32, #tpu.memory_space<hbm>> -> memref<125x80xi32, #tpu.memory_space<hbm>>
      tpu.enqueue_dma source(%dma_start3A_21 : memref<125x80xi32, #tpu.memory_space<hbm>>) target(%arg8 : memref<125x80xi32, #tpu.memory_space<vmem>>) target_semaphore(%run_scoped3A : memref<!tpu.dma_semaphore, #tpu.memory_space<semaphore_mem>>)
      %dma_wait3A = arith.constant 0 : i32
      %dma_wait3A_22 = arith.constant 0 : i32
      %dma_wait3A_23 = tpu.memref_slice %arg4[%add3A, %dma_wait3A, %dma_wait3A_22] : memref<32x125x80xi32, #tpu.memory_space<hbm>> -> memref<1x125x80xi32, #tpu.memory_space<hbm>>
      %dma_wait3A_24 = tpu.memref_squeeze %dma_wait3A_23 : memref<1x125x80xi32, #tpu.memory_space<hbm>> -> memref<125x80xi32, #tpu.memory_space<hbm>>
      %dma_wait3A_25 = arith.constant 0 : i32
      %dma_wait3A_26 = arith.constant 0 : i32
      %dma_wait3A_27 = tpu.memref_slice %arg4[%add3A, %dma_wait3A_25, %dma_wait3A_26] : memref<32x125x80xi32, #tpu.memory_space<hbm>> -> memref<1x125x80xi32, #tpu.memory_space<hbm>>
      %dma_wait3A_28 = tpu.memref_squeeze %dma_wait3A_27 : memref<1x125x80xi32, #tpu.memory_space<hbm>> -> memref<125x80xi32, #tpu.memory_space<hbm>>
      tpu.wait_dma2 semaphore(%run_scoped3A : memref<!tpu.dma_semaphore, #tpu.memory_space<semaphore_mem>>) src(%dma_wait3A_28 : memref<125x80xi32, #tpu.memory_space<hbm>>) dst(%arg8 : memref<125x80xi32, #tpu.memory_space<vmem>>)
      tpu.yield
    }) : () -> ()
    %scan3A = arith.constant 0 : i32
    %scan3A_5 = arith.constant 0 : i32
    %scan3A_6 = arith.constant 125 : i32
    %scan3A_7 = arith.addi %scan3A_5, %scan3A_6 : i32
    %scan3A_8 = arith.constant 1 : i32
    scf.for %scan3A_15 = %scan3A_5 to %scan3A_7 step %scan3A_8  : i32 {
      %dma_start3A = arith.constant 0 : i32
      %dma_start3A_16 = tpu.memref_slice %arg7[%scan3A_15, %dma_start3A] : memref<125x80xi32, #tpu.memory_space<vmem>> -> memref<1x80xi32, #tpu.memory_space<vmem>>
      %dma_start3A_17 = tpu.memref_squeeze %dma_start3A_16 : memref<1x80xi32, #tpu.memory_space<vmem>> -> memref<80xi32, #tpu.memory_space<vmem>>
      %dma_start3A_18 = arith.constant 0 : i32
      %dma_start3A_19 = arith.constant 0 : i32
      %dma_start3A_20 = tpu.memref_slice %arg2[%dma_start3A_18, %dma_start3A_19] : memref<10000x16xf32, #tpu.memory_space<hbm>> -> memref<10000x16xf32, #tpu.memory_space<hbm>>
      tpu.enqueue_indirect_dma source(%dma_start3A_20 : memref<10000x16xf32, #tpu.memory_space<hbm>>) target(%arg10 : memref<80x16xf32, #tpu.memory_space<vmem>>) offsets(%dma_start3A_17 : memref<80xi32, #tpu.memory_space<vmem>>) semaphore(%arg12 : memref<!tpu.dma_semaphore, #tpu.memory_space<semaphore_mem>>)
      %dma_wait3A = arith.constant 0 : i32
      %dma_wait3A_21 = tpu.memref_slice %arg7[%scan3A_15, %dma_wait3A] : memref<125x80xi32, #tpu.memory_space<vmem>> -> memref<1x80xi32, #tpu.memory_space<vmem>>
      %dma_wait3A_22 = tpu.memref_squeeze %dma_wait3A_21 : memref<1x80xi32, #tpu.memory_space<vmem>> -> memref<80xi32, #tpu.memory_space<vmem>>
      %dma_wait3A_23 = arith.constant 0 : i32
      %dma_wait3A_24 = arith.constant 0 : i32
      %dma_wait3A_25 = tpu.memref_slice %arg2[%dma_wait3A_23, %dma_wait3A_24] : memref<10000x16xf32, #tpu.memory_space<hbm>> -> memref<10000x16xf32, #tpu.memory_space<hbm>>
      tpu.wait_indirect_dma semaphore(%arg12 : memref<!tpu.dma_semaphore, #tpu.memory_space<semaphore_mem>>) src(%dma_wait3A_25 : memref<10000x16xf32, #tpu.memory_space<hbm>>) dst(%arg10 : memref<80x16xf32, #tpu.memory_space<vmem>>)
      "tpu.region"() ({
        %run_scoped3A = tpu.sem_alloc : memref<!tpu.dma_semaphore, #tpu.memory_space<semaphore_mem>>
        %dma_start3A_26 = arith.constant 0 : i32
        %dma_start3A_27 = tpu.memref_slice %arg8[%scan3A_15, %dma_start3A_26] : memref<125x80xi32, #tpu.memory_space<vmem>> -> memref<1x80xi32, #tpu.memory_space<vmem>>
        %dma_start3A_28 = tpu.memref_squeeze %dma_start3A_27 : memref<1x80xi32, #tpu.memory_space<vmem>> -> memref<80xi32, #tpu.memory_space<vmem>>
        %dma_start3A_29 = arith.constant 0 : i32
        %dma_start3A_30 = arith.constant 0 : i32
        %dma_start3A_31 = tpu.memref_slice %arg11[%dma_start3A_29, %dma_start3A_30] : memref<10240x16xf32, #tpu.memory_space<vmem_shared>> -> memref<10240x16xf32, #tpu.memory_space<vmem_shared>>
        tpu.enqueue_indirect_dma source(%arg10 : memref<80x16xf32, #tpu.memory_space<vmem>>) target(%dma_start3A_31 : memref<10240x16xf32, #tpu.memory_space<vmem_shared>>) offsets(%dma_start3A_28 : memref<80xi32, #tpu.memory_space<vmem>>) semaphore(%run_scoped3A : memref<!tpu.dma_semaphore, #tpu.memory_space<semaphore_mem>>) {add = true}
        %dma_wait3A_32 = arith.constant 0 : i32
        %dma_wait3A_33 = tpu.memref_slice %arg8[%scan3A_15, %dma_wait3A_32] : memref<125x80xi32, #tpu.memory_space<vmem>> -> memref<1x80xi32, #tpu.memory_space<vmem>>
        %dma_wait3A_34 = tpu.memref_squeeze %dma_wait3A_33 : memref<1x80xi32, #tpu.memory_space<vmem>> -> memref<80xi32, #tpu.memory_space<vmem>>
        %dma_wait3A_35 = arith.constant 0 : i32
        %dma_wait3A_36 = arith.constant 0 : i32
        %dma_wait3A_37 = tpu.memref_slice %arg11[%dma_wait3A_35, %dma_wait3A_36] : memref<10240x16xf32, #tpu.memory_space<vmem_shared>> -> memref<10240x16xf32, #tpu.memory_space<vmem_shared>>
        tpu.wait_indirect_dma semaphore(%run_scoped3A : memref<!tpu.dma_semaphore, #tpu.memory_space<semaphore_mem>>) src(%arg10 : memref<80x16xf32, #tpu.memory_space<vmem>>) dst(%dma_wait3A_37 : memref<10240x16xf32, #tpu.memory_space<vmem_shared>>)
        tpu.yield
      }) : () -> ()
    }
    %scan3A_9 = arith.constant 125 : i32
    %barrier3A_10 = arith.constant 0 : index
    tpu.barrier barrier_id(%barrier3A_10)
    %mul3A_11 = arith.constant 640 : i32
    %mul3A_12 = arith.muli %arg1, %mul3A_11 : i32
    "tpu.region"() ({
      %run_scoped3A = tpu.sem_alloc : memref<!tpu.dma_semaphore, #tpu.memory_space<semaphore_mem>>
      %dma_start3A = arith.constant 0 : i32
      %dma_start3A_15 = tpu.memref_slice %arg11[%mul3A_12, %dma_start3A] : memref<10240x16xf32, #tpu.memory_space<vmem_shared>> -> memref<640x16xf32, #tpu.memory_space<vmem_shared>>
      %dma_start3A_16 = arith.constant 0 : i32
      %dma_start3A_17 = tpu.memref_slice %arg11[%mul3A_12, %dma_start3A_16] : memref<10240x16xf32, #tpu.memory_space<vmem_shared>> -> memref<640x16xf32, #tpu.memory_space<vmem_shared>>
      tpu.enqueue_dma source(%dma_start3A_17 : memref<640x16xf32, #tpu.memory_space<vmem_shared>>) target(%arg9 : memref<640x16xf32, #tpu.memory_space<vmem>>) target_semaphore(%run_scoped3A : memref<!tpu.dma_semaphore, #tpu.memory_space<semaphore_mem>>)
      %dma_wait3A = arith.constant 0 : i32
      %dma_wait3A_18 = tpu.memref_slice %arg11[%mul3A_12, %dma_wait3A] : memref<10240x16xf32, #tpu.memory_space<vmem_shared>> -> memref<640x16xf32, #tpu.memory_space<vmem_shared>>
      %dma_wait3A_19 = arith.constant 0 : i32
      %dma_wait3A_20 = tpu.memref_slice %arg11[%mul3A_12, %dma_wait3A_19] : memref<10240x16xf32, #tpu.memory_space<vmem_shared>> -> memref<640x16xf32, #tpu.memory_space<vmem_shared>>
      tpu.wait_dma2 semaphore(%run_scoped3A : memref<!tpu.dma_semaphore, #tpu.memory_space<semaphore_mem>>) src(%dma_wait3A_20 : memref<640x16xf32, #tpu.memory_space<vmem_shared>>) dst(%arg9 : memref<640x16xf32, #tpu.memory_space<vmem>>)
      tpu.yield
    }) : () -> ()
    %mul3A_13 = arith.constant 640 : i32
    %mul3A_14 = arith.muli %arg1, %mul3A_13 : i32
    "tpu.region"() ({
      %run_scoped3A = tpu.sem_alloc : memref<!tpu.dma_semaphore, #tpu.memory_space<semaphore_mem>>
      %dma_start3A = arith.constant 0 : i32
      %dma_start3A_15 = tpu.memref_slice %arg6[%arg0, %mul3A_14, %dma_start3A] : memref<2x10240x16xf32, #tpu.memory_space<hbm>> -> memref<1x640x16xf32, #tpu.memory_space<hbm>>
      %dma_start3A_16 = tpu.memref_squeeze %dma_start3A_15 : memref<1x640x16xf32, #tpu.memory_space<hbm>> -> memref<640x16xf32, #tpu.memory_space<hbm>>
      %dma_start3A_17 = arith.constant 0 : i32
      %dma_start3A_18 = tpu.memref_slice %arg6[%arg0, %mul3A_14, %dma_start3A_17] : memref<2x10240x16xf32, #tpu.memory_space<hbm>> -> memref<1x640x16xf32, #tpu.memory_space<hbm>>
      %dma_start3A_19 = tpu.memref_squeeze %dma_start3A_18 : memref<1x640x16xf32, #tpu.memory_space<hbm>> -> memref<640x16xf32, #tpu.memory_space<hbm>>
      tpu.enqueue_dma source(%arg9 : memref<640x16xf32, #tpu.memory_space<vmem>>) target(%dma_start3A_19 : memref<640x16xf32, #tpu.memory_space<hbm>>) target_semaphore(%run_scoped3A : memref<!tpu.dma_semaphore, #tpu.memory_space<semaphore_mem>>)
      %dma_wait3A = arith.constant 0 : i32
      %dma_wait3A_20 = tpu.memref_slice %arg6[%arg0, %mul3A_14, %dma_wait3A] : memref<2x10240x16xf32, #tpu.memory_space<hbm>> -> memref<1x640x16xf32, #tpu.memory_space<hbm>>
      %dma_wait3A_21 = tpu.memref_squeeze %dma_wait3A_20 : memref<1x640x16xf32, #tpu.memory_space<hbm>> -> memref<640x16xf32, #tpu.memory_space<hbm>>
      %dma_wait3A_22 = arith.constant 0 : i32
      %dma_wait3A_23 = tpu.memref_slice %arg6[%arg0, %mul3A_14, %dma_wait3A_22] : memref<2x10240x16xf32, #tpu.memory_space<hbm>> -> memref<1x640x16xf32, #tpu.memory_space<hbm>>
      %dma_wait3A_24 = tpu.memref_squeeze %dma_wait3A_23 : memref<1x640x16xf32, #tpu.memory_space<hbm>> -> memref<640x16xf32, #tpu.memory_space<hbm>>
      tpu.wait_dma2 semaphore(%run_scoped3A : memref<!tpu.dma_semaphore, #tpu.memory_space<semaphore_mem>>) src(%arg9 : memref<640x16xf32, #tpu.memory_space<vmem>>) dst(%dma_wait3A_24 : memref<640x16xf32, #tpu.memory_space<hbm>>)
      tpu.yield
    }) : () -> ()
    return
  }
}

#map = affine_map<(d0, d1) -> (0, 0, 0)>
#map1 = affine_map<(d0, d1) -> (0, 0)>
module attributes {stable_mosaic.version = 14 : i64} {
  func.func @_sc_deg(%arg0: i32, %arg1: i32, %arg2: memref<32x125x80xi32, #tpu.memory_space<hbm>>, %arg3: memref<10240x16xf32, #tpu.memory_space<hbm>>, %arg4: memref<80x16xf32, #tpu.memory_space<hbm>>, %arg5: memref<2x10240x16xf32, #tpu.memory_space<hbm>>, %arg6: memref<125x80xi32, #tpu.memory_space<vmem>>, %arg7: memref<640x16xf32, #tpu.memory_space<vmem>>, %arg8: memref<80x16xf32, #tpu.memory_space<vmem>>, %arg9: memref<10240x16xf32, #tpu.memory_space<vmem_shared>>) attributes {dimension_semantics = [#tpu.dimension_semantics<core_parallel>, #tpu.dimension_semantics<subcore_parallel>], iteration_bounds = array<i64: 2, 16>, scalar_prefetch = 0 : i64, scratch_operands = 4 : i64, tpu.core_type = #tpu.core_type<sc_vector_subcore>, window_params = [{transform_indices = #map}, {transform_indices = #map1}, {transform_indices = #map1}, {transform_indices = #map}]} {
    %mul3A = arith.constant 2 : i32
    %mul3A_0 = arith.muli %arg1, %mul3A : i32
    %add3A = arith.addi %mul3A_0, %arg0 : i32
    %mul3A_1 = arith.constant 640 : i32
    %mul3A_2 = arith.muli %arg1, %mul3A_1 : i32
    "tpu.region"() ({
      %run_scoped3A = tpu.sem_alloc : memref<!tpu.dma_semaphore, #tpu.memory_space<semaphore_mem>>
      %dma_start3A = arith.constant 0 : i32
      %dma_start3A_15 = tpu.memref_slice %arg3[%mul3A_2, %dma_start3A] : memref<10240x16xf32, #tpu.memory_space<hbm>> -> memref<640x16xf32, #tpu.memory_space<hbm>>
      %dma_start3A_16 = arith.constant 0 : i32
      %dma_start3A_17 = tpu.memref_slice %arg3[%mul3A_2, %dma_start3A_16] : memref<10240x16xf32, #tpu.memory_space<hbm>> -> memref<640x16xf32, #tpu.memory_space<hbm>>
      tpu.enqueue_dma source(%dma_start3A_17 : memref<640x16xf32, #tpu.memory_space<hbm>>) target(%arg7 : memref<640x16xf32, #tpu.memory_space<vmem>>) target_semaphore(%run_scoped3A : memref<!tpu.dma_semaphore, #tpu.memory_space<semaphore_mem>>)
      %dma_wait3A = arith.constant 0 : i32
      %dma_wait3A_18 = tpu.memref_slice %arg3[%mul3A_2, %dma_wait3A] : memref<10240x16xf32, #tpu.memory_space<hbm>> -> memref<640x16xf32, #tpu.memory_space<hbm>>
      %dma_wait3A_19 = arith.constant 0 : i32
      %dma_wait3A_20 = tpu.memref_slice %arg3[%mul3A_2, %dma_wait3A_19] : memref<10240x16xf32, #tpu.memory_space<hbm>> -> memref<640x16xf32, #tpu.memory_space<hbm>>
      tpu.wait_dma2 semaphore(%run_scoped3A : memref<!tpu.dma_semaphore, #tpu.memory_space<semaphore_mem>>) src(%dma_wait3A_20 : memref<640x16xf32, #tpu.memory_space<hbm>>) dst(%arg7 : memref<640x16xf32, #tpu.memory_space<vmem>>)
      tpu.yield
    }) : () -> ()
    %mul3A_3 = arith.constant 640 : i32
    %mul3A_4 = arith.muli %arg1, %mul3A_3 : i32
    "tpu.region"() ({
      %run_scoped3A = tpu.sem_alloc : memref<!tpu.dma_semaphore, #tpu.memory_space<semaphore_mem>>
      %dma_start3A = arith.constant 0 : i32
      %dma_start3A_15 = tpu.memref_slice %arg9[%mul3A_4, %dma_start3A] : memref<10240x16xf32, #tpu.memory_space<vmem_shared>> -> memref<640x16xf32, #tpu.memory_space<vmem_shared>>
      %dma_start3A_16 = arith.constant 0 : i32
      %dma_start3A_17 = tpu.memref_slice %arg9[%mul3A_4, %dma_start3A_16] : memref<10240x16xf32, #tpu.memory_space<vmem_shared>> -> memref<640x16xf32, #tpu.memory_space<vmem_shared>>
      tpu.enqueue_dma source(%arg7 : memref<640x16xf32, #tpu.memory_space<vmem>>) target(%dma_start3A_17 : memref<640x16xf32, #tpu.memory_space<vmem_shared>>) target_semaphore(%run_scoped3A : memref<!tpu.dma_semaphore, #tpu.memory_space<semaphore_mem>>)
      %dma_wait3A = arith.constant 0 : i32
      %dma_wait3A_18 = tpu.memref_slice %arg9[%mul3A_4, %dma_wait3A] : memref<10240x16xf32, #tpu.memory_space<vmem_shared>> -> memref<640x16xf32, #tpu.memory_space<vmem_shared>>
      %dma_wait3A_19 = arith.constant 0 : i32
      %dma_wait3A_20 = tpu.memref_slice %arg9[%mul3A_4, %dma_wait3A_19] : memref<10240x16xf32, #tpu.memory_space<vmem_shared>> -> memref<640x16xf32, #tpu.memory_space<vmem_shared>>
      tpu.wait_dma2 semaphore(%run_scoped3A : memref<!tpu.dma_semaphore, #tpu.memory_space<semaphore_mem>>) src(%arg7 : memref<640x16xf32, #tpu.memory_space<vmem>>) dst(%dma_wait3A_20 : memref<640x16xf32, #tpu.memory_space<vmem_shared>>)
      tpu.yield
    }) : () -> ()
    %barrier3A = arith.constant 0 : index
    tpu.barrier barrier_id(%barrier3A)
    "tpu.region"() ({
      %run_scoped3A = tpu.sem_alloc : memref<!tpu.dma_semaphore, #tpu.memory_space<semaphore_mem>>
      tpu.enqueue_dma source(%arg4 : memref<80x16xf32, #tpu.memory_space<hbm>>) target(%arg8 : memref<80x16xf32, #tpu.memory_space<vmem>>) target_semaphore(%run_scoped3A : memref<!tpu.dma_semaphore, #tpu.memory_space<semaphore_mem>>)
      tpu.wait_dma2 semaphore(%run_scoped3A : memref<!tpu.dma_semaphore, #tpu.memory_space<semaphore_mem>>) src(%arg4 : memref<80x16xf32, #tpu.memory_space<hbm>>) dst(%arg8 : memref<80x16xf32, #tpu.memory_space<vmem>>)
      tpu.yield
    }) : () -> ()
    "tpu.region"() ({
      %run_scoped3A = tpu.sem_alloc : memref<!tpu.dma_semaphore, #tpu.memory_space<semaphore_mem>>
      %dma_start3A = arith.constant 0 : i32
      %dma_start3A_15 = arith.constant 0 : i32
      %dma_start3A_16 = tpu.memref_slice %arg2[%add3A, %dma_start3A, %dma_start3A_15] : memref<32x125x80xi32, #tpu.memory_space<hbm>> -> memref<1x125x80xi32, #tpu.memory_space<hbm>>
      %dma_start3A_17 = tpu.memref_squeeze %dma_start3A_16 : memref<1x125x80xi32, #tpu.memory_space<hbm>> -> memref<125x80xi32, #tpu.memory_space<hbm>>
      %dma_start3A_18 = arith.constant 0 : i32
      %dma_start3A_19 = arith.constant 0 : i32
      %dma_start3A_20 = tpu.memref_slice %arg2[%add3A, %dma_start3A_18, %dma_start3A_19] : memref<32x125x80xi32, #tpu.memory_space<hbm>> -> memref<1x125x80xi32, #tpu.memory_space<hbm>>
      %dma_start3A_21 = tpu.memref_squeeze %dma_start3A_20 : memref<1x125x80xi32, #tpu.memory_space<hbm>> -> memref<125x80xi32, #tpu.memory_space<hbm>>
      tpu.enqueue_dma source(%dma_start3A_21 : memref<125x80xi32, #tpu.memory_space<hbm>>) target(%arg6 : memref<125x80xi32, #tpu.memory_space<vmem>>) target_semaphore(%run_scoped3A : memref<!tpu.dma_semaphore, #tpu.memory_space<semaphore_mem>>)
      %dma_wait3A = arith.constant 0 : i32
      %dma_wait3A_22 = arith.constant 0 : i32
      %dma_wait3A_23 = tpu.memref_slice %arg2[%add3A, %dma_wait3A, %dma_wait3A_22] : memref<32x125x80xi32, #tpu.memory_space<hbm>> -> memref<1x125x80xi32, #tpu.memory_space<hbm>>
      %dma_wait3A_24 = tpu.memref_squeeze %dma_wait3A_23 : memref<1x125x80xi32, #tpu.memory_space<hbm>> -> memref<125x80xi32, #tpu.memory_space<hbm>>
      %dma_wait3A_25 = arith.constant 0 : i32
      %dma_wait3A_26 = arith.constant 0 : i32
      %dma_wait3A_27 = tpu.memref_slice %arg2[%add3A, %dma_wait3A_25, %dma_wait3A_26] : memref<32x125x80xi32, #tpu.memory_space<hbm>> -> memref<1x125x80xi32, #tpu.memory_space<hbm>>
      %dma_wait3A_28 = tpu.memref_squeeze %dma_wait3A_27 : memref<1x125x80xi32, #tpu.memory_space<hbm>> -> memref<125x80xi32, #tpu.memory_space<hbm>>
      tpu.wait_dma2 semaphore(%run_scoped3A : memref<!tpu.dma_semaphore, #tpu.memory_space<semaphore_mem>>) src(%dma_wait3A_28 : memref<125x80xi32, #tpu.memory_space<hbm>>) dst(%arg6 : memref<125x80xi32, #tpu.memory_space<vmem>>)
      tpu.yield
    }) : () -> ()
    %scan3A = arith.constant 0 : i32
    %scan3A_5 = arith.constant 0 : i32
    %scan3A_6 = arith.constant 125 : i32
    %scan3A_7 = arith.addi %scan3A_5, %scan3A_6 : i32
    %scan3A_8 = arith.constant 1 : i32
    scf.for %scan3A_15 = %scan3A_5 to %scan3A_7 step %scan3A_8  : i32 {
      "tpu.region"() ({
        %run_scoped3A = tpu.sem_alloc : memref<!tpu.dma_semaphore, #tpu.memory_space<semaphore_mem>>
        %dma_start3A = arith.constant 0 : i32
        %dma_start3A_16 = tpu.memref_slice %arg6[%scan3A_15, %dma_start3A] : memref<125x80xi32, #tpu.memory_space<vmem>> -> memref<1x80xi32, #tpu.memory_space<vmem>>
        %dma_start3A_17 = tpu.memref_squeeze %dma_start3A_16 : memref<1x80xi32, #tpu.memory_space<vmem>> -> memref<80xi32, #tpu.memory_space<vmem>>
        %dma_start3A_18 = arith.constant 0 : i32
        %dma_start3A_19 = arith.constant 0 : i32
        %dma_start3A_20 = tpu.memref_slice %arg9[%dma_start3A_18, %dma_start3A_19] : memref<10240x16xf32, #tpu.memory_space<vmem_shared>> -> memref<10240x16xf32, #tpu.memory_space<vmem_shared>>
        tpu.enqueue_indirect_dma source(%arg8 : memref<80x16xf32, #tpu.memory_space<vmem>>) target(%dma_start3A_20 : memref<10240x16xf32, #tpu.memory_space<vmem_shared>>) offsets(%dma_start3A_17 : memref<80xi32, #tpu.memory_space<vmem>>) semaphore(%run_scoped3A : memref<!tpu.dma_semaphore, #tpu.memory_space<semaphore_mem>>) {add = true}
        %dma_wait3A = arith.constant 0 : i32
        %dma_wait3A_21 = tpu.memref_slice %arg6[%scan3A_15, %dma_wait3A] : memref<125x80xi32, #tpu.memory_space<vmem>> -> memref<1x80xi32, #tpu.memory_space<vmem>>
        %dma_wait3A_22 = tpu.memref_squeeze %dma_wait3A_21 : memref<1x80xi32, #tpu.memory_space<vmem>> -> memref<80xi32, #tpu.memory_space<vmem>>
        %dma_wait3A_23 = arith.constant 0 : i32
        %dma_wait3A_24 = arith.constant 0 : i32
        %dma_wait3A_25 = tpu.memref_slice %arg9[%dma_wait3A_23, %dma_wait3A_24] : memref<10240x16xf32, #tpu.memory_space<vmem_shared>> -> memref<10240x16xf32, #tpu.memory_space<vmem_shared>>
        tpu.wait_indirect_dma semaphore(%run_scoped3A : memref<!tpu.dma_semaphore, #tpu.memory_space<semaphore_mem>>) src(%arg8 : memref<80x16xf32, #tpu.memory_space<vmem>>) dst(%dma_wait3A_25 : memref<10240x16xf32, #tpu.memory_space<vmem_shared>>)
        tpu.yield
      }) : () -> ()
    }
    %scan3A_9 = arith.constant 125 : i32
    %barrier3A_10 = arith.constant 0 : index
    tpu.barrier barrier_id(%barrier3A_10)
    %mul3A_11 = arith.constant 640 : i32
    %mul3A_12 = arith.muli %arg1, %mul3A_11 : i32
    "tpu.region"() ({
      %run_scoped3A = tpu.sem_alloc : memref<!tpu.dma_semaphore, #tpu.memory_space<semaphore_mem>>
      %dma_start3A = arith.constant 0 : i32
      %dma_start3A_15 = tpu.memref_slice %arg9[%mul3A_12, %dma_start3A] : memref<10240x16xf32, #tpu.memory_space<vmem_shared>> -> memref<640x16xf32, #tpu.memory_space<vmem_shared>>
      %dma_start3A_16 = arith.constant 0 : i32
      %dma_start3A_17 = tpu.memref_slice %arg9[%mul3A_12, %dma_start3A_16] : memref<10240x16xf32, #tpu.memory_space<vmem_shared>> -> memref<640x16xf32, #tpu.memory_space<vmem_shared>>
      tpu.enqueue_dma source(%dma_start3A_17 : memref<640x16xf32, #tpu.memory_space<vmem_shared>>) target(%arg7 : memref<640x16xf32, #tpu.memory_space<vmem>>) target_semaphore(%run_scoped3A : memref<!tpu.dma_semaphore, #tpu.memory_space<semaphore_mem>>)
      %dma_wait3A = arith.constant 0 : i32
      %dma_wait3A_18 = tpu.memref_slice %arg9[%mul3A_12, %dma_wait3A] : memref<10240x16xf32, #tpu.memory_space<vmem_shared>> -> memref<640x16xf32, #tpu.memory_space<vmem_shared>>
      %dma_wait3A_19 = arith.constant 0 : i32
      %dma_wait3A_20 = tpu.memref_slice %arg9[%mul3A_12, %dma_wait3A_19] : memref<10240x16xf32, #tpu.memory_space<vmem_shared>> -> memref<640x16xf32, #tpu.memory_space<vmem_shared>>
      tpu.wait_dma2 semaphore(%run_scoped3A : memref<!tpu.dma_semaphore, #tpu.memory_space<semaphore_mem>>) src(%dma_wait3A_20 : memref<640x16xf32, #tpu.memory_space<vmem_shared>>) dst(%arg7 : memref<640x16xf32, #tpu.memory_space<vmem>>)
      tpu.yield
    }) : () -> ()
    %mul3A_13 = arith.constant 640 : i32
    %mul3A_14 = arith.muli %arg1, %mul3A_13 : i32
    "tpu.region"() ({
      %run_scoped3A = tpu.sem_alloc : memref<!tpu.dma_semaphore, #tpu.memory_space<semaphore_mem>>
      %dma_start3A = arith.constant 0 : i32
      %dma_start3A_15 = tpu.memref_slice %arg5[%arg0, %mul3A_14, %dma_start3A] : memref<2x10240x16xf32, #tpu.memory_space<hbm>> -> memref<1x640x16xf32, #tpu.memory_space<hbm>>
      %dma_start3A_16 = tpu.memref_squeeze %dma_start3A_15 : memref<1x640x16xf32, #tpu.memory_space<hbm>> -> memref<640x16xf32, #tpu.memory_space<hbm>>
      %dma_start3A_17 = arith.constant 0 : i32
      %dma_start3A_18 = tpu.memref_slice %arg5[%arg0, %mul3A_14, %dma_start3A_17] : memref<2x10240x16xf32, #tpu.memory_space<hbm>> -> memref<1x640x16xf32, #tpu.memory_space<hbm>>
      %dma_start3A_19 = tpu.memref_squeeze %dma_start3A_18 : memref<1x640x16xf32, #tpu.memory_space<hbm>> -> memref<640x16xf32, #tpu.memory_space<hbm>>
      tpu.enqueue_dma source(%arg7 : memref<640x16xf32, #tpu.memory_space<vmem>>) target(%dma_start3A_19 : memref<640x16xf32, #tpu.memory_space<hbm>>) target_semaphore(%run_scoped3A : memref<!tpu.dma_semaphore, #tpu.memory_space<semaphore_mem>>)
      %dma_wait3A = arith.constant 0 : i32
      %dma_wait3A_20 = tpu.memref_slice %arg5[%arg0, %mul3A_14, %dma_wait3A] : memref<2x10240x16xf32, #tpu.memory_space<hbm>> -> memref<1x640x16xf32, #tpu.memory_space<hbm>>
      %dma_wait3A_21 = tpu.memref_squeeze %dma_wait3A_20 : memref<1x640x16xf32, #tpu.memory_space<hbm>> -> memref<640x16xf32, #tpu.memory_space<hbm>>
      %dma_wait3A_22 = arith.constant 0 : i32
      %dma_wait3A_23 = tpu.memref_slice %arg5[%arg0, %mul3A_14, %dma_wait3A_22] : memref<2x10240x16xf32, #tpu.memory_space<hbm>> -> memref<1x640x16xf32, #tpu.memory_space<hbm>>
      %dma_wait3A_24 = tpu.memref_squeeze %dma_wait3A_23 : memref<1x640x16xf32, #tpu.memory_space<hbm>> -> memref<640x16xf32, #tpu.memory_space<hbm>>
      tpu.wait_dma2 semaphore(%run_scoped3A : memref<!tpu.dma_semaphore, #tpu.memory_space<semaphore_mem>>) src(%arg7 : memref<640x16xf32, #tpu.memory_space<vmem>>) dst(%dma_wait3A_24 : memref<640x16xf32, #tpu.memory_space<hbm>>)
      tpu.yield
    }) : () -> ()
    return
  }
}

#map = affine_map<(d0, d1) -> (0, 0)>
#map1 = affine_map<(d0, d1) -> (0, 0, 0)>
module attributes {stable_mosaic.version = 14 : i64} {
  func.func @_sc_hop(%arg0: i32, %arg1: i32, %arg2: memref<10000x16xf32, #tpu.memory_space<hbm>>, %arg3: memref<32x125x80xi32, #tpu.memory_space<hbm>>, %arg4: memref<32x125x80xi32, #tpu.memory_space<hbm>>, %arg5: memref<10240x16xf32, #tpu.memory_space<hbm>>, %arg6: memref<2x10240x16xf32, #tpu.memory_space<hbm>>, %arg7: memref<125x80xi32, #tpu.memory_space<vmem>>, %arg8: memref<125x80xi32, #tpu.memory_space<vmem>>, %arg9: memref<640x16xf32, #tpu.memory_space<vmem>>, %arg10: memref<80x16xf32, #tpu.memory_space<vmem>>, %arg11: memref<10240x16xf32, #tpu.memory_space<vmem_shared>>, %arg12: memref<!tpu.dma_semaphore, #tpu.memory_space<semaphore_mem>>) attributes {dimension_semantics = [#tpu.dimension_semantics<core_parallel>, #tpu.dimension_semantics<subcore_parallel>], iteration_bounds = array<i64: 2, 16>, scalar_prefetch = 0 : i64, scratch_operands = 6 : i64, tpu.core_type = #tpu.core_type<sc_vector_subcore>, window_params = [{transform_indices = #map}, {transform_indices = #map1}, {transform_indices = #map1}, {transform_indices = #map}, {transform_indices = #map1}]} {
    %mul3A = arith.constant 2 : i32
    %mul3A_0 = arith.muli %arg1, %mul3A : i32
    %add3A = arith.addi %mul3A_0, %arg0 : i32
    %mul3A_1 = arith.constant 640 : i32
    %mul3A_2 = arith.muli %arg1, %mul3A_1 : i32
    "tpu.region"() ({
      %run_scoped3A = tpu.sem_alloc : memref<!tpu.dma_semaphore, #tpu.memory_space<semaphore_mem>>
      %dma_start3A = arith.constant 0 : i32
      %dma_start3A_15 = tpu.memref_slice %arg5[%mul3A_2, %dma_start3A] : memref<10240x16xf32, #tpu.memory_space<hbm>> -> memref<640x16xf32, #tpu.memory_space<hbm>>
      %dma_start3A_16 = arith.constant 0 : i32
      %dma_start3A_17 = tpu.memref_slice %arg5[%mul3A_2, %dma_start3A_16] : memref<10240x16xf32, #tpu.memory_space<hbm>> -> memref<640x16xf32, #tpu.memory_space<hbm>>
      tpu.enqueue_dma source(%dma_start3A_17 : memref<640x16xf32, #tpu.memory_space<hbm>>) target(%arg9 : memref<640x16xf32, #tpu.memory_space<vmem>>) target_semaphore(%run_scoped3A : memref<!tpu.dma_semaphore, #tpu.memory_space<semaphore_mem>>)
      %dma_wait3A = arith.constant 0 : i32
      %dma_wait3A_18 = tpu.memref_slice %arg5[%mul3A_2, %dma_wait3A] : memref<10240x16xf32, #tpu.memory_space<hbm>> -> memref<640x16xf32, #tpu.memory_space<hbm>>
      %dma_wait3A_19 = arith.constant 0 : i32
      %dma_wait3A_20 = tpu.memref_slice %arg5[%mul3A_2, %dma_wait3A_19] : memref<10240x16xf32, #tpu.memory_space<hbm>> -> memref<640x16xf32, #tpu.memory_space<hbm>>
      tpu.wait_dma2 semaphore(%run_scoped3A : memref<!tpu.dma_semaphore, #tpu.memory_space<semaphore_mem>>) src(%dma_wait3A_20 : memref<640x16xf32, #tpu.memory_space<hbm>>) dst(%arg9 : memref<640x16xf32, #tpu.memory_space<vmem>>)
      tpu.yield
    }) : () -> ()
    %mul3A_3 = arith.constant 640 : i32
    %mul3A_4 = arith.muli %arg1, %mul3A_3 : i32
    "tpu.region"() ({
      %run_scoped3A = tpu.sem_alloc : memref<!tpu.dma_semaphore, #tpu.memory_space<semaphore_mem>>
      %dma_start3A = arith.constant 0 : i32
      %dma_start3A_15 = tpu.memref_slice %arg11[%mul3A_4, %dma_start3A] : memref<10240x16xf32, #tpu.memory_space<vmem_shared>> -> memref<640x16xf32, #tpu.memory_space<vmem_shared>>
      %dma_start3A_16 = arith.constant 0 : i32
      %dma_start3A_17 = tpu.memref_slice %arg11[%mul3A_4, %dma_start3A_16] : memref<10240x16xf32, #tpu.memory_space<vmem_shared>> -> memref<640x16xf32, #tpu.memory_space<vmem_shared>>
      tpu.enqueue_dma source(%arg9 : memref<640x16xf32, #tpu.memory_space<vmem>>) target(%dma_start3A_17 : memref<640x16xf32, #tpu.memory_space<vmem_shared>>) target_semaphore(%run_scoped3A : memref<!tpu.dma_semaphore, #tpu.memory_space<semaphore_mem>>)
      %dma_wait3A = arith.constant 0 : i32
      %dma_wait3A_18 = tpu.memref_slice %arg11[%mul3A_4, %dma_wait3A] : memref<10240x16xf32, #tpu.memory_space<vmem_shared>> -> memref<640x16xf32, #tpu.memory_space<vmem_shared>>
      %dma_wait3A_19 = arith.constant 0 : i32
      %dma_wait3A_20 = tpu.memref_slice %arg11[%mul3A_4, %dma_wait3A_19] : memref<10240x16xf32, #tpu.memory_space<vmem_shared>> -> memref<640x16xf32, #tpu.memory_space<vmem_shared>>
      tpu.wait_dma2 semaphore(%run_scoped3A : memref<!tpu.dma_semaphore, #tpu.memory_space<semaphore_mem>>) src(%arg9 : memref<640x16xf32, #tpu.memory_space<vmem>>) dst(%dma_wait3A_20 : memref<640x16xf32, #tpu.memory_space<vmem_shared>>)
      tpu.yield
    }) : () -> ()
    %barrier3A = arith.constant 0 : index
    tpu.barrier barrier_id(%barrier3A)
    "tpu.region"() ({
      %run_scoped3A = tpu.sem_alloc : memref<!tpu.dma_semaphore, #tpu.memory_space<semaphore_mem>>
      %dma_start3A = arith.constant 0 : i32
      %dma_start3A_15 = arith.constant 0 : i32
      %dma_start3A_16 = tpu.memref_slice %arg3[%add3A, %dma_start3A, %dma_start3A_15] : memref<32x125x80xi32, #tpu.memory_space<hbm>> -> memref<1x125x80xi32, #tpu.memory_space<hbm>>
      %dma_start3A_17 = tpu.memref_squeeze %dma_start3A_16 : memref<1x125x80xi32, #tpu.memory_space<hbm>> -> memref<125x80xi32, #tpu.memory_space<hbm>>
      %dma_start3A_18 = arith.constant 0 : i32
      %dma_start3A_19 = arith.constant 0 : i32
      %dma_start3A_20 = tpu.memref_slice %arg3[%add3A, %dma_start3A_18, %dma_start3A_19] : memref<32x125x80xi32, #tpu.memory_space<hbm>> -> memref<1x125x80xi32, #tpu.memory_space<hbm>>
      %dma_start3A_21 = tpu.memref_squeeze %dma_start3A_20 : memref<1x125x80xi32, #tpu.memory_space<hbm>> -> memref<125x80xi32, #tpu.memory_space<hbm>>
      tpu.enqueue_dma source(%dma_start3A_21 : memref<125x80xi32, #tpu.memory_space<hbm>>) target(%arg7 : memref<125x80xi32, #tpu.memory_space<vmem>>) target_semaphore(%run_scoped3A : memref<!tpu.dma_semaphore, #tpu.memory_space<semaphore_mem>>)
      %dma_wait3A = arith.constant 0 : i32
      %dma_wait3A_22 = arith.constant 0 : i32
      %dma_wait3A_23 = tpu.memref_slice %arg3[%add3A, %dma_wait3A, %dma_wait3A_22] : memref<32x125x80xi32, #tpu.memory_space<hbm>> -> memref<1x125x80xi32, #tpu.memory_space<hbm>>
      %dma_wait3A_24 = tpu.memref_squeeze %dma_wait3A_23 : memref<1x125x80xi32, #tpu.memory_space<hbm>> -> memref<125x80xi32, #tpu.memory_space<hbm>>
      %dma_wait3A_25 = arith.constant 0 : i32
      %dma_wait3A_26 = arith.constant 0 : i32
      %dma_wait3A_27 = tpu.memref_slice %arg3[%add3A, %dma_wait3A_25, %dma_wait3A_26] : memref<32x125x80xi32, #tpu.memory_space<hbm>> -> memref<1x125x80xi32, #tpu.memory_space<hbm>>
      %dma_wait3A_28 = tpu.memref_squeeze %dma_wait3A_27 : memref<1x125x80xi32, #tpu.memory_space<hbm>> -> memref<125x80xi32, #tpu.memory_space<hbm>>
      tpu.wait_dma2 semaphore(%run_scoped3A : memref<!tpu.dma_semaphore, #tpu.memory_space<semaphore_mem>>) src(%dma_wait3A_28 : memref<125x80xi32, #tpu.memory_space<hbm>>) dst(%arg7 : memref<125x80xi32, #tpu.memory_space<vmem>>)
      tpu.yield
    }) : () -> ()
    "tpu.region"() ({
      %run_scoped3A = tpu.sem_alloc : memref<!tpu.dma_semaphore, #tpu.memory_space<semaphore_mem>>
      %dma_start3A = arith.constant 0 : i32
      %dma_start3A_15 = arith.constant 0 : i32
      %dma_start3A_16 = tpu.memref_slice %arg4[%add3A, %dma_start3A, %dma_start3A_15] : memref<32x125x80xi32, #tpu.memory_space<hbm>> -> memref<1x125x80xi32, #tpu.memory_space<hbm>>
      %dma_start3A_17 = tpu.memref_squeeze %dma_start3A_16 : memref<1x125x80xi32, #tpu.memory_space<hbm>> -> memref<125x80xi32, #tpu.memory_space<hbm>>
      %dma_start3A_18 = arith.constant 0 : i32
      %dma_start3A_19 = arith.constant 0 : i32
      %dma_start3A_20 = tpu.memref_slice %arg4[%add3A, %dma_start3A_18, %dma_start3A_19] : memref<32x125x80xi32, #tpu.memory_space<hbm>> -> memref<1x125x80xi32, #tpu.memory_space<hbm>>
      %dma_start3A_21 = tpu.memref_squeeze %dma_start3A_20 : memref<1x125x80xi32, #tpu.memory_space<hbm>> -> memref<125x80xi32, #tpu.memory_space<hbm>>
      tpu.enqueue_dma source(%dma_start3A_21 : memref<125x80xi32, #tpu.memory_space<hbm>>) target(%arg8 : memref<125x80xi32, #tpu.memory_space<vmem>>) target_semaphore(%run_scoped3A : memref<!tpu.dma_semaphore, #tpu.memory_space<semaphore_mem>>)
      %dma_wait3A = arith.constant 0 : i32
      %dma_wait3A_22 = arith.constant 0 : i32
      %dma_wait3A_23 = tpu.memref_slice %arg4[%add3A, %dma_wait3A, %dma_wait3A_22] : memref<32x125x80xi32, #tpu.memory_space<hbm>> -> memref<1x125x80xi32, #tpu.memory_space<hbm>>
      %dma_wait3A_24 = tpu.memref_squeeze %dma_wait3A_23 : memref<1x125x80xi32, #tpu.memory_space<hbm>> -> memref<125x80xi32, #tpu.memory_space<hbm>>
      %dma_wait3A_25 = arith.constant 0 : i32
      %dma_wait3A_26 = arith.constant 0 : i32
      %dma_wait3A_27 = tpu.memref_slice %arg4[%add3A, %dma_wait3A_25, %dma_wait3A_26] : memref<32x125x80xi32, #tpu.memory_space<hbm>> -> memref<1x125x80xi32, #tpu.memory_space<hbm>>
      %dma_wait3A_28 = tpu.memref_squeeze %dma_wait3A_27 : memref<1x125x80xi32, #tpu.memory_space<hbm>> -> memref<125x80xi32, #tpu.memory_space<hbm>>
      tpu.wait_dma2 semaphore(%run_scoped3A : memref<!tpu.dma_semaphore, #tpu.memory_space<semaphore_mem>>) src(%dma_wait3A_28 : memref<125x80xi32, #tpu.memory_space<hbm>>) dst(%arg8 : memref<125x80xi32, #tpu.memory_space<vmem>>)
      tpu.yield
    }) : () -> ()
    %scan3A = arith.constant 0 : i32
    %scan3A_5 = arith.constant 0 : i32
    %scan3A_6 = arith.constant 125 : i32
    %scan3A_7 = arith.addi %scan3A_5, %scan3A_6 : i32
    %scan3A_8 = arith.constant 1 : i32
    scf.for %scan3A_15 = %scan3A_5 to %scan3A_7 step %scan3A_8  : i32 {
      %dma_start3A = arith.constant 0 : i32
      %dma_start3A_16 = tpu.memref_slice %arg7[%scan3A_15, %dma_start3A] : memref<125x80xi32, #tpu.memory_space<vmem>> -> memref<1x80xi32, #tpu.memory_space<vmem>>
      %dma_start3A_17 = tpu.memref_squeeze %dma_start3A_16 : memref<1x80xi32, #tpu.memory_space<vmem>> -> memref<80xi32, #tpu.memory_space<vmem>>
      %dma_start3A_18 = arith.constant 0 : i32
      %dma_start3A_19 = arith.constant 0 : i32
      %dma_start3A_20 = tpu.memref_slice %arg2[%dma_start3A_18, %dma_start3A_19] : memref<10000x16xf32, #tpu.memory_space<hbm>> -> memref<10000x16xf32, #tpu.memory_space<hbm>>
      tpu.enqueue_indirect_dma source(%dma_start3A_20 : memref<10000x16xf32, #tpu.memory_space<hbm>>) target(%arg10 : memref<80x16xf32, #tpu.memory_space<vmem>>) offsets(%dma_start3A_17 : memref<80xi32, #tpu.memory_space<vmem>>) semaphore(%arg12 : memref<!tpu.dma_semaphore, #tpu.memory_space<semaphore_mem>>)
      %dma_wait3A = arith.constant 0 : i32
      %dma_wait3A_21 = tpu.memref_slice %arg7[%scan3A_15, %dma_wait3A] : memref<125x80xi32, #tpu.memory_space<vmem>> -> memref<1x80xi32, #tpu.memory_space<vmem>>
      %dma_wait3A_22 = tpu.memref_squeeze %dma_wait3A_21 : memref<1x80xi32, #tpu.memory_space<vmem>> -> memref<80xi32, #tpu.memory_space<vmem>>
      %dma_wait3A_23 = arith.constant 0 : i32
      %dma_wait3A_24 = arith.constant 0 : i32
      %dma_wait3A_25 = tpu.memref_slice %arg2[%dma_wait3A_23, %dma_wait3A_24] : memref<10000x16xf32, #tpu.memory_space<hbm>> -> memref<10000x16xf32, #tpu.memory_space<hbm>>
      tpu.wait_indirect_dma semaphore(%arg12 : memref<!tpu.dma_semaphore, #tpu.memory_space<semaphore_mem>>) src(%dma_wait3A_25 : memref<10000x16xf32, #tpu.memory_space<hbm>>) dst(%arg10 : memref<80x16xf32, #tpu.memory_space<vmem>>)
      "tpu.region"() ({
        %run_scoped3A = tpu.sem_alloc : memref<!tpu.dma_semaphore, #tpu.memory_space<semaphore_mem>>
        %dma_start3A_26 = arith.constant 0 : i32
        %dma_start3A_27 = tpu.memref_slice %arg8[%scan3A_15, %dma_start3A_26] : memref<125x80xi32, #tpu.memory_space<vmem>> -> memref<1x80xi32, #tpu.memory_space<vmem>>
        %dma_start3A_28 = tpu.memref_squeeze %dma_start3A_27 : memref<1x80xi32, #tpu.memory_space<vmem>> -> memref<80xi32, #tpu.memory_space<vmem>>
        %dma_start3A_29 = arith.constant 0 : i32
        %dma_start3A_30 = arith.constant 0 : i32
        %dma_start3A_31 = tpu.memref_slice %arg11[%dma_start3A_29, %dma_start3A_30] : memref<10240x16xf32, #tpu.memory_space<vmem_shared>> -> memref<10240x16xf32, #tpu.memory_space<vmem_shared>>
        tpu.enqueue_indirect_dma source(%arg10 : memref<80x16xf32, #tpu.memory_space<vmem>>) target(%dma_start3A_31 : memref<10240x16xf32, #tpu.memory_space<vmem_shared>>) offsets(%dma_start3A_28 : memref<80xi32, #tpu.memory_space<vmem>>) semaphore(%run_scoped3A : memref<!tpu.dma_semaphore, #tpu.memory_space<semaphore_mem>>) {add = true}
        %dma_wait3A_32 = arith.constant 0 : i32
        %dma_wait3A_33 = tpu.memref_slice %arg8[%scan3A_15, %dma_wait3A_32] : memref<125x80xi32, #tpu.memory_space<vmem>> -> memref<1x80xi32, #tpu.memory_space<vmem>>
        %dma_wait3A_34 = tpu.memref_squeeze %dma_wait3A_33 : memref<1x80xi32, #tpu.memory_space<vmem>> -> memref<80xi32, #tpu.memory_space<vmem>>
        %dma_wait3A_35 = arith.constant 0 : i32
        %dma_wait3A_36 = arith.constant 0 : i32
        %dma_wait3A_37 = tpu.memref_slice %arg11[%dma_wait3A_35, %dma_wait3A_36] : memref<10240x16xf32, #tpu.memory_space<vmem_shared>> -> memref<10240x16xf32, #tpu.memory_space<vmem_shared>>
        tpu.wait_indirect_dma semaphore(%run_scoped3A : memref<!tpu.dma_semaphore, #tpu.memory_space<semaphore_mem>>) src(%arg10 : memref<80x16xf32, #tpu.memory_space<vmem>>) dst(%dma_wait3A_37 : memref<10240x16xf32, #tpu.memory_space<vmem_shared>>)
        tpu.yield
      }) : () -> ()
    }
    %scan3A_9 = arith.constant 125 : i32
    %barrier3A_10 = arith.constant 0 : index
    tpu.barrier barrier_id(%barrier3A_10)
    %mul3A_11 = arith.constant 640 : i32
    %mul3A_12 = arith.muli %arg1, %mul3A_11 : i32
    "tpu.region"() ({
      %run_scoped3A = tpu.sem_alloc : memref<!tpu.dma_semaphore, #tpu.memory_space<semaphore_mem>>
      %dma_start3A = arith.constant 0 : i32
      %dma_start3A_15 = tpu.memref_slice %arg11[%mul3A_12, %dma_start3A] : memref<10240x16xf32, #tpu.memory_space<vmem_shared>> -> memref<640x16xf32, #tpu.memory_space<vmem_shared>>
      %dma_start3A_16 = arith.constant 0 : i32
      %dma_start3A_17 = tpu.memref_slice %arg11[%mul3A_12, %dma_start3A_16] : memref<10240x16xf32, #tpu.memory_space<vmem_shared>> -> memref<640x16xf32, #tpu.memory_space<vmem_shared>>
      tpu.enqueue_dma source(%dma_start3A_17 : memref<640x16xf32, #tpu.memory_space<vmem_shared>>) target(%arg9 : memref<640x16xf32, #tpu.memory_space<vmem>>) target_semaphore(%run_scoped3A : memref<!tpu.dma_semaphore, #tpu.memory_space<semaphore_mem>>)
      %dma_wait3A = arith.constant 0 : i32
      %dma_wait3A_18 = tpu.memref_slice %arg11[%mul3A_12, %dma_wait3A] : memref<10240x16xf32, #tpu.memory_space<vmem_shared>> -> memref<640x16xf32, #tpu.memory_space<vmem_shared>>
      %dma_wait3A_19 = arith.constant 0 : i32
      %dma_wait3A_20 = tpu.memref_slice %arg11[%mul3A_12, %dma_wait3A_19] : memref<10240x16xf32, #tpu.memory_space<vmem_shared>> -> memref<640x16xf32, #tpu.memory_space<vmem_shared>>
      tpu.wait_dma2 semaphore(%run_scoped3A : memref<!tpu.dma_semaphore, #tpu.memory_space<semaphore_mem>>) src(%dma_wait3A_20 : memref<640x16xf32, #tpu.memory_space<vmem_shared>>) dst(%arg9 : memref<640x16xf32, #tpu.memory_space<vmem>>)
      tpu.yield
    }) : () -> ()
    %mul3A_13 = arith.constant 640 : i32
    %mul3A_14 = arith.muli %arg1, %mul3A_13 : i32
    "tpu.region"() ({
      %run_scoped3A = tpu.sem_alloc : memref<!tpu.dma_semaphore, #tpu.memory_space<semaphore_mem>>
      %dma_start3A = arith.constant 0 : i32
      %dma_start3A_15 = tpu.memref_slice %arg6[%arg0, %mul3A_14, %dma_start3A] : memref<2x10240x16xf32, #tpu.memory_space<hbm>> -> memref<1x640x16xf32, #tpu.memory_space<hbm>>
      %dma_start3A_16 = tpu.memref_squeeze %dma_start3A_15 : memref<1x640x16xf32, #tpu.memory_space<hbm>> -> memref<640x16xf32, #tpu.memory_space<hbm>>
      %dma_start3A_17 = arith.constant 0 : i32
      %dma_start3A_18 = tpu.memref_slice %arg6[%arg0, %mul3A_14, %dma_start3A_17] : memref<2x10240x16xf32, #tpu.memory_space<hbm>> -> memref<1x640x16xf32, #tpu.memory_space<hbm>>
      %dma_start3A_19 = tpu.memref_squeeze %dma_start3A_18 : memref<1x640x16xf32, #tpu.memory_space<hbm>> -> memref<640x16xf32, #tpu.memory_space<hbm>>
      tpu.enqueue_dma source(%arg9 : memref<640x16xf32, #tpu.memory_space<vmem>>) target(%dma_start3A_19 : memref<640x16xf32, #tpu.memory_space<hbm>>) target_semaphore(%run_scoped3A : memref<!tpu.dma_semaphore, #tpu.memory_space<semaphore_mem>>)
      %dma_wait3A = arith.constant 0 : i32
      %dma_wait3A_20 = tpu.memref_slice %arg6[%arg0, %mul3A_14, %dma_wait3A] : memref<2x10240x16xf32, #tpu.memory_space<hbm>> -> memref<1x640x16xf32, #tpu.memory_space<hbm>>
      %dma_wait3A_21 = tpu.memref_squeeze %dma_wait3A_20 : memref<1x640x16xf32, #tpu.memory_space<hbm>> -> memref<640x16xf32, #tpu.memory_space<hbm>>
      %dma_wait3A_22 = arith.constant 0 : i32
      %dma_wait3A_23 = tpu.memref_slice %arg6[%arg0, %mul3A_14, %dma_wait3A_22] : memref<2x10240x16xf32, #tpu.memory_space<hbm>> -> memref<1x640x16xf32, #tpu.memory_space<hbm>>
      %dma_wait3A_24 = tpu.memref_squeeze %dma_wait3A_23 : memref<1x640x16xf32, #tpu.memory_space<hbm>> -> memref<640x16xf32, #tpu.memory_space<hbm>>
      tpu.wait_dma2 semaphore(%run_scoped3A : memref<!tpu.dma_semaphore, #tpu.memory_space<semaphore_mem>>) src(%arg9 : memref<640x16xf32, #tpu.memory_space<vmem>>) dst(%dma_wait3A_24 : memref<640x16xf32, #tpu.memory_space<hbm>>)
      tpu.yield
    }) : () -> ()
    return
  }
}

#map = affine_map<(d0, d1) -> (0, 0)>
#map1 = affine_map<(d0, d1) -> (0, 0, 0)>
module attributes {stable_mosaic.version = 14 : i64} {
  func.func @_sc_hop(%arg0: i32, %arg1: i32, %arg2: memref<10000x16xf32, #tpu.memory_space<hbm>>, %arg3: memref<32x125x80xi32, #tpu.memory_space<hbm>>, %arg4: memref<32x125x80xi32, #tpu.memory_space<hbm>>, %arg5: memref<10240x16xf32, #tpu.memory_space<hbm>>, %arg6: memref<2x10240x16xf32, #tpu.memory_space<hbm>>, %arg7: memref<125x80xi32, #tpu.memory_space<vmem>>, %arg8: memref<125x80xi32, #tpu.memory_space<vmem>>, %arg9: memref<640x16xf32, #tpu.memory_space<vmem>>, %arg10: memref<80x16xf32, #tpu.memory_space<vmem>>, %arg11: memref<10240x16xf32, #tpu.memory_space<vmem_shared>>, %arg12: memref<!tpu.dma_semaphore, #tpu.memory_space<semaphore_mem>>) attributes {dimension_semantics = [#tpu.dimension_semantics<core_parallel>, #tpu.dimension_semantics<subcore_parallel>], iteration_bounds = array<i64: 2, 16>, scalar_prefetch = 0 : i64, scratch_operands = 6 : i64, tpu.core_type = #tpu.core_type<sc_vector_subcore>, window_params = [{transform_indices = #map}, {transform_indices = #map1}, {transform_indices = #map1}, {transform_indices = #map}, {transform_indices = #map1}]} {
    %mul3A = arith.constant 2 : i32
    %mul3A_0 = arith.muli %arg1, %mul3A : i32
    %add3A = arith.addi %mul3A_0, %arg0 : i32
    %mul3A_1 = arith.constant 640 : i32
    %mul3A_2 = arith.muli %arg1, %mul3A_1 : i32
    "tpu.region"() ({
      %run_scoped3A = tpu.sem_alloc : memref<!tpu.dma_semaphore, #tpu.memory_space<semaphore_mem>>
      %dma_start3A = arith.constant 0 : i32
      %dma_start3A_15 = tpu.memref_slice %arg5[%mul3A_2, %dma_start3A] : memref<10240x16xf32, #tpu.memory_space<hbm>> -> memref<640x16xf32, #tpu.memory_space<hbm>>
      %dma_start3A_16 = arith.constant 0 : i32
      %dma_start3A_17 = tpu.memref_slice %arg5[%mul3A_2, %dma_start3A_16] : memref<10240x16xf32, #tpu.memory_space<hbm>> -> memref<640x16xf32, #tpu.memory_space<hbm>>
      tpu.enqueue_dma source(%dma_start3A_17 : memref<640x16xf32, #tpu.memory_space<hbm>>) target(%arg9 : memref<640x16xf32, #tpu.memory_space<vmem>>) target_semaphore(%run_scoped3A : memref<!tpu.dma_semaphore, #tpu.memory_space<semaphore_mem>>)
      %dma_wait3A = arith.constant 0 : i32
      %dma_wait3A_18 = tpu.memref_slice %arg5[%mul3A_2, %dma_wait3A] : memref<10240x16xf32, #tpu.memory_space<hbm>> -> memref<640x16xf32, #tpu.memory_space<hbm>>
      %dma_wait3A_19 = arith.constant 0 : i32
      %dma_wait3A_20 = tpu.memref_slice %arg5[%mul3A_2, %dma_wait3A_19] : memref<10240x16xf32, #tpu.memory_space<hbm>> -> memref<640x16xf32, #tpu.memory_space<hbm>>
      tpu.wait_dma2 semaphore(%run_scoped3A : memref<!tpu.dma_semaphore, #tpu.memory_space<semaphore_mem>>) src(%dma_wait3A_20 : memref<640x16xf32, #tpu.memory_space<hbm>>) dst(%arg9 : memref<640x16xf32, #tpu.memory_space<vmem>>)
      tpu.yield
    }) : () -> ()
    %mul3A_3 = arith.constant 640 : i32
    %mul3A_4 = arith.muli %arg1, %mul3A_3 : i32
    "tpu.region"() ({
      %run_scoped3A = tpu.sem_alloc : memref<!tpu.dma_semaphore, #tpu.memory_space<semaphore_mem>>
      %dma_start3A = arith.constant 0 : i32
      %dma_start3A_15 = tpu.memref_slice %arg11[%mul3A_4, %dma_start3A] : memref<10240x16xf32, #tpu.memory_space<vmem_shared>> -> memref<640x16xf32, #tpu.memory_space<vmem_shared>>
      %dma_start3A_16 = arith.constant 0 : i32
      %dma_start3A_17 = tpu.memref_slice %arg11[%mul3A_4, %dma_start3A_16] : memref<10240x16xf32, #tpu.memory_space<vmem_shared>> -> memref<640x16xf32, #tpu.memory_space<vmem_shared>>
      tpu.enqueue_dma source(%arg9 : memref<640x16xf32, #tpu.memory_space<vmem>>) target(%dma_start3A_17 : memref<640x16xf32, #tpu.memory_space<vmem_shared>>) target_semaphore(%run_scoped3A : memref<!tpu.dma_semaphore, #tpu.memory_space<semaphore_mem>>)
      %dma_wait3A = arith.constant 0 : i32
      %dma_wait3A_18 = tpu.memref_slice %arg11[%mul3A_4, %dma_wait3A] : memref<10240x16xf32, #tpu.memory_space<vmem_shared>> -> memref<640x16xf32, #tpu.memory_space<vmem_shared>>
      %dma_wait3A_19 = arith.constant 0 : i32
      %dma_wait3A_20 = tpu.memref_slice %arg11[%mul3A_4, %dma_wait3A_19] : memref<10240x16xf32, #tpu.memory_space<vmem_shared>> -> memref<640x16xf32, #tpu.memory_space<vmem_shared>>
      tpu.wait_dma2 semaphore(%run_scoped3A : memref<!tpu.dma_semaphore, #tpu.memory_space<semaphore_mem>>) src(%arg9 : memref<640x16xf32, #tpu.memory_space<vmem>>) dst(%dma_wait3A_20 : memref<640x16xf32, #tpu.memory_space<vmem_shared>>)
      tpu.yield
    }) : () -> ()
    %barrier3A = arith.constant 0 : index
    tpu.barrier barrier_id(%barrier3A)
    "tpu.region"() ({
      %run_scoped3A = tpu.sem_alloc : memref<!tpu.dma_semaphore, #tpu.memory_space<semaphore_mem>>
      %dma_start3A = arith.constant 0 : i32
      %dma_start3A_15 = arith.constant 0 : i32
      %dma_start3A_16 = tpu.memref_slice %arg3[%add3A, %dma_start3A, %dma_start3A_15] : memref<32x125x80xi32, #tpu.memory_space<hbm>> -> memref<1x125x80xi32, #tpu.memory_space<hbm>>
      %dma_start3A_17 = tpu.memref_squeeze %dma_start3A_16 : memref<1x125x80xi32, #tpu.memory_space<hbm>> -> memref<125x80xi32, #tpu.memory_space<hbm>>
      %dma_start3A_18 = arith.constant 0 : i32
      %dma_start3A_19 = arith.constant 0 : i32
      %dma_start3A_20 = tpu.memref_slice %arg3[%add3A, %dma_start3A_18, %dma_start3A_19] : memref<32x125x80xi32, #tpu.memory_space<hbm>> -> memref<1x125x80xi32, #tpu.memory_space<hbm>>
      %dma_start3A_21 = tpu.memref_squeeze %dma_start3A_20 : memref<1x125x80xi32, #tpu.memory_space<hbm>> -> memref<125x80xi32, #tpu.memory_space<hbm>>
      tpu.enqueue_dma source(%dma_start3A_21 : memref<125x80xi32, #tpu.memory_space<hbm>>) target(%arg7 : memref<125x80xi32, #tpu.memory_space<vmem>>) target_semaphore(%run_scoped3A : memref<!tpu.dma_semaphore, #tpu.memory_space<semaphore_mem>>)
      %dma_wait3A = arith.constant 0 : i32
      %dma_wait3A_22 = arith.constant 0 : i32
      %dma_wait3A_23 = tpu.memref_slice %arg3[%add3A, %dma_wait3A, %dma_wait3A_22] : memref<32x125x80xi32, #tpu.memory_space<hbm>> -> memref<1x125x80xi32, #tpu.memory_space<hbm>>
      %dma_wait3A_24 = tpu.memref_squeeze %dma_wait3A_23 : memref<1x125x80xi32, #tpu.memory_space<hbm>> -> memref<125x80xi32, #tpu.memory_space<hbm>>
      %dma_wait3A_25 = arith.constant 0 : i32
      %dma_wait3A_26 = arith.constant 0 : i32
      %dma_wait3A_27 = tpu.memref_slice %arg3[%add3A, %dma_wait3A_25, %dma_wait3A_26] : memref<32x125x80xi32, #tpu.memory_space<hbm>> -> memref<1x125x80xi32, #tpu.memory_space<hbm>>
      %dma_wait3A_28 = tpu.memref_squeeze %dma_wait3A_27 : memref<1x125x80xi32, #tpu.memory_space<hbm>> -> memref<125x80xi32, #tpu.memory_space<hbm>>
      tpu.wait_dma2 semaphore(%run_scoped3A : memref<!tpu.dma_semaphore, #tpu.memory_space<semaphore_mem>>) src(%dma_wait3A_28 : memref<125x80xi32, #tpu.memory_space<hbm>>) dst(%arg7 : memref<125x80xi32, #tpu.memory_space<vmem>>)
      tpu.yield
    }) : () -> ()
    "tpu.region"() ({
      %run_scoped3A = tpu.sem_alloc : memref<!tpu.dma_semaphore, #tpu.memory_space<semaphore_mem>>
      %dma_start3A = arith.constant 0 : i32
      %dma_start3A_15 = arith.constant 0 : i32
      %dma_start3A_16 = tpu.memref_slice %arg4[%add3A, %dma_start3A, %dma_start3A_15] : memref<32x125x80xi32, #tpu.memory_space<hbm>> -> memref<1x125x80xi32, #tpu.memory_space<hbm>>
      %dma_start3A_17 = tpu.memref_squeeze %dma_start3A_16 : memref<1x125x80xi32, #tpu.memory_space<hbm>> -> memref<125x80xi32, #tpu.memory_space<hbm>>
      %dma_start3A_18 = arith.constant 0 : i32
      %dma_start3A_19 = arith.constant 0 : i32
      %dma_start3A_20 = tpu.memref_slice %arg4[%add3A, %dma_start3A_18, %dma_start3A_19] : memref<32x125x80xi32, #tpu.memory_space<hbm>> -> memref<1x125x80xi32, #tpu.memory_space<hbm>>
      %dma_start3A_21 = tpu.memref_squeeze %dma_start3A_20 : memref<1x125x80xi32, #tpu.memory_space<hbm>> -> memref<125x80xi32, #tpu.memory_space<hbm>>
      tpu.enqueue_dma source(%dma_start3A_21 : memref<125x80xi32, #tpu.memory_space<hbm>>) target(%arg8 : memref<125x80xi32, #tpu.memory_space<vmem>>) target_semaphore(%run_scoped3A : memref<!tpu.dma_semaphore, #tpu.memory_space<semaphore_mem>>)
      %dma_wait3A = arith.constant 0 : i32
      %dma_wait3A_22 = arith.constant 0 : i32
      %dma_wait3A_23 = tpu.memref_slice %arg4[%add3A, %dma_wait3A, %dma_wait3A_22] : memref<32x125x80xi32, #tpu.memory_space<hbm>> -> memref<1x125x80xi32, #tpu.memory_space<hbm>>
      %dma_wait3A_24 = tpu.memref_squeeze %dma_wait3A_23 : memref<1x125x80xi32, #tpu.memory_space<hbm>> -> memref<125x80xi32, #tpu.memory_space<hbm>>
      %dma_wait3A_25 = arith.constant 0 : i32
      %dma_wait3A_26 = arith.constant 0 : i32
      %dma_wait3A_27 = tpu.memref_slice %arg4[%add3A, %dma_wait3A_25, %dma_wait3A_26] : memref<32x125x80xi32, #tpu.memory_space<hbm>> -> memref<1x125x80xi32, #tpu.memory_space<hbm>>
      %dma_wait3A_28 = tpu.memref_squeeze %dma_wait3A_27 : memref<1x125x80xi32, #tpu.memory_space<hbm>> -> memref<125x80xi32, #tpu.memory_space<hbm>>
      tpu.wait_dma2 semaphore(%run_scoped3A : memref<!tpu.dma_semaphore, #tpu.memory_space<semaphore_mem>>) src(%dma_wait3A_28 : memref<125x80xi32, #tpu.memory_space<hbm>>) dst(%arg8 : memref<125x80xi32, #tpu.memory_space<vmem>>)
      tpu.yield
    }) : () -> ()
    %scan3A = arith.constant 0 : i32
    %scan3A_5 = arith.constant 0 : i32
    %scan3A_6 = arith.constant 125 : i32
    %scan3A_7 = arith.addi %scan3A_5, %scan3A_6 : i32
    %scan3A_8 = arith.constant 1 : i32
    scf.for %scan3A_15 = %scan3A_5 to %scan3A_7 step %scan3A_8  : i32 {
      %dma_start3A = arith.constant 0 : i32
      %dma_start3A_16 = tpu.memref_slice %arg7[%scan3A_15, %dma_start3A] : memref<125x80xi32, #tpu.memory_space<vmem>> -> memref<1x80xi32, #tpu.memory_space<vmem>>
      %dma_start3A_17 = tpu.memref_squeeze %dma_start3A_16 : memref<1x80xi32, #tpu.memory_space<vmem>> -> memref<80xi32, #tpu.memory_space<vmem>>
      %dma_start3A_18 = arith.constant 0 : i32
      %dma_start3A_19 = arith.constant 0 : i32
      %dma_start3A_20 = tpu.memref_slice %arg2[%dma_start3A_18, %dma_start3A_19] : memref<10000x16xf32, #tpu.memory_space<hbm>> -> memref<10000x16xf32, #tpu.memory_space<hbm>>
      tpu.enqueue_indirect_dma source(%dma_start3A_20 : memref<10000x16xf32, #tpu.memory_space<hbm>>) target(%arg10 : memref<80x16xf32, #tpu.memory_space<vmem>>) offsets(%dma_start3A_17 : memref<80xi32, #tpu.memory_space<vmem>>) semaphore(%arg12 : memref<!tpu.dma_semaphore, #tpu.memory_space<semaphore_mem>>)
      %dma_wait3A = arith.constant 0 : i32
      %dma_wait3A_21 = tpu.memref_slice %arg7[%scan3A_15, %dma_wait3A] : memref<125x80xi32, #tpu.memory_space<vmem>> -> memref<1x80xi32, #tpu.memory_space<vmem>>
      %dma_wait3A_22 = tpu.memref_squeeze %dma_wait3A_21 : memref<1x80xi32, #tpu.memory_space<vmem>> -> memref<80xi32, #tpu.memory_space<vmem>>
      %dma_wait3A_23 = arith.constant 0 : i32
      %dma_wait3A_24 = arith.constant 0 : i32
      %dma_wait3A_25 = tpu.memref_slice %arg2[%dma_wait3A_23, %dma_wait3A_24] : memref<10000x16xf32, #tpu.memory_space<hbm>> -> memref<10000x16xf32, #tpu.memory_space<hbm>>
      tpu.wait_indirect_dma semaphore(%arg12 : memref<!tpu.dma_semaphore, #tpu.memory_space<semaphore_mem>>) src(%dma_wait3A_25 : memref<10000x16xf32, #tpu.memory_space<hbm>>) dst(%arg10 : memref<80x16xf32, #tpu.memory_space<vmem>>)
      "tpu.region"() ({
        %run_scoped3A = tpu.sem_alloc : memref<!tpu.dma_semaphore, #tpu.memory_space<semaphore_mem>>
        %dma_start3A_26 = arith.constant 0 : i32
        %dma_start3A_27 = tpu.memref_slice %arg8[%scan3A_15, %dma_start3A_26] : memref<125x80xi32, #tpu.memory_space<vmem>> -> memref<1x80xi32, #tpu.memory_space<vmem>>
        %dma_start3A_28 = tpu.memref_squeeze %dma_start3A_27 : memref<1x80xi32, #tpu.memory_space<vmem>> -> memref<80xi32, #tpu.memory_space<vmem>>
        %dma_start3A_29 = arith.constant 0 : i32
        %dma_start3A_30 = arith.constant 0 : i32
        %dma_start3A_31 = tpu.memref_slice %arg11[%dma_start3A_29, %dma_start3A_30] : memref<10240x16xf32, #tpu.memory_space<vmem_shared>> -> memref<10240x16xf32, #tpu.memory_space<vmem_shared>>
        tpu.enqueue_indirect_dma source(%arg10 : memref<80x16xf32, #tpu.memory_space<vmem>>) target(%dma_start3A_31 : memref<10240x16xf32, #tpu.memory_space<vmem_shared>>) offsets(%dma_start3A_28 : memref<80xi32, #tpu.memory_space<vmem>>) semaphore(%run_scoped3A : memref<!tpu.dma_semaphore, #tpu.memory_space<semaphore_mem>>) {add = true}
        %dma_wait3A_32 = arith.constant 0 : i32
        %dma_wait3A_33 = tpu.memref_slice %arg8[%scan3A_15, %dma_wait3A_32] : memref<125x80xi32, #tpu.memory_space<vmem>> -> memref<1x80xi32, #tpu.memory_space<vmem>>
        %dma_wait3A_34 = tpu.memref_squeeze %dma_wait3A_33 : memref<1x80xi32, #tpu.memory_space<vmem>> -> memref<80xi32, #tpu.memory_space<vmem>>
        %dma_wait3A_35 = arith.constant 0 : i32
        %dma_wait3A_36 = arith.constant 0 : i32
        %dma_wait3A_37 = tpu.memref_slice %arg11[%dma_wait3A_35, %dma_wait3A_36] : memref<10240x16xf32, #tpu.memory_space<vmem_shared>> -> memref<10240x16xf32, #tpu.memory_space<vmem_shared>>
        tpu.wait_indirect_dma semaphore(%run_scoped3A : memref<!tpu.dma_semaphore, #tpu.memory_space<semaphore_mem>>) src(%arg10 : memref<80x16xf32, #tpu.memory_space<vmem>>) dst(%dma_wait3A_37 : memref<10240x16xf32, #tpu.memory_space<vmem_shared>>)
        tpu.yield
      }) : () -> ()
    }
    %scan3A_9 = arith.constant 125 : i32
    %barrier3A_10 = arith.constant 0 : index
    tpu.barrier barrier_id(%barrier3A_10)
    %mul3A_11 = arith.constant 640 : i32
    %mul3A_12 = arith.muli %arg1, %mul3A_11 : i32
    "tpu.region"() ({
      %run_scoped3A = tpu.sem_alloc : memref<!tpu.dma_semaphore, #tpu.memory_space<semaphore_mem>>
      %dma_start3A = arith.constant 0 : i32
      %dma_start3A_15 = tpu.memref_slice %arg11[%mul3A_12, %dma_start3A] : memref<10240x16xf32, #tpu.memory_space<vmem_shared>> -> memref<640x16xf32, #tpu.memory_space<vmem_shared>>
      %dma_start3A_16 = arith.constant 0 : i32
      %dma_start3A_17 = tpu.memref_slice %arg11[%mul3A_12, %dma_start3A_16] : memref<10240x16xf32, #tpu.memory_space<vmem_shared>> -> memref<640x16xf32, #tpu.memory_space<vmem_shared>>
      tpu.enqueue_dma source(%dma_start3A_17 : memref<640x16xf32, #tpu.memory_space<vmem_shared>>) target(%arg9 : memref<640x16xf32, #tpu.memory_space<vmem>>) target_semaphore(%run_scoped3A : memref<!tpu.dma_semaphore, #tpu.memory_space<semaphore_mem>>)
      %dma_wait3A = arith.constant 0 : i32
      %dma_wait3A_18 = tpu.memref_slice %arg11[%mul3A_12, %dma_wait3A] : memref<10240x16xf32, #tpu.memory_space<vmem_shared>> -> memref<640x16xf32, #tpu.memory_space<vmem_shared>>
      %dma_wait3A_19 = arith.constant 0 : i32
      %dma_wait3A_20 = tpu.memref_slice %arg11[%mul3A_12, %dma_wait3A_19] : memref<10240x16xf32, #tpu.memory_space<vmem_shared>> -> memref<640x16xf32, #tpu.memory_space<vmem_shared>>
      tpu.wait_dma2 semaphore(%run_scoped3A : memref<!tpu.dma_semaphore, #tpu.memory_space<semaphore_mem>>) src(%dma_wait3A_20 : memref<640x16xf32, #tpu.memory_space<vmem_shared>>) dst(%arg9 : memref<640x16xf32, #tpu.memory_space<vmem>>)
      tpu.yield
    }) : () -> ()
    %mul3A_13 = arith.constant 640 : i32
    %mul3A_14 = arith.muli %arg1, %mul3A_13 : i32
    "tpu.region"() ({
      %run_scoped3A = tpu.sem_alloc : memref<!tpu.dma_semaphore, #tpu.memory_space<semaphore_mem>>
      %dma_start3A = arith.constant 0 : i32
      %dma_start3A_15 = tpu.memref_slice %arg6[%arg0, %mul3A_14, %dma_start3A] : memref<2x10240x16xf32, #tpu.memory_space<hbm>> -> memref<1x640x16xf32, #tpu.memory_space<hbm>>
      %dma_start3A_16 = tpu.memref_squeeze %dma_start3A_15 : memref<1x640x16xf32, #tpu.memory_space<hbm>> -> memref<640x16xf32, #tpu.memory_space<hbm>>
      %dma_start3A_17 = arith.constant 0 : i32
      %dma_start3A_18 = tpu.memref_slice %arg6[%arg0, %mul3A_14, %dma_start3A_17] : memref<2x10240x16xf32, #tpu.memory_space<hbm>> -> memref<1x640x16xf32, #tpu.memory_space<hbm>>
      %dma_start3A_19 = tpu.memref_squeeze %dma_start3A_18 : memref<1x640x16xf32, #tpu.memory_space<hbm>> -> memref<640x16xf32, #tpu.memory_space<hbm>>
      tpu.enqueue_dma source(%arg9 : memref<640x16xf32, #tpu.memory_space<vmem>>) target(%dma_start3A_19 : memref<640x16xf32, #tpu.memory_space<hbm>>) target_semaphore(%run_scoped3A : memref<!tpu.dma_semaphore, #tpu.memory_space<semaphore_mem>>)
      %dma_wait3A = arith.constant 0 : i32
      %dma_wait3A_20 = tpu.memref_slice %arg6[%arg0, %mul3A_14, %dma_wait3A] : memref<2x10240x16xf32, #tpu.memory_space<hbm>> -> memref<1x640x16xf32, #tpu.memory_space<hbm>>
      %dma_wait3A_21 = tpu.memref_squeeze %dma_wait3A_20 : memref<1x640x16xf32, #tpu.memory_space<hbm>> -> memref<640x16xf32, #tpu.memory_space<hbm>>
      %dma_wait3A_22 = arith.constant 0 : i32
      %dma_wait3A_23 = tpu.memref_slice %arg6[%arg0, %mul3A_14, %dma_wait3A_22] : memref<2x10240x16xf32, #tpu.memory_space<hbm>> -> memref<1x640x16xf32, #tpu.memory_space<hbm>>
      %dma_wait3A_24 = tpu.memref_squeeze %dma_wait3A_23 : memref<1x640x16xf32, #tpu.memory_space<hbm>> -> memref<640x16xf32, #tpu.memory_space<hbm>>
      tpu.wait_dma2 semaphore(%run_scoped3A : memref<!tpu.dma_semaphore, #tpu.memory_space<semaphore_mem>>) src(%arg9 : memref<640x16xf32, #tpu.memory_space<vmem>>) dst(%dma_wait3A_24 : memref<640x16xf32, #tpu.memory_space<hbm>>)
      tpu.yield
    }) : () -> ()
    return
  }
}

#map = affine_map<(d0, d1) -> (0, 0)>
#map1 = affine_map<(d0, d1) -> (0, 0, 0)>
module attributes {stable_mosaic.version = 14 : i64} {
  func.func @_sc_hop(%arg0: i32, %arg1: i32, %arg2: memref<10000x16xf32, #tpu.memory_space<hbm>>, %arg3: memref<32x125x80xi32, #tpu.memory_space<hbm>>, %arg4: memref<32x125x80xi32, #tpu.memory_space<hbm>>, %arg5: memref<10240x16xf32, #tpu.memory_space<hbm>>, %arg6: memref<2x10240x16xf32, #tpu.memory_space<hbm>>, %arg7: memref<125x80xi32, #tpu.memory_space<vmem>>, %arg8: memref<125x80xi32, #tpu.memory_space<vmem>>, %arg9: memref<640x16xf32, #tpu.memory_space<vmem>>, %arg10: memref<80x16xf32, #tpu.memory_space<vmem>>, %arg11: memref<10240x16xf32, #tpu.memory_space<vmem_shared>>, %arg12: memref<!tpu.dma_semaphore, #tpu.memory_space<semaphore_mem>>) attributes {dimension_semantics = [#tpu.dimension_semantics<core_parallel>, #tpu.dimension_semantics<subcore_parallel>], iteration_bounds = array<i64: 2, 16>, scalar_prefetch = 0 : i64, scratch_operands = 6 : i64, tpu.core_type = #tpu.core_type<sc_vector_subcore>, window_params = [{transform_indices = #map}, {transform_indices = #map1}, {transform_indices = #map1}, {transform_indices = #map}, {transform_indices = #map1}]} {
    %mul3A = arith.constant 2 : i32
    %mul3A_0 = arith.muli %arg1, %mul3A : i32
    %add3A = arith.addi %mul3A_0, %arg0 : i32
    %mul3A_1 = arith.constant 640 : i32
    %mul3A_2 = arith.muli %arg1, %mul3A_1 : i32
    "tpu.region"() ({
      %run_scoped3A = tpu.sem_alloc : memref<!tpu.dma_semaphore, #tpu.memory_space<semaphore_mem>>
      %dma_start3A = arith.constant 0 : i32
      %dma_start3A_15 = tpu.memref_slice %arg5[%mul3A_2, %dma_start3A] : memref<10240x16xf32, #tpu.memory_space<hbm>> -> memref<640x16xf32, #tpu.memory_space<hbm>>
      %dma_start3A_16 = arith.constant 0 : i32
      %dma_start3A_17 = tpu.memref_slice %arg5[%mul3A_2, %dma_start3A_16] : memref<10240x16xf32, #tpu.memory_space<hbm>> -> memref<640x16xf32, #tpu.memory_space<hbm>>
      tpu.enqueue_dma source(%dma_start3A_17 : memref<640x16xf32, #tpu.memory_space<hbm>>) target(%arg9 : memref<640x16xf32, #tpu.memory_space<vmem>>) target_semaphore(%run_scoped3A : memref<!tpu.dma_semaphore, #tpu.memory_space<semaphore_mem>>)
      %dma_wait3A = arith.constant 0 : i32
      %dma_wait3A_18 = tpu.memref_slice %arg5[%mul3A_2, %dma_wait3A] : memref<10240x16xf32, #tpu.memory_space<hbm>> -> memref<640x16xf32, #tpu.memory_space<hbm>>
      %dma_wait3A_19 = arith.constant 0 : i32
      %dma_wait3A_20 = tpu.memref_slice %arg5[%mul3A_2, %dma_wait3A_19] : memref<10240x16xf32, #tpu.memory_space<hbm>> -> memref<640x16xf32, #tpu.memory_space<hbm>>
      tpu.wait_dma2 semaphore(%run_scoped3A : memref<!tpu.dma_semaphore, #tpu.memory_space<semaphore_mem>>) src(%dma_wait3A_20 : memref<640x16xf32, #tpu.memory_space<hbm>>) dst(%arg9 : memref<640x16xf32, #tpu.memory_space<vmem>>)
      tpu.yield
    }) : () -> ()
    %mul3A_3 = arith.constant 640 : i32
    %mul3A_4 = arith.muli %arg1, %mul3A_3 : i32
    "tpu.region"() ({
      %run_scoped3A = tpu.sem_alloc : memref<!tpu.dma_semaphore, #tpu.memory_space<semaphore_mem>>
      %dma_start3A = arith.constant 0 : i32
      %dma_start3A_15 = tpu.memref_slice %arg11[%mul3A_4, %dma_start3A] : memref<10240x16xf32, #tpu.memory_space<vmem_shared>> -> memref<640x16xf32, #tpu.memory_space<vmem_shared>>
      %dma_start3A_16 = arith.constant 0 : i32
      %dma_start3A_17 = tpu.memref_slice %arg11[%mul3A_4, %dma_start3A_16] : memref<10240x16xf32, #tpu.memory_space<vmem_shared>> -> memref<640x16xf32, #tpu.memory_space<vmem_shared>>
      tpu.enqueue_dma source(%arg9 : memref<640x16xf32, #tpu.memory_space<vmem>>) target(%dma_start3A_17 : memref<640x16xf32, #tpu.memory_space<vmem_shared>>) target_semaphore(%run_scoped3A : memref<!tpu.dma_semaphore, #tpu.memory_space<semaphore_mem>>)
      %dma_wait3A = arith.constant 0 : i32
      %dma_wait3A_18 = tpu.memref_slice %arg11[%mul3A_4, %dma_wait3A] : memref<10240x16xf32, #tpu.memory_space<vmem_shared>> -> memref<640x16xf32, #tpu.memory_space<vmem_shared>>
      %dma_wait3A_19 = arith.constant 0 : i32
      %dma_wait3A_20 = tpu.memref_slice %arg11[%mul3A_4, %dma_wait3A_19] : memref<10240x16xf32, #tpu.memory_space<vmem_shared>> -> memref<640x16xf32, #tpu.memory_space<vmem_shared>>
      tpu.wait_dma2 semaphore(%run_scoped3A : memref<!tpu.dma_semaphore, #tpu.memory_space<semaphore_mem>>) src(%arg9 : memref<640x16xf32, #tpu.memory_space<vmem>>) dst(%dma_wait3A_20 : memref<640x16xf32, #tpu.memory_space<vmem_shared>>)
      tpu.yield
    }) : () -> ()
    %barrier3A = arith.constant 0 : index
    tpu.barrier barrier_id(%barrier3A)
    "tpu.region"() ({
      %run_scoped3A = tpu.sem_alloc : memref<!tpu.dma_semaphore, #tpu.memory_space<semaphore_mem>>
      %dma_start3A = arith.constant 0 : i32
      %dma_start3A_15 = arith.constant 0 : i32
      %dma_start3A_16 = tpu.memref_slice %arg3[%add3A, %dma_start3A, %dma_start3A_15] : memref<32x125x80xi32, #tpu.memory_space<hbm>> -> memref<1x125x80xi32, #tpu.memory_space<hbm>>
      %dma_start3A_17 = tpu.memref_squeeze %dma_start3A_16 : memref<1x125x80xi32, #tpu.memory_space<hbm>> -> memref<125x80xi32, #tpu.memory_space<hbm>>
      %dma_start3A_18 = arith.constant 0 : i32
      %dma_start3A_19 = arith.constant 0 : i32
      %dma_start3A_20 = tpu.memref_slice %arg3[%add3A, %dma_start3A_18, %dma_start3A_19] : memref<32x125x80xi32, #tpu.memory_space<hbm>> -> memref<1x125x80xi32, #tpu.memory_space<hbm>>
      %dma_start3A_21 = tpu.memref_squeeze %dma_start3A_20 : memref<1x125x80xi32, #tpu.memory_space<hbm>> -> memref<125x80xi32, #tpu.memory_space<hbm>>
      tpu.enqueue_dma source(%dma_start3A_21 : memref<125x80xi32, #tpu.memory_space<hbm>>) target(%arg7 : memref<125x80xi32, #tpu.memory_space<vmem>>) target_semaphore(%run_scoped3A : memref<!tpu.dma_semaphore, #tpu.memory_space<semaphore_mem>>)
      %dma_wait3A = arith.constant 0 : i32
      %dma_wait3A_22 = arith.constant 0 : i32
      %dma_wait3A_23 = tpu.memref_slice %arg3[%add3A, %dma_wait3A, %dma_wait3A_22] : memref<32x125x80xi32, #tpu.memory_space<hbm>> -> memref<1x125x80xi32, #tpu.memory_space<hbm>>
      %dma_wait3A_24 = tpu.memref_squeeze %dma_wait3A_23 : memref<1x125x80xi32, #tpu.memory_space<hbm>> -> memref<125x80xi32, #tpu.memory_space<hbm>>
      %dma_wait3A_25 = arith.constant 0 : i32
      %dma_wait3A_26 = arith.constant 0 : i32
      %dma_wait3A_27 = tpu.memref_slice %arg3[%add3A, %dma_wait3A_25, %dma_wait3A_26] : memref<32x125x80xi32, #tpu.memory_space<hbm>> -> memref<1x125x80xi32, #tpu.memory_space<hbm>>
      %dma_wait3A_28 = tpu.memref_squeeze %dma_wait3A_27 : memref<1x125x80xi32, #tpu.memory_space<hbm>> -> memref<125x80xi32, #tpu.memory_space<hbm>>
      tpu.wait_dma2 semaphore(%run_scoped3A : memref<!tpu.dma_semaphore, #tpu.memory_space<semaphore_mem>>) src(%dma_wait3A_28 : memref<125x80xi32, #tpu.memory_space<hbm>>) dst(%arg7 : memref<125x80xi32, #tpu.memory_space<vmem>>)
      tpu.yield
    }) : () -> ()
    "tpu.region"() ({
      %run_scoped3A = tpu.sem_alloc : memref<!tpu.dma_semaphore, #tpu.memory_space<semaphore_mem>>
      %dma_start3A = arith.constant 0 : i32
      %dma_start3A_15 = arith.constant 0 : i32
      %dma_start3A_16 = tpu.memref_slice %arg4[%add3A, %dma_start3A, %dma_start3A_15] : memref<32x125x80xi32, #tpu.memory_space<hbm>> -> memref<1x125x80xi32, #tpu.memory_space<hbm>>
      %dma_start3A_17 = tpu.memref_squeeze %dma_start3A_16 : memref<1x125x80xi32, #tpu.memory_space<hbm>> -> memref<125x80xi32, #tpu.memory_space<hbm>>
      %dma_start3A_18 = arith.constant 0 : i32
      %dma_start3A_19 = arith.constant 0 : i32
      %dma_start3A_20 = tpu.memref_slice %arg4[%add3A, %dma_start3A_18, %dma_start3A_19] : memref<32x125x80xi32, #tpu.memory_space<hbm>> -> memref<1x125x80xi32, #tpu.memory_space<hbm>>
      %dma_start3A_21 = tpu.memref_squeeze %dma_start3A_20 : memref<1x125x80xi32, #tpu.memory_space<hbm>> -> memref<125x80xi32, #tpu.memory_space<hbm>>
      tpu.enqueue_dma source(%dma_start3A_21 : memref<125x80xi32, #tpu.memory_space<hbm>>) target(%arg8 : memref<125x80xi32, #tpu.memory_space<vmem>>) target_semaphore(%run_scoped3A : memref<!tpu.dma_semaphore, #tpu.memory_space<semaphore_mem>>)
      %dma_wait3A = arith.constant 0 : i32
      %dma_wait3A_22 = arith.constant 0 : i32
      %dma_wait3A_23 = tpu.memref_slice %arg4[%add3A, %dma_wait3A, %dma_wait3A_22] : memref<32x125x80xi32, #tpu.memory_space<hbm>> -> memref<1x125x80xi32, #tpu.memory_space<hbm>>
      %dma_wait3A_24 = tpu.memref_squeeze %dma_wait3A_23 : memref<1x125x80xi32, #tpu.memory_space<hbm>> -> memref<125x80xi32, #tpu.memory_space<hbm>>
      %dma_wait3A_25 = arith.constant 0 : i32
      %dma_wait3A_26 = arith.constant 0 : i32
      %dma_wait3A_27 = tpu.memref_slice %arg4[%add3A, %dma_wait3A_25, %dma_wait3A_26] : memref<32x125x80xi32, #tpu.memory_space<hbm>> -> memref<1x125x80xi32, #tpu.memory_space<hbm>>
      %dma_wait3A_28 = tpu.memref_squeeze %dma_wait3A_27 : memref<1x125x80xi32, #tpu.memory_space<hbm>> -> memref<125x80xi32, #tpu.memory_space<hbm>>
      tpu.wait_dma2 semaphore(%run_scoped3A : memref<!tpu.dma_semaphore, #tpu.memory_space<semaphore_mem>>) src(%dma_wait3A_28 : memref<125x80xi32, #tpu.memory_space<hbm>>) dst(%arg8 : memref<125x80xi32, #tpu.memory_space<vmem>>)
      tpu.yield
    }) : () -> ()
    %scan3A = arith.constant 0 : i32
    %scan3A_5 = arith.constant 0 : i32
    %scan3A_6 = arith.constant 125 : i32
    %scan3A_7 = arith.addi %scan3A_5, %scan3A_6 : i32
    %scan3A_8 = arith.constant 1 : i32
    scf.for %scan3A_15 = %scan3A_5 to %scan3A_7 step %scan3A_8  : i32 {
      %dma_start3A = arith.constant 0 : i32
      %dma_start3A_16 = tpu.memref_slice %arg7[%scan3A_15, %dma_start3A] : memref<125x80xi32, #tpu.memory_space<vmem>> -> memref<1x80xi32, #tpu.memory_space<vmem>>
      %dma_start3A_17 = tpu.memref_squeeze %dma_start3A_16 : memref<1x80xi32, #tpu.memory_space<vmem>> -> memref<80xi32, #tpu.memory_space<vmem>>
      %dma_start3A_18 = arith.constant 0 : i32
      %dma_start3A_19 = arith.constant 0 : i32
      %dma_start3A_20 = tpu.memref_slice %arg2[%dma_start3A_18, %dma_start3A_19] : memref<10000x16xf32, #tpu.memory_space<hbm>> -> memref<10000x16xf32, #tpu.memory_space<hbm>>
      tpu.enqueue_indirect_dma source(%dma_start3A_20 : memref<10000x16xf32, #tpu.memory_space<hbm>>) target(%arg10 : memref<80x16xf32, #tpu.memory_space<vmem>>) offsets(%dma_start3A_17 : memref<80xi32, #tpu.memory_space<vmem>>) semaphore(%arg12 : memref<!tpu.dma_semaphore, #tpu.memory_space<semaphore_mem>>)
      %dma_wait3A = arith.constant 0 : i32
      %dma_wait3A_21 = tpu.memref_slice %arg7[%scan3A_15, %dma_wait3A] : memref<125x80xi32, #tpu.memory_space<vmem>> -> memref<1x80xi32, #tpu.memory_space<vmem>>
      %dma_wait3A_22 = tpu.memref_squeeze %dma_wait3A_21 : memref<1x80xi32, #tpu.memory_space<vmem>> -> memref<80xi32, #tpu.memory_space<vmem>>
      %dma_wait3A_23 = arith.constant 0 : i32
      %dma_wait3A_24 = arith.constant 0 : i32
      %dma_wait3A_25 = tpu.memref_slice %arg2[%dma_wait3A_23, %dma_wait3A_24] : memref<10000x16xf32, #tpu.memory_space<hbm>> -> memref<10000x16xf32, #tpu.memory_space<hbm>>
      tpu.wait_indirect_dma semaphore(%arg12 : memref<!tpu.dma_semaphore, #tpu.memory_space<semaphore_mem>>) src(%dma_wait3A_25 : memref<10000x16xf32, #tpu.memory_space<hbm>>) dst(%arg10 : memref<80x16xf32, #tpu.memory_space<vmem>>)
      "tpu.region"() ({
        %run_scoped3A = tpu.sem_alloc : memref<!tpu.dma_semaphore, #tpu.memory_space<semaphore_mem>>
        %dma_start3A_26 = arith.constant 0 : i32
        %dma_start3A_27 = tpu.memref_slice %arg8[%scan3A_15, %dma_start3A_26] : memref<125x80xi32, #tpu.memory_space<vmem>> -> memref<1x80xi32, #tpu.memory_space<vmem>>
        %dma_start3A_28 = tpu.memref_squeeze %dma_start3A_27 : memref<1x80xi32, #tpu.memory_space<vmem>> -> memref<80xi32, #tpu.memory_space<vmem>>
        %dma_start3A_29 = arith.constant 0 : i32
        %dma_start3A_30 = arith.constant 0 : i32
        %dma_start3A_31 = tpu.memref_slice %arg11[%dma_start3A_29, %dma_start3A_30] : memref<10240x16xf32, #tpu.memory_space<vmem_shared>> -> memref<10240x16xf32, #tpu.memory_space<vmem_shared>>
        tpu.enqueue_indirect_dma source(%arg10 : memref<80x16xf32, #tpu.memory_space<vmem>>) target(%dma_start3A_31 : memref<10240x16xf32, #tpu.memory_space<vmem_shared>>) offsets(%dma_start3A_28 : memref<80xi32, #tpu.memory_space<vmem>>) semaphore(%run_scoped3A : memref<!tpu.dma_semaphore, #tpu.memory_space<semaphore_mem>>) {add = true}
        %dma_wait3A_32 = arith.constant 0 : i32
        %dma_wait3A_33 = tpu.memref_slice %arg8[%scan3A_15, %dma_wait3A_32] : memref<125x80xi32, #tpu.memory_space<vmem>> -> memref<1x80xi32, #tpu.memory_space<vmem>>
        %dma_wait3A_34 = tpu.memref_squeeze %dma_wait3A_33 : memref<1x80xi32, #tpu.memory_space<vmem>> -> memref<80xi32, #tpu.memory_space<vmem>>
        %dma_wait3A_35 = arith.constant 0 : i32
        %dma_wait3A_36 = arith.constant 0 : i32
        %dma_wait3A_37 = tpu.memref_slice %arg11[%dma_wait3A_35, %dma_wait3A_36] : memref<10240x16xf32, #tpu.memory_space<vmem_shared>> -> memref<10240x16xf32, #tpu.memory_space<vmem_shared>>
        tpu.wait_indirect_dma semaphore(%run_scoped3A : memref<!tpu.dma_semaphore, #tpu.memory_space<semaphore_mem>>) src(%arg10 : memref<80x16xf32, #tpu.memory_space<vmem>>) dst(%dma_wait3A_37 : memref<10240x16xf32, #tpu.memory_space<vmem_shared>>)
        tpu.yield
      }) : () -> ()
    }
    %scan3A_9 = arith.constant 125 : i32
    %barrier3A_10 = arith.constant 0 : index
    tpu.barrier barrier_id(%barrier3A_10)
    %mul3A_11 = arith.constant 640 : i32
    %mul3A_12 = arith.muli %arg1, %mul3A_11 : i32
    "tpu.region"() ({
      %run_scoped3A = tpu.sem_alloc : memref<!tpu.dma_semaphore, #tpu.memory_space<semaphore_mem>>
      %dma_start3A = arith.constant 0 : i32
      %dma_start3A_15 = tpu.memref_slice %arg11[%mul3A_12, %dma_start3A] : memref<10240x16xf32, #tpu.memory_space<vmem_shared>> -> memref<640x16xf32, #tpu.memory_space<vmem_shared>>
      %dma_start3A_16 = arith.constant 0 : i32
      %dma_start3A_17 = tpu.memref_slice %arg11[%mul3A_12, %dma_start3A_16] : memref<10240x16xf32, #tpu.memory_space<vmem_shared>> -> memref<640x16xf32, #tpu.memory_space<vmem_shared>>
      tpu.enqueue_dma source(%dma_start3A_17 : memref<640x16xf32, #tpu.memory_space<vmem_shared>>) target(%arg9 : memref<640x16xf32, #tpu.memory_space<vmem>>) target_semaphore(%run_scoped3A : memref<!tpu.dma_semaphore, #tpu.memory_space<semaphore_mem>>)
      %dma_wait3A = arith.constant 0 : i32
      %dma_wait3A_18 = tpu.memref_slice %arg11[%mul3A_12, %dma_wait3A] : memref<10240x16xf32, #tpu.memory_space<vmem_shared>> -> memref<640x16xf32, #tpu.memory_space<vmem_shared>>
      %dma_wait3A_19 = arith.constant 0 : i32
      %dma_wait3A_20 = tpu.memref_slice %arg11[%mul3A_12, %dma_wait3A_19] : memref<10240x16xf32, #tpu.memory_space<vmem_shared>> -> memref<640x16xf32, #tpu.memory_space<vmem_shared>>
      tpu.wait_dma2 semaphore(%run_scoped3A : memref<!tpu.dma_semaphore, #tpu.memory_space<semaphore_mem>>) src(%dma_wait3A_20 : memref<640x16xf32, #tpu.memory_space<vmem_shared>>) dst(%arg9 : memref<640x16xf32, #tpu.memory_space<vmem>>)
      tpu.yield
    }) : () -> ()
    %mul3A_13 = arith.constant 640 : i32
    %mul3A_14 = arith.muli %arg1, %mul3A_13 : i32
    "tpu.region"() ({
      %run_scoped3A = tpu.sem_alloc : memref<!tpu.dma_semaphore, #tpu.memory_space<semaphore_mem>>
      %dma_start3A = arith.constant 0 : i32
      %dma_start3A_15 = tpu.memref_slice %arg6[%arg0, %mul3A_14, %dma_start3A] : memref<2x10240x16xf32, #tpu.memory_space<hbm>> -> memref<1x640x16xf32, #tpu.memory_space<hbm>>
      %dma_start3A_16 = tpu.memref_squeeze %dma_start3A_15 : memref<1x640x16xf32, #tpu.memory_space<hbm>> -> memref<640x16xf32, #tpu.memory_space<hbm>>
      %dma_start3A_17 = arith.constant 0 : i32
      %dma_start3A_18 = tpu.memref_slice %arg6[%arg0, %mul3A_14, %dma_start3A_17] : memref<2x10240x16xf32, #tpu.memory_space<hbm>> -> memref<1x640x16xf32, #tpu.memory_space<hbm>>
      %dma_start3A_19 = tpu.memref_squeeze %dma_start3A_18 : memref<1x640x16xf32, #tpu.memory_space<hbm>> -> memref<640x16xf32, #tpu.memory_space<hbm>>
      tpu.enqueue_dma source(%arg9 : memref<640x16xf32, #tpu.memory_space<vmem>>) target(%dma_start3A_19 : memref<640x16xf32, #tpu.memory_space<hbm>>) target_semaphore(%run_scoped3A : memref<!tpu.dma_semaphore, #tpu.memory_space<semaphore_mem>>)
      %dma_wait3A = arith.constant 0 : i32
      %dma_wait3A_20 = tpu.memref_slice %arg6[%arg0, %mul3A_14, %dma_wait3A] : memref<2x10240x16xf32, #tpu.memory_space<hbm>> -> memref<1x640x16xf32, #tpu.memory_space<hbm>>
      %dma_wait3A_21 = tpu.memref_squeeze %dma_wait3A_20 : memref<1x640x16xf32, #tpu.memory_space<hbm>> -> memref<640x16xf32, #tpu.memory_space<hbm>>
      %dma_wait3A_22 = arith.constant 0 : i32
      %dma_wait3A_23 = tpu.memref_slice %arg6[%arg0, %mul3A_14, %dma_wait3A_22] : memref<2x10240x16xf32, #tpu.memory_space<hbm>> -> memref<1x640x16xf32, #tpu.memory_space<hbm>>
      %dma_wait3A_24 = tpu.memref_squeeze %dma_wait3A_23 : memref<1x640x16xf32, #tpu.memory_space<hbm>> -> memref<640x16xf32, #tpu.memory_space<hbm>>
      tpu.wait_dma2 semaphore(%run_scoped3A : memref<!tpu.dma_semaphore, #tpu.memory_space<semaphore_mem>>) src(%arg9 : memref<640x16xf32, #tpu.memory_space<vmem>>) dst(%dma_wait3A_24 : memref<640x16xf32, #tpu.memory_space<hbm>>)
      tpu.yield
    }) : () -> ()
    return
  }
}

#map = affine_map<(d0, d1) -> (0, 0)>
#map1 = affine_map<(d0, d1) -> (0, 0, 0)>
module attributes {stable_mosaic.version = 14 : i64} {
  func.func @_sc_hop(%arg0: i32, %arg1: i32, %arg2: memref<10000x16xf32, #tpu.memory_space<hbm>>, %arg3: memref<32x125x80xi32, #tpu.memory_space<hbm>>, %arg4: memref<32x125x80xi32, #tpu.memory_space<hbm>>, %arg5: memref<10240x16xf32, #tpu.memory_space<hbm>>, %arg6: memref<2x10240x16xf32, #tpu.memory_space<hbm>>, %arg7: memref<125x80xi32, #tpu.memory_space<vmem>>, %arg8: memref<125x80xi32, #tpu.memory_space<vmem>>, %arg9: memref<640x16xf32, #tpu.memory_space<vmem>>, %arg10: memref<80x16xf32, #tpu.memory_space<vmem>>, %arg11: memref<10240x16xf32, #tpu.memory_space<vmem_shared>>, %arg12: memref<!tpu.dma_semaphore, #tpu.memory_space<semaphore_mem>>) attributes {dimension_semantics = [#tpu.dimension_semantics<core_parallel>, #tpu.dimension_semantics<subcore_parallel>], iteration_bounds = array<i64: 2, 16>, scalar_prefetch = 0 : i64, scratch_operands = 6 : i64, tpu.core_type = #tpu.core_type<sc_vector_subcore>, window_params = [{transform_indices = #map}, {transform_indices = #map1}, {transform_indices = #map1}, {transform_indices = #map}, {transform_indices = #map1}]} {
    %mul3A = arith.constant 2 : i32
    %mul3A_0 = arith.muli %arg1, %mul3A : i32
    %add3A = arith.addi %mul3A_0, %arg0 : i32
    %mul3A_1 = arith.constant 640 : i32
    %mul3A_2 = arith.muli %arg1, %mul3A_1 : i32
    "tpu.region"() ({
      %run_scoped3A = tpu.sem_alloc : memref<!tpu.dma_semaphore, #tpu.memory_space<semaphore_mem>>
      %dma_start3A = arith.constant 0 : i32
      %dma_start3A_15 = tpu.memref_slice %arg5[%mul3A_2, %dma_start3A] : memref<10240x16xf32, #tpu.memory_space<hbm>> -> memref<640x16xf32, #tpu.memory_space<hbm>>
      %dma_start3A_16 = arith.constant 0 : i32
      %dma_start3A_17 = tpu.memref_slice %arg5[%mul3A_2, %dma_start3A_16] : memref<10240x16xf32, #tpu.memory_space<hbm>> -> memref<640x16xf32, #tpu.memory_space<hbm>>
      tpu.enqueue_dma source(%dma_start3A_17 : memref<640x16xf32, #tpu.memory_space<hbm>>) target(%arg9 : memref<640x16xf32, #tpu.memory_space<vmem>>) target_semaphore(%run_scoped3A : memref<!tpu.dma_semaphore, #tpu.memory_space<semaphore_mem>>)
      %dma_wait3A = arith.constant 0 : i32
      %dma_wait3A_18 = tpu.memref_slice %arg5[%mul3A_2, %dma_wait3A] : memref<10240x16xf32, #tpu.memory_space<hbm>> -> memref<640x16xf32, #tpu.memory_space<hbm>>
      %dma_wait3A_19 = arith.constant 0 : i32
      %dma_wait3A_20 = tpu.memref_slice %arg5[%mul3A_2, %dma_wait3A_19] : memref<10240x16xf32, #tpu.memory_space<hbm>> -> memref<640x16xf32, #tpu.memory_space<hbm>>
      tpu.wait_dma2 semaphore(%run_scoped3A : memref<!tpu.dma_semaphore, #tpu.memory_space<semaphore_mem>>) src(%dma_wait3A_20 : memref<640x16xf32, #tpu.memory_space<hbm>>) dst(%arg9 : memref<640x16xf32, #tpu.memory_space<vmem>>)
      tpu.yield
    }) : () -> ()
    %mul3A_3 = arith.constant 640 : i32
    %mul3A_4 = arith.muli %arg1, %mul3A_3 : i32
    "tpu.region"() ({
      %run_scoped3A = tpu.sem_alloc : memref<!tpu.dma_semaphore, #tpu.memory_space<semaphore_mem>>
      %dma_start3A = arith.constant 0 : i32
      %dma_start3A_15 = tpu.memref_slice %arg11[%mul3A_4, %dma_start3A] : memref<10240x16xf32, #tpu.memory_space<vmem_shared>> -> memref<640x16xf32, #tpu.memory_space<vmem_shared>>
      %dma_start3A_16 = arith.constant 0 : i32
      %dma_start3A_17 = tpu.memref_slice %arg11[%mul3A_4, %dma_start3A_16] : memref<10240x16xf32, #tpu.memory_space<vmem_shared>> -> memref<640x16xf32, #tpu.memory_space<vmem_shared>>
      tpu.enqueue_dma source(%arg9 : memref<640x16xf32, #tpu.memory_space<vmem>>) target(%dma_start3A_17 : memref<640x16xf32, #tpu.memory_space<vmem_shared>>) target_semaphore(%run_scoped3A : memref<!tpu.dma_semaphore, #tpu.memory_space<semaphore_mem>>)
      %dma_wait3A = arith.constant 0 : i32
      %dma_wait3A_18 = tpu.memref_slice %arg11[%mul3A_4, %dma_wait3A] : memref<10240x16xf32, #tpu.memory_space<vmem_shared>> -> memref<640x16xf32, #tpu.memory_space<vmem_shared>>
      %dma_wait3A_19 = arith.constant 0 : i32
      %dma_wait3A_20 = tpu.memref_slice %arg11[%mul3A_4, %dma_wait3A_19] : memref<10240x16xf32, #tpu.memory_space<vmem_shared>> -> memref<640x16xf32, #tpu.memory_space<vmem_shared>>
      tpu.wait_dma2 semaphore(%run_scoped3A : memref<!tpu.dma_semaphore, #tpu.memory_space<semaphore_mem>>) src(%arg9 : memref<640x16xf32, #tpu.memory_space<vmem>>) dst(%dma_wait3A_20 : memref<640x16xf32, #tpu.memory_space<vmem_shared>>)
      tpu.yield
    }) : () -> ()
    %barrier3A = arith.constant 0 : index
    tpu.barrier barrier_id(%barrier3A)
    "tpu.region"() ({
      %run_scoped3A = tpu.sem_alloc : memref<!tpu.dma_semaphore, #tpu.memory_space<semaphore_mem>>
      %dma_start3A = arith.constant 0 : i32
      %dma_start3A_15 = arith.constant 0 : i32
      %dma_start3A_16 = tpu.memref_slice %arg3[%add3A, %dma_start3A, %dma_start3A_15] : memref<32x125x80xi32, #tpu.memory_space<hbm>> -> memref<1x125x80xi32, #tpu.memory_space<hbm>>
      %dma_start3A_17 = tpu.memref_squeeze %dma_start3A_16 : memref<1x125x80xi32, #tpu.memory_space<hbm>> -> memref<125x80xi32, #tpu.memory_space<hbm>>
      %dma_start3A_18 = arith.constant 0 : i32
      %dma_start3A_19 = arith.constant 0 : i32
      %dma_start3A_20 = tpu.memref_slice %arg3[%add3A, %dma_start3A_18, %dma_start3A_19] : memref<32x125x80xi32, #tpu.memory_space<hbm>> -> memref<1x125x80xi32, #tpu.memory_space<hbm>>
      %dma_start3A_21 = tpu.memref_squeeze %dma_start3A_20 : memref<1x125x80xi32, #tpu.memory_space<hbm>> -> memref<125x80xi32, #tpu.memory_space<hbm>>
      tpu.enqueue_dma source(%dma_start3A_21 : memref<125x80xi32, #tpu.memory_space<hbm>>) target(%arg7 : memref<125x80xi32, #tpu.memory_space<vmem>>) target_semaphore(%run_scoped3A : memref<!tpu.dma_semaphore, #tpu.memory_space<semaphore_mem>>)
      %dma_wait3A = arith.constant 0 : i32
      %dma_wait3A_22 = arith.constant 0 : i32
      %dma_wait3A_23 = tpu.memref_slice %arg3[%add3A, %dma_wait3A, %dma_wait3A_22] : memref<32x125x80xi32, #tpu.memory_space<hbm>> -> memref<1x125x80xi32, #tpu.memory_space<hbm>>
      %dma_wait3A_24 = tpu.memref_squeeze %dma_wait3A_23 : memref<1x125x80xi32, #tpu.memory_space<hbm>> -> memref<125x80xi32, #tpu.memory_space<hbm>>
      %dma_wait3A_25 = arith.constant 0 : i32
      %dma_wait3A_26 = arith.constant 0 : i32
      %dma_wait3A_27 = tpu.memref_slice %arg3[%add3A, %dma_wait3A_25, %dma_wait3A_26] : memref<32x125x80xi32, #tpu.memory_space<hbm>> -> memref<1x125x80xi32, #tpu.memory_space<hbm>>
      %dma_wait3A_28 = tpu.memref_squeeze %dma_wait3A_27 : memref<1x125x80xi32, #tpu.memory_space<hbm>> -> memref<125x80xi32, #tpu.memory_space<hbm>>
      tpu.wait_dma2 semaphore(%run_scoped3A : memref<!tpu.dma_semaphore, #tpu.memory_space<semaphore_mem>>) src(%dma_wait3A_28 : memref<125x80xi32, #tpu.memory_space<hbm>>) dst(%arg7 : memref<125x80xi32, #tpu.memory_space<vmem>>)
      tpu.yield
    }) : () -> ()
    "tpu.region"() ({
      %run_scoped3A = tpu.sem_alloc : memref<!tpu.dma_semaphore, #tpu.memory_space<semaphore_mem>>
      %dma_start3A = arith.constant 0 : i32
      %dma_start3A_15 = arith.constant 0 : i32
      %dma_start3A_16 = tpu.memref_slice %arg4[%add3A, %dma_start3A, %dma_start3A_15] : memref<32x125x80xi32, #tpu.memory_space<hbm>> -> memref<1x125x80xi32, #tpu.memory_space<hbm>>
      %dma_start3A_17 = tpu.memref_squeeze %dma_start3A_16 : memref<1x125x80xi32, #tpu.memory_space<hbm>> -> memref<125x80xi32, #tpu.memory_space<hbm>>
      %dma_start3A_18 = arith.constant 0 : i32
      %dma_start3A_19 = arith.constant 0 : i32
      %dma_start3A_20 = tpu.memref_slice %arg4[%add3A, %dma_start3A_18, %dma_start3A_19] : memref<32x125x80xi32, #tpu.memory_space<hbm>> -> memref<1x125x80xi32, #tpu.memory_space<hbm>>
      %dma_start3A_21 = tpu.memref_squeeze %dma_start3A_20 : memref<1x125x80xi32, #tpu.memory_space<hbm>> -> memref<125x80xi32, #tpu.memory_space<hbm>>
      tpu.enqueue_dma source(%dma_start3A_21 : memref<125x80xi32, #tpu.memory_space<hbm>>) target(%arg8 : memref<125x80xi32, #tpu.memory_space<vmem>>) target_semaphore(%run_scoped3A : memref<!tpu.dma_semaphore, #tpu.memory_space<semaphore_mem>>)
      %dma_wait3A = arith.constant 0 : i32
      %dma_wait3A_22 = arith.constant 0 : i32
      %dma_wait3A_23 = tpu.memref_slice %arg4[%add3A, %dma_wait3A, %dma_wait3A_22] : memref<32x125x80xi32, #tpu.memory_space<hbm>> -> memref<1x125x80xi32, #tpu.memory_space<hbm>>
      %dma_wait3A_24 = tpu.memref_squeeze %dma_wait3A_23 : memref<1x125x80xi32, #tpu.memory_space<hbm>> -> memref<125x80xi32, #tpu.memory_space<hbm>>
      %dma_wait3A_25 = arith.constant 0 : i32
      %dma_wait3A_26 = arith.constant 0 : i32
      %dma_wait3A_27 = tpu.memref_slice %arg4[%add3A, %dma_wait3A_25, %dma_wait3A_26] : memref<32x125x80xi32, #tpu.memory_space<hbm>> -> memref<1x125x80xi32, #tpu.memory_space<hbm>>
      %dma_wait3A_28 = tpu.memref_squeeze %dma_wait3A_27 : memref<1x125x80xi32, #tpu.memory_space<hbm>> -> memref<125x80xi32, #tpu.memory_space<hbm>>
      tpu.wait_dma2 semaphore(%run_scoped3A : memref<!tpu.dma_semaphore, #tpu.memory_space<semaphore_mem>>) src(%dma_wait3A_28 : memref<125x80xi32, #tpu.memory_space<hbm>>) dst(%arg8 : memref<125x80xi32, #tpu.memory_space<vmem>>)
      tpu.yield
    }) : () -> ()
    %scan3A = arith.constant 0 : i32
    %scan3A_5 = arith.constant 0 : i32
    %scan3A_6 = arith.constant 125 : i32
    %scan3A_7 = arith.addi %scan3A_5, %scan3A_6 : i32
    %scan3A_8 = arith.constant 1 : i32
    scf.for %scan3A_15 = %scan3A_5 to %scan3A_7 step %scan3A_8  : i32 {
      %dma_start3A = arith.constant 0 : i32
      %dma_start3A_16 = tpu.memref_slice %arg7[%scan3A_15, %dma_start3A] : memref<125x80xi32, #tpu.memory_space<vmem>> -> memref<1x80xi32, #tpu.memory_space<vmem>>
      %dma_start3A_17 = tpu.memref_squeeze %dma_start3A_16 : memref<1x80xi32, #tpu.memory_space<vmem>> -> memref<80xi32, #tpu.memory_space<vmem>>
      %dma_start3A_18 = arith.constant 0 : i32
      %dma_start3A_19 = arith.constant 0 : i32
      %dma_start3A_20 = tpu.memref_slice %arg2[%dma_start3A_18, %dma_start3A_19] : memref<10000x16xf32, #tpu.memory_space<hbm>> -> memref<10000x16xf32, #tpu.memory_space<hbm>>
      tpu.enqueue_indirect_dma source(%dma_start3A_20 : memref<10000x16xf32, #tpu.memory_space<hbm>>) target(%arg10 : memref<80x16xf32, #tpu.memory_space<vmem>>) offsets(%dma_start3A_17 : memref<80xi32, #tpu.memory_space<vmem>>) semaphore(%arg12 : memref<!tpu.dma_semaphore, #tpu.memory_space<semaphore_mem>>)
      %dma_wait3A = arith.constant 0 : i32
      %dma_wait3A_21 = tpu.memref_slice %arg7[%scan3A_15, %dma_wait3A] : memref<125x80xi32, #tpu.memory_space<vmem>> -> memref<1x80xi32, #tpu.memory_space<vmem>>
      %dma_wait3A_22 = tpu.memref_squeeze %dma_wait3A_21 : memref<1x80xi32, #tpu.memory_space<vmem>> -> memref<80xi32, #tpu.memory_space<vmem>>
      %dma_wait3A_23 = arith.constant 0 : i32
      %dma_wait3A_24 = arith.constant 0 : i32
      %dma_wait3A_25 = tpu.memref_slice %arg2[%dma_wait3A_23, %dma_wait3A_24] : memref<10000x16xf32, #tpu.memory_space<hbm>> -> memref<10000x16xf32, #tpu.memory_space<hbm>>
      tpu.wait_indirect_dma semaphore(%arg12 : memref<!tpu.dma_semaphore, #tpu.memory_space<semaphore_mem>>) src(%dma_wait3A_25 : memref<10000x16xf32, #tpu.memory_space<hbm>>) dst(%arg10 : memref<80x16xf32, #tpu.memory_space<vmem>>)
      "tpu.region"() ({
        %run_scoped3A = tpu.sem_alloc : memref<!tpu.dma_semaphore, #tpu.memory_space<semaphore_mem>>
        %dma_start3A_26 = arith.constant 0 : i32
        %dma_start3A_27 = tpu.memref_slice %arg8[%scan3A_15, %dma_start3A_26] : memref<125x80xi32, #tpu.memory_space<vmem>> -> memref<1x80xi32, #tpu.memory_space<vmem>>
        %dma_start3A_28 = tpu.memref_squeeze %dma_start3A_27 : memref<1x80xi32, #tpu.memory_space<vmem>> -> memref<80xi32, #tpu.memory_space<vmem>>
        %dma_start3A_29 = arith.constant 0 : i32
        %dma_start3A_30 = arith.constant 0 : i32
        %dma_start3A_31 = tpu.memref_slice %arg11[%dma_start3A_29, %dma_start3A_30] : memref<10240x16xf32, #tpu.memory_space<vmem_shared>> -> memref<10240x16xf32, #tpu.memory_space<vmem_shared>>
        tpu.enqueue_indirect_dma source(%arg10 : memref<80x16xf32, #tpu.memory_space<vmem>>) target(%dma_start3A_31 : memref<10240x16xf32, #tpu.memory_space<vmem_shared>>) offsets(%dma_start3A_28 : memref<80xi32, #tpu.memory_space<vmem>>) semaphore(%run_scoped3A : memref<!tpu.dma_semaphore, #tpu.memory_space<semaphore_mem>>) {add = true}
        %dma_wait3A_32 = arith.constant 0 : i32
        %dma_wait3A_33 = tpu.memref_slice %arg8[%scan3A_15, %dma_wait3A_32] : memref<125x80xi32, #tpu.memory_space<vmem>> -> memref<1x80xi32, #tpu.memory_space<vmem>>
        %dma_wait3A_34 = tpu.memref_squeeze %dma_wait3A_33 : memref<1x80xi32, #tpu.memory_space<vmem>> -> memref<80xi32, #tpu.memory_space<vmem>>
        %dma_wait3A_35 = arith.constant 0 : i32
        %dma_wait3A_36 = arith.constant 0 : i32
        %dma_wait3A_37 = tpu.memref_slice %arg11[%dma_wait3A_35, %dma_wait3A_36] : memref<10240x16xf32, #tpu.memory_space<vmem_shared>> -> memref<10240x16xf32, #tpu.memory_space<vmem_shared>>
        tpu.wait_indirect_dma semaphore(%run_scoped3A : memref<!tpu.dma_semaphore, #tpu.memory_space<semaphore_mem>>) src(%arg10 : memref<80x16xf32, #tpu.memory_space<vmem>>) dst(%dma_wait3A_37 : memref<10240x16xf32, #tpu.memory_space<vmem_shared>>)
        tpu.yield
      }) : () -> ()
    }
    %scan3A_9 = arith.constant 125 : i32
    %barrier3A_10 = arith.constant 0 : index
    tpu.barrier barrier_id(%barrier3A_10)
    %mul3A_11 = arith.constant 640 : i32
    %mul3A_12 = arith.muli %arg1, %mul3A_11 : i32
    "tpu.region"() ({
      %run_scoped3A = tpu.sem_alloc : memref<!tpu.dma_semaphore, #tpu.memory_space<semaphore_mem>>
      %dma_start3A = arith.constant 0 : i32
      %dma_start3A_15 = tpu.memref_slice %arg11[%mul3A_12, %dma_start3A] : memref<10240x16xf32, #tpu.memory_space<vmem_shared>> -> memref<640x16xf32, #tpu.memory_space<vmem_shared>>
      %dma_start3A_16 = arith.constant 0 : i32
      %dma_start3A_17 = tpu.memref_slice %arg11[%mul3A_12, %dma_start3A_16] : memref<10240x16xf32, #tpu.memory_space<vmem_shared>> -> memref<640x16xf32, #tpu.memory_space<vmem_shared>>
      tpu.enqueue_dma source(%dma_start3A_17 : memref<640x16xf32, #tpu.memory_space<vmem_shared>>) target(%arg9 : memref<640x16xf32, #tpu.memory_space<vmem>>) target_semaphore(%run_scoped3A : memref<!tpu.dma_semaphore, #tpu.memory_space<semaphore_mem>>)
      %dma_wait3A = arith.constant 0 : i32
      %dma_wait3A_18 = tpu.memref_slice %arg11[%mul3A_12, %dma_wait3A] : memref<10240x16xf32, #tpu.memory_space<vmem_shared>> -> memref<640x16xf32, #tpu.memory_space<vmem_shared>>
      %dma_wait3A_19 = arith.constant 0 : i32
      %dma_wait3A_20 = tpu.memref_slice %arg11[%mul3A_12, %dma_wait3A_19] : memref<10240x16xf32, #tpu.memory_space<vmem_shared>> -> memref<640x16xf32, #tpu.memory_space<vmem_shared>>
      tpu.wait_dma2 semaphore(%run_scoped3A : memref<!tpu.dma_semaphore, #tpu.memory_space<semaphore_mem>>) src(%dma_wait3A_20 : memref<640x16xf32, #tpu.memory_space<vmem_shared>>) dst(%arg9 : memref<640x16xf32, #tpu.memory_space<vmem>>)
      tpu.yield
    }) : () -> ()
    %mul3A_13 = arith.constant 640 : i32
    %mul3A_14 = arith.muli %arg1, %mul3A_13 : i32
    "tpu.region"() ({
      %run_scoped3A = tpu.sem_alloc : memref<!tpu.dma_semaphore, #tpu.memory_space<semaphore_mem>>
      %dma_start3A = arith.constant 0 : i32
      %dma_start3A_15 = tpu.memref_slice %arg6[%arg0, %mul3A_14, %dma_start3A] : memref<2x10240x16xf32, #tpu.memory_space<hbm>> -> memref<1x640x16xf32, #tpu.memory_space<hbm>>
      %dma_start3A_16 = tpu.memref_squeeze %dma_start3A_15 : memref<1x640x16xf32, #tpu.memory_space<hbm>> -> memref<640x16xf32, #tpu.memory_space<hbm>>
      %dma_start3A_17 = arith.constant 0 : i32
      %dma_start3A_18 = tpu.memref_slice %arg6[%arg0, %mul3A_14, %dma_start3A_17] : memref<2x10240x16xf32, #tpu.memory_space<hbm>> -> memref<1x640x16xf32, #tpu.memory_space<hbm>>
      %dma_start3A_19 = tpu.memref_squeeze %dma_start3A_18 : memref<1x640x16xf32, #tpu.memory_space<hbm>> -> memref<640x16xf32, #tpu.memory_space<hbm>>
      tpu.enqueue_dma source(%arg9 : memref<640x16xf32, #tpu.memory_space<vmem>>) target(%dma_start3A_19 : memref<640x16xf32, #tpu.memory_space<hbm>>) target_semaphore(%run_scoped3A : memref<!tpu.dma_semaphore, #tpu.memory_space<semaphore_mem>>)
      %dma_wait3A = arith.constant 0 : i32
      %dma_wait3A_20 = tpu.memref_slice %arg6[%arg0, %mul3A_14, %dma_wait3A] : memref<2x10240x16xf32, #tpu.memory_space<hbm>> -> memref<1x640x16xf32, #tpu.memory_space<hbm>>
      %dma_wait3A_21 = tpu.memref_squeeze %dma_wait3A_20 : memref<1x640x16xf32, #tpu.memory_space<hbm>> -> memref<640x16xf32, #tpu.memory_space<hbm>>
      %dma_wait3A_22 = arith.constant 0 : i32
      %dma_wait3A_23 = tpu.memref_slice %arg6[%arg0, %mul3A_14, %dma_wait3A_22] : memref<2x10240x16xf32, #tpu.memory_space<hbm>> -> memref<1x640x16xf32, #tpu.memory_space<hbm>>
      %dma_wait3A_24 = tpu.memref_squeeze %dma_wait3A_23 : memref<1x640x16xf32, #tpu.memory_space<hbm>> -> memref<640x16xf32, #tpu.memory_space<hbm>>
      tpu.wait_dma2 semaphore(%run_scoped3A : memref<!tpu.dma_semaphore, #tpu.memory_space<semaphore_mem>>) src(%arg9 : memref<640x16xf32, #tpu.memory_space<vmem>>) dst(%dma_wait3A_24 : memref<640x16xf32, #tpu.memory_space<hbm>>)
      tpu.yield
    }) : () -> ()
    return
  }
}

#map = affine_map<(d0, d1) -> (0, 0)>
#map1 = affine_map<(d0, d1) -> (0, 0, 0)>
module attributes {stable_mosaic.version = 14 : i64} {
  func.func @_sc_hop(%arg0: i32, %arg1: i32, %arg2: memref<10000x16xf32, #tpu.memory_space<hbm>>, %arg3: memref<32x125x80xi32, #tpu.memory_space<hbm>>, %arg4: memref<32x125x80xi32, #tpu.memory_space<hbm>>, %arg5: memref<10240x16xf32, #tpu.memory_space<hbm>>, %arg6: memref<2x10240x16xf32, #tpu.memory_space<hbm>>, %arg7: memref<125x80xi32, #tpu.memory_space<vmem>>, %arg8: memref<125x80xi32, #tpu.memory_space<vmem>>, %arg9: memref<640x16xf32, #tpu.memory_space<vmem>>, %arg10: memref<80x16xf32, #tpu.memory_space<vmem>>, %arg11: memref<10240x16xf32, #tpu.memory_space<vmem_shared>>, %arg12: memref<!tpu.dma_semaphore, #tpu.memory_space<semaphore_mem>>) attributes {dimension_semantics = [#tpu.dimension_semantics<core_parallel>, #tpu.dimension_semantics<subcore_parallel>], iteration_bounds = array<i64: 2, 16>, scalar_prefetch = 0 : i64, scratch_operands = 6 : i64, tpu.core_type = #tpu.core_type<sc_vector_subcore>, window_params = [{transform_indices = #map}, {transform_indices = #map1}, {transform_indices = #map1}, {transform_indices = #map}, {transform_indices = #map1}]} {
    %mul3A = arith.constant 2 : i32
    %mul3A_0 = arith.muli %arg1, %mul3A : i32
    %add3A = arith.addi %mul3A_0, %arg0 : i32
    %mul3A_1 = arith.constant 640 : i32
    %mul3A_2 = arith.muli %arg1, %mul3A_1 : i32
    "tpu.region"() ({
      %run_scoped3A = tpu.sem_alloc : memref<!tpu.dma_semaphore, #tpu.memory_space<semaphore_mem>>
      %dma_start3A = arith.constant 0 : i32
      %dma_start3A_15 = tpu.memref_slice %arg5[%mul3A_2, %dma_start3A] : memref<10240x16xf32, #tpu.memory_space<hbm>> -> memref<640x16xf32, #tpu.memory_space<hbm>>
      %dma_start3A_16 = arith.constant 0 : i32
      %dma_start3A_17 = tpu.memref_slice %arg5[%mul3A_2, %dma_start3A_16] : memref<10240x16xf32, #tpu.memory_space<hbm>> -> memref<640x16xf32, #tpu.memory_space<hbm>>
      tpu.enqueue_dma source(%dma_start3A_17 : memref<640x16xf32, #tpu.memory_space<hbm>>) target(%arg9 : memref<640x16xf32, #tpu.memory_space<vmem>>) target_semaphore(%run_scoped3A : memref<!tpu.dma_semaphore, #tpu.memory_space<semaphore_mem>>)
      %dma_wait3A = arith.constant 0 : i32
      %dma_wait3A_18 = tpu.memref_slice %arg5[%mul3A_2, %dma_wait3A] : memref<10240x16xf32, #tpu.memory_space<hbm>> -> memref<640x16xf32, #tpu.memory_space<hbm>>
      %dma_wait3A_19 = arith.constant 0 : i32
      %dma_wait3A_20 = tpu.memref_slice %arg5[%mul3A_2, %dma_wait3A_19] : memref<10240x16xf32, #tpu.memory_space<hbm>> -> memref<640x16xf32, #tpu.memory_space<hbm>>
      tpu.wait_dma2 semaphore(%run_scoped3A : memref<!tpu.dma_semaphore, #tpu.memory_space<semaphore_mem>>) src(%dma_wait3A_20 : memref<640x16xf32, #tpu.memory_space<hbm>>) dst(%arg9 : memref<640x16xf32, #tpu.memory_space<vmem>>)
      tpu.yield
    }) : () -> ()
    %mul3A_3 = arith.constant 640 : i32
    %mul3A_4 = arith.muli %arg1, %mul3A_3 : i32
    "tpu.region"() ({
      %run_scoped3A = tpu.sem_alloc : memref<!tpu.dma_semaphore, #tpu.memory_space<semaphore_mem>>
      %dma_start3A = arith.constant 0 : i32
      %dma_start3A_15 = tpu.memref_slice %arg11[%mul3A_4, %dma_start3A] : memref<10240x16xf32, #tpu.memory_space<vmem_shared>> -> memref<640x16xf32, #tpu.memory_space<vmem_shared>>
      %dma_start3A_16 = arith.constant 0 : i32
      %dma_start3A_17 = tpu.memref_slice %arg11[%mul3A_4, %dma_start3A_16] : memref<10240x16xf32, #tpu.memory_space<vmem_shared>> -> memref<640x16xf32, #tpu.memory_space<vmem_shared>>
      tpu.enqueue_dma source(%arg9 : memref<640x16xf32, #tpu.memory_space<vmem>>) target(%dma_start3A_17 : memref<640x16xf32, #tpu.memory_space<vmem_shared>>) target_semaphore(%run_scoped3A : memref<!tpu.dma_semaphore, #tpu.memory_space<semaphore_mem>>)
      %dma_wait3A = arith.constant 0 : i32
      %dma_wait3A_18 = tpu.memref_slice %arg11[%mul3A_4, %dma_wait3A] : memref<10240x16xf32, #tpu.memory_space<vmem_shared>> -> memref<640x16xf32, #tpu.memory_space<vmem_shared>>
      %dma_wait3A_19 = arith.constant 0 : i32
      %dma_wait3A_20 = tpu.memref_slice %arg11[%mul3A_4, %dma_wait3A_19] : memref<10240x16xf32, #tpu.memory_space<vmem_shared>> -> memref<640x16xf32, #tpu.memory_space<vmem_shared>>
      tpu.wait_dma2 semaphore(%run_scoped3A : memref<!tpu.dma_semaphore, #tpu.memory_space<semaphore_mem>>) src(%arg9 : memref<640x16xf32, #tpu.memory_space<vmem>>) dst(%dma_wait3A_20 : memref<640x16xf32, #tpu.memory_space<vmem_shared>>)
      tpu.yield
    }) : () -> ()
    %barrier3A = arith.constant 0 : index
    tpu.barrier barrier_id(%barrier3A)
    "tpu.region"() ({
      %run_scoped3A = tpu.sem_alloc : memref<!tpu.dma_semaphore, #tpu.memory_space<semaphore_mem>>
      %dma_start3A = arith.constant 0 : i32
      %dma_start3A_15 = arith.constant 0 : i32
      %dma_start3A_16 = tpu.memref_slice %arg3[%add3A, %dma_start3A, %dma_start3A_15] : memref<32x125x80xi32, #tpu.memory_space<hbm>> -> memref<1x125x80xi32, #tpu.memory_space<hbm>>
      %dma_start3A_17 = tpu.memref_squeeze %dma_start3A_16 : memref<1x125x80xi32, #tpu.memory_space<hbm>> -> memref<125x80xi32, #tpu.memory_space<hbm>>
      %dma_start3A_18 = arith.constant 0 : i32
      %dma_start3A_19 = arith.constant 0 : i32
      %dma_start3A_20 = tpu.memref_slice %arg3[%add3A, %dma_start3A_18, %dma_start3A_19] : memref<32x125x80xi32, #tpu.memory_space<hbm>> -> memref<1x125x80xi32, #tpu.memory_space<hbm>>
      %dma_start3A_21 = tpu.memref_squeeze %dma_start3A_20 : memref<1x125x80xi32, #tpu.memory_space<hbm>> -> memref<125x80xi32, #tpu.memory_space<hbm>>
      tpu.enqueue_dma source(%dma_start3A_21 : memref<125x80xi32, #tpu.memory_space<hbm>>) target(%arg7 : memref<125x80xi32, #tpu.memory_space<vmem>>) target_semaphore(%run_scoped3A : memref<!tpu.dma_semaphore, #tpu.memory_space<semaphore_mem>>)
      %dma_wait3A = arith.constant 0 : i32
      %dma_wait3A_22 = arith.constant 0 : i32
      %dma_wait3A_23 = tpu.memref_slice %arg3[%add3A, %dma_wait3A, %dma_wait3A_22] : memref<32x125x80xi32, #tpu.memory_space<hbm>> -> memref<1x125x80xi32, #tpu.memory_space<hbm>>
      %dma_wait3A_24 = tpu.memref_squeeze %dma_wait3A_23 : memref<1x125x80xi32, #tpu.memory_space<hbm>> -> memref<125x80xi32, #tpu.memory_space<hbm>>
      %dma_wait3A_25 = arith.constant 0 : i32
      %dma_wait3A_26 = arith.constant 0 : i32
      %dma_wait3A_27 = tpu.memref_slice %arg3[%add3A, %dma_wait3A_25, %dma_wait3A_26] : memref<32x125x80xi32, #tpu.memory_space<hbm>> -> memref<1x125x80xi32, #tpu.memory_space<hbm>>
      %dma_wait3A_28 = tpu.memref_squeeze %dma_wait3A_27 : memref<1x125x80xi32, #tpu.memory_space<hbm>> -> memref<125x80xi32, #tpu.memory_space<hbm>>
      tpu.wait_dma2 semaphore(%run_scoped3A : memref<!tpu.dma_semaphore, #tpu.memory_space<semaphore_mem>>) src(%dma_wait3A_28 : memref<125x80xi32, #tpu.memory_space<hbm>>) dst(%arg7 : memref<125x80xi32, #tpu.memory_space<vmem>>)
      tpu.yield
    }) : () -> ()
    "tpu.region"() ({
      %run_scoped3A = tpu.sem_alloc : memref<!tpu.dma_semaphore, #tpu.memory_space<semaphore_mem>>
      %dma_start3A = arith.constant 0 : i32
      %dma_start3A_15 = arith.constant 0 : i32
      %dma_start3A_16 = tpu.memref_slice %arg4[%add3A, %dma_start3A, %dma_start3A_15] : memref<32x125x80xi32, #tpu.memory_space<hbm>> -> memref<1x125x80xi32, #tpu.memory_space<hbm>>
      %dma_start3A_17 = tpu.memref_squeeze %dma_start3A_16 : memref<1x125x80xi32, #tpu.memory_space<hbm>> -> memref<125x80xi32, #tpu.memory_space<hbm>>
      %dma_start3A_18 = arith.constant 0 : i32
      %dma_start3A_19 = arith.constant 0 : i32
      %dma_start3A_20 = tpu.memref_slice %arg4[%add3A, %dma_start3A_18, %dma_start3A_19] : memref<32x125x80xi32, #tpu.memory_space<hbm>> -> memref<1x125x80xi32, #tpu.memory_space<hbm>>
      %dma_start3A_21 = tpu.memref_squeeze %dma_start3A_20 : memref<1x125x80xi32, #tpu.memory_space<hbm>> -> memref<125x80xi32, #tpu.memory_space<hbm>>
      tpu.enqueue_dma source(%dma_start3A_21 : memref<125x80xi32, #tpu.memory_space<hbm>>) target(%arg8 : memref<125x80xi32, #tpu.memory_space<vmem>>) target_semaphore(%run_scoped3A : memref<!tpu.dma_semaphore, #tpu.memory_space<semaphore_mem>>)
      %dma_wait3A = arith.constant 0 : i32
      %dma_wait3A_22 = arith.constant 0 : i32
      %dma_wait3A_23 = tpu.memref_slice %arg4[%add3A, %dma_wait3A, %dma_wait3A_22] : memref<32x125x80xi32, #tpu.memory_space<hbm>> -> memref<1x125x80xi32, #tpu.memory_space<hbm>>
      %dma_wait3A_24 = tpu.memref_squeeze %dma_wait3A_23 : memref<1x125x80xi32, #tpu.memory_space<hbm>> -> memref<125x80xi32, #tpu.memory_space<hbm>>
      %dma_wait3A_25 = arith.constant 0 : i32
      %dma_wait3A_26 = arith.constant 0 : i32
      %dma_wait3A_27 = tpu.memref_slice %arg4[%add3A, %dma_wait3A_25, %dma_wait3A_26] : memref<32x125x80xi32, #tpu.memory_space<hbm>> -> memref<1x125x80xi32, #tpu.memory_space<hbm>>
      %dma_wait3A_28 = tpu.memref_squeeze %dma_wait3A_27 : memref<1x125x80xi32, #tpu.memory_space<hbm>> -> memref<125x80xi32, #tpu.memory_space<hbm>>
      tpu.wait_dma2 semaphore(%run_scoped3A : memref<!tpu.dma_semaphore, #tpu.memory_space<semaphore_mem>>) src(%dma_wait3A_28 : memref<125x80xi32, #tpu.memory_space<hbm>>) dst(%arg8 : memref<125x80xi32, #tpu.memory_space<vmem>>)
      tpu.yield
    }) : () -> ()
    %scan3A = arith.constant 0 : i32
    %scan3A_5 = arith.constant 0 : i32
    %scan3A_6 = arith.constant 125 : i32
    %scan3A_7 = arith.addi %scan3A_5, %scan3A_6 : i32
    %scan3A_8 = arith.constant 1 : i32
    scf.for %scan3A_15 = %scan3A_5 to %scan3A_7 step %scan3A_8  : i32 {
      %dma_start3A = arith.constant 0 : i32
      %dma_start3A_16 = tpu.memref_slice %arg7[%scan3A_15, %dma_start3A] : memref<125x80xi32, #tpu.memory_space<vmem>> -> memref<1x80xi32, #tpu.memory_space<vmem>>
      %dma_start3A_17 = tpu.memref_squeeze %dma_start3A_16 : memref<1x80xi32, #tpu.memory_space<vmem>> -> memref<80xi32, #tpu.memory_space<vmem>>
      %dma_start3A_18 = arith.constant 0 : i32
      %dma_start3A_19 = arith.constant 0 : i32
      %dma_start3A_20 = tpu.memref_slice %arg2[%dma_start3A_18, %dma_start3A_19] : memref<10000x16xf32, #tpu.memory_space<hbm>> -> memref<10000x16xf32, #tpu.memory_space<hbm>>
      tpu.enqueue_indirect_dma source(%dma_start3A_20 : memref<10000x16xf32, #tpu.memory_space<hbm>>) target(%arg10 : memref<80x16xf32, #tpu.memory_space<vmem>>) offsets(%dma_start3A_17 : memref<80xi32, #tpu.memory_space<vmem>>) semaphore(%arg12 : memref<!tpu.dma_semaphore, #tpu.memory_space<semaphore_mem>>)
      %dma_wait3A = arith.constant 0 : i32
      %dma_wait3A_21 = tpu.memref_slice %arg7[%scan3A_15, %dma_wait3A] : memref<125x80xi32, #tpu.memory_space<vmem>> -> memref<1x80xi32, #tpu.memory_space<vmem>>
      %dma_wait3A_22 = tpu.memref_squeeze %dma_wait3A_21 : memref<1x80xi32, #tpu.memory_space<vmem>> -> memref<80xi32, #tpu.memory_space<vmem>>
      %dma_wait3A_23 = arith.constant 0 : i32
      %dma_wait3A_24 = arith.constant 0 : i32
      %dma_wait3A_25 = tpu.memref_slice %arg2[%dma_wait3A_23, %dma_wait3A_24] : memref<10000x16xf32, #tpu.memory_space<hbm>> -> memref<10000x16xf32, #tpu.memory_space<hbm>>
      tpu.wait_indirect_dma semaphore(%arg12 : memref<!tpu.dma_semaphore, #tpu.memory_space<semaphore_mem>>) src(%dma_wait3A_25 : memref<10000x16xf32, #tpu.memory_space<hbm>>) dst(%arg10 : memref<80x16xf32, #tpu.memory_space<vmem>>)
      "tpu.region"() ({
        %run_scoped3A = tpu.sem_alloc : memref<!tpu.dma_semaphore, #tpu.memory_space<semaphore_mem>>
        %dma_start3A_26 = arith.constant 0 : i32
        %dma_start3A_27 = tpu.memref_slice %arg8[%scan3A_15, %dma_start3A_26] : memref<125x80xi32, #tpu.memory_space<vmem>> -> memref<1x80xi32, #tpu.memory_space<vmem>>
        %dma_start3A_28 = tpu.memref_squeeze %dma_start3A_27 : memref<1x80xi32, #tpu.memory_space<vmem>> -> memref<80xi32, #tpu.memory_space<vmem>>
        %dma_start3A_29 = arith.constant 0 : i32
        %dma_start3A_30 = arith.constant 0 : i32
        %dma_start3A_31 = tpu.memref_slice %arg11[%dma_start3A_29, %dma_start3A_30] : memref<10240x16xf32, #tpu.memory_space<vmem_shared>> -> memref<10240x16xf32, #tpu.memory_space<vmem_shared>>
        tpu.enqueue_indirect_dma source(%arg10 : memref<80x16xf32, #tpu.memory_space<vmem>>) target(%dma_start3A_31 : memref<10240x16xf32, #tpu.memory_space<vmem_shared>>) offsets(%dma_start3A_28 : memref<80xi32, #tpu.memory_space<vmem>>) semaphore(%run_scoped3A : memref<!tpu.dma_semaphore, #tpu.memory_space<semaphore_mem>>) {add = true}
        %dma_wait3A_32 = arith.constant 0 : i32
        %dma_wait3A_33 = tpu.memref_slice %arg8[%scan3A_15, %dma_wait3A_32] : memref<125x80xi32, #tpu.memory_space<vmem>> -> memref<1x80xi32, #tpu.memory_space<vmem>>
        %dma_wait3A_34 = tpu.memref_squeeze %dma_wait3A_33 : memref<1x80xi32, #tpu.memory_space<vmem>> -> memref<80xi32, #tpu.memory_space<vmem>>
        %dma_wait3A_35 = arith.constant 0 : i32
        %dma_wait3A_36 = arith.constant 0 : i32
        %dma_wait3A_37 = tpu.memref_slice %arg11[%dma_wait3A_35, %dma_wait3A_36] : memref<10240x16xf32, #tpu.memory_space<vmem_shared>> -> memref<10240x16xf32, #tpu.memory_space<vmem_shared>>
        tpu.wait_indirect_dma semaphore(%run_scoped3A : memref<!tpu.dma_semaphore, #tpu.memory_space<semaphore_mem>>) src(%arg10 : memref<80x16xf32, #tpu.memory_space<vmem>>) dst(%dma_wait3A_37 : memref<10240x16xf32, #tpu.memory_space<vmem_shared>>)
        tpu.yield
      }) : () -> ()
    }
    %scan3A_9 = arith.constant 125 : i32
    %barrier3A_10 = arith.constant 0 : index
    tpu.barrier barrier_id(%barrier3A_10)
    %mul3A_11 = arith.constant 640 : i32
    %mul3A_12 = arith.muli %arg1, %mul3A_11 : i32
    "tpu.region"() ({
      %run_scoped3A = tpu.sem_alloc : memref<!tpu.dma_semaphore, #tpu.memory_space<semaphore_mem>>
      %dma_start3A = arith.constant 0 : i32
      %dma_start3A_15 = tpu.memref_slice %arg11[%mul3A_12, %dma_start3A] : memref<10240x16xf32, #tpu.memory_space<vmem_shared>> -> memref<640x16xf32, #tpu.memory_space<vmem_shared>>
      %dma_start3A_16 = arith.constant 0 : i32
      %dma_start3A_17 = tpu.memref_slice %arg11[%mul3A_12, %dma_start3A_16] : memref<10240x16xf32, #tpu.memory_space<vmem_shared>> -> memref<640x16xf32, #tpu.memory_space<vmem_shared>>
      tpu.enqueue_dma source(%dma_start3A_17 : memref<640x16xf32, #tpu.memory_space<vmem_shared>>) target(%arg9 : memref<640x16xf32, #tpu.memory_space<vmem>>) target_semaphore(%run_scoped3A : memref<!tpu.dma_semaphore, #tpu.memory_space<semaphore_mem>>)
      %dma_wait3A = arith.constant 0 : i32
      %dma_wait3A_18 = tpu.memref_slice %arg11[%mul3A_12, %dma_wait3A] : memref<10240x16xf32, #tpu.memory_space<vmem_shared>> -> memref<640x16xf32, #tpu.memory_space<vmem_shared>>
      %dma_wait3A_19 = arith.constant 0 : i32
      %dma_wait3A_20 = tpu.memref_slice %arg11[%mul3A_12, %dma_wait3A_19] : memref<10240x16xf32, #tpu.memory_space<vmem_shared>> -> memref<640x16xf32, #tpu.memory_space<vmem_shared>>
      tpu.wait_dma2 semaphore(%run_scoped3A : memref<!tpu.dma_semaphore, #tpu.memory_space<semaphore_mem>>) src(%dma_wait3A_20 : memref<640x16xf32, #tpu.memory_space<vmem_shared>>) dst(%arg9 : memref<640x16xf32, #tpu.memory_space<vmem>>)
      tpu.yield
    }) : () -> ()
    %mul3A_13 = arith.constant 640 : i32
    %mul3A_14 = arith.muli %arg1, %mul3A_13 : i32
    "tpu.region"() ({
      %run_scoped3A = tpu.sem_alloc : memref<!tpu.dma_semaphore, #tpu.memory_space<semaphore_mem>>
      %dma_start3A = arith.constant 0 : i32
      %dma_start3A_15 = tpu.memref_slice %arg6[%arg0, %mul3A_14, %dma_start3A] : memref<2x10240x16xf32, #tpu.memory_space<hbm>> -> memref<1x640x16xf32, #tpu.memory_space<hbm>>
      %dma_start3A_16 = tpu.memref_squeeze %dma_start3A_15 : memref<1x640x16xf32, #tpu.memory_space<hbm>> -> memref<640x16xf32, #tpu.memory_space<hbm>>
      %dma_start3A_17 = arith.constant 0 : i32
      %dma_start3A_18 = tpu.memref_slice %arg6[%arg0, %mul3A_14, %dma_start3A_17] : memref<2x10240x16xf32, #tpu.memory_space<hbm>> -> memref<1x640x16xf32, #tpu.memory_space<hbm>>
      %dma_start3A_19 = tpu.memref_squeeze %dma_start3A_18 : memref<1x640x16xf32, #tpu.memory_space<hbm>> -> memref<640x16xf32, #tpu.memory_space<hbm>>
      tpu.enqueue_dma source(%arg9 : memref<640x16xf32, #tpu.memory_space<vmem>>) target(%dma_start3A_19 : memref<640x16xf32, #tpu.memory_space<hbm>>) target_semaphore(%run_scoped3A : memref<!tpu.dma_semaphore, #tpu.memory_space<semaphore_mem>>)
      %dma_wait3A = arith.constant 0 : i32
      %dma_wait3A_20 = tpu.memref_slice %arg6[%arg0, %mul3A_14, %dma_wait3A] : memref<2x10240x16xf32, #tpu.memory_space<hbm>> -> memref<1x640x16xf32, #tpu.memory_space<hbm>>
      %dma_wait3A_21 = tpu.memref_squeeze %dma_wait3A_20 : memref<1x640x16xf32, #tpu.memory_space<hbm>> -> memref<640x16xf32, #tpu.memory_space<hbm>>
      %dma_wait3A_22 = arith.constant 0 : i32
      %dma_wait3A_23 = tpu.memref_slice %arg6[%arg0, %mul3A_14, %dma_wait3A_22] : memref<2x10240x16xf32, #tpu.memory_space<hbm>> -> memref<1x640x16xf32, #tpu.memory_space<hbm>>
      %dma_wait3A_24 = tpu.memref_squeeze %dma_wait3A_23 : memref<1x640x16xf32, #tpu.memory_space<hbm>> -> memref<640x16xf32, #tpu.memory_space<hbm>>
      tpu.wait_dma2 semaphore(%run_scoped3A : memref<!tpu.dma_semaphore, #tpu.memory_space<semaphore_mem>>) src(%arg9 : memref<640x16xf32, #tpu.memory_space<vmem>>) dst(%dma_wait3A_24 : memref<640x16xf32, #tpu.memory_space<hbm>>)
      tpu.yield
    }) : () -> ()
    return
  }
}

#map = affine_map<(d0, d1) -> (0, 0)>
#map1 = affine_map<(d0, d1) -> (0, 0, 0)>
module attributes {stable_mosaic.version = 14 : i64} {
  func.func @_sc_edge(%arg0: i32, %arg1: i32, %arg2: memref<10000x16xf32, #tpu.memory_space<hbm>>, %arg3: memref<10000x16xf32, #tpu.memory_space<hbm>>, %arg4: memref<32x125x80xi32, #tpu.memory_space<hbm>>, %arg5: memref<32x125x80xi32, #tpu.memory_space<hbm>>, %arg6: memref<320000x16xf32, #tpu.memory_space<hbm>>, %arg7: memref<320000x16xf32, #tpu.memory_space<hbm>>, %arg8: memref<125x80xi32, #tpu.memory_space<vmem>>, %arg9: memref<125x80xi32, #tpu.memory_space<vmem>>, %arg10: memref<80x16xf32, #tpu.memory_space<vmem>>, %arg11: memref<80x16xf32, #tpu.memory_space<vmem>>, %arg12: memref<!tpu.dma_semaphore, #tpu.memory_space<semaphore_mem>>, %arg13: memref<!tpu.dma_semaphore, #tpu.memory_space<semaphore_mem>>) attributes {dimension_semantics = [#tpu.dimension_semantics<core_parallel>, #tpu.dimension_semantics<subcore_parallel>], iteration_bounds = array<i64: 2, 16>, scalar_prefetch = 0 : i64, scratch_operands = 6 : i64, tpu.core_type = #tpu.core_type<sc_vector_subcore>, window_params = [{transform_indices = #map}, {transform_indices = #map}, {transform_indices = #map1}, {transform_indices = #map1}, {transform_indices = #map}, {transform_indices = #map}]} {
    %mul3A = arith.constant 2 : i32
    %mul3A_0 = arith.muli %arg1, %mul3A : i32
    %add3A = arith.addi %mul3A_0, %arg0 : i32
    "tpu.region"() ({
      %run_scoped3A = tpu.sem_alloc : memref<!tpu.dma_semaphore, #tpu.memory_space<semaphore_mem>>
      %dma_start3A = arith.constant 0 : i32
      %dma_start3A_8 = arith.constant 0 : i32
      %dma_start3A_9 = tpu.memref_slice %arg4[%add3A, %dma_start3A, %dma_start3A_8] : memref<32x125x80xi32, #tpu.memory_space<hbm>> -> memref<1x125x80xi32, #tpu.memory_space<hbm>>
      %dma_start3A_10 = tpu.memref_squeeze %dma_start3A_9 : memref<1x125x80xi32, #tpu.memory_space<hbm>> -> memref<125x80xi32, #tpu.memory_space<hbm>>
      %dma_start3A_11 = arith.constant 0 : i32
      %dma_start3A_12 = arith.constant 0 : i32
      %dma_start3A_13 = tpu.memref_slice %arg4[%add3A, %dma_start3A_11, %dma_start3A_12] : memref<32x125x80xi32, #tpu.memory_space<hbm>> -> memref<1x125x80xi32, #tpu.memory_space<hbm>>
      %dma_start3A_14 = tpu.memref_squeeze %dma_start3A_13 : memref<1x125x80xi32, #tpu.memory_space<hbm>> -> memref<125x80xi32, #tpu.memory_space<hbm>>
      tpu.enqueue_dma source(%dma_start3A_14 : memref<125x80xi32, #tpu.memory_space<hbm>>) target(%arg8 : memref<125x80xi32, #tpu.memory_space<vmem>>) target_semaphore(%run_scoped3A : memref<!tpu.dma_semaphore, #tpu.memory_space<semaphore_mem>>)
      %dma_wait3A = arith.constant 0 : i32
      %dma_wait3A_15 = arith.constant 0 : i32
      %dma_wait3A_16 = tpu.memref_slice %arg4[%add3A, %dma_wait3A, %dma_wait3A_15] : memref<32x125x80xi32, #tpu.memory_space<hbm>> -> memref<1x125x80xi32, #tpu.memory_space<hbm>>
      %dma_wait3A_17 = tpu.memref_squeeze %dma_wait3A_16 : memref<1x125x80xi32, #tpu.memory_space<hbm>> -> memref<125x80xi32, #tpu.memory_space<hbm>>
      %dma_wait3A_18 = arith.constant 0 : i32
      %dma_wait3A_19 = arith.constant 0 : i32
      %dma_wait3A_20 = tpu.memref_slice %arg4[%add3A, %dma_wait3A_18, %dma_wait3A_19] : memref<32x125x80xi32, #tpu.memory_space<hbm>> -> memref<1x125x80xi32, #tpu.memory_space<hbm>>
      %dma_wait3A_21 = tpu.memref_squeeze %dma_wait3A_20 : memref<1x125x80xi32, #tpu.memory_space<hbm>> -> memref<125x80xi32, #tpu.memory_space<hbm>>
      tpu.wait_dma2 semaphore(%run_scoped3A : memref<!tpu.dma_semaphore, #tpu.memory_space<semaphore_mem>>) src(%dma_wait3A_21 : memref<125x80xi32, #tpu.memory_space<hbm>>) dst(%arg8 : memref<125x80xi32, #tpu.memory_space<vmem>>)
      tpu.yield
    }) : () -> ()
    "tpu.region"() ({
      %run_scoped3A = tpu.sem_alloc : memref<!tpu.dma_semaphore, #tpu.memory_space<semaphore_mem>>
      %dma_start3A = arith.constant 0 : i32
      %dma_start3A_8 = arith.constant 0 : i32
      %dma_start3A_9 = tpu.memref_slice %arg5[%add3A, %dma_start3A, %dma_start3A_8] : memref<32x125x80xi32, #tpu.memory_space<hbm>> -> memref<1x125x80xi32, #tpu.memory_space<hbm>>
      %dma_start3A_10 = tpu.memref_squeeze %dma_start3A_9 : memref<1x125x80xi32, #tpu.memory_space<hbm>> -> memref<125x80xi32, #tpu.memory_space<hbm>>
      %dma_start3A_11 = arith.constant 0 : i32
      %dma_start3A_12 = arith.constant 0 : i32
      %dma_start3A_13 = tpu.memref_slice %arg5[%add3A, %dma_start3A_11, %dma_start3A_12] : memref<32x125x80xi32, #tpu.memory_space<hbm>> -> memref<1x125x80xi32, #tpu.memory_space<hbm>>
      %dma_start3A_14 = tpu.memref_squeeze %dma_start3A_13 : memref<1x125x80xi32, #tpu.memory_space<hbm>> -> memref<125x80xi32, #tpu.memory_space<hbm>>
      tpu.enqueue_dma source(%dma_start3A_14 : memref<125x80xi32, #tpu.memory_space<hbm>>) target(%arg9 : memref<125x80xi32, #tpu.memory_space<vmem>>) target_semaphore(%run_scoped3A : memref<!tpu.dma_semaphore, #tpu.memory_space<semaphore_mem>>)
      %dma_wait3A = arith.constant 0 : i32
      %dma_wait3A_15 = arith.constant 0 : i32
      %dma_wait3A_16 = tpu.memref_slice %arg5[%add3A, %dma_wait3A, %dma_wait3A_15] : memref<32x125x80xi32, #tpu.memory_space<hbm>> -> memref<1x125x80xi32, #tpu.memory_space<hbm>>
      %dma_wait3A_17 = tpu.memref_squeeze %dma_wait3A_16 : memref<1x125x80xi32, #tpu.memory_space<hbm>> -> memref<125x80xi32, #tpu.memory_space<hbm>>
      %dma_wait3A_18 = arith.constant 0 : i32
      %dma_wait3A_19 = arith.constant 0 : i32
      %dma_wait3A_20 = tpu.memref_slice %arg5[%add3A, %dma_wait3A_18, %dma_wait3A_19] : memref<32x125x80xi32, #tpu.memory_space<hbm>> -> memref<1x125x80xi32, #tpu.memory_space<hbm>>
      %dma_wait3A_21 = tpu.memref_squeeze %dma_wait3A_20 : memref<1x125x80xi32, #tpu.memory_space<hbm>> -> memref<125x80xi32, #tpu.memory_space<hbm>>
      tpu.wait_dma2 semaphore(%run_scoped3A : memref<!tpu.dma_semaphore, #tpu.memory_space<semaphore_mem>>) src(%dma_wait3A_21 : memref<125x80xi32, #tpu.memory_space<hbm>>) dst(%arg9 : memref<125x80xi32, #tpu.memory_space<vmem>>)
      tpu.yield
    }) : () -> ()
    %mul3A_1 = arith.constant 10000 : i32
    %mul3A_2 = arith.muli %add3A, %mul3A_1 : i32
    %scan3A = arith.constant 0 : i32
    %scan3A_3 = arith.constant 0 : i32
    %scan3A_4 = arith.constant 125 : i32
    %scan3A_5 = arith.addi %scan3A_3, %scan3A_4 : i32
    %scan3A_6 = arith.constant 1 : i32
    scf.for %scan3A_8 = %scan3A_3 to %scan3A_5 step %scan3A_6  : i32 {
      %dma_start3A = arith.constant 0 : i32
      %dma_start3A_9 = tpu.memref_slice %arg8[%scan3A_8, %dma_start3A] : memref<125x80xi32, #tpu.memory_space<vmem>> -> memref<1x80xi32, #tpu.memory_space<vmem>>
      %dma_start3A_10 = tpu.memref_squeeze %dma_start3A_9 : memref<1x80xi32, #tpu.memory_space<vmem>> -> memref<80xi32, #tpu.memory_space<vmem>>
      %dma_start3A_11 = arith.constant 0 : i32
      %dma_start3A_12 = arith.constant 0 : i32
      %dma_start3A_13 = tpu.memref_slice %arg2[%dma_start3A_11, %dma_start3A_12] : memref<10000x16xf32, #tpu.memory_space<hbm>> -> memref<10000x16xf32, #tpu.memory_space<hbm>>
      tpu.enqueue_indirect_dma source(%dma_start3A_13 : memref<10000x16xf32, #tpu.memory_space<hbm>>) target(%arg10 : memref<80x16xf32, #tpu.memory_space<vmem>>) offsets(%dma_start3A_10 : memref<80xi32, #tpu.memory_space<vmem>>) semaphore(%arg12 : memref<!tpu.dma_semaphore, #tpu.memory_space<semaphore_mem>>)
      %dma_start3A_14 = arith.constant 0 : i32
      %dma_start3A_15 = tpu.memref_slice %arg9[%scan3A_8, %dma_start3A_14] : memref<125x80xi32, #tpu.memory_space<vmem>> -> memref<1x80xi32, #tpu.memory_space<vmem>>
      %dma_start3A_16 = tpu.memref_squeeze %dma_start3A_15 : memref<1x80xi32, #tpu.memory_space<vmem>> -> memref<80xi32, #tpu.memory_space<vmem>>
      %dma_start3A_17 = arith.constant 0 : i32
      %dma_start3A_18 = arith.constant 0 : i32
      %dma_start3A_19 = tpu.memref_slice %arg3[%dma_start3A_17, %dma_start3A_18] : memref<10000x16xf32, #tpu.memory_space<hbm>> -> memref<10000x16xf32, #tpu.memory_space<hbm>>
      tpu.enqueue_indirect_dma source(%dma_start3A_19 : memref<10000x16xf32, #tpu.memory_space<hbm>>) target(%arg11 : memref<80x16xf32, #tpu.memory_space<vmem>>) offsets(%dma_start3A_16 : memref<80xi32, #tpu.memory_space<vmem>>) semaphore(%arg13 : memref<!tpu.dma_semaphore, #tpu.memory_space<semaphore_mem>>)
      %dma_wait3A = arith.constant 0 : i32
      %dma_wait3A_20 = tpu.memref_slice %arg8[%scan3A_8, %dma_wait3A] : memref<125x80xi32, #tpu.memory_space<vmem>> -> memref<1x80xi32, #tpu.memory_space<vmem>>
      %dma_wait3A_21 = tpu.memref_squeeze %dma_wait3A_20 : memref<1x80xi32, #tpu.memory_space<vmem>> -> memref<80xi32, #tpu.memory_space<vmem>>
      %dma_wait3A_22 = arith.constant 0 : i32
      %dma_wait3A_23 = arith.constant 0 : i32
      %dma_wait3A_24 = tpu.memref_slice %arg2[%dma_wait3A_22, %dma_wait3A_23] : memref<10000x16xf32, #tpu.memory_space<hbm>> -> memref<10000x16xf32, #tpu.memory_space<hbm>>
      tpu.wait_indirect_dma semaphore(%arg12 : memref<!tpu.dma_semaphore, #tpu.memory_space<semaphore_mem>>) src(%dma_wait3A_24 : memref<10000x16xf32, #tpu.memory_space<hbm>>) dst(%arg10 : memref<80x16xf32, #tpu.memory_space<vmem>>)
      %dma_wait3A_25 = arith.constant 0 : i32
      %dma_wait3A_26 = tpu.memref_slice %arg9[%scan3A_8, %dma_wait3A_25] : memref<125x80xi32, #tpu.memory_space<vmem>> -> memref<1x80xi32, #tpu.memory_space<vmem>>
      %dma_wait3A_27 = tpu.memref_squeeze %dma_wait3A_26 : memref<1x80xi32, #tpu.memory_space<vmem>> -> memref<80xi32, #tpu.memory_space<vmem>>
      %dma_wait3A_28 = arith.constant 0 : i32
      %dma_wait3A_29 = arith.constant 0 : i32
      %dma_wait3A_30 = tpu.memref_slice %arg3[%dma_wait3A_28, %dma_wait3A_29] : memref<10000x16xf32, #tpu.memory_space<hbm>> -> memref<10000x16xf32, #tpu.memory_space<hbm>>
      tpu.wait_indirect_dma semaphore(%arg13 : memref<!tpu.dma_semaphore, #tpu.memory_space<semaphore_mem>>) src(%dma_wait3A_30 : memref<10000x16xf32, #tpu.memory_space<hbm>>) dst(%arg11 : memref<80x16xf32, #tpu.memory_space<vmem>>)
      %mul3A_31 = arith.constant 80 : i32
      %mul3A_32 = arith.muli %scan3A_8, %mul3A_31 : i32
      %add3A_33 = arith.addi %mul3A_2, %mul3A_32 : i32
      "tpu.region"() ({
        %run_scoped3A = tpu.sem_alloc : memref<!tpu.dma_semaphore, #tpu.memory_space<semaphore_mem>>
        %dma_start3A_37 = arith.constant 0 : i32
        %dma_start3A_38 = tpu.memref_slice %arg6[%add3A_33, %dma_start3A_37] : memref<320000x16xf32, #tpu.memory_space<hbm>> -> memref<80x16xf32, #tpu.memory_space<hbm>>
        %dma_start3A_39 = arith.constant 0 : i32
        %dma_start3A_40 = tpu.memref_slice %arg6[%add3A_33, %dma_start3A_39] : memref<320000x16xf32, #tpu.memory_space<hbm>> -> memref<80x16xf32, #tpu.memory_space<hbm>>
        tpu.enqueue_dma source(%arg10 : memref<80x16xf32, #tpu.memory_space<vmem>>) target(%dma_start3A_40 : memref<80x16xf32, #tpu.memory_space<hbm>>) target_semaphore(%run_scoped3A : memref<!tpu.dma_semaphore, #tpu.memory_space<semaphore_mem>>)
        %dma_wait3A_41 = arith.constant 0 : i32
        %dma_wait3A_42 = tpu.memref_slice %arg6[%add3A_33, %dma_wait3A_41] : memref<320000x16xf32, #tpu.memory_space<hbm>> -> memref<80x16xf32, #tpu.memory_space<hbm>>
        %dma_wait3A_43 = arith.constant 0 : i32
        %dma_wait3A_44 = tpu.memref_slice %arg6[%add3A_33, %dma_wait3A_43] : memref<320000x16xf32, #tpu.memory_space<hbm>> -> memref<80x16xf32, #tpu.memory_space<hbm>>
        tpu.wait_dma2 semaphore(%run_scoped3A : memref<!tpu.dma_semaphore, #tpu.memory_space<semaphore_mem>>) src(%arg10 : memref<80x16xf32, #tpu.memory_space<vmem>>) dst(%dma_wait3A_44 : memref<80x16xf32, #tpu.memory_space<hbm>>)
        tpu.yield
      }) : () -> ()
      %mul3A_34 = arith.constant 80 : i32
      %mul3A_35 = arith.muli %scan3A_8, %mul3A_34 : i32
      %add3A_36 = arith.addi %mul3A_2, %mul3A_35 : i32
      "tpu.region"() ({
        %run_scoped3A = tpu.sem_alloc : memref<!tpu.dma_semaphore, #tpu.memory_space<semaphore_mem>>
        %dma_start3A_37 = arith.constant 0 : i32
        %dma_start3A_38 = tpu.memref_slice %arg7[%add3A_36, %dma_start3A_37] : memref<320000x16xf32, #tpu.memory_space<hbm>> -> memref<80x16xf32, #tpu.memory_space<hbm>>
        %dma_start3A_39 = arith.constant 0 : i32
        %dma_start3A_40 = tpu.memref_slice %arg7[%add3A_36, %dma_start3A_39] : memref<320000x16xf32, #tpu.memory_space<hbm>> -> memref<80x16xf32, #tpu.memory_space<hbm>>
        tpu.enqueue_dma source(%arg11 : memref<80x16xf32, #tpu.memory_space<vmem>>) target(%dma_start3A_40 : memref<80x16xf32, #tpu.memory_space<hbm>>) target_semaphore(%run_scoped3A : memref<!tpu.dma_semaphore, #tpu.memory_space<semaphore_mem>>)
        %dma_wait3A_41 = arith.constant 0 : i32
        %dma_wait3A_42 = tpu.memref_slice %arg7[%add3A_36, %dma_wait3A_41] : memref<320000x16xf32, #tpu.memory_space<hbm>> -> memref<80x16xf32, #tpu.memory_space<hbm>>
        %dma_wait3A_43 = arith.constant 0 : i32
        %dma_wait3A_44 = tpu.memref_slice %arg7[%add3A_36, %dma_wait3A_43] : memref<320000x16xf32, #tpu.memory_space<hbm>> -> memref<80x16xf32, #tpu.memory_space<hbm>>
        tpu.wait_dma2 semaphore(%run_scoped3A : memref<!tpu.dma_semaphore, #tpu.memory_space<semaphore_mem>>) src(%arg11 : memref<80x16xf32, #tpu.memory_space<vmem>>) dst(%dma_wait3A_44 : memref<80x16xf32, #tpu.memory_space<hbm>>)
        tpu.yield
      }) : () -> ()
    }
    %scan3A_7 = arith.constant 125 : i32
    return
  }
}

module attributes {stable_mosaic.version = 14 : i64} {
  func.func @_tc1_body(%arg0: i32, %arg1: memref<1000x128xf32, #tpu.memory_space<vmem>>, %arg2: memref<128x64xf32, #tpu.memory_space<vmem>>, %arg3: memref<2x1000x16xf32, #tpu.memory_space<vmem>>, %arg4: memref<4x1000x16xf32, #tpu.memory_space<vmem>>, %arg5: memref<1000x16xf32, #tpu.memory_space<vmem>>, %arg6: memref<1000x1xf32, #tpu.memory_space<vmem>>) attributes {dimension_semantics = [#tpu.dimension_semantics<arbitrary>], iteration_bounds = array<i64: 10>, scalar_prefetch = 0 : i64, scratch_operands = 0 : i64, tpu.core_type = #tpu.core_type<tc>, window_params = [{transform_indices = @transform_0, window_bounds = array<i64: 1000, 128>}, {pipeline_mode = #tpu.pipeline_mode<synchronous>, transform_indices = @transform_1, window_bounds = array<i64: 128, 64>}, {transform_indices = @transform_2, window_bounds = array<i64: 2, 1000, 16>}, {transform_indices = @transform_3, window_bounds = array<i64: 4, 1000, 16>}, {transform_indices = @transform_4, window_bounds = array<i64: 1000, 16>}, {transform_indices = @transform_5, window_bounds = array<i64: 1000, 1>}]} {
    %get3A = arith.constant 0 : index
    %get3A_0 = arith.constant 0 : index
    %get3A_1 = vector.load %arg1[%get3A, %get3A_0] : memref<1000x128xf32, #tpu.memory_space<vmem>>, vector<1000x128xf32>
    %get3A_2 = arith.constant 0 : index
    %get3A_3 = arith.constant 0 : index
    %get3A_4 = vector.load %arg2[%get3A_2, %get3A_3] : memref<128x64xf32, #tpu.memory_space<vmem>>, vector<128x64xf32>
    %dot_general3A = arith.constant dense<0.000000e+00> : vector<1000x64xf32>
    %dot_general3A_5 = tpu.matmul %get3A_1, %get3A_4, %dot_general3A {dimension_numbers = #tpu.dot_dimension_numbers<[1], [0], [0], [1], [0, 0, 1, 1], [], []>, transpose_lhs_hint = false} : vector<1000x128xf32>, vector<128x64xf32>, vector<1000x64xf32> -> vector<1000x64xf32>
    %get3A_6 = arith.constant 0 : index
    %get3A_7 = arith.constant 0 : index
    %get3A_8 = arith.constant 0 : index
    %get3A_9 = vector.load %arg3[%get3A_6, %get3A_7, %get3A_8] : memref<2x1000x16xf32, #tpu.memory_space<vmem>>, vector<1x1000x1xf32>
    %get3A_10 = vector.shape_cast %get3A_9 : vector<1x1000x1xf32> to vector<1000x1xf32>
    %get3A_11 = arith.constant 1 : index
    %get3A_12 = arith.constant 0 : index
    %get3A_13 = arith.constant 0 : index
    %get3A_14 = vector.load %arg3[%get3A_11, %get3A_12, %get3A_13] : memref<2x1000x16xf32, #tpu.memory_space<vmem>>, vector<1x1000x1xf32>
    %get3A_15 = vector.shape_cast %get3A_14 : vector<1x1000x1xf32> to vector<1000x1xf32>
    %add3A = arith.addf %get3A_10, %get3A_15 : vector<1000x1xf32>
    %gt3A = arith.constant 0.000000e+00 : f32
    %gt3A_16 = vector.broadcast %gt3A : f32 to vector<1000x1xf32>
    %gt3A_17 = arith.cmpf ogt, %add3A, %gt3A_16 : vector<1000x1xf32>
    %gt3A_18 = arith.constant 0.000000e+00 : f32
    %gt3A_19 = vector.broadcast %gt3A_18 : f32 to vector<1000x1xf32>
    %gt3A_20 = arith.cmpf ogt, %add3A, %gt3A_19 : vector<1000x1xf32>
    %jit3A = arith.constant 1.000000e+00 : f32
    %broadcast_in_dim3A = vector.broadcast %jit3A : f32 to vector<1000x1xf32>
    %select_n3A = arith.select %gt3A_20, %add3A, %broadcast_in_dim3A : vector<1000x1xi1>, vector<1000x1xf32>
    %rsqrt3A = math.rsqrt %select_n3A : vector<1000x1xf32>
    %jit3A_21 = arith.constant 0.000000e+00 : f32
    %broadcast_in_dim3A_22 = vector.broadcast %jit3A_21 : f32 to vector<1000x1xf32>
    %select_n3A_23 = arith.select %gt3A_17, %rsqrt3A, %broadcast_in_dim3A_22 : vector<1000x1xi1>, vector<1000x1xf32>
    %slice3A = vector.extract_strided_slice %dot_general3A_5 {offsets = [0, 0], sizes = [1000, 16], strides = [1, 1]} : vector<1000x64xf32> to vector<1000x16xf32>
    %swap3A = arith.constant 0 : index
    %swap3A_24 = arith.constant 0 : index
    %swap3A_25 = arith.constant 0 : index
    %swap3A_26 = vector.load %arg4[%swap3A, %swap3A_24, %swap3A_25] : memref<4x1000x16xf32, #tpu.memory_space<vmem>>, vector<1x1000x16xf32>
    %swap3A_27 = vector.shape_cast %swap3A_26 : vector<1x1000x16xf32> to vector<1000x16xf32>
    %swap3A_28 = vector.shape_cast %slice3A : vector<1000x16xf32> to vector<1x1000x16xf32>
    tpu.vector_store %arg4[%swap3A, %swap3A_24, %swap3A_25], %swap3A_28 {strides = array<i32>} : memref<4x1000x16xf32, #tpu.memory_space<vmem>>, vector<1x1000x16xf32>,
    %slice3A_29 = vector.extract_strided_slice %dot_general3A_5 {offsets = [0, 16], sizes = [1000, 16], strides = [1, 1]} : vector<1000x64xf32> to vector<1000x16xf32>
    %swap3A_30 = arith.constant 1 : index
    %swap3A_31 = arith.constant 0 : index
    %swap3A_32 = arith.constant 0 : index
    %swap3A_33 = vector.load %arg4[%swap3A_30, %swap3A_31, %swap3A_32] : memref<4x1000x16xf32, #tpu.memory_space<vmem>>, vector<1x1000x16xf32>
    %swap3A_34 = vector.shape_cast %swap3A_33 : vector<1x1000x16xf32> to vector<1000x16xf32>
    %swap3A_35 = vector.shape_cast %slice3A_29 : vector<1000x16xf32> to vector<1x1000x16xf32>
    tpu.vector_store %arg4[%swap3A_30, %swap3A_31, %swap3A_32], %swap3A_35 {strides = array<i32>} : memref<4x1000x16xf32, #tpu.memory_space<vmem>>, vector<1x1000x16xf32>,
    %slice3A_36 = vector.extract_strided_slice %dot_general3A_5 {offsets = [0, 32], sizes = [1000, 16], strides = [1, 1]} : vector<1000x64xf32> to vector<1000x16xf32>
    %swap3A_37 = arith.constant 2 : index
    %swap3A_38 = arith.constant 0 : index
    %swap3A_39 = arith.constant 0 : index
    %swap3A_40 = vector.load %arg4[%swap3A_37, %swap3A_38, %swap3A_39] : memref<4x1000x16xf32, #tpu.memory_space<vmem>>, vector<1x1000x16xf32>
    %swap3A_41 = vector.shape_cast %swap3A_40 : vector<1x1000x16xf32> to vector<1000x16xf32>
    %swap3A_42 = vector.shape_cast %slice3A_36 : vector<1000x16xf32> to vector<1x1000x16xf32>
    tpu.vector_store %arg4[%swap3A_37, %swap3A_38, %swap3A_39], %swap3A_42 {strides = array<i32>} : memref<4x1000x16xf32, #tpu.memory_space<vmem>>, vector<1x1000x16xf32>,
    %slice3A_43 = vector.extract_strided_slice %dot_general3A_5 {offsets = [0, 48], sizes = [1000, 16], strides = [1, 1]} : vector<1000x64xf32> to vector<1000x16xf32>
    %swap3A_44 = arith.constant 3 : index
    %swap3A_45 = arith.constant 0 : index
    %swap3A_46 = arith.constant 0 : index
    %swap3A_47 = vector.load %arg4[%swap3A_44, %swap3A_45, %swap3A_46] : memref<4x1000x16xf32, #tpu.memory_space<vmem>>, vector<1x1000x16xf32>
    %swap3A_48 = vector.shape_cast %swap3A_47 : vector<1x1000x16xf32> to vector<1000x16xf32>
    %swap3A_49 = vector.shape_cast %slice3A_43 : vector<1000x16xf32> to vector<1x1000x16xf32>
    tpu.vector_store %arg4[%swap3A_44, %swap3A_45, %swap3A_46], %swap3A_49 {strides = array<i32>} : memref<4x1000x16xf32, #tpu.memory_space<vmem>>, vector<1x1000x16xf32>,
    %slice3A_50 = vector.extract_strided_slice %dot_general3A_5 {offsets = [0, 48], sizes = [1000, 16], strides = [1, 1]} : vector<1000x64xf32> to vector<1000x16xf32>
    %mul3A = vector.broadcast %select_n3A_23 : vector<1000x1xf32> to vector<1000x16xf32>
    %mul3A_51 = arith.mulf %mul3A, %slice3A_50 : vector<1000x16xf32>
    %swap3A_52 = arith.constant 0 : index
    %swap3A_53 = arith.constant 0 : index
    %swap3A_54 = vector.load %arg5[%swap3A_52, %swap3A_53] : memref<1000x16xf32, #tpu.memory_space<vmem>>, vector<1000x16xf32>
    tpu.vector_store %arg5[%swap3A_52, %swap3A_53], %mul3A_51 {strides = array<i32>} : memref<1000x16xf32, #tpu.memory_space<vmem>>, vector<1000x16xf32>,
    %swap3A_55 = arith.constant 0 : index
    %swap3A_56 = arith.constant 0 : index
    %swap3A_57 = vector.load %arg6[%swap3A_55, %swap3A_56] : memref<1000x1xf32, #tpu.memory_space<vmem>>, vector<1000x1xf32>
    tpu.vector_store %arg6[%swap3A_55, %swap3A_56], %select_n3A_23 {strides = array<i32>} : memref<1000x1xf32, #tpu.memory_space<vmem>>, vector<1000x1xf32>,
    return
  }
  func.func @transform_0(%arg0: i32) -> (i32, i32) {
    %c0_i32 = arith.constant 0 : i32
    %c0_i32_0 = arith.constant 0 : i32
    return %arg0, %c0_i32 : i32, i32
  }
  func.func @transform_1(%arg0: i32) -> (i32, i32) {
    %c0_i32 = arith.constant 0 : i32
    %c0_i32_0 = arith.constant 0 : i32
    %c0_i32_1 = arith.constant 0 : i32
    return %c0_i32, %c0_i32_0 : i32, i32
  }
  func.func @transform_2(%arg0: i32) -> (i32, i32, i32) {
    %c0_i32 = arith.constant 0 : i32
    %c0_i32_0 = arith.constant 0 : i32
    %c0_i32_1 = arith.constant 0 : i32
    return %c0_i32, %arg0, %c0_i32_0 : i32, i32, i32
  }
  func.func @transform_3(%arg0: i32) -> (i32, i32, i32) {
    %c0_i32 = arith.constant 0 : i32
    %c0_i32_0 = arith.constant 0 : i32
    %c0_i32_1 = arith.constant 0 : i32
    return %c0_i32, %arg0, %c0_i32_0 : i32, i32, i32
  }
  func.func @transform_4(%arg0: i32) -> (i32, i32) {
    %c0_i32 = arith.constant 0 : i32
    %c0_i32_0 = arith.constant 0 : i32
    return %arg0, %c0_i32 : i32, i32
  }
  func.func @transform_5(%arg0: i32) -> (i32, i32) {
    %c0_i32 = arith.constant 0 : i32
    %c0_i32_0 = arith.constant 0 : i32
    return %arg0, %c0_i32 : i32, i32
  }
}

module attributes {stable_mosaic.version = 14 : i64} {
  func.func @_comb_body(%arg0: i32, %arg1: memref<2x1000x16xf32, #tpu.memory_space<vmem>>, %arg2: memref<1x1000x16xf32, #tpu.memory_space<vmem>>, %arg3: memref<1000x1xf32, #tpu.memory_space<vmem>>, %arg4: memref<1000x16xf32, #tpu.memory_space<vmem>>) attributes {dimension_semantics = [#tpu.dimension_semantics<arbitrary>], iteration_bounds = array<i64: 10>, scalar_prefetch = 0 : i64, scratch_operands = 0 : i64, tpu.core_type = #tpu.core_type<tc>, window_params = [{transform_indices = @transform_0, window_bounds = array<i64: 2, 1000, 16>}, {transform_indices = @transform_1, window_bounds = array<i64: 1, 1000, 16>}, {transform_indices = @transform_2, window_bounds = array<i64: 1000, 1>}, {transform_indices = @transform_3, window_bounds = array<i64: 1000, 16>}]} {
    %get3A = arith.constant 0 : index
    %get3A_0 = arith.constant 0 : index
    %get3A_1 = vector.load %arg3[%get3A, %get3A_0] : memref<1000x1xf32, #tpu.memory_space<vmem>>, vector<1000x1xf32>
    %get3A_2 = arith.constant 0 : index
    %get3A_3 = arith.constant 0 : index
    %get3A_4 = arith.constant 0 : index
    %get3A_5 = vector.load %arg2[%get3A_2, %get3A_3, %get3A_4] : memref<1x1000x16xf32, #tpu.memory_space<vmem>>, vector<1x1000x16xf32>
    %get3A_6 = vector.shape_cast %get3A_5 : vector<1x1000x16xf32> to vector<1000x16xf32>
    %get3A_7 = arith.constant 0 : index
    %get3A_8 = arith.constant 0 : index
    %get3A_9 = arith.constant 0 : index
    %get3A_10 = vector.load %arg1[%get3A_7, %get3A_8, %get3A_9] : memref<2x1000x16xf32, #tpu.memory_space<vmem>>, vector<1x1000x16xf32>
    %get3A_11 = vector.shape_cast %get3A_10 : vector<1x1000x16xf32> to vector<1000x16xf32>
    %get3A_12 = arith.constant 1 : index
    %get3A_13 = arith.constant 0 : index
    %get3A_14 = arith.constant 0 : index
    %get3A_15 = vector.load %arg1[%get3A_12, %get3A_13, %get3A_14] : memref<2x1000x16xf32, #tpu.memory_space<vmem>>, vector<1x1000x16xf32>
    %get3A_16 = vector.shape_cast %get3A_15 : vector<1x1000x16xf32> to vector<1000x16xf32>
    %add3A = arith.addf %get3A_11, %get3A_16 : vector<1000x16xf32>
    %mul3A = vector.broadcast %get3A_1 : vector<1000x1xf32> to vector<1000x16xf32>
    %mul3A_17 = arith.mulf %mul3A, %add3A : vector<1000x16xf32>
    %add3A_18 = arith.addf %get3A_6, %mul3A_17 : vector<1000x16xf32>
    %mul3A_19 = vector.broadcast %get3A_1 : vector<1000x1xf32> to vector<1000x16xf32>
    %mul3A_20 = arith.mulf %mul3A_19, %add3A_18 : vector<1000x16xf32>
    %swap3A = arith.constant 0 : index
    %swap3A_21 = arith.constant 0 : index
    %swap3A_22 = vector.load %arg4[%swap3A, %swap3A_21] : memref<1000x16xf32, #tpu.memory_space<vmem>>, vector<1000x16xf32>
    tpu.vector_store %arg4[%swap3A, %swap3A_21], %mul3A_20 {strides = array<i32>} : memref<1000x16xf32, #tpu.memory_space<vmem>>, vector<1000x16xf32>,
    return
  }
  func.func @transform_0(%arg0: i32) -> (i32, i32, i32) {
    %c0_i32 = arith.constant 0 : i32
    %c0_i32_0 = arith.constant 0 : i32
    %c0_i32_1 = arith.constant 0 : i32
    return %c0_i32, %arg0, %c0_i32_0 : i32, i32, i32
  }
  func.func @transform_1(%arg0: i32) -> (i32, i32, i32) {
    %c2_i32 = arith.constant 2 : i32
    %c0_i32 = arith.constant 0 : i32
    %c0_i32_0 = arith.constant 0 : i32
    return %c2_i32, %arg0, %c0_i32 : i32, i32, i32
  }
  func.func @transform_2(%arg0: i32) -> (i32, i32) {
    %c0_i32 = arith.constant 0 : i32
    %c0_i32_0 = arith.constant 0 : i32
    return %arg0, %c0_i32 : i32, i32
  }
  func.func @transform_3(%arg0: i32) -> (i32, i32) {
    %c0_i32 = arith.constant 0 : i32
    %c0_i32_0 = arith.constant 0 : i32
    return %arg0, %c0_i32 : i32, i32
  }
}

module attributes {stable_mosaic.version = 14 : i64} {
  func.func @_comb_body(%arg0: i32, %arg1: memref<2x1000x16xf32, #tpu.memory_space<vmem>>, %arg2: memref<1x1000x16xf32, #tpu.memory_space<vmem>>, %arg3: memref<1000x1xf32, #tpu.memory_space<vmem>>, %arg4: memref<1000x16xf32, #tpu.memory_space<vmem>>) attributes {dimension_semantics = [#tpu.dimension_semantics<arbitrary>], iteration_bounds = array<i64: 10>, scalar_prefetch = 0 : i64, scratch_operands = 0 : i64, tpu.core_type = #tpu.core_type<tc>, window_params = [{transform_indices = @transform_0, window_bounds = array<i64: 2, 1000, 16>}, {transform_indices = @transform_1, window_bounds = array<i64: 1, 1000, 16>}, {transform_indices = @transform_2, window_bounds = array<i64: 1000, 1>}, {transform_indices = @transform_3, window_bounds = array<i64: 1000, 16>}]} {
    %get3A = arith.constant 0 : index
    %get3A_0 = arith.constant 0 : index
    %get3A_1 = vector.load %arg3[%get3A, %get3A_0] : memref<1000x1xf32, #tpu.memory_space<vmem>>, vector<1000x1xf32>
    %get3A_2 = arith.constant 0 : index
    %get3A_3 = arith.constant 0 : index
    %get3A_4 = arith.constant 0 : index
    %get3A_5 = vector.load %arg2[%get3A_2, %get3A_3, %get3A_4] : memref<1x1000x16xf32, #tpu.memory_space<vmem>>, vector<1x1000x16xf32>
    %get3A_6 = vector.shape_cast %get3A_5 : vector<1x1000x16xf32> to vector<1000x16xf32>
    %get3A_7 = arith.constant 0 : index
    %get3A_8 = arith.constant 0 : index
    %get3A_9 = arith.constant 0 : index
    %get3A_10 = vector.load %arg1[%get3A_7, %get3A_8, %get3A_9] : memref<2x1000x16xf32, #tpu.memory_space<vmem>>, vector<1x1000x16xf32>
    %get3A_11 = vector.shape_cast %get3A_10 : vector<1x1000x16xf32> to vector<1000x16xf32>
    %get3A_12 = arith.constant 1 : index
    %get3A_13 = arith.constant 0 : index
    %get3A_14 = arith.constant 0 : index
    %get3A_15 = vector.load %arg1[%get3A_12, %get3A_13, %get3A_14] : memref<2x1000x16xf32, #tpu.memory_space<vmem>>, vector<1x1000x16xf32>
    %get3A_16 = vector.shape_cast %get3A_15 : vector<1x1000x16xf32> to vector<1000x16xf32>
    %add3A = arith.addf %get3A_11, %get3A_16 : vector<1000x16xf32>
    %mul3A = vector.broadcast %get3A_1 : vector<1000x1xf32> to vector<1000x16xf32>
    %mul3A_17 = arith.mulf %mul3A, %add3A : vector<1000x16xf32>
    %add3A_18 = arith.addf %get3A_6, %mul3A_17 : vector<1000x16xf32>
    %mul3A_19 = vector.broadcast %get3A_1 : vector<1000x1xf32> to vector<1000x16xf32>
    %mul3A_20 = arith.mulf %mul3A_19, %add3A_18 : vector<1000x16xf32>
    %swap3A = arith.constant 0 : index
    %swap3A_21 = arith.constant 0 : index
    %swap3A_22 = vector.load %arg4[%swap3A, %swap3A_21] : memref<1000x16xf32, #tpu.memory_space<vmem>>, vector<1000x16xf32>
    tpu.vector_store %arg4[%swap3A, %swap3A_21], %mul3A_20 {strides = array<i32>} : memref<1000x16xf32, #tpu.memory_space<vmem>>, vector<1000x16xf32>,
    return
  }
  func.func @transform_0(%arg0: i32) -> (i32, i32, i32) {
    %c0_i32 = arith.constant 0 : i32
    %c0_i32_0 = arith.constant 0 : i32
    %c0_i32_1 = arith.constant 0 : i32
    return %c0_i32, %arg0, %c0_i32_0 : i32, i32, i32
  }
  func.func @transform_1(%arg0: i32) -> (i32, i32, i32) {
    %c1_i32 = arith.constant 1 : i32
    %c0_i32 = arith.constant 0 : i32
    %c0_i32_0 = arith.constant 0 : i32
    return %c1_i32, %arg0, %c0_i32 : i32, i32, i32
  }
  func.func @transform_2(%arg0: i32) -> (i32, i32) {
    %c0_i32 = arith.constant 0 : i32
    %c0_i32_0 = arith.constant 0 : i32
    return %arg0, %c0_i32 : i32, i32
  }
  func.func @transform_3(%arg0: i32) -> (i32, i32) {
    %c0_i32 = arith.constant 0 : i32
    %c0_i32_0 = arith.constant 0 : i32
    return %arg0, %c0_i32 : i32, i32
  }
}

module attributes {stable_mosaic.version = 14 : i64} {
  func.func @_fin1_body(%arg0: i32, %arg1: memref<2x1000x16xf32, #tpu.memory_space<vmem>>, %arg2: memref<1x1000x16xf32, #tpu.memory_space<vmem>>, %arg3: memref<1000x1xf32, #tpu.memory_space<vmem>>, %arg4: memref<8x16xf32, #tpu.memory_space<vmem>>, %arg5: memref<16x64xf32, #tpu.memory_space<vmem>>, %arg6: memref<4x1000x16xf32, #tpu.memory_space<vmem>>, %arg7: memref<1000x16xf32, #tpu.memory_space<vmem>>) attributes {dimension_semantics = [#tpu.dimension_semantics<arbitrary>], iteration_bounds = array<i64: 10>, scalar_prefetch = 0 : i64, scratch_operands = 0 : i64, tpu.core_type = #tpu.core_type<tc>, window_params = [{transform_indices = @transform_0, window_bounds = array<i64: 2, 1000, 16>}, {transform_indices = @transform_1, window_bounds = array<i64: 1, 1000, 16>}, {transform_indices = @transform_2, window_bounds = array<i64: 1000, 1>}, {pipeline_mode = #tpu.pipeline_mode<synchronous>, transform_indices = @transform_3, window_bounds = array<i64: 8, 16>}, {pipeline_mode = #tpu.pipeline_mode<synchronous>, transform_indices = @transform_4, window_bounds = array<i64: 16, 64>}, {transform_indices = @transform_5, window_bounds = array<i64: 4, 1000, 16>}, {transform_indices = @transform_6, window_bounds = array<i64: 1000, 16>}]} {
    %get3A = arith.constant 0 : index
    %get3A_0 = arith.constant 0 : index
    %get3A_1 = vector.load %arg3[%get3A, %get3A_0] : memref<1000x1xf32, #tpu.memory_space<vmem>>, vector<1000x1xf32>
    %get3A_2 = arith.constant 0 : index
    %get3A_3 = arith.constant 0 : index
    %get3A_4 = arith.constant 0 : index
    %get3A_5 = vector.load %arg2[%get3A_2, %get3A_3, %get3A_4] : memref<1x1000x16xf32, #tpu.memory_space<vmem>>, vector<1x1000x16xf32>
    %get3A_6 = vector.shape_cast %get3A_5 : vector<1x1000x16xf32> to vector<1000x16xf32>
    %get3A_7 = arith.constant 0 : index
    %get3A_8 = arith.constant 0 : index
    %get3A_9 = arith.constant 0 : index
    %get3A_10 = vector.load %arg1[%get3A_7, %get3A_8, %get3A_9] : memref<2x1000x16xf32, #tpu.memory_space<vmem>>, vector<1x1000x16xf32>
    %get3A_11 = vector.shape_cast %get3A_10 : vector<1x1000x16xf32> to vector<1000x16xf32>
    %get3A_12 = arith.constant 1 : index
    %get3A_13 = arith.constant 0 : index
    %get3A_14 = arith.constant 0 : index
    %get3A_15 = vector.load %arg1[%get3A_12, %get3A_13, %get3A_14] : memref<2x1000x16xf32, #tpu.memory_space<vmem>>, vector<1x1000x16xf32>
    %get3A_16 = vector.shape_cast %get3A_15 : vector<1x1000x16xf32> to vector<1000x16xf32>
    %add3A = arith.addf %get3A_11, %get3A_16 : vector<1000x16xf32>
    %mul3A = vector.broadcast %get3A_1 : vector<1000x1xf32> to vector<1000x16xf32>
    %mul3A_17 = arith.mulf %mul3A, %add3A : vector<1000x16xf32>
    %add3A_18 = arith.addf %get3A_6, %mul3A_17 : vector<1000x16xf32>
    %get3A_19 = arith.constant 0 : index
    %get3A_20 = arith.constant 0 : index
    %get3A_21 = vector.load %arg4[%get3A_19, %get3A_20] : memref<8x16xf32, #tpu.memory_space<vmem>>, vector<1x16xf32>
    %add3A_22 = vector.broadcast %get3A_21 : vector<1x16xf32> to vector<1000x16xf32>
    %add3A_23 = arith.addf %add3A_18, %add3A_22 : vector<1000x16xf32>
    %max3A = arith.constant 0.000000e+00 : f32
    %max3A_24 = vector.broadcast %max3A : f32 to vector<1000x16xf32>
    %max3A_25 = arith.maximumf %add3A_23, %max3A_24 : vector<1000x16xf32>
    %get3A_26 = arith.constant 0 : index
    %get3A_27 = arith.constant 0 : index
    %get3A_28 = vector.load %arg5[%get3A_26, %get3A_27] : memref<16x64xf32, #tpu.memory_space<vmem>>, vector<16x64xf32>
    %dot_general3A = arith.constant dense<0.000000e+00> : vector<1000x64xf32>
    %dot_general3A_29 = tpu.matmul %max3A_25, %get3A_28, %dot_general3A {dimension_numbers = #tpu.dot_dimension_numbers<[1], [0], [0], [1], [0, 0, 1, 1], [], []>, transpose_lhs_hint = false} : vector<1000x16xf32>, vector<16x64xf32>, vector<1000x64xf32> -> vector<1000x64xf32>
    %slice3A = vector.extract_strided_slice %dot_general3A_29 {offsets = [0, 0], sizes = [1000, 16], strides = [1, 1]} : vector<1000x64xf32> to vector<1000x16xf32>
    %swap3A = arith.constant 0 : index
    %swap3A_30 = arith.constant 0 : index
    %swap3A_31 = arith.constant 0 : index
    %swap3A_32 = vector.load %arg6[%swap3A, %swap3A_30, %swap3A_31] : memref<4x1000x16xf32, #tpu.memory_space<vmem>>, vector<1x1000x16xf32>
    %swap3A_33 = vector.shape_cast %swap3A_32 : vector<1x1000x16xf32> to vector<1000x16xf32>
    %swap3A_34 = vector.shape_cast %slice3A : vector<1000x16xf32> to vector<1x1000x16xf32>
    tpu.vector_store %arg6[%swap3A, %swap3A_30, %swap3A_31], %swap3A_34 {strides = array<i32>} : memref<4x1000x16xf32, #tpu.memory_space<vmem>>, vector<1x1000x16xf32>,
    %slice3A_35 = vector.extract_strided_slice %dot_general3A_29 {offsets = [0, 16], sizes = [1000, 16], strides = [1, 1]} : vector<1000x64xf32> to vector<1000x16xf32>
    %swap3A_36 = arith.constant 1 : index
    %swap3A_37 = arith.constant 0 : index
    %swap3A_38 = arith.constant 0 : index
    %swap3A_39 = vector.load %arg6[%swap3A_36, %swap3A_37, %swap3A_38] : memref<4x1000x16xf32, #tpu.memory_space<vmem>>, vector<1x1000x16xf32>
    %swap3A_40 = vector.shape_cast %swap3A_39 : vector<1x1000x16xf32> to vector<1000x16xf32>
    %swap3A_41 = vector.shape_cast %slice3A_35 : vector<1000x16xf32> to vector<1x1000x16xf32>
    tpu.vector_store %arg6[%swap3A_36, %swap3A_37, %swap3A_38], %swap3A_41 {strides = array<i32>} : memref<4x1000x16xf32, #tpu.memory_space<vmem>>, vector<1x1000x16xf32>,
    %slice3A_42 = vector.extract_strided_slice %dot_general3A_29 {offsets = [0, 32], sizes = [1000, 16], strides = [1, 1]} : vector<1000x64xf32> to vector<1000x16xf32>
    %swap3A_43 = arith.constant 2 : index
    %swap3A_44 = arith.constant 0 : index
    %swap3A_45 = arith.constant 0 : index
    %swap3A_46 = vector.load %arg6[%swap3A_43, %swap3A_44, %swap3A_45] : memref<4x1000x16xf32, #tpu.memory_space<vmem>>, vector<1x1000x16xf32>
    %swap3A_47 = vector.shape_cast %swap3A_46 : vector<1x1000x16xf32> to vector<1000x16xf32>
    %swap3A_48 = vector.shape_cast %slice3A_42 : vector<1000x16xf32> to vector<1x1000x16xf32>
    tpu.vector_store %arg6[%swap3A_43, %swap3A_44, %swap3A_45], %swap3A_48 {strides = array<i32>} : memref<4x1000x16xf32, #tpu.memory_space<vmem>>, vector<1x1000x16xf32>,
    %slice3A_49 = vector.extract_strided_slice %dot_general3A_29 {offsets = [0, 48], sizes = [1000, 16], strides = [1, 1]} : vector<1000x64xf32> to vector<1000x16xf32>
    %swap3A_50 = arith.constant 3 : index
    %swap3A_51 = arith.constant 0 : index
    %swap3A_52 = arith.constant 0 : index
    %swap3A_53 = vector.load %arg6[%swap3A_50, %swap3A_51, %swap3A_52] : memref<4x1000x16xf32, #tpu.memory_space<vmem>>, vector<1x1000x16xf32>
    %swap3A_54 = vector.shape_cast %swap3A_53 : vector<1x1000x16xf32> to vector<1000x16xf32>
    %swap3A_55 = vector.shape_cast %slice3A_49 : vector<1000x16xf32> to vector<1x1000x16xf32>
    tpu.vector_store %arg6[%swap3A_50, %swap3A_51, %swap3A_52], %swap3A_55 {strides = array<i32>} : memref<4x1000x16xf32, #tpu.memory_space<vmem>>, vector<1x1000x16xf32>,
    %slice3A_56 = vector.extract_strided_slice %dot_general3A_29 {offsets = [0, 48], sizes = [1000, 16], strides = [1, 1]} : vector<1000x64xf32> to vector<1000x16xf32>
    %mul3A_57 = vector.broadcast %get3A_1 : vector<1000x1xf32> to vector<1000x16xf32>
    %mul3A_58 = arith.mulf %mul3A_57, %slice3A_56 : vector<1000x16xf32>
    %swap3A_59 = arith.constant 0 : index
    %swap3A_60 = arith.constant 0 : index
    %swap3A_61 = vector.load %arg7[%swap3A_59, %swap3A_60] : memref<1000x16xf32, #tpu.memory_space<vmem>>, vector<1000x16xf32>
    tpu.vector_store %arg7[%swap3A_59, %swap3A_60], %mul3A_58 {strides = array<i32>} : memref<1000x16xf32, #tpu.memory_space<vmem>>, vector<1000x16xf32>,
    return
  }
  func.func @transform_0(%arg0: i32) -> (i32, i32, i32) {
    %c0_i32 = arith.constant 0 : i32
    %c0_i32_0 = arith.constant 0 : i32
    %c0_i32_1 = arith.constant 0 : i32
    return %c0_i32, %arg0, %c0_i32_0 : i32, i32, i32
  }
  func.func @transform_1(%arg0: i32) -> (i32, i32, i32) {
    %c0_i32 = arith.constant 0 : i32
    %c0_i32_0 = arith.constant 0 : i32
    %c0_i32_1 = arith.constant 0 : i32
    return %c0_i32, %arg0, %c0_i32_0 : i32, i32, i32
  }
  func.func @transform_2(%arg0: i32) -> (i32, i32) {
    %c0_i32 = arith.constant 0 : i32
    %c0_i32_0 = arith.constant 0 : i32
    return %arg0, %c0_i32 : i32, i32
  }
  func.func @transform_3(%arg0: i32) -> (i32, i32) {
    %c0_i32 = arith.constant 0 : i32
    %c0_i32_0 = arith.constant 0 : i32
    %c0_i32_1 = arith.constant 0 : i32
    return %c0_i32, %c0_i32_0 : i32, i32
  }
  func.func @transform_4(%arg0: i32) -> (i32, i32) {
    %c0_i32 = arith.constant 0 : i32
    %c0_i32_0 = arith.constant 0 : i32
    %c0_i32_1 = arith.constant 0 : i32
    return %c0_i32, %c0_i32_0 : i32, i32
  }
  func.func @transform_5(%arg0: i32) -> (i32, i32, i32) {
    %c0_i32 = arith.constant 0 : i32
    %c0_i32_0 = arith.constant 0 : i32
    %c0_i32_1 = arith.constant 0 : i32
    return %c0_i32, %arg0, %c0_i32_0 : i32, i32, i32
  }
  func.func @transform_6(%arg0: i32) -> (i32, i32) {
    %c0_i32 = arith.constant 0 : i32
    %c0_i32_0 = arith.constant 0 : i32
    return %arg0, %c0_i32 : i32, i32
  }
}

module attributes {stable_mosaic.version = 14 : i64} {
  func.func @_fin2_body(%arg0: i32, %arg1: memref<2x1000x16xf32, #tpu.memory_space<vmem>>, %arg2: memref<1x1000x16xf32, #tpu.memory_space<vmem>>, %arg3: memref<1000x1xf32, #tpu.memory_space<vmem>>, %arg4: memref<8x16xf32, #tpu.memory_space<vmem>>, %arg5: memref<32x16xf32, #tpu.memory_space<vmem>>, %arg6: memref<8x16xf32, #tpu.memory_space<vmem>>, %arg7: memref<1000x16xf32, #tpu.memory_space<vmem>>, %arg8: memref<1000x16xf32, #tpu.memory_space<vmem>>) attributes {dimension_semantics = [#tpu.dimension_semantics<arbitrary>], iteration_bounds = array<i64: 10>, scalar_prefetch = 0 : i64, scratch_operands = 0 : i64, tpu.core_type = #tpu.core_type<tc>, window_params = [{transform_indices = @transform_0, window_bounds = array<i64: 2, 1000, 16>}, {transform_indices = @transform_1, window_bounds = array<i64: 1, 1000, 16>}, {transform_indices = @transform_2, window_bounds = array<i64: 1000, 1>}, {pipeline_mode = #tpu.pipeline_mode<synchronous>, transform_indices = @transform_3, window_bounds = array<i64: 8, 16>}, {pipeline_mode = #tpu.pipeline_mode<synchronous>, transform_indices = @transform_4, window_bounds = array<i64: 32, 16>}, {pipeline_mode = #tpu.pipeline_mode<synchronous>, transform_indices = @transform_5, window_bounds = array<i64: 8, 16>}, {transform_indices = @transform_6, window_bounds = array<i64: 1000, 16>}, {transform_indices = @transform_7, window_bounds = array<i64: 1000, 16>}]} {
    %get3A = arith.constant 0 : index
    %get3A_0 = arith.constant 0 : index
    %get3A_1 = vector.load %arg3[%get3A, %get3A_0] : memref<1000x1xf32, #tpu.memory_space<vmem>>, vector<1000x1xf32>
    %get3A_2 = arith.constant 0 : index
    %get3A_3 = arith.constant 0 : index
    %get3A_4 = arith.constant 0 : index
    %get3A_5 = vector.load %arg2[%get3A_2, %get3A_3, %get3A_4] : memref<1x1000x16xf32, #tpu.memory_space<vmem>>, vector<1x1000x16xf32>
    %get3A_6 = vector.shape_cast %get3A_5 : vector<1x1000x16xf32> to vector<1000x16xf32>
    %get3A_7 = arith.constant 0 : index
    %get3A_8 = arith.constant 0 : index
    %get3A_9 = arith.constant 0 : index
    %get3A_10 = vector.load %arg1[%get3A_7, %get3A_8, %get3A_9] : memref<2x1000x16xf32, #tpu.memory_space<vmem>>, vector<1x1000x16xf32>
    %get3A_11 = vector.shape_cast %get3A_10 : vector<1x1000x16xf32> to vector<1000x16xf32>
    %get3A_12 = arith.constant 1 : index
    %get3A_13 = arith.constant 0 : index
    %get3A_14 = arith.constant 0 : index
    %get3A_15 = vector.load %arg1[%get3A_12, %get3A_13, %get3A_14] : memref<2x1000x16xf32, #tpu.memory_space<vmem>>, vector<1x1000x16xf32>
    %get3A_16 = vector.shape_cast %get3A_15 : vector<1x1000x16xf32> to vector<1000x16xf32>
    %add3A = arith.addf %get3A_11, %get3A_16 : vector<1000x16xf32>
    %mul3A = vector.broadcast %get3A_1 : vector<1000x1xf32> to vector<1000x16xf32>
    %mul3A_17 = arith.mulf %mul3A, %add3A : vector<1000x16xf32>
    %add3A_18 = arith.addf %get3A_6, %mul3A_17 : vector<1000x16xf32>
    %get3A_19 = arith.constant 0 : index
    %get3A_20 = arith.constant 0 : index
    %get3A_21 = vector.load %arg4[%get3A_19, %get3A_20] : memref<8x16xf32, #tpu.memory_space<vmem>>, vector<1x16xf32>
    %add3A_22 = vector.broadcast %get3A_21 : vector<1x16xf32> to vector<1000x16xf32>
    %add3A_23 = arith.addf %add3A_18, %add3A_22 : vector<1000x16xf32>
    %max3A = arith.constant 0.000000e+00 : f32
    %max3A_24 = vector.broadcast %max3A : f32 to vector<1000x16xf32>
    %max3A_25 = arith.maximumf %add3A_23, %max3A_24 : vector<1000x16xf32>
    %get3A_26 = arith.constant 0 : index
    %get3A_27 = arith.constant 0 : index
    %get3A_28 = vector.load %arg5[%get3A_26, %get3A_27] : memref<32x16xf32, #tpu.memory_space<vmem>>, vector<32x16xf32>
    %slice3A = vector.extract_strided_slice %get3A_28 {offsets = [0, 0], sizes = [16, 16], strides = [1, 1]} : vector<32x16xf32> to vector<16x16xf32>
    %dot_general3A = arith.constant dense<0.000000e+00> : vector<1000x16xf32>
    %dot_general3A_29 = tpu.matmul %max3A_25, %slice3A, %dot_general3A {dimension_numbers = #tpu.dot_dimension_numbers<[1], [0], [0], [1], [0, 0, 1, 1], [], []>, transpose_lhs_hint = false} : vector<1000x16xf32>, vector<16x16xf32>, vector<1000x16xf32> -> vector<1000x16xf32>
    %get3A_30 = arith.constant 0 : index
    %get3A_31 = arith.constant 0 : index
    %get3A_32 = vector.load %arg6[%get3A_30, %get3A_31] : memref<8x16xf32, #tpu.memory_space<vmem>>, vector<1x16xf32>
    %add3A_33 = vector.broadcast %get3A_32 : vector<1x16xf32> to vector<1000x16xf32>
    %add3A_34 = arith.addf %dot_general3A_29, %add3A_33 : vector<1000x16xf32>
    %swap3A = arith.constant 0 : index
    %swap3A_35 = arith.constant 0 : index
    %swap3A_36 = vector.load %arg7[%swap3A, %swap3A_35] : memref<1000x16xf32, #tpu.memory_space<vmem>>, vector<1000x16xf32>
    tpu.vector_store %arg7[%swap3A, %swap3A_35], %add3A_34 {strides = array<i32>} : memref<1000x16xf32, #tpu.memory_space<vmem>>, vector<1000x16xf32>,
    %slice3A_37 = vector.extract_strided_slice %get3A_28 {offsets = [16, 0], sizes = [16, 16], strides = [1, 1]} : vector<32x16xf32> to vector<16x16xf32>
    %dot_general3A_38 = arith.constant dense<0.000000e+00> : vector<1000x16xf32>
    %dot_general3A_39 = tpu.matmul %max3A_25, %slice3A_37, %dot_general3A_38 {dimension_numbers = #tpu.dot_dimension_numbers<[1], [0], [0], [1], [0, 0, 1, 1], [], []>, transpose_lhs_hint = false} : vector<1000x16xf32>, vector<16x16xf32>, vector<1000x16xf32> -> vector<1000x16xf32>
    %swap3A_40 = arith.constant 0 : index
    %swap3A_41 = arith.constant 0 : index
    %swap3A_42 = vector.load %arg8[%swap3A_40, %swap3A_41] : memref<1000x16xf32, #tpu.memory_space<vmem>>, vector<1000x16xf32>
    tpu.vector_store %arg8[%swap3A_40, %swap3A_41], %dot_general3A_39 {strides = array<i32>} : memref<1000x16xf32, #tpu.memory_space<vmem>>, vector<1000x16xf32>,
    return
  }
  func.func @transform_0(%arg0: i32) -> (i32, i32, i32) {
    %c0_i32 = arith.constant 0 : i32
    %c0_i32_0 = arith.constant 0 : i32
    %c0_i32_1 = arith.constant 0 : i32
    return %c0_i32, %arg0, %c0_i32_0 : i32, i32, i32
  }
  func.func @transform_1(%arg0: i32) -> (i32, i32, i32) {
    %c0_i32 = arith.constant 0 : i32
    %c0_i32_0 = arith.constant 0 : i32
    %c0_i32_1 = arith.constant 0 : i32
    return %c0_i32, %arg0, %c0_i32_0 : i32, i32, i32
  }
  func.func @transform_2(%arg0: i32) -> (i32, i32) {
    %c0_i32 = arith.constant 0 : i32
    %c0_i32_0 = arith.constant 0 : i32
    return %arg0, %c0_i32 : i32, i32
  }
  func.func @transform_3(%arg0: i32) -> (i32, i32) {
    %c0_i32 = arith.constant 0 : i32
    %c0_i32_0 = arith.constant 0 : i32
    %c0_i32_1 = arith.constant 0 : i32
    return %c0_i32, %c0_i32_0 : i32, i32
  }
  func.func @transform_4(%arg0: i32) -> (i32, i32) {
    %c0_i32 = arith.constant 0 : i32
    %c0_i32_0 = arith.constant 0 : i32
    %c0_i32_1 = arith.constant 0 : i32
    return %c0_i32, %c0_i32_0 : i32, i32
  }
  func.func @transform_5(%arg0: i32) -> (i32, i32) {
    %c0_i32 = arith.constant 0 : i32
    %c0_i32_0 = arith.constant 0 : i32
    %c0_i32_1 = arith.constant 0 : i32
    return %c0_i32, %c0_i32_0 : i32, i32
  }
  func.func @transform_6(%arg0: i32) -> (i32, i32) {
    %c0_i32 = arith.constant 0 : i32
    %c0_i32_0 = arith.constant 0 : i32
    return %arg0, %c0_i32 : i32, i32
  }
  func.func @transform_7(%arg0: i32) -> (i32, i32) {
    %c0_i32 = arith.constant 0 : i32
    %c0_i32_0 = arith.constant 0 : i32
    return %arg0, %c0_i32 : i32, i32
  }
}

module attributes {stable_mosaic.version = 14 : i64} {
  func.func @_final_body(%arg0: i32, %arg1: memref<4000x16xf32, #tpu.memory_space<vmem>>, %arg2: memref<4000x16xf32, #tpu.memory_space<vmem>>, %arg3: memref<4000x16xf32, #tpu.memory_space<vmem>>) attributes {dimension_semantics = [#tpu.dimension_semantics<arbitrary>], iteration_bounds = array<i64: 80>, scalar_prefetch = 0 : i64, scratch_operands = 0 : i64, tpu.core_type = #tpu.core_type<tc>, window_params = [{transform_indices = @transform_0, window_bounds = array<i64: 4000, 16>}, {transform_indices = @transform_1, window_bounds = array<i64: 4000, 16>}, {transform_indices = @transform_2, window_bounds = array<i64: 4000, 16>}]} {
    %get3A = arith.constant 0 : index
    %get3A_0 = arith.constant 0 : index
    %get3A_1 = vector.load %arg1[%get3A, %get3A_0] : memref<4000x16xf32, #tpu.memory_space<vmem>>, vector<4000x16xf32>
    %get3A_2 = arith.constant 0 : index
    %get3A_3 = arith.constant 0 : index
    %get3A_4 = vector.load %arg2[%get3A_2, %get3A_3] : memref<4000x16xf32, #tpu.memory_space<vmem>>, vector<4000x16xf32>
    %add3A = arith.addf %get3A_1, %get3A_4 : vector<4000x16xf32>
    %reduce_max3A = arith.constant dense<0xFF800000> : vector<4000xf32>
    %reduce_max3A_5 = vector.multi_reduction <maximumf>, %add3A, %reduce_max3A [1] : vector<4000x16xf32> to vector<4000xf32>
    %broadcast_in_dim3A = vector.shape_cast %reduce_max3A_5 : vector<4000xf32> to vector<4000x1xf32>
    %sub3A = vector.broadcast %broadcast_in_dim3A : vector<4000x1xf32> to vector<4000x16xf32>
    %sub3A_6 = arith.subf %add3A, %sub3A : vector<4000x16xf32>
    %exp3A = math.exp %sub3A_6 : vector<4000x16xf32>
    %sub3A_7 = vector.broadcast %broadcast_in_dim3A : vector<4000x1xf32> to vector<4000x16xf32>
    %sub3A_8 = arith.subf %add3A, %sub3A_7 : vector<4000x16xf32>
    %reduce_sum3A = arith.constant dense<0.000000e+00> : vector<4000xf32>
    %reduce_sum3A_9 = vector.multi_reduction <add>, %exp3A, %reduce_sum3A [1] : vector<4000x16xf32> to vector<4000xf32>
    %broadcast_in_dim3A_10 = vector.shape_cast %reduce_sum3A_9 : vector<4000xf32> to vector<4000x1xf32>
    %log3A = math.log %broadcast_in_dim3A_10 : vector<4000x1xf32>
    %sub3A_11 = vector.broadcast %log3A : vector<4000x1xf32> to vector<4000x16xf32>
    %sub3A_12 = arith.subf %sub3A_8, %sub3A_11 : vector<4000x16xf32>
    %swap3A = arith.constant 0 : index
    %swap3A_13 = arith.constant 0 : index
    %swap3A_14 = vector.load %arg3[%swap3A, %swap3A_13] : memref<4000x16xf32, #tpu.memory_space<vmem>>, vector<4000x16xf32>
    tpu.vector_store %arg3[%swap3A, %swap3A_13], %sub3A_12 {strides = array<i32>} : memref<4000x16xf32, #tpu.memory_space<vmem>>, vector<4000x16xf32>,
    return
  }
  func.func @transform_0(%arg0: i32) -> (i32, i32) {
    %c0_i32 = arith.constant 0 : i32
    %c0_i32_0 = arith.constant 0 : i32
    return %arg0, %c0_i32 : i32, i32
  }
  func.func @transform_1(%arg0: i32) -> (i32, i32) {
    %c0_i32 = arith.constant 0 : i32
    %c0_i32_0 = arith.constant 0 : i32
    return %arg0, %c0_i32 : i32, i32
  }
  func.func @transform_2(%arg0: i32) -> (i32, i32) {
    %c0_i32 = arith.constant 0 : i32
    %c0_i32_0 = arith.constant 0 : i32
    return %arg0, %c0_i32 : i32, i32
  }
}

</mosaic_0001>

<sc_bundles>
// kernel: kernel.18.cloned.1.call-start
scs
__scs_entry_jumppad:
0x0: {  	(pc) =	sbr.rel $0x88, $3  }
0x1: {  	(tag) =	ssettag $0x0;
	lr =	simm.s32 $0x1  }
0x2: {  	[smem:$0x3F99] =	sst lr;
	_ =	strace $0xD0000000  }
0x3: {  	_ = 	snop  }
0x4: {  	_ = 	snop  }
0x5: {  	_ = 	snop  }
0x6: {  	_ = 	snop  }
0x7: {  	_ = 	snop  }
__scs_overlays_trampoline_lowered:
0x8: {  	[smem:$0x3FA8] =	sst s0  }
0x9: {  	[smem:$0x3FA9] =	sst s1  }
0xa: {  	[smem:$0x3FAA] =	sst s2  }
0xb: {  	[smem:$0x3FAB] =	sst s3  }
0xc: {  	[smem:$0x3FAC] =	sst s4  }
0xd: {  	[smem:$0x3FAD] =	sst s5  }
0xe: {  	[smem:$0x3FAE] =	sst s6  }
0xf: {  	[smem:$0x3FAF] =	sst s7  }
0x10: {  	[smem:$0x3FB0] =	sst s8  }
0x11: {  	[smem:$0x3FB1] =	sst s9;
	s0 =	simm.s32 @!p0 $0x0  }
0x12: {  	s1 =	sld [smem:$0x3F97];
	s0 =	simm.s32 @p0 $0x1  }
0x13: {  	[smem:$0x3FB2] =	sst s0;
	s0 =	simm.s32 @!p1 $0x0  }
0x14: {  	s2 =	sld [smem:$0x3F96];
	s0 =	simm.s32 @p1 $0x1  }
0x15: {  	[smem:$0x3FB3] =	sst s0;
	s0 =	simm.s32 @!p2 $0x0  }
0x16: {  	s3 =	sld [smem:$0x3FDB];
	s0 =	simm.s32 @p2 $0x1  }
0x17: {  	s4 =	simm.s32 $0x1BF5;
	[smem:$0x3FB5] =	sst s0  }
0x18: {  	s0 =	sld [smem:$0x3F98];
	_ =	swait.ge [sflag:s4], $0x0  }
0x19: {  	s7 =	sld [smem:$0x3F99]  }
0x1a: {  	s8 =	sadd.s32 $0xFFFFE003, lr  }
0x1b: {  	s9 =	sadd.s32 $0xFFFFFEF7, lr;
	s5 =	simm.s32 $0xFFFFFFFF;
	p2 =	slt.u32 s8, $0xFFFFF086  }
0x1c: {  	p1 =	slt.u32 s9, $0xF7A;
	s5 =	simm.s32 @!p2 $0x0  }
0x1d: {  	s5 =	simm.s32 @p1 $0x1;
	p0 =	seq.s32 s7, s2  }
0x1e: {  	s7 =	smul.u32 @!p0 $0xF7A, s2;
	p2 =	seq.s32 @!p0 s5, $0x0  }
0x1f: {  	s9 =	smul.u32 $0xF7A, s1;
	s8 =	simm.s32 @!p0 $0x1BF5;
	p2 =	por !p2, p0  }
0x20: {  	[sflag:s8] =	ssyncset.s32 @!p0 $0xFFFFF086;
	s6 =	sadd.s32 @!p0 s3, s7;
	s7 =	simm.s32 @!p0 $0x108  }
0x21: {  	s3 =	sadd.s32 s3, s9;
	s6 =	sadd.s32 @!p0 $0x88, s6;
	s7 =	simm.s32 @p2 $0x1082  }
0x22: {  	[simem:s7], [sflag:s8] =	dma.local @!p0 [hbm:s6], $0xF7A  }
0x23: {  	s9 =	sor.u32 $0xD0000000, s2;
	s6 =	simm.s32 $0x108;
	_ =	swait.ge @!p0 [sflag:s8], $0x0  }
0x24: {  	s3 =	sadd.s32 $0x88, s3;
	s6 =	simm.s32 @!p1 $0x1082;
	[sflag:s4] =	ssyncset.s32 $0xFFFFF086  }
0x25: {  	[simem:s6], [sflag:s4] =	dma.local [hbm:s3], $0xF7A  }
0x26: {  	[smem:$0x3F99] =	sst s1;
	(tag) =	ssettag s2;
	_ =	strace s9  }
0x27: {  	s1 =	sld [smem:$0x3FA9]  }
0x28: {  	s2 =	sld [smem:$0x3FAA]  }
0x29: {  	s4 =	sld [smem:$0x3FAC]  }
0x2a: {  	p0 =	seq.s32 s5, $0x0;
	s5 =	sld [smem:$0x3FAD]  }
0x2b: {  	s6 =	sld [smem:$0x3FAE]  }
0x2c: {  	s7 =	sld [smem:$0x3FAF]  }
0x2d: {  	s3 =	simm.s32 $0x108;
	s8 =	sld [smem:$0x3FB0]  }
0x2e: {  	s3 =	simm.s32 @!p0 $0x1082;
	s9 =	sld [smem:$0x3FB1]  }
0x2f: {  	lr =	sadd.s32 s0, s3;
	s0 =	sld [smem:$0x3FA8]  }
0x30: {  	s3 =	sld [smem:$0x3FAB]  }
0x31: {  	[smem:$0x3FB4] =	sst s10  }
0x32: {  	s10 =	sld [smem:$0x3FB2];
	_ =	sdelay $0x3  }
0x33: {  	p0 =	seq.s32 s10, $0x1;
	s10 =	sld [smem:$0x3FB4];
	_ =	sdelay $0x3  }
0x34: {  	[smem:$0x3FB4] =	sst s10  }
0x35: {  	s10 =	sld [smem:$0x3FB3];
	_ =	sdelay $0x3  }
0x36: {  	p1 =	seq.s32 s10, $0x1;
	s10 =	sld [smem:$0x3FB4];
	_ =	sdelay $0x3  }
0x37: {  	[smem:$0x3FB4] =	sst s10  }
0x38: {  	s10 =	sld [smem:$0x3FB5]  }
0x39: {  	_ = 	snop;
	(pc) =	sbr.ind lr, $3  }
0x3a: {  	_ = 	snop  }
0x3b: {  	_ = 	snop  }
0x3c: {  	p2 =	seq.s32 s10, $0x1;
	s10 =	sld [smem:$0x3FB4]  }
0x3d: {  	_ =	shalt  }
0x3e: {  	_ =	shalt  }
0x3f: {  	_ =	shalt  }
0x40: {  	_ =	shalt  }
0x41: {  	_ =	shalt  }
0x42: {  	_ =	shalt  }
0x43: {  	_ =	shalt  }
0x44: {  	_ =	shalt  }
0x45: {  	_ =	shalt  }
0x46: {  	_ =	shalt  }
0x47: {  	_ =	shalt  }
0x48: {  	_ =	shalt  }
0x49: {  	_ =	shalt  }
0x4a: {  	_ =	shalt  }
0x4b: {  	_ =	shalt  }
0x4c: {  	_ =	shalt  }
0x4d: {  	_ =	shalt  }
0x4e: {  	_ =	shalt  }
0x4f: {  	_ =	shalt  }
0x50: {  	_ =	shalt  }
0x51: {  	_ =	shalt  }
0x52: {  	_ =	shalt  }
0x53: {  	_ =	shalt  }
0x54: {  	_ =	shalt  }
0x55: {  	_ =	shalt  }
0x56: {  	_ =	shalt  }
0x57: {  	_ =	shalt  }
0x58: {  	_ =	shalt  }
0x59: {  	_ =	shalt  }
0x5a: {  	_ =	shalt  }
0x5b: {  	_ =	shalt  }
0x5c: {  	_ =	shalt  }
0x5d: {  	_ =	shalt  }
0x5e: {  	_ =	shalt  }
0x5f: {  	_ =	shalt  }
0x60: {  	_ =	shalt  }
0x61: {  	_ =	shalt  }
0x62: {  	_ =	shalt  }
0x63: {  	_ =	shalt  }
0x64: {  	_ =	shalt  }
0x65: {  	_ =	shalt  }
0x66: {  	_ =	shalt  }
0x67: {  	_ =	shalt  }
0x68: {  	_ =	shalt  }
0x69: {  	_ =	shalt  }
0x6a: {  	_ =	shalt  }
0x6b: {  	_ =	shalt  }
0x6c: {  	_ =	shalt  }
0x6d: {  	_ =	shalt  }
0x6e: {  	_ =	shalt  }
0x6f: {  	_ =	shalt  }
0x70: {  	_ =	shalt  }
0x71: {  	_ =	shalt  }
0x72: {  	_ =	shalt  }
0x73: {  	_ =	shalt  }
0x74: {  	_ =	shalt  }
0x75: {  	_ =	shalt  }
0x76: {  	_ =	shalt  }
0x77: {  	_ =	shalt  }
0x78: {  	_ =	shalt  }
0x79: {  	_ =	shalt  }
0x7a: {  	_ =	shalt  }
0x7b: {  	_ =	shalt  }
0x7c: {  	_ =	shalt  }
0x7d: {  	_ =	shalt  }
0x7e: {  	_ =	shalt  }
0x7f: {  	_ =	shalt  }
0x80: {  	_ =	shalt  }
0x81: {  	_ =	shalt  }
0x82: {  	_ =	shalt  }
0x83: {  	_ =	shalt  }
0x84: {  	_ =	shalt  }
0x85: {  	_ =	shalt  }
0x86: {  	_ =	shalt  }
0x87: {  	_ =	shalt  }
.Lfunc_end0:
.L_simem_size_0:
called_computation_lowered:
.L_overlay_start_0:
0x88: {  	s2 =	sld [smem:$0x3FD9]  }
0x89: {  	s3 =	sld [smem:$0x3FFE];
	_ =	sdelay $0x1  }
0x8a: {  	s1 =	srdreg.scid  }
0x8b: {  	s0 =	sand.u32 $0x1, s1  }
0x8c: {  	s17 =	sshll.u32 s0, $0xA;
	s2 =	sadd.s32 s3, s2  }
0x8d: {  	s2 =	sadd.s32 s2, s17  }
0x8e: {  	[smem:$0x3FC0] =	sst s2  }
0x8f: {  	_ = 	snop  }
0x90: {  	s2 =	sld [smem:$0x3FD0];
	(tm) =	ssettm $0x1  }
0x91: {  	s18 =	sld [smem:$0x3FFB];
	_ =	sdelay $0x3  }
0x92: {  	_ =	strace s18  }
0x93: {  	s3 =	sld [smem:$0x3FFC];
	_ =	sdelay $0x3  }
0x94: {  	_ =	strace s3  }
0x95: {  	s3 =	sld [smem:$0x3FFD];
	_ =	sdelay $0x3  }
0x96: {  	_ =	strace s3  }
0x97: {  	_ =	strace $0x8FFFFFFF  }
0x98: {  	s19 =	sld [smem:$0x3FDB];
	_ =	sdelay $0x1  }
0x99: {  	s4 =	simm.s32 $_scs_section_size  }
0x9a: {  	s5 =	simm.s32 $_size__tile_overlayer_lowered;
	s6 =	simm.s32 $_tile_overlayer_lowered  }
0x9b: {  	s22 =	simm.s32 $0x1BFF;
	s21 =	sshll.u32 s6, $0x1;
	s3 =	sadd.s32 s4, s19  }
0x9c: {  	s7 =	simm.s32 $0x0;
	s20 =	sshll.u32 s5, $0x1;
	s5 =	sadd.s32 s21, s3  }
0x9d: {  	[timem:s7], [sflag:s22] =	dma.local [hbm:s5], s20  }
0x9e: {  	_ =	swait.ge [sflag:s22], s20  }
0x9f: {  	s4 =	ssub.s32 $0x0, s20;
	[sflag:s22] =	ssyncset.done $0x0  }
0xa0: {  	[sflag:s22] =	ssyncadd.s32 s4;
	_ =	sdelay $0x1  }
0xa1: {  	s23 =	simm.s32 $0x1B8B  }
0xa2: {  	_ =	swait.ge [sflag:s23], $0x1  }
0xa3: {  	[sflag:s23] =	ssyncset.done $0x0  }
0xa4: {  	s25 =	simm.s32 $0x1B8E;
	s24 =	sld [smem:$0x3FFE];
	[sflag:s23] =	ssyncadd.s32 $0xFFFFFFFF  }
0xa5: {  	s26 =	simm.s32 $execute0_lowered;
	[smem:$0x3FD2] =	sst s25  }
0xa6: {  	s5 =	sshll.u32 s26, $0x1;
	_ =	strace $0x80000046;
	[dreg:$0x1] =	wrdreg $0xFFFFFFFF  }
0xa7: {  	s28 =	simm.s32 $_size_execute0_lowered;
	s3 =	sadd.s32 s3, s5;
	[dreg:$0x0] =	wrdreg $0x0  }
0xa8: {  	s5 =	sshll.u32 s28, $0x1;
	[dreg:$0x2] =	wrdreg s3  }
0xa9: {  	[dreg:$0x3] =	wrdreg s5  }
0xaa: {  	[dreg:$0x4] =	wrdreg $0xC0  }
0xab: {  	_ =	task [dreg:s7], $0x5FFFF  }
0xac: {  	[dreg:$0x1] =	wrdreg $0xFFFFFFFF  }
0xad: {  	[dreg:$0x0] =	wrdreg $0x60  }
0xae: {  	[dreg:$0x2] =	wrdreg s24  }
0xaf: {  	[dreg:$0x3] =	wrdreg s2  }
0xb0: {  	[dreg:$0x4] =	wrdreg $0x54100  }
0xb1: {  	[dreg:$0x5] =	wrdreg $0x9  }
0xb2: {  	_ =	task.clear_ibuf [dreg:s7], $0x6FFFF;
	_ =	strace $0x90000046  }
0xb3: {  	s29 =	simm.s32 $0x9;
	_ =	strace $0x80000048  }
0xb4: {  	_ =	swait.ge [sflag:s29], $0x1  }
0xb5: {  	[sflag:s29] =	ssyncadd.s32 $0xFFFFFFFF  }
0xb6: {  	_ =	strace $0x90000048  }
0xb7: {  	_ =	sfence  }
0xb8: {  	s30 =	sld [smem:$0x0];
	_ =	sdelay $0x2  }
0xb9: {  	s31 =	sshll.u32 s1, $0xD;
	s1 =	sshrl.u32 s1, $0x2  }
0xba: {  	s3 =	sand.u32 $0x4000, s31;
	s1 =	sadd.s32 s1, s30  }
0xbb: {  	s0 =	sor.u32 s3, s0;
	s1 =	sshll.u32 s1, $0x11  }
0xbc: {  	s0 =	sor.u32 s1, s0  }
0xbd: {  	s0 =	sadd.s32 $0x8F2B, s0  }
0xbe: {  	[sflag:s0] =	ssyncadd.remote.s32 $0x1  }
0xbf: {  	_ =	sfence.sel $0xFFFF  }
0xc0: {  	[dreg:$0x0] =	wrdreg $0xFFFFFFFF;
	(pc) =	sbr.abs _section_cstart, $3  }
0xc1: {  	[dreg:$0x1] =	wrdreg $0xFFFFFFFF  }
0xc2: {  	_ =	task.clear_ibuf [dreg:s7], $0x2FFFF;
	_ =	strace $0x9FFFFFFF  }
0xc3: {  	(tm) =	ssettm $0x7FFFFFFF  }
tec
execute0_lowered:
.L_overlay_start_1:
0x0: {  	(tag) =	ssettag $0x1  }
0x1: {  	s4 =	rddreg [dreg:$0x0]  }
0x2: {  	s8 =	rddreg [dreg:$0x1]  }
0x3: {  	s2 =	rddreg [dreg:$0x2];
	s3 =	srdreg.scid  }
0x4: {  	s1 =	stileid.u32;
	s0 =	rddreg [dreg:$0x3];
	s12 =	simm.s32 $0x4F10  }
0x5: {  	s13 =	simm.s32 $0x50;
	s14 =	simm.s32 $0x0;
	s5 =	sand.u32 $0x1, s3  }
0x6: {  	s6 =	sshll.u32 s1, $0x1;
	s3 =	simm.s32 $0x0;
	s7 =	smul.u32 $0x2800, s1  }
0x7: {  	s6 =	sor.u32 s5, s6;
	[smem:$0x7FF] =	sst s3;
	s10 =	smul.u32 $0x28000, s5  }
0x8: {  	s5 =	ssub.s32 $0x2, s5;
	s6 =	smul.u32 $0x4E2, s6;
	s9 =	sshrl.u32 s7, $0x3  }
0x9: {  	_ =	strace $0x80000047;
	s31 =	sshrl.u32 s5, $0x1;
	s30 =	sadd.s32 s9, s4  }
0xa: {  	s10 =	sadd.s32 s7, s10;
	s9 =	ssub.s32 s5, s31;
	s11 =	sadd.s32 s6, s4  }
0xb: {  	s4 =	sadd.s32 $0x17400, s4;
	s5 =	sadd.s32 $0x17600, s30;
	s10 =	sshrl.u32 s10, $0x3  }
0xc: {  	s6 =	sadd.s32 s7, s2;
	s9 =	smax.u32 s9, $0x1;
	s7 =	sadd.s32 $0xD600, s11  }
0xd: {  	s8 =	sadd.s32 s8, s10;
	s10 =	simm.s32 $0x2710;
	s11 =	simm.s32 $0x1  }
.LBB2_1:
0xe: {  	[tilespmem:s10], [sflag:$0x1] =	stream.linear.gather [hbm4b:s5+s3], $0x2800, $0x38;
	[tilespmem:$0x7C10] =	vst v63  }
0xf: {  	_ =	swait.ge [sflag:s11], $0x2800  }
0x10: {  	[sflag:s11] =	ssyncset.done $0x0  }
0x11: {  	[sflag:s11] =	ssyncadd.s32 $0xFFFFD800  }
0x12: {  	[spmem:s6] =	stream.linear.scatter [tilespmem:s10], [sflag:$0x1], $0x2800, $0x38;
	[tilespmem:$0x7C10] =	vst v63  }
0x13: {  	_ =	swait.ge [sflag:s11], $0x2800  }
0x14: {  	[sflag:s11] =	ssyncset.done $0x0  }
0x15: {  	[sflag:s11] =	ssyncadd.s32 $0xFFFFD800  }
0x16: {  	[bflag:$0x0] =	sbarrier.arrive $0xFFFF  }
0x17: {  	[tilespmem:s12], [sflag:$0x1] =	stream.linear.gather [hbm4b:s4+s3], $0x500, $0x38;
	[tilespmem:$0x7C10] =	vst v63  }
0x18: {  	_ =	swait.ge [sflag:s11], $0x500  }
0x19: {  	[sflag:s11] =	ssyncset.done $0x0  }
0x1a: {  	[sflag:s11] =	ssyncadd.s32 $0xFFFFFB00  }
0x1b: {  	[tilespmem:s3], [sflag:$0x1] =	stream.linear.gather [hbm4b:s7+s3], $0x2710, $0x38;
	[tilespmem:$0x7C10] =	vst v63  }
0x1c: {  	_ =	swait.ge [sflag:s11], $0x2710  }
0x1d: {  	[sflag:s11] =	ssyncset.done $0x0  }
0x1e: {  	s15 =	simm.s32 $0x0;
	[sflag:s11] =	ssyncadd.s32 $0xFFFFD8F0  }
0x1f: {  	[spmem:s2] =	stream.indirect.scatter.add.f32 [tilespmem:s12], [sflag:$0x1], $0x10, s15, s13, $0xb8;
	[tilespmem:$0x7C10] =	vst v63  }
0x20: {  	_ =	swait.ge [sflag:s11], $0x500  }
0x21: {  	s15 =	simm.s32 $0x140;
	[sflag:s11] =	ssyncset.done $0x0  }
.LBB2_2:
0x22: {  	s16 =	sshra.s32 s15, $0x2;
	[sflag:s11] =	ssyncadd.s32 $0xFFFFFB00;
	p0 =	sne.s32 s15, $0x9B00  }
0x23: {  	[spmem:s2] =	stream.indirect.scatter.add.f32 [tilespmem:s12], [sflag:$0x1], $0x10, s16, s13, $0xb8;
	[tilespmem:$0x7C10] =	vst v63  }
.Ltmp0:
0x24: {  	_ = 	snop;
	(pc) =	sbr.rel @p0 .LBB2_2-.Ltmp0, $4  }
0x25: {  	_ = 	snop  }
0x26: {  	s15 =	sadd.s32 $0x140, s15  }
0x27: {  	_ =	swait.ge [sflag:s11], $0x500  }
0x28: {  	[sflag:s11] =	ssyncset.done $0x0  }
0x29: {  	[sflag:s11] =	ssyncadd.s32 $0xFFFFFB00  }
0x2a: {  	[bflag:$0x0] =	sbarrier.arrive $0xFFFF  }
0x2b: {  	[tilespmem:s10], [sflag:$0x1] =	stream.linear.gather [spmem:s6], $0x2800, $0x38;
	[tilespmem:$0x7C10] =	vst v63  }
0x2c: {  	s14 =	sadd.s32 $0x1, s14;
	_ =	swait.ge [sflag:s11], $0x2800  }
0x2d: {  	p0 =	sne.s32 s14, s9;
	[sflag:s11] =	ssyncset.done $0x0  }
.Ltmp1:
0x2e: {  	[sflag:s11] =	ssyncadd.s32 $0xFFFFD800;
	(pc) =	sbr.rel @p0 .LBB2_1-.Ltmp1, $4  }
0x2f: {  	[hbm4b:s8+s3] =	stream.linear.scatter [tilespmem:s10], [sflag:$0x1], $0x2800, $0x38;
	[tilespmem:$0x7C10] =	vst v63  }
0x30: {  	_ =	swait.ge [sflag:s11], $0x2800  }
0x31: {  	[sflag:s11] =	ssyncset.done $0x0  }
0x32: {  	[sflag:s11] =	ssyncadd.s32 $0xFFFFD800  }
0x33: {  	_ =	sfence.sel $0x180000  }
0x34: {  	[bflag:$0x0] =	sbarrier.arrive $0xFFFF  }
0x35: {  	p0 =	sne.s32 s1, $0x0;
	_ =	strace $0x90000047  }
0x36: {  	s0 =	sadd.s32 @!p0 $0x100000, s0;
	[bflag:$0x2] =	sbarrier.arrive $0xFFFF  }
0x37: {  	[sflag:s0] =	ssyncadd.tile.s32 @!p0 $0x1;
	_ =	shalt  }
.Lfunc_end2:
_tile_overlayer_lowered:
.L_overlay_start_2:
0x38: {  	(tag) =	ssettag $0x2  }
0x39: {  	s0 =	rddreg [dreg:$0x0];
	s2 =	stileid.u32  }
0x3a: {  	s1 =	rddreg [dreg:$0x1];
	p0 =	sne.s32 s2, $0x0  }
0x3b: {  	s3 =	rddreg [dreg:$0x2];
	[bflag:$0x3] =	sbarrier.arrive $0xFFFF;
	s2 =	simm.s32 @!p0 $0x1C01  }
0x3c: {  	[timem:s3], [sflag:s2] =	dma.local @!p0 [hbm:s0], s1  }
0x3d: {  	s0 =	simm.s32 @!p0 $0x1  }
0x3e: {  	_ =	swait.ge @!p0 [sflag:s0], s1  }
0x3f: {  	s1 =	ssub.s32 @!p0 $0x0, s1;
	[sflag:s0] =	ssyncset.done @!p0 $0x0  }
0x40: {  	[sflag:s0] =	ssyncadd.s32 @!p0 s1  }
0x41: {  	[bflag:$0x3] =	sbarrier.arrive $0xFFFF  }
0x42: {  	_ =	shalt  }

// kernel: kernel.21.cloned.1.call-start
scs
__scs_entry_jumppad:
0x0: {  	(pc) =	sbr.rel $0x88, $3  }
0x1: {  	(tag) =	ssettag $0x0;
	lr =	simm.s32 $0x1  }
0x2: {  	[smem:$0x3F99] =	sst lr;
	_ =	strace $0xD0000000  }
0x3: {  	_ = 	snop  }
0x4: {  	_ = 	snop  }
0x5: {  	_ = 	snop  }
0x6: {  	_ = 	snop  }
0x7: {  	_ = 	snop  }
__scs_overlays_trampoline_lowered:
0x8: {  	[smem:$0x3FA8] =	sst s0  }
0x9: {  	[smem:$0x3FA9] =	sst s1  }
0xa: {  	[smem:$0x3FAA] =	sst s2  }
0xb: {  	[smem:$0x3FAB] =	sst s3  }
0xc: {  	[smem:$0x3FAC] =	sst s4  }
0xd: {  	[smem:$0x3FAD] =	sst s5  }
0xe: {  	[smem:$0x3FAE] =	sst s6  }
0xf: {  	[smem:$0x3FAF] =	sst s7  }
0x10: {  	[smem:$0x3FB0] =	sst s8  }
0x11: {  	[smem:$0x3FB1] =	sst s9;
	s0 =	simm.s32 @!p0 $0x0  }
0x12: {  	s1 =	sld [smem:$0x3F97];
	s0 =	simm.s32 @p0 $0x1  }
0x13: {  	[smem:$0x3FB2] =	sst s0;
	s0 =	simm.s32 @!p1 $0x0  }
0x14: {  	s2 =	sld [smem:$0x3F96];
	s0 =	simm.s32 @p1 $0x1  }
0x15: {  	[smem:$0x3FB3] =	sst s0;
	s0 =	simm.s32 @!p2 $0x0  }
0x16: {  	s3 =	sld [smem:$0x3FDB];
	s0 =	simm.s32 @p2 $0x1  }
0x17: {  	s4 =	simm.s32 $0x1BF5;
	[smem:$0x3FB5] =	sst s0  }
0x18: {  	s0 =	sld [smem:$0x3F98];
	_ =	swait.ge [sflag:s4], $0x0  }
0x19: {  	s7 =	sld [smem:$0x3F99]  }
0x1a: {  	s8 =	sadd.s32 $0xFFFFE003, lr  }
0x1b: {  	s9 =	sadd.s32 $0xFFFFFEF7, lr;
	s5 =	simm.s32 $0xFFFFFFFF;
	p2 =	slt.u32 s8, $0xFFFFF086  }
0x1c: {  	p1 =	slt.u32 s9, $0xF7A;
	s5 =	simm.s32 @!p2 $0x0  }
0x1d: {  	s5 =	simm.s32 @p1 $0x1;
	p0 =	seq.s32 s7, s2  }
0x1e: {  	s7 =	smul.u32 @!p0 $0xF7A, s2;
	p2 =	seq.s32 @!p0 s5, $0x0  }
0x1f: {  	s9 =	smul.u32 $0xF7A, s1;
	s8 =	simm.s32 @!p0 $0x1BF5;
	p2 =	por !p2, p0  }
0x20: {  	[sflag:s8] =	ssyncset.s32 @!p0 $0xFFFFF086;
	s6 =	sadd.s32 @!p0 s3, s7;
	s7 =	simm.s32 @!p0 $0x108  }
0x21: {  	s3 =	sadd.s32 s3, s9;
	s6 =	sadd.s32 @!p0 $0x88, s6;
	s7 =	simm.s32 @p2 $0x1082  }
0x22: {  	[simem:s7], [sflag:s8] =	dma.local @!p0 [hbm:s6], $0xF7A  }
0x23: {  	s9 =	sor.u32 $0xD0000000, s2;
	s6 =	simm.s32 $0x108;
	_ =	swait.ge @!p0 [sflag:s8], $0x0  }
0x24: {  	s3 =	sadd.s32 $0x88, s3;
	s6 =	simm.s32 @!p1 $0x1082;
	[sflag:s4] =	ssyncset.s32 $0xFFFFF086  }
0x25: {  	[simem:s6], [sflag:s4] =	dma.local [hbm:s3], $0xF7A  }
0x26: {  	[smem:$0x3F99] =	sst s1;
	(tag) =	ssettag s2;
	_ =	strace s9  }
0x27: {  	s1 =	sld [smem:$0x3FA9]  }
0x28: {  	s2 =	sld [smem:$0x3FAA]  }
0x29: {  	s4 =	sld [smem:$0x3FAC]  }
0x2a: {  	p0 =	seq.s32 s5, $0x0;
	s5 =	sld [smem:$0x3FAD]  }
0x2b: {  	s6 =	sld [smem:$0x3FAE]  }
0x2c: {  	s7 =	sld [smem:$0x3FAF]  }
0x2d: {  	s3 =	simm.s32 $0x108;
	s8 =	sld [smem:$0x3FB0]  }
0x2e: {  	s3 =	simm.s32 @!p0 $0x1082;
	s9 =	sld [smem:$0x3FB1]  }
0x2f: {  	lr =	sadd.s32 s0, s3;
	s0 =	sld [smem:$0x3FA8]  }
0x30: {  	s3 =	sld [smem:$0x3FAB]  }
0x31: {  	[smem:$0x3FB4] =	sst s10  }
0x32: {  	s10 =	sld [smem:$0x3FB2];
	_ =	sdelay $0x3  }
0x33: {  	p0 =	seq.s32 s10, $0x1;
	s10 =	sld [smem:$0x3FB4];
	_ =	sdelay $0x3  }
0x34: {  	[smem:$0x3FB4] =	sst s10  }
0x35: {  	s10 =	sld [smem:$0x3FB3];
	_ =	sdelay $0x3  }
0x36: {  	p1 =	seq.s32 s10, $0x1;
	s10 =	sld [smem:$0x3FB4];
	_ =	sdelay $0x3  }
0x37: {  	[smem:$0x3FB4] =	sst s10  }
0x38: {  	s10 =	sld [smem:$0x3FB5]  }
0x39: {  	_ = 	snop;
	(pc) =	sbr.ind lr, $3  }
0x3a: {  	_ = 	snop  }
0x3b: {  	_ = 	snop  }
0x3c: {  	p2 =	seq.s32 s10, $0x1;
	s10 =	sld [smem:$0x3FB4]  }
0x3d: {  	_ =	shalt  }
0x3e: {  	_ =	shalt  }
0x3f: {  	_ =	shalt  }
0x40: {  	_ =	shalt  }
0x41: {  	_ =	shalt  }
0x42: {  	_ =	shalt  }
0x43: {  	_ =	shalt  }
0x44: {  	_ =	shalt  }
0x45: {  	_ =	shalt  }
0x46: {  	_ =	shalt  }
0x47: {  	_ =	shalt  }
0x48: {  	_ =	shalt  }
0x49: {  	_ =	shalt  }
0x4a: {  	_ =	shalt  }
0x4b: {  	_ =	shalt  }
0x4c: {  	_ =	shalt  }
0x4d: {  	_ =	shalt  }
0x4e: {  	_ =	shalt  }
0x4f: {  	_ =	shalt  }
0x50: {  	_ =	shalt  }
0x51: {  	_ =	shalt  }
0x52: {  	_ =	shalt  }
0x53: {  	_ =	shalt  }
0x54: {  	_ =	shalt  }
0x55: {  	_ =	shalt  }
0x56: {  	_ =	shalt  }
0x57: {  	_ =	shalt  }
0x58: {  	_ =	shalt  }
0x59: {  	_ =	shalt  }
0x5a: {  	_ =	shalt  }
0x5b: {  	_ =	shalt  }
0x5c: {  	_ =	shalt  }
0x5d: {  	_ =	shalt  }
0x5e: {  	_ =	shalt  }
0x5f: {  	_ =	shalt  }
0x60: {  	_ =	shalt  }
0x61: {  	_ =	shalt  }
0x62: {  	_ =	shalt  }
0x63: {  	_ =	shalt  }
0x64: {  	_ =	shalt  }
0x65: {  	_ =	shalt  }
0x66: {  	_ =	shalt  }
0x67: {  	_ =	shalt  }
0x68: {  	_ =	shalt  }
0x69: {  	_ =	shalt  }
0x6a: {  	_ =	shalt  }
0x6b: {  	_ =	shalt  }
0x6c: {  	_ =	shalt  }
0x6d: {  	_ =	shalt  }
0x6e: {  	_ =	shalt  }
0x6f: {  	_ =	shalt  }
0x70: {  	_ =	shalt  }
0x71: {  	_ =	shalt  }
0x72: {  	_ =	shalt  }
0x73: {  	_ =	shalt  }
0x74: {  	_ =	shalt  }
0x75: {  	_ =	shalt  }
0x76: {  	_ =	shalt  }
0x77: {  	_ =	shalt  }
0x78: {  	_ =	shalt  }
0x79: {  	_ =	shalt  }
0x7a: {  	_ =	shalt  }
0x7b: {  	_ =	shalt  }
0x7c: {  	_ =	shalt  }
0x7d: {  	_ =	shalt  }
0x7e: {  	_ =	shalt  }
0x7f: {  	_ =	shalt  }
0x80: {  	_ =	shalt  }
0x81: {  	_ =	shalt  }
0x82: {  	_ =	shalt  }
0x83: {  	_ =	shalt  }
0x84: {  	_ =	shalt  }
0x85: {  	_ =	shalt  }
0x86: {  	_ =	shalt  }
0x87: {  	_ =	shalt  }
.Lfunc_end0:
.L_simem_size_0:
called_computation.1_lowered:
.L_overlay_start_0:
0x88: {  	s2 =	sld [smem:$0x3FD9]  }
0x89: {  	s3 =	sld [smem:$0x3FFE];
	_ =	sdelay $0x1  }
0x8a: {  	s1 =	srdreg.scid  }
0x8b: {  	s0 =	sand.u32 $0x1, s1  }
0x8c: {  	s16 =	sshll.u32 s0, $0xA;
	s2 =	sadd.s32 s3, s2  }
0x8d: {  	s2 =	sadd.s32 s2, s16  }
0x8e: {  	[smem:$0x3FC0] =	sst s2  }
0x8f: {  	_ = 	snop  }
0x90: {  	(tm) =	ssettm $0x1  }
0x91: {  	s17 =	sld [smem:$0x3FFB];
	_ =	sdelay $0x3  }
0x92: {  	_ =	strace s17  }
0x93: {  	s2 =	sld [smem:$0x3FFC];
	_ =	sdelay $0x3  }
0x94: {  	_ =	strace s2  }
0x95: {  	s2 =	sld [smem:$0x3FFD];
	_ =	sdelay $0x3  }
0x96: {  	_ =	strace s2  }
0x97: {  	_ =	strace $0x8FFFFFFF  }
0x98: {  	s18 =	sld [smem:$0x3FDB];
	_ =	sdelay $0x1  }
0x99: {  	s19 =	simm.s32 $_scs_section_size  }
0x9a: {  	s4 =	simm.s32 $_size__tile_overlayer_lowered;
	s5 =	simm.s32 $_tile_overlayer_lowered  }
0x9b: {  	s22 =	simm.s32 $0x1BFF;
	s21 =	sshll.u32 s5, $0x1;
	s2 =	sadd.s32 s19, s18  }
0x9c: {  	s6 =	simm.s32 $0x0;
	s20 =	sshll.u32 s4, $0x1;
	s4 =	sadd.s32 s21, s2  }
0x9d: {  	[timem:s6], [sflag:s22] =	dma.local [hbm:s4], s20  }
0x9e: {  	_ =	swait.ge [sflag:s22], s20  }
0x9f: {  	s3 =	ssub.s32 $0x0, s20;
	[sflag:s22] =	ssyncset.done $0x0  }
0xa0: {  	[sflag:s22] =	ssyncadd.s32 s3;
	_ =	sdelay $0x1  }
0xa1: {  	s23 =	simm.s32 $0x1B8B  }
0xa2: {  	_ =	swait.ge [sflag:s23], $0x1  }
0xa3: {  	[sflag:s23] =	ssyncset.done $0x0  }
0xa4: {  	s25 =	simm.s32 $0x1B8E;
	s24 =	sld [smem:$0x3FFE];
	[sflag:s23] =	ssyncadd.s32 $0xFFFFFFFF  }
0xa5: {  	s26 =	simm.s32 $execute0_lowered;
	[smem:$0x3FD2] =	sst s25  }
0xa6: {  	s4 =	sshll.u32 s26, $0x1;
	_ =	strace $0x80000049;
	[dreg:$0x1] =	wrdreg $0xFFFFFFFF  }
0xa7: {  	s28 =	simm.s32 $_size_execute0_lowered;
	s2 =	sadd.s32 s2, s4;
	[dreg:$0x0] =	wrdreg $0x0  }
0xa8: {  	s4 =	sshll.u32 s28, $0x1;
	[dreg:$0x2] =	wrdreg s2  }
0xa9: {  	[dreg:$0x3] =	wrdreg s4  }
0xaa: {  	[dreg:$0x4] =	wrdreg $0xC0  }
0xab: {  	_ =	task [dreg:s6], $0x5FFFF  }
0xac: {  	[dreg:$0x1] =	wrdreg $0xFFFFFFFF  }
0xad: {  	[dreg:$0x0] =	wrdreg $0x60  }
0xae: {  	[dreg:$0x2] =	wrdreg s24  }
0xaf: {  	[dreg:$0x3] =	wrdreg $0x7B200  }
0xb0: {  	[dreg:$0x4] =	wrdreg $0x9  }
0xb1: {  	_ =	task.clear_ibuf [dreg:s6], $0x5FFFF;
	_ =	strace $0x90000049  }
0xb2: {  	s29 =	simm.s32 $0x9;
	_ =	strace $0x8000004B  }
0xb3: {  	_ =	swait.ge [sflag:s29], $0x1  }
0xb4: {  	[sflag:s29] =	ssyncadd.s32 $0xFFFFFFFF  }
0xb5: {  	_ =	strace $0x9000004B  }
0xb6: {  	_ =	sfence  }
0xb7: {  	s30 =	sld [smem:$0x0];
	_ =	sdelay $0x2  }
0xb8: {  	s31 =	sshll.u32 s1, $0xD;
	s1 =	sshrl.u32 s1, $0x2  }
0xb9: {  	s3 =	sand.u32 $0x4000, s31;
	s1 =	sadd.s32 s1, s30  }
0xba: {  	s0 =	sor.u32 s3, s0;
	s1 =	sshll.u32 s1, $0x11  }
0xbb: {  	s0 =	sor.u32 s1, s0  }
0xbc: {  	s0 =	sadd.s32 $0x8F2B, s0  }
0xbd: {  	[sflag:s0] =	ssyncadd.remote.s32 $0x1  }
0xbe: {  	_ =	sfence.sel $0xFFFF  }
0xbf: {  	[dreg:$0x0] =	wrdreg $0xFFFFFFFF;
	(pc) =	sbr.abs _section_cstart, $3  }
0xc0: {  	[dreg:$0x1] =	wrdreg $0xFFFFFFFF  }
0xc1: {  	_ =	task.clear_ibuf [dreg:s6], $0x2FFFF;
	_ =	strace $0x9FFFFFFF  }
0xc2: {  	(tm) =	ssettm $0x7FFFFFFF  }
0xc3: {  	_ =	shalt  }
tec
execute0_lowered:
.L_overlay_start_1:
0x0: {  	(tag) =	ssettag $0x1  }
0x1: {  	s1 =	srdreg.scid;
	s6 =	rddreg [dreg:$0x0]  }
0x2: {  	s0 =	stileid.u32;
	s2 =	rddreg [dreg:$0x1]  }
0x3: {  	s3 =	simm.s32 $0x0;
	s12 =	simm.s32 $0x2;
	s13 =	simm.s32 $0x2710  }
0x4: {  	s14 =	simm.s32 $0x50;
	s15 =	simm.s32 $0x7620;
	s16 =	simm.s32 $0x1  }
0x5: {  	s17 =	simm.s32 $0x0;
	s5 =	sand.u32 $0x1, s1;
	s30 =	sshll.u32 s0, $0x1  }
0x6: {  	s8 =	smul.u32 $0x2800, s0;
	[smem:$0x7FF] =	sst s3;
	s4 =	sadd.s32 $0x1C600, s6  }
0x7: {  	s1 =	sor.u32 s5, s30;
	s9 =	smul.u32 $0x28000, s5;
	s5 =	ssub.s32 $0x2, s5  }
0x8: {  	s7 =	smul.u32 $0x4E2, s1;
	s1 =	rddreg [dreg:$0x2];
	_ =	strace $0x8000004A  }
0x9: {  	s31 =	sshrl.u32 s8, $0x3;
	s11 =	sshrl.u32 s5, $0x1;
	s9 =	sadd.s32 s8, s9  }
0xa: {  	s10 =	sadd.s32 s7, s6;
	s7 =	sadd.s32 s31, s6;
	s9 =	sshrl.u32 s9, $0x3  }
0xb: {  	s11 =	ssub.s32 s5, s11;
	s9 =	sadd.s32 s9, s6;
	s5 =	sadd.s32 $0x17600, s7  }
0xc: {  	s6 =	sadd.s32 s8, s2;
	s7 =	sadd.s32 $0x3800, s10;
	s8 =	sadd.s32 $0xD600, s10  }
0xd: {  	s10 =	smax.u32 s11, $0x1;
	s11 =	simm.s32 $0x4E20;
	s9 =	sadd.s32 $0x21600, s9  }
.LBB2_1:
0xe: {  	[tilespmem:s11], [sflag:$0x2] =	stream.linear.gather [hbm4b:s5+s3], $0x2800, $0x38;
	[tilespmem:$0xA320] =	vst v63  }
0xf: {  	_ =	swait.ge [sflag:s12], $0x2800  }
0x10: {  	[sflag:s12] =	ssyncset.done $0x0  }
0x11: {  	[sflag:s12] =	ssyncadd.s32 $0xFFFFD800  }
0x12: {  	[spmem:s6] =	stream.linear.scatter [tilespmem:s11], [sflag:$0x2], $0x2800, $0x38;
	[tilespmem:$0xA320] =	vst v63  }
0x13: {  	_ =	swait.ge [sflag:s12], $0x2800  }
0x14: {  	[sflag:s12] =	ssyncset.done $0x0  }
0x15: {  	[sflag:s12] =	ssyncadd.s32 $0xFFFFD800  }
0x16: {  	[bflag:$0x0] =	sbarrier.arrive $0xFFFF  }
0x17: {  	[tilespmem:s3], [sflag:$0x2] =	stream.linear.gather [hbm4b:s7+s3], $0x2710, $0x38;
	[tilespmem:$0xA320] =	vst v63  }
0x18: {  	_ =	swait.ge [sflag:s12], $0x2710  }
0x19: {  	[sflag:s12] =	ssyncset.done $0x0  }
0x1a: {  	[sflag:s12] =	ssyncadd.s32 $0xFFFFD8F0  }
0x1b: {  	[tilespmem:s13], [sflag:$0x2] =	stream.linear.gather [hbm4b:s8+s3], $0x2710, $0x38;
	[tilespmem:$0xA320] =	vst v63  }
0x1c: {  	_ =	swait.ge [sflag:s12], $0x2710  }
0x1d: {  	[sflag:s12] =	ssyncset.done $0x0  }
0x1e: {  	s18 =	simm.s32 $0x0;
	[sflag:s12] =	ssyncadd.s32 $0xFFFFD8F0  }
0x1f: {  	[tilespmem:s15], [sflag:$0x1] =	stream.indirect.gather [hbm4b:s4+s14], $0x10, s18, s14, $0xb8;
	[tilespmem:$0xA320] =	vst v63  }
0x20: {  	_ =	swait.ge [sflag:s16], $0x500  }
0x21: {  	[sflag:s16] =	ssyncset.done $0x0  }
0x22: {  	s31 =	simm.s32 $0x2710;
	[sflag:s16] =	ssyncadd.s32 $0xFFFFFB00  }
0x23: {  	[spmem:s2] =	stream.indirect.scatter.add.f32 [tilespmem:s15], [sflag:$0x2], $0x10, s31, s14, $0xb8;
	[tilespmem:$0xA320] =	vst v63  }
0x24: {  	_ =	swait.ge [sflag:s12], $0x500  }
0x25: {  	s19 =	simm.s32 $0x280;
	s18 =	simm.s32 $0x140;
	[sflag:s12] =	ssyncset.done $0x0  }
.LBB2_2:
0x26: {  	s20 =	sshra.s32 s18, $0x2  }
0x27: {  	[sflag:s12] =	ssyncadd.s32 $0xFFFFFB00;
	s18 =	smov.u32 s19;
	s21 =	sadd.s32 $0x140, s19  }
0x28: {  	[tilespmem:s15], [sflag:$0x1] =	stream.indirect.gather [hbm4b:s4+s14], $0x10, s20, s14, $0xb8;
	[tilespmem:$0xA320] =	vst v63  }
0x29: {  	p0 =	sne.s32 s19, $0x9B00;
	_ =	swait.ge [sflag:s16], $0x500  }
.Ltmp0:
0x2a: {  	[sflag:s16] =	ssyncset.done $0x0;
	(pc) =	sbr.rel @p0 .LBB2_2-.Ltmp0, $4  }
0x2b: {  	s19 =	sadd.s32 $0x2710, s20;
	[sflag:s16] =	ssyncadd.s32 $0xFFFFFB00  }
0x2c: {  	[spmem:s2] =	stream.indirect.scatter.add.f32 [tilespmem:s15], [sflag:$0x2], $0x10, s19, s14, $0xb8;
	[tilespmem:$0xA320] =	vst v63  }
0x2d: {  	_ =	swait.ge [sflag:s12], $0x500  }
0x2e: {  	s19 =	smov.u32 s21;
	[sflag:s12] =	ssyncset.done $0x0  }
0x2f: {  	s18 =	sshra.s32 s18, $0x2;
	[sflag:s12] =	ssyncadd.s32 $0xFFFFFB00  }
0x30: {  	[tilespmem:s15], [sflag:$0x1] =	stream.indirect.gather [hbm4b:s4+s14], $0x10, s18, s14, $0xb8;
	[tilespmem:$0xA320] =	vst v63  }
0x31: {  	_ =	swait.ge [sflag:s16], $0x500  }
0x32: {  	[sflag:s16] =	ssyncset.done $0x0  }
0x33: {  	s18 =	sadd.s32 $0x2710, s18;
	[sflag:s16] =	ssyncadd.s32 $0xFFFFFB00  }
0x34: {  	[spmem:s2] =	stream.indirect.scatter.add.f32 [tilespmem:s15], [sflag:$0x2], $0x10, s18, s14, $0xb8;
	[tilespmem:$0xA320] =	vst v63  }
0x35: {  	_ =	swait.ge [sflag:s12], $0x500  }
0x36: {  	[sflag:s12] =	ssyncset.done $0x0  }
0x37: {  	[sflag:s12] =	ssyncadd.s32 $0xFFFFFB00  }
0x38: {  	[bflag:$0x0] =	sbarrier.arrive $0xFFFF  }
0x39: {  	[tilespmem:s11], [sflag:$0x2] =	stream.linear.gather [spmem:s6], $0x2800, $0x38;
	[tilespmem:$0xA320] =	vst v63  }
0x3a: {  	s17 =	sadd.s32 $0x1, s17;
	_ =	swait.ge [sflag:s12], $0x2800  }
0x3b: {  	p0 =	sne.s32 s17, s10;
	[sflag:s12] =	ssyncset.done $0x0  }
.Ltmp1:
0x3c: {  	[sflag:s12] =	ssyncadd.s32 $0xFFFFD800;
	(pc) =	sbr.rel @p0 .LBB2_1-.Ltmp1, $4  }
0x3d: {  	[hbm4b:s9+s3] =	stream.linear.scatter [tilespmem:s11], [sflag:$0x2], $0x2800, $0x38;
	[tilespmem:$0xA320] =	vst v63  }
0x3e: {  	_ =	swait.ge [sflag:s12], $0x2800  }
0x3f: {  	[sflag:s12] =	ssyncset.done $0x0  }
0x40: {  	[sflag:s12] =	ssyncadd.s32 $0xFFFFD800  }
0x41: {  	_ =	sfence.sel $0x180000  }
0x42: {  	[bflag:$0x0] =	sbarrier.arrive $0xFFFF  }
0x43: {  	p0 =	sne.s32 s0, $0x0;
	_ =	strace $0x9000004A  }
0x44: {  	s0 =	sadd.s32 @!p0 $0x100000, s1;
	[bflag:$0x2] =	sbarrier.arrive $0xFFFF  }
0x45: {  	[sflag:s0] =	ssyncadd.tile.s32 @!p0 $0x1;
	_ =	shalt  }
.Lfunc_end2:
_tile_overlayer_lowered:
.L_overlay_start_2:
0x46: {  	(tag) =	ssettag $0x2  }
0x47: {  	s0 =	rddreg [dreg:$0x0];
	s2 =	stileid.u32  }
0x48: {  	s1 =	rddreg [dreg:$0x1];
	p0 =	sne.s32 s2, $0x0  }
0x49: {  	s3 =	rddreg [dreg:$0x2];
	[bflag:$0x3] =	sbarrier.arrive $0xFFFF;
	s2 =	simm.s32 @!p0 $0x1C02  }
0x4a: {  	[timem:s3], [sflag:s2] =	dma.local @!p0 [hbm:s0], s1  }
0x4b: {  	s0 =	simm.s32 @!p0 $0x2  }
0x4c: {  	_ =	swait.ge @!p0 [sflag:s0], s1  }
0x4d: {  	s1 =	ssub.s32 @!p0 $0x0, s1;
	[sflag:s0] =	ssyncset.done @!p0 $0x0  }
0x4e: {  	[sflag:s0] =	ssyncadd.s32 @!p0 s1  }
0x4f: {  	[bflag:$0x3] =	sbarrier.arrive $0xFFFF  }
0x50: {  	_ =	shalt  }

// kernel: kernel.24.cloned.1.call-start
scs
__scs_entry_jumppad:
0x0: {  	(pc) =	sbr.rel $0x88, $3  }
0x1: {  	(tag) =	ssettag $0x0;
	lr =	simm.s32 $0x1  }
0x2: {  	[smem:$0x3F99] =	sst lr;
	_ =	strace $0xD0000000  }
0x3: {  	_ = 	snop  }
0x4: {  	_ = 	snop  }
0x5: {  	_ = 	snop  }
0x6: {  	_ = 	snop  }
0x7: {  	_ = 	snop  }
__scs_overlays_trampoline_lowered:
0x8: {  	[smem:$0x3FA8] =	sst s0  }
0x9: {  	[smem:$0x3FA9] =	sst s1  }
0xa: {  	[smem:$0x3FAA] =	sst s2  }
0xb: {  	[smem:$0x3FAB] =	sst s3  }
0xc: {  	[smem:$0x3FAC] =	sst s4  }
0xd: {  	[smem:$0x3FAD] =	sst s5  }
0xe: {  	[smem:$0x3FAE] =	sst s6  }
0xf: {  	[smem:$0x3FAF] =	sst s7  }
0x10: {  	[smem:$0x3FB0] =	sst s8  }
0x11: {  	[smem:$0x3FB1] =	sst s9;
	s0 =	simm.s32 @!p0 $0x0  }
0x12: {  	s1 =	sld [smem:$0x3F97];
	s0 =	simm.s32 @p0 $0x1  }
0x13: {  	[smem:$0x3FB2] =	sst s0;
	s0 =	simm.s32 @!p1 $0x0  }
0x14: {  	s2 =	sld [smem:$0x3F96];
	s0 =	simm.s32 @p1 $0x1  }
0x15: {  	[smem:$0x3FB3] =	sst s0;
	s0 =	simm.s32 @!p2 $0x0  }
0x16: {  	s3 =	sld [smem:$0x3FDB];
	s0 =	simm.s32 @p2 $0x1  }
0x17: {  	s4 =	simm.s32 $0x1BF5;
	[smem:$0x3FB5] =	sst s0  }
0x18: {  	s0 =	sld [smem:$0x3F98];
	_ =	swait.ge [sflag:s4], $0x0  }
0x19: {  	s7 =	sld [smem:$0x3F99]  }
0x1a: {  	s8 =	sadd.s32 $0xFFFFE003, lr  }
0x1b: {  	s9 =	sadd.s32 $0xFFFFFEF7, lr;
	s5 =	simm.s32 $0xFFFFFFFF;
	p2 =	slt.u32 s8, $0xFFFFF086  }
0x1c: {  	p1 =	slt.u32 s9, $0xF7A;
	s5 =	simm.s32 @!p2 $0x0  }
0x1d: {  	s5 =	simm.s32 @p1 $0x1;
	p0 =	seq.s32 s7, s2  }
0x1e: {  	s7 =	smul.u32 @!p0 $0xF7A, s2;
	p2 =	seq.s32 @!p0 s5, $0x0  }
0x1f: {  	s9 =	smul.u32 $0xF7A, s1;
	s8 =	simm.s32 @!p0 $0x1BF5;
	p2 =	por !p2, p0  }
0x20: {  	[sflag:s8] =	ssyncset.s32 @!p0 $0xFFFFF086;
	s6 =	sadd.s32 @!p0 s3, s7;
	s7 =	simm.s32 @!p0 $0x108  }
0x21: {  	s3 =	sadd.s32 s3, s9;
	s6 =	sadd.s32 @!p0 $0x88, s6;
	s7 =	simm.s32 @p2 $0x1082  }
0x22: {  	[simem:s7], [sflag:s8] =	dma.local @!p0 [hbm:s6], $0xF7A  }
0x23: {  	s9 =	sor.u32 $0xD0000000, s2;
	s6 =	simm.s32 $0x108;
	_ =	swait.ge @!p0 [sflag:s8], $0x0  }
0x24: {  	s3 =	sadd.s32 $0x88, s3;
	s6 =	simm.s32 @!p1 $0x1082;
	[sflag:s4] =	ssyncset.s32 $0xFFFFF086  }
0x25: {  	[simem:s6], [sflag:s4] =	dma.local [hbm:s3], $0xF7A  }
0x26: {  	[smem:$0x3F99] =	sst s1;
	(tag) =	ssettag s2;
	_ =	strace s9  }
0x27: {  	s1 =	sld [smem:$0x3FA9]  }
0x28: {  	s2 =	sld [smem:$0x3FAA]  }
0x29: {  	s4 =	sld [smem:$0x3FAC]  }
0x2a: {  	p0 =	seq.s32 s5, $0x0;
	s5 =	sld [smem:$0x3FAD]  }
0x2b: {  	s6 =	sld [smem:$0x3FAE]  }
0x2c: {  	s7 =	sld [smem:$0x3FAF]  }
0x2d: {  	s3 =	simm.s32 $0x108;
	s8 =	sld [smem:$0x3FB0]  }
0x2e: {  	s3 =	simm.s32 @!p0 $0x1082;
	s9 =	sld [smem:$0x3FB1]  }
0x2f: {  	lr =	sadd.s32 s0, s3;
	s0 =	sld [smem:$0x3FA8]  }
0x30: {  	s3 =	sld [smem:$0x3FAB]  }
0x31: {  	[smem:$0x3FB4] =	sst s10  }
0x32: {  	s10 =	sld [smem:$0x3FB2];
	_ =	sdelay $0x3  }
0x33: {  	p0 =	seq.s32 s10, $0x1;
	s10 =	sld [smem:$0x3FB4];
	_ =	sdelay $0x3  }
0x34: {  	[smem:$0x3FB4] =	sst s10  }
0x35: {  	s10 =	sld [smem:$0x3FB3];
	_ =	sdelay $0x3  }
0x36: {  	p1 =	seq.s32 s10, $0x1;
	s10 =	sld [smem:$0x3FB4];
	_ =	sdelay $0x3  }
0x37: {  	[smem:$0x3FB4] =	sst s10  }
0x38: {  	s10 =	sld [smem:$0x3FB5]  }
0x39: {  	_ = 	snop;
	(pc) =	sbr.ind lr, $3  }
0x3a: {  	_ = 	snop  }
0x3b: {  	_ = 	snop  }
0x3c: {  	p2 =	seq.s32 s10, $0x1;
	s10 =	sld [smem:$0x3FB4]  }
0x3d: {  	_ =	shalt  }
0x3e: {  	_ =	shalt  }
0x3f: {  	_ =	shalt  }
0x40: {  	_ =	shalt  }
0x41: {  	_ =	shalt  }
0x42: {  	_ =	shalt  }
0x43: {  	_ =	shalt  }
0x44: {  	_ =	shalt  }
0x45: {  	_ =	shalt  }
0x46: {  	_ =	shalt  }
0x47: {  	_ =	shalt  }
0x48: {  	_ =	shalt  }
0x49: {  	_ =	shalt  }
0x4a: {  	_ =	shalt  }
0x4b: {  	_ =	shalt  }
0x4c: {  	_ =	shalt  }
0x4d: {  	_ =	shalt  }
0x4e: {  	_ =	shalt  }
0x4f: {  	_ =	shalt  }
0x50: {  	_ =	shalt  }
0x51: {  	_ =	shalt  }
0x52: {  	_ =	shalt  }
0x53: {  	_ =	shalt  }
0x54: {  	_ =	shalt  }
0x55: {  	_ =	shalt  }
0x56: {  	_ =	shalt  }
0x57: {  	_ =	shalt  }
0x58: {  	_ =	shalt  }
0x59: {  	_ =	shalt  }
0x5a: {  	_ =	shalt  }
0x5b: {  	_ =	shalt  }
0x5c: {  	_ =	shalt  }
0x5d: {  	_ =	shalt  }
0x5e: {  	_ =	shalt  }
0x5f: {  	_ =	shalt  }
0x60: {  	_ =	shalt  }
0x61: {  	_ =	shalt  }
0x62: {  	_ =	shalt  }
0x63: {  	_ =	shalt  }
0x64: {  	_ =	shalt  }
0x65: {  	_ =	shalt  }
0x66: {  	_ =	shalt  }
0x67: {  	_ =	shalt  }
0x68: {  	_ =	shalt  }
0x69: {  	_ =	shalt  }
0x6a: {  	_ =	shalt  }
0x6b: {  	_ =	shalt  }
0x6c: {  	_ =	shalt  }
0x6d: {  	_ =	shalt  }
0x6e: {  	_ =	shalt  }
0x6f: {  	_ =	shalt  }
0x70: {  	_ =	shalt  }
0x71: {  	_ =	shalt  }
0x72: {  	_ =	shalt  }
0x73: {  	_ =	shalt  }
0x74: {  	_ =	shalt  }
0x75: {  	_ =	shalt  }
0x76: {  	_ =	shalt  }
0x77: {  	_ =	shalt  }
0x78: {  	_ =	shalt  }
0x79: {  	_ =	shalt  }
0x7a: {  	_ =	shalt  }
0x7b: {  	_ =	shalt  }
0x7c: {  	_ =	shalt  }
0x7d: {  	_ =	shalt  }
0x7e: {  	_ =	shalt  }
0x7f: {  	_ =	shalt  }
0x80: {  	_ =	shalt  }
0x81: {  	_ =	shalt  }
0x82: {  	_ =	shalt  }
0x83: {  	_ =	shalt  }
0x84: {  	_ =	shalt  }
0x85: {  	_ =	shalt  }
0x86: {  	_ =	shalt  }
0x87: {  	_ =	shalt  }
.Lfunc_end0:
.L_simem_size_0:
called_computation.2_lowered:
.L_overlay_start_0:
0x88: {  	s2 =	sld [smem:$0x3FD9]  }
0x89: {  	s3 =	sld [smem:$0x3FFE];
	_ =	sdelay $0x1  }
0x8a: {  	s1 =	srdreg.scid  }
0x8b: {  	s0 =	sand.u32 $0x1, s1  }
0x8c: {  	s16 =	sshll.u32 s0, $0xA;
	s2 =	sadd.s32 s3, s2  }
0x8d: {  	s2 =	sadd.s32 s2, s16  }
0x8e: {  	[smem:$0x3FC0] =	sst s2  }
0x8f: {  	_ = 	snop  }
0x90: {  	(tm) =	ssettm $0x1  }
0x91: {  	s17 =	sld [smem:$0x3FFB];
	_ =	sdelay $0x3  }
0x92: {  	_ =	strace s17  }
0x93: {  	s2 =	sld [smem:$0x3FFC];
	_ =	sdelay $0x3  }
0x94: {  	_ =	strace s2  }
0x95: {  	s2 =	sld [smem:$0x3FFD];
	_ =	sdelay $0x3  }
0x96: {  	_ =	strace s2  }
0x97: {  	_ =	strace $0x8FFFFFFF  }
0x98: {  	s18 =	sld [smem:$0x3FDB];
	_ =	sdelay $0x1  }
0x99: {  	s19 =	simm.s32 $_scs_section_size  }
0x9a: {  	s4 =	simm.s32 $_size__tile_overlayer_lowered;
	s5 =	simm.s32 $_tile_overlayer_lowered  }
0x9b: {  	s22 =	simm.s32 $0x1BFF;
	s21 =	sshll.u32 s5, $0x1;
	s2 =	sadd.s32 s19, s18  }
0x9c: {  	s6 =	simm.s32 $0x0;
	s20 =	sshll.u32 s4, $0x1;
	s4 =	sadd.s32 s21, s2  }
0x9d: {  	[timem:s6], [sflag:s22] =	dma.local [hbm:s4], s20  }
0x9e: {  	_ =	swait.ge [sflag:s22], s20  }
0x9f: {  	s3 =	ssub.s32 $0x0, s20;
	[sflag:s22] =	ssyncset.done $0x0  }
0xa0: {  	[sflag:s22] =	ssyncadd.s32 s3;
	_ =	sdelay $0x1  }
0xa1: {  	s23 =	simm.s32 $0x1B8B  }
0xa2: {  	_ =	swait.ge [sflag:s23], $0x1  }
0xa3: {  	[sflag:s23] =	ssyncset.done $0x0  }
0xa4: {  	s25 =	simm.s32 $0x1B8E;
	s24 =	sld [smem:$0x3FFE];
	[sflag:s23] =	ssyncadd.s32 $0xFFFFFFFF  }
0xa5: {  	s26 =	simm.s32 $execute0_lowered;
	[smem:$0x3FD2] =	sst s25  }
0xa6: {  	s4 =	sshll.u32 s26, $0x1;
	_ =	strace $0x8000004C;
	[dreg:$0x1] =	wrdreg $0xFFFFFFFF  }
0xa7: {  	s28 =	simm.s32 $_size_execute0_lowered;
	s2 =	sadd.s32 s2, s4;
	[dreg:$0x0] =	wrdreg $0x0  }
0xa8: {  	s4 =	sshll.u32 s28, $0x1;
	[dreg:$0x2] =	wrdreg s2  }
0xa9: {  	[dreg:$0x3] =	wrdreg s4  }
0xaa: {  	[dreg:$0x4] =	wrdreg $0xC0  }
0xab: {  	_ =	task [dreg:s6], $0x5FFFF  }
0xac: {  	[dreg:$0x1] =	wrdreg $0xFFFFFFFF  }
0xad: {  	[dreg:$0x0] =	wrdreg $0x60  }
0xae: {  	[dreg:$0x2] =	wrdreg s24  }
0xaf: {  	[dreg:$0x3] =	wrdreg $0x7B200  }
0xb0: {  	[dreg:$0x4] =	wrdreg $0x9  }
0xb1: {  	_ =	task.clear_ibuf [dreg:s6], $0x5FFFF;
	_ =	strace $0x9000004C  }
0xb2: {  	s29 =	simm.s32 $0x9;
	_ =	strace $0x8000004E  }
0xb3: {  	_ =	swait.ge [sflag:s29], $0x1  }
0xb4: {  	[sflag:s29] =	ssyncadd.s32 $0xFFFFFFFF  }
0xb5: {  	_ =	strace $0x9000004E  }
0xb6: {  	_ =	sfence  }
0xb7: {  	s30 =	sld [smem:$0x0];
	_ =	sdelay $0x2  }
0xb8: {  	s31 =	sshll.u32 s1, $0xD;
	s1 =	sshrl.u32 s1, $0x2  }
0xb9: {  	s3 =	sand.u32 $0x4000, s31;
	s1 =	sadd.s32 s1, s30  }
0xba: {  	s0 =	sor.u32 s3, s0;
	s1 =	sshll.u32 s1, $0x11  }
0xbb: {  	s0 =	sor.u32 s1, s0  }
0xbc: {  	s0 =	sadd.s32 $0x8F2B, s0  }
0xbd: {  	[sflag:s0] =	ssyncadd.remote.s32 $0x1  }
0xbe: {  	_ =	sfence.sel $0xFFFF  }
0xbf: {  	[dreg:$0x0] =	wrdreg $0xFFFFFFFF;
	(pc) =	sbr.abs _section_cstart, $3  }
0xc0: {  	[dreg:$0x1] =	wrdreg $0xFFFFFFFF  }
0xc1: {  	_ =	task.clear_ibuf [dreg:s6], $0x2FFFF;
	_ =	strace $0x9FFFFFFF  }
0xc2: {  	(tm) =	ssettm $0x7FFFFFFF  }
0xc3: {  	_ =	shalt  }
tec
execute0_lowered:
.L_overlay_start_1:
0x0: {  	(tag) =	ssettag $0x1  }
0x1: {  	s1 =	srdreg.scid;
	s6 =	rddreg [dreg:$0x0]  }
0x2: {  	s0 =	stileid.u32;
	s2 =	rddreg [dreg:$0x1]  }
0x3: {  	s3 =	simm.s32 $0x0;
	s12 =	simm.s32 $0x2;
	s13 =	simm.s32 $0x2710  }
0x4: {  	s14 =	simm.s32 $0x50;
	s15 =	simm.s32 $0x7620;
	s16 =	simm.s32 $0x1  }
0x5: {  	s17 =	simm.s32 $0x0;
	s5 =	sand.u32 $0x1, s1;
	s30 =	sshll.u32 s0, $0x1  }
0x6: {  	s8 =	smul.u32 $0x2800, s0;
	[smem:$0x7FF] =	sst s3;
	s4 =	sadd.s32 $0x1C600, s6  }
0x7: {  	s1 =	sor.u32 s5, s30;
	s9 =	smul.u32 $0x28000, s5;
	s5 =	ssub.s32 $0x2, s5  }
0x8: {  	s7 =	smul.u32 $0x4E2, s1;
	s1 =	rddreg [dreg:$0x2];
	_ =	strace $0x8000004D  }
0x9: {  	s31 =	sshrl.u32 s8, $0x3;
	s11 =	sshrl.u32 s5, $0x1;
	s9 =	sadd.s32 s8, s9  }
0xa: {  	s10 =	sadd.s32 s7, s6;
	s7 =	sadd.s32 s31, s6;
	s9 =	sshrl.u32 s9, $0x3  }
0xb: {  	s11 =	ssub.s32 s5, s11;
	s9 =	sadd.s32 s9, s6;
	s5 =	sadd.s32 $0x17600, s7  }
0xc: {  	s6 =	sadd.s32 s8, s2;
	s7 =	sadd.s32 $0x3800, s10;
	s8 =	sadd.s32 $0xD600, s10  }
0xd: {  	s10 =	smax.u32 s11, $0x1;
	s11 =	simm.s32 $0x4E20;
	s9 =	sadd.s32 $0x21600, s9  }
.LBB2_1:
0xe: {  	[tilespmem:s11], [sflag:$0x2] =	stream.linear.gather [hbm4b:s5+s3], $0x2800, $0x38;
	[tilespmem:$0xA320] =	vst v63  }
0xf: {  	_ =	swait.ge [sflag:s12], $0x2800  }
0x10: {  	[sflag:s12] =	ssyncset.done $0x0  }
0x11: {  	[sflag:s12] =	ssyncadd.s32 $0xFFFFD800  }
0x12: {  	[spmem:s6] =	stream.linear.scatter [tilespmem:s11], [sflag:$0x2], $0x2800, $0x38;
	[tilespmem:$0xA320] =	vst v63  }
0x13: {  	_ =	swait.ge [sflag:s12], $0x2800  }
0x14: {  	[sflag:s12] =	ssyncset.done $0x0  }
0x15: {  	[sflag:s12] =	ssyncadd.s32 $0xFFFFD800  }
0x16: {  	[bflag:$0x0] =	sbarrier.arrive $0xFFFF  }
0x17: {  	[tilespmem:s3], [sflag:$0x2] =	stream.linear.gather [hbm4b:s7+s3], $0x2710, $0x38;
	[tilespmem:$0xA320] =	vst v63  }
0x18: {  	_ =	swait.ge [sflag:s12], $0x2710  }
0x19: {  	[sflag:s12] =	ssyncset.done $0x0  }
0x1a: {  	[sflag:s12] =	ssyncadd.s32 $0xFFFFD8F0  }
0x1b: {  	[tilespmem:s13], [sflag:$0x2] =	stream.linear.gather [hbm4b:s8+s3], $0x2710, $0x38;
	[tilespmem:$0xA320] =	vst v63  }
0x1c: {  	_ =	swait.ge [sflag:s12], $0x2710  }
0x1d: {  	[sflag:s12] =	ssyncset.done $0x0  }
0x1e: {  	s18 =	simm.s32 $0x0;
	[sflag:s12] =	ssyncadd.s32 $0xFFFFD8F0  }
0x1f: {  	[tilespmem:s15], [sflag:$0x1] =	stream.indirect.gather [hbm4b:s4+s14], $0x10, s18, s14, $0xb8;
	[tilespmem:$0xA320] =	vst v63  }
0x20: {  	_ =	swait.ge [sflag:s16], $0x500  }
0x21: {  	[sflag:s16] =	ssyncset.done $0x0  }
0x22: {  	s31 =	simm.s32 $0x2710;
	[sflag:s16] =	ssyncadd.s32 $0xFFFFFB00  }
0x23: {  	[spmem:s2] =	stream.indirect.scatter.add.f32 [tilespmem:s15], [sflag:$0x2], $0x10, s31, s14, $0xb8;
	[tilespmem:$0xA320] =	vst v63  }
0x24: {  	_ =	swait.ge [sflag:s12], $0x500  }
0x25: {  	s19 =	simm.s32 $0x280;
	s18 =	simm.s32 $0x140;
	[sflag:s12] =	ssyncset.done $0x0  }
.LBB2_2:
0x26: {  	s20 =	sshra.s32 s18, $0x2  }
0x27: {  	[sflag:s12] =	ssyncadd.s32 $0xFFFFFB00;
	s18 =	smov.u32 s19;
	s21 =	sadd.s32 $0x140, s19  }
0x28: {  	[tilespmem:s15], [sflag:$0x1] =	stream.indirect.gather [hbm4b:s4+s14], $0x10, s20, s14, $0xb8;
	[tilespmem:$0xA320] =	vst v63  }
0x29: {  	p0 =	sne.s32 s19, $0x9B00;
	_ =	swait.ge [sflag:s16], $0x500  }
.Ltmp0:
0x2a: {  	[sflag:s16] =	ssyncset.done $0x0;
	(pc) =	sbr.rel @p0 .LBB2_2-.Ltmp0, $4  }
0x2b: {  	s19 =	sadd.s32 $0x2710, s20;
	[sflag:s16] =	ssyncadd.s32 $0xFFFFFB00  }
0x2c: {  	[spmem:s2] =	stream.indirect.scatter.add.f32 [tilespmem:s15], [sflag:$0x2], $0x10, s19, s14, $0xb8;
	[tilespmem:$0xA320] =	vst v63  }
0x2d: {  	_ =	swait.ge [sflag:s12], $0x500  }
0x2e: {  	s19 =	smov.u32 s21;
	[sflag:s12] =	ssyncset.done $0x0  }
0x2f: {  	s18 =	sshra.s32 s18, $0x2;
	[sflag:s12] =	ssyncadd.s32 $0xFFFFFB00  }
0x30: {  	[tilespmem:s15], [sflag:$0x1] =	stream.indirect.gather [hbm4b:s4+s14], $0x10, s18, s14, $0xb8;
	[tilespmem:$0xA320] =	vst v63  }
0x31: {  	_ =	swait.ge [sflag:s16], $0x500  }
0x32: {  	[sflag:s16] =	ssyncset.done $0x0  }
0x33: {  	s18 =	sadd.s32 $0x2710, s18;
	[sflag:s16] =	ssyncadd.s32 $0xFFFFFB00  }
0x34: {  	[spmem:s2] =	stream.indirect.scatter.add.f32 [tilespmem:s15], [sflag:$0x2], $0x10, s18, s14, $0xb8;
	[tilespmem:$0xA320] =	vst v63  }
0x35: {  	_ =	swait.ge [sflag:s12], $0x500  }
0x36: {  	[sflag:s12] =	ssyncset.done $0x0  }
0x37: {  	[sflag:s12] =	ssyncadd.s32 $0xFFFFFB00  }
0x38: {  	[bflag:$0x0] =	sbarrier.arrive $0xFFFF  }
0x39: {  	[tilespmem:s11], [sflag:$0x2] =	stream.linear.gather [spmem:s6], $0x2800, $0x38;
	[tilespmem:$0xA320] =	vst v63  }
0x3a: {  	s17 =	sadd.s32 $0x1, s17;
	_ =	swait.ge [sflag:s12], $0x2800  }
0x3b: {  	p0 =	sne.s32 s17, s10;
	[sflag:s12] =	ssyncset.done $0x0  }
.Ltmp1:
0x3c: {  	[sflag:s12] =	ssyncadd.s32 $0xFFFFD800;
	(pc) =	sbr.rel @p0 .LBB2_1-.Ltmp1, $4  }
0x3d: {  	[hbm4b:s9+s3] =	stream.linear.scatter [tilespmem:s11], [sflag:$0x2], $0x2800, $0x38;
	[tilespmem:$0xA320] =	vst v63  }
0x3e: {  	_ =	swait.ge [sflag:s12], $0x2800  }
0x3f: {  	[sflag:s12] =	ssyncset.done $0x0  }
0x40: {  	[sflag:s12] =	ssyncadd.s32 $0xFFFFD800  }
0x41: {  	_ =	sfence.sel $0x180000  }
0x42: {  	[bflag:$0x0] =	sbarrier.arrive $0xFFFF  }
0x43: {  	p0 =	sne.s32 s0, $0x0;
	_ =	strace $0x9000004D  }
0x44: {  	s0 =	sadd.s32 @!p0 $0x100000, s1;
	[bflag:$0x2] =	sbarrier.arrive $0xFFFF  }
0x45: {  	[sflag:s0] =	ssyncadd.tile.s32 @!p0 $0x1;
	_ =	shalt  }
.Lfunc_end2:
_tile_overlayer_lowered:
.L_overlay_start_2:
0x46: {  	(tag) =	ssettag $0x2  }
0x47: {  	s0 =	rddreg [dreg:$0x0];
	s2 =	stileid.u32  }
0x48: {  	s1 =	rddreg [dreg:$0x1];
	p0 =	sne.s32 s2, $0x0  }
0x49: {  	s3 =	rddreg [dreg:$0x2];
	[bflag:$0x3] =	sbarrier.arrive $0xFFFF;
	s2 =	simm.s32 @!p0 $0x1C02  }
0x4a: {  	[timem:s3], [sflag:s2] =	dma.local @!p0 [hbm:s0], s1  }
0x4b: {  	s0 =	simm.s32 @!p0 $0x2  }
0x4c: {  	_ =	swait.ge @!p0 [sflag:s0], s1  }
0x4d: {  	s1 =	ssub.s32 @!p0 $0x0, s1;
	[sflag:s0] =	ssyncset.done @!p0 $0x0  }
0x4e: {  	[sflag:s0] =	ssyncadd.s32 @!p0 s1  }
0x4f: {  	[bflag:$0x3] =	sbarrier.arrive $0xFFFF  }
0x50: {  	_ =	shalt  }

// kernel: kernel.27.cloned.1.call-start
scs
__scs_entry_jumppad:
0x0: {  	(pc) =	sbr.rel $0x88, $3  }
0x1: {  	(tag) =	ssettag $0x0;
	lr =	simm.s32 $0x1  }
0x2: {  	[smem:$0x3F99] =	sst lr;
	_ =	strace $0xD0000000  }
0x3: {  	_ = 	snop  }
0x4: {  	_ = 	snop  }
0x5: {  	_ = 	snop  }
0x6: {  	_ = 	snop  }
0x7: {  	_ = 	snop  }
__scs_overlays_trampoline_lowered:
0x8: {  	[smem:$0x3FA8] =	sst s0  }
0x9: {  	[smem:$0x3FA9] =	sst s1  }
0xa: {  	[smem:$0x3FAA] =	sst s2  }
0xb: {  	[smem:$0x3FAB] =	sst s3  }
0xc: {  	[smem:$0x3FAC] =	sst s4  }
0xd: {  	[smem:$0x3FAD] =	sst s5  }
0xe: {  	[smem:$0x3FAE] =	sst s6  }
0xf: {  	[smem:$0x3FAF] =	sst s7  }
0x10: {  	[smem:$0x3FB0] =	sst s8  }
0x11: {  	[smem:$0x3FB1] =	sst s9;
	s0 =	simm.s32 @!p0 $0x0  }
0x12: {  	s1 =	sld [smem:$0x3F97];
	s0 =	simm.s32 @p0 $0x1  }
0x13: {  	[smem:$0x3FB2] =	sst s0;
	s0 =	simm.s32 @!p1 $0x0  }
0x14: {  	s2 =	sld [smem:$0x3F96];
	s0 =	simm.s32 @p1 $0x1  }
0x15: {  	[smem:$0x3FB3] =	sst s0;
	s0 =	simm.s32 @!p2 $0x0  }
0x16: {  	s3 =	sld [smem:$0x3FDB];
	s0 =	simm.s32 @p2 $0x1  }
0x17: {  	s4 =	simm.s32 $0x1BF5;
	[smem:$0x3FB5] =	sst s0  }
0x18: {  	s0 =	sld [smem:$0x3F98];
	_ =	swait.ge [sflag:s4], $0x0  }
0x19: {  	s7 =	sld [smem:$0x3F99]  }
0x1a: {  	s8 =	sadd.s32 $0xFFFFE003, lr  }
0x1b: {  	s9 =	sadd.s32 $0xFFFFFEF7, lr;
	s5 =	simm.s32 $0xFFFFFFFF;
	p2 =	slt.u32 s8, $0xFFFFF086  }
0x1c: {  	p1 =	slt.u32 s9, $0xF7A;
	s5 =	simm.s32 @!p2 $0x0  }
0x1d: {  	s5 =	simm.s32 @p1 $0x1;
	p0 =	seq.s32 s7, s2  }
0x1e: {  	s7 =	smul.u32 @!p0 $0xF7A, s2;
	p2 =	seq.s32 @!p0 s5, $0x0  }
0x1f: {  	s9 =	smul.u32 $0xF7A, s1;
	s8 =	simm.s32 @!p0 $0x1BF5;
	p2 =	por !p2, p0  }
0x20: {  	[sflag:s8] =	ssyncset.s32 @!p0 $0xFFFFF086;
	s6 =	sadd.s32 @!p0 s3, s7;
	s7 =	simm.s32 @!p0 $0x108  }
0x21: {  	s3 =	sadd.s32 s3, s9;
	s6 =	sadd.s32 @!p0 $0x88, s6;
	s7 =	simm.s32 @p2 $0x1082  }
0x22: {  	[simem:s7], [sflag:s8] =	dma.local @!p0 [hbm:s6], $0xF7A  }
0x23: {  	s9 =	sor.u32 $0xD0000000, s2;
	s6 =	simm.s32 $0x108;
	_ =	swait.ge @!p0 [sflag:s8], $0x0  }
0x24: {  	s3 =	sadd.s32 $0x88, s3;
	s6 =	simm.s32 @!p1 $0x1082;
	[sflag:s4] =	ssyncset.s32 $0xFFFFF086  }
0x25: {  	[simem:s6], [sflag:s4] =	dma.local [hbm:s3], $0xF7A  }
0x26: {  	[smem:$0x3F99] =	sst s1;
	(tag) =	ssettag s2;
	_ =	strace s9  }
0x27: {  	s1 =	sld [smem:$0x3FA9]  }
0x28: {  	s2 =	sld [smem:$0x3FAA]  }
0x29: {  	s4 =	sld [smem:$0x3FAC]  }
0x2a: {  	p0 =	seq.s32 s5, $0x0;
	s5 =	sld [smem:$0x3FAD]  }
0x2b: {  	s6 =	sld [smem:$0x3FAE]  }
0x2c: {  	s7 =	sld [smem:$0x3FAF]  }
0x2d: {  	s3 =	simm.s32 $0x108;
	s8 =	sld [smem:$0x3FB0]  }
0x2e: {  	s3 =	simm.s32 @!p0 $0x1082;
	s9 =	sld [smem:$0x3FB1]  }
0x2f: {  	lr =	sadd.s32 s0, s3;
	s0 =	sld [smem:$0x3FA8]  }
0x30: {  	s3 =	sld [smem:$0x3FAB]  }
0x31: {  	[smem:$0x3FB4] =	sst s10  }
0x32: {  	s10 =	sld [smem:$0x3FB2];
	_ =	sdelay $0x3  }
0x33: {  	p0 =	seq.s32 s10, $0x1;
	s10 =	sld [smem:$0x3FB4];
	_ =	sdelay $0x3  }
0x34: {  	[smem:$0x3FB4] =	sst s10  }
0x35: {  	s10 =	sld [smem:$0x3FB3];
	_ =	sdelay $0x3  }
0x36: {  	p1 =	seq.s32 s10, $0x1;
	s10 =	sld [smem:$0x3FB4];
	_ =	sdelay $0x3  }
0x37: {  	[smem:$0x3FB4] =	sst s10  }
0x38: {  	s10 =	sld [smem:$0x3FB5]  }
0x39: {  	_ = 	snop;
	(pc) =	sbr.ind lr, $3  }
0x3a: {  	_ = 	snop  }
0x3b: {  	_ = 	snop  }
0x3c: {  	p2 =	seq.s32 s10, $0x1;
	s10 =	sld [smem:$0x3FB4]  }
0x3d: {  	_ =	shalt  }
0x3e: {  	_ =	shalt  }
0x3f: {  	_ =	shalt  }
0x40: {  	_ =	shalt  }
0x41: {  	_ =	shalt  }
0x42: {  	_ =	shalt  }
0x43: {  	_ =	shalt  }
0x44: {  	_ =	shalt  }
0x45: {  	_ =	shalt  }
0x46: {  	_ =	shalt  }
0x47: {  	_ =	shalt  }
0x48: {  	_ =	shalt  }
0x49: {  	_ =	shalt  }
0x4a: {  	_ =	shalt  }
0x4b: {  	_ =	shalt  }
0x4c: {  	_ =	shalt  }
0x4d: {  	_ =	shalt  }
0x4e: {  	_ =	shalt  }
0x4f: {  	_ =	shalt  }
0x50: {  	_ =	shalt  }
0x51: {  	_ =	shalt  }
0x52: {  	_ =	shalt  }
0x53: {  	_ =	shalt  }
0x54: {  	_ =	shalt  }
0x55: {  	_ =	shalt  }
0x56: {  	_ =	shalt  }
0x57: {  	_ =	shalt  }
0x58: {  	_ =	shalt  }
0x59: {  	_ =	shalt  }
0x5a: {  	_ =	shalt  }
0x5b: {  	_ =	shalt  }
0x5c: {  	_ =	shalt  }
0x5d: {  	_ =	shalt  }
0x5e: {  	_ =	shalt  }
0x5f: {  	_ =	shalt  }
0x60: {  	_ =	shalt  }
0x61: {  	_ =	shalt  }
0x62: {  	_ =	shalt  }
0x63: {  	_ =	shalt  }
0x64: {  	_ =	shalt  }
0x65: {  	_ =	shalt  }
0x66: {  	_ =	shalt  }
0x67: {  	_ =	shalt  }
0x68: {  	_ =	shalt  }
0x69: {  	_ =	shalt  }
0x6a: {  	_ =	shalt  }
0x6b: {  	_ =	shalt  }
0x6c: {  	_ =	shalt  }
0x6d: {  	_ =	shalt  }
0x6e: {  	_ =	shalt  }
0x6f: {  	_ =	shalt  }
0x70: {  	_ =	shalt  }
0x71: {  	_ =	shalt  }
0x72: {  	_ =	shalt  }
0x73: {  	_ =	shalt  }
0x74: {  	_ =	shalt  }
0x75: {  	_ =	shalt  }
0x76: {  	_ =	shalt  }
0x77: {  	_ =	shalt  }
0x78: {  	_ =	shalt  }
0x79: {  	_ =	shalt  }
0x7a: {  	_ =	shalt  }
0x7b: {  	_ =	shalt  }
0x7c: {  	_ =	shalt  }
0x7d: {  	_ =	shalt  }
0x7e: {  	_ =	shalt  }
0x7f: {  	_ =	shalt  }
0x80: {  	_ =	shalt  }
0x81: {  	_ =	shalt  }
0x82: {  	_ =	shalt  }
0x83: {  	_ =	shalt  }
0x84: {  	_ =	shalt  }
0x85: {  	_ =	shalt  }
0x86: {  	_ =	shalt  }
0x87: {  	_ =	shalt  }
.Lfunc_end0:
.L_simem_size_0:
called_computation.3_lowered:
.L_overlay_start_0:
0x88: {  	s2 =	sld [smem:$0x3FD9]  }
0x89: {  	s3 =	sld [smem:$0x3FFE];
	_ =	sdelay $0x1  }
0x8a: {  	s1 =	srdreg.scid  }
0x8b: {  	s0 =	sand.u32 $0x1, s1  }
0x8c: {  	s16 =	sshll.u32 s0, $0xA;
	s2 =	sadd.s32 s3, s2  }
0x8d: {  	s2 =	sadd.s32 s2, s16  }
0x8e: {  	[smem:$0x3FC0] =	sst s2  }
0x8f: {  	_ = 	snop  }
0x90: {  	(tm) =	ssettm $0x1  }
0x91: {  	s17 =	sld [smem:$0x3FFB];
	_ =	sdelay $0x3  }
0x92: {  	_ =	strace s17  }
0x93: {  	s2 =	sld [smem:$0x3FFC];
	_ =	sdelay $0x3  }
0x94: {  	_ =	strace s2  }
0x95: {  	s2 =	sld [smem:$0x3FFD];
	_ =	sdelay $0x3  }
0x96: {  	_ =	strace s2  }
0x97: {  	_ =	strace $0x8FFFFFFF  }
0x98: {  	s18 =	sld [smem:$0x3FDB];
	_ =	sdelay $0x1  }
0x99: {  	s19 =	simm.s32 $_scs_section_size  }
0x9a: {  	s4 =	simm.s32 $_size__tile_overlayer_lowered;
	s5 =	simm.s32 $_tile_overlayer_lowered  }
0x9b: {  	s22 =	simm.s32 $0x1BFF;
	s21 =	sshll.u32 s5, $0x1;
	s2 =	sadd.s32 s19, s18  }
0x9c: {  	s6 =	simm.s32 $0x0;
	s20 =	sshll.u32 s4, $0x1;
	s4 =	sadd.s32 s21, s2  }
0x9d: {  	[timem:s6], [sflag:s22] =	dma.local [hbm:s4], s20  }
0x9e: {  	_ =	swait.ge [sflag:s22], s20  }
0x9f: {  	s3 =	ssub.s32 $0x0, s20;
	[sflag:s22] =	ssyncset.done $0x0  }
0xa0: {  	[sflag:s22] =	ssyncadd.s32 s3;
	_ =	sdelay $0x1  }
0xa1: {  	s23 =	simm.s32 $0x1B8B  }
0xa2: {  	_ =	swait.ge [sflag:s23], $0x1  }
0xa3: {  	[sflag:s23] =	ssyncset.done $0x0  }
0xa4: {  	s25 =	simm.s32 $0x1B8E;
	s24 =	sld [smem:$0x3FFE];
	[sflag:s23] =	ssyncadd.s32 $0xFFFFFFFF  }
0xa5: {  	s26 =	simm.s32 $execute0_lowered;
	[smem:$0x3FD2] =	sst s25  }
0xa6: {  	s4 =	sshll.u32 s26, $0x1;
	_ =	strace $0x8000004F;
	[dreg:$0x1] =	wrdreg $0xFFFFFFFF  }
0xa7: {  	s28 =	simm.s32 $_size_execute0_lowered;
	s2 =	sadd.s32 s2, s4;
	[dreg:$0x0] =	wrdreg $0x0  }
0xa8: {  	s4 =	sshll.u32 s28, $0x1;
	[dreg:$0x2] =	wrdreg s2  }
0xa9: {  	[dreg:$0x3] =	wrdreg s4  }
0xaa: {  	[dreg:$0x4] =	wrdreg $0xC0  }
0xab: {  	_ =	task [dreg:s6], $0x5FFFF  }
0xac: {  	[dreg:$0x1] =	wrdreg $0xFFFFFFFF  }
0xad: {  	[dreg:$0x0] =	wrdreg $0x60  }
0xae: {  	[dreg:$0x2] =	wrdreg s24  }
0xaf: {  	[dreg:$0x3] =	wrdreg $0x7B200  }
0xb0: {  	[dreg:$0x4] =	wrdreg $0x9  }
0xb1: {  	_ =	task.clear_ibuf [dreg:s6], $0x5FFFF;
	_ =	strace $0x9000004F  }
0xb2: {  	s29 =	simm.s32 $0x9;
	_ =	strace $0x80000051  }
0xb3: {  	_ =	swait.ge [sflag:s29], $0x1  }
0xb4: {  	[sflag:s29] =	ssyncadd.s32 $0xFFFFFFFF  }
0xb5: {  	_ =	strace $0x90000051  }
0xb6: {  	_ =	sfence  }
0xb7: {  	s30 =	sld [smem:$0x0];
	_ =	sdelay $0x2  }
0xb8: {  	s31 =	sshll.u32 s1, $0xD;
	s1 =	sshrl.u32 s1, $0x2  }
0xb9: {  	s3 =	sand.u32 $0x4000, s31;
	s1 =	sadd.s32 s1, s30  }
0xba: {  	s0 =	sor.u32 s3, s0;
	s1 =	sshll.u32 s1, $0x11  }
0xbb: {  	s0 =	sor.u32 s1, s0  }
0xbc: {  	s0 =	sadd.s32 $0x8F2B, s0  }
0xbd: {  	[sflag:s0] =	ssyncadd.remote.s32 $0x1  }
0xbe: {  	_ =	sfence.sel $0xFFFF  }
0xbf: {  	[dreg:$0x0] =	wrdreg $0xFFFFFFFF;
	(pc) =	sbr.abs _section_cstart, $3  }
0xc0: {  	[dreg:$0x1] =	wrdreg $0xFFFFFFFF  }
0xc1: {  	_ =	task.clear_ibuf [dreg:s6], $0x2FFFF;
	_ =	strace $0x9FFFFFFF  }
0xc2: {  	(tm) =	ssettm $0x7FFFFFFF  }
0xc3: {  	_ =	shalt  }
tec
execute0_lowered:
.L_overlay_start_1:
0x0: {  	(tag) =	ssettag $0x1  }
0x1: {  	s1 =	srdreg.scid;
	s6 =	rddreg [dreg:$0x0]  }
0x2: {  	s0 =	stileid.u32;
	s2 =	rddreg [dreg:$0x1]  }
0x3: {  	s3 =	simm.s32 $0x0;
	s12 =	simm.s32 $0x2;
	s13 =	simm.s32 $0x2710  }
0x4: {  	s14 =	simm.s32 $0x50;
	s15 =	simm.s32 $0x7620;
	s16 =	simm.s32 $0x1  }
0x5: {  	s17 =	simm.s32 $0x0;
	s5 =	sand.u32 $0x1, s1;
	s30 =	sshll.u32 s0, $0x1  }
0x6: {  	s8 =	smul.u32 $0x2800, s0;
	[smem:$0x7FF] =	sst s3;
	s4 =	sadd.s32 $0x1C600, s6  }
0x7: {  	s1 =	sor.u32 s5, s30;
	s9 =	smul.u32 $0x28000, s5;
	s5 =	ssub.s32 $0x2, s5  }
0x8: {  	s7 =	smul.u32 $0x4E2, s1;
	s1 =	rddreg [dreg:$0x2];
	_ =	strace $0x80000050  }
0x9: {  	s31 =	sshrl.u32 s8, $0x3;
	s11 =	sshrl.u32 s5, $0x1;
	s9 =	sadd.s32 s8, s9  }
0xa: {  	s10 =	sadd.s32 s7, s6;
	s7 =	sadd.s32 s31, s6;
	s9 =	sshrl.u32 s9, $0x3  }
0xb: {  	s11 =	ssub.s32 s5, s11;
	s9 =	sadd.s32 s9, s6;
	s5 =	sadd.s32 $0x17600, s7  }
0xc: {  	s6 =	sadd.s32 s8, s2;
	s7 =	sadd.s32 $0x3800, s10;
	s8 =	sadd.s32 $0xD600, s10  }
0xd: {  	s10 =	smax.u32 s11, $0x1;
	s11 =	simm.s32 $0x4E20;
	s9 =	sadd.s32 $0x21600, s9  }
.LBB2_1:
0xe: {  	[tilespmem:s11], [sflag:$0x2] =	stream.linear.gather [hbm4b:s5+s3], $0x2800, $0x38;
	[tilespmem:$0xA320] =	vst v63  }
0xf: {  	_ =	swait.ge [sflag:s12], $0x2800  }
0x10: {  	[sflag:s12] =	ssyncset.done $0x0  }
0x11: {  	[sflag:s12] =	ssyncadd.s32 $0xFFFFD800  }
0x12: {  	[spmem:s6] =	stream.linear.scatter [tilespmem:s11], [sflag:$0x2], $0x2800, $0x38;
	[tilespmem:$0xA320] =	vst v63  }
0x13: {  	_ =	swait.ge [sflag:s12], $0x2800  }
0x14: {  	[sflag:s12] =	ssyncset.done $0x0  }
0x15: {  	[sflag:s12] =	ssyncadd.s32 $0xFFFFD800  }
0x16: {  	[bflag:$0x0] =	sbarrier.arrive $0xFFFF  }
0x17: {  	[tilespmem:s3], [sflag:$0x2] =	stream.linear.gather [hbm4b:s7+s3], $0x2710, $0x38;
	[tilespmem:$0xA320] =	vst v63  }
0x18: {  	_ =	swait.ge [sflag:s12], $0x2710  }
0x19: {  	[sflag:s12] =	ssyncset.done $0x0  }
0x1a: {  	[sflag:s12] =	ssyncadd.s32 $0xFFFFD8F0  }
0x1b: {  	[tilespmem:s13], [sflag:$0x2] =	stream.linear.gather [hbm4b:s8+s3], $0x2710, $0x38;
	[tilespmem:$0xA320] =	vst v63  }
0x1c: {  	_ =	swait.ge [sflag:s12], $0x2710  }
0x1d: {  	[sflag:s12] =	ssyncset.done $0x0  }
0x1e: {  	s18 =	simm.s32 $0x0;
	[sflag:s12] =	ssyncadd.s32 $0xFFFFD8F0  }
0x1f: {  	[tilespmem:s15], [sflag:$0x1] =	stream.indirect.gather [hbm4b:s4+s14], $0x10, s18, s14, $0xb8;
	[tilespmem:$0xA320] =	vst v63  }
0x20: {  	_ =	swait.ge [sflag:s16], $0x500  }
0x21: {  	[sflag:s16] =	ssyncset.done $0x0  }
0x22: {  	s31 =	simm.s32 $0x2710;
	[sflag:s16] =	ssyncadd.s32 $0xFFFFFB00  }
0x23: {  	[spmem:s2] =	stream.indirect.scatter.add.f32 [tilespmem:s15], [sflag:$0x2], $0x10, s31, s14, $0xb8;
	[tilespmem:$0xA320] =	vst v63  }
0x24: {  	_ =	swait.ge [sflag:s12], $0x500  }
0x25: {  	s19 =	simm.s32 $0x280;
	s18 =	simm.s32 $0x140;
	[sflag:s12] =	ssyncset.done $0x0  }
.LBB2_2:
0x26: {  	s20 =	sshra.s32 s18, $0x2  }
0x27: {  	[sflag:s12] =	ssyncadd.s32 $0xFFFFFB00;
	s18 =	smov.u32 s19;
	s21 =	sadd.s32 $0x140, s19  }
0x28: {  	[tilespmem:s15], [sflag:$0x1] =	stream.indirect.gather [hbm4b:s4+s14], $0x10, s20, s14, $0xb8;
	[tilespmem:$0xA320] =	vst v63  }
0x29: {  	p0 =	sne.s32 s19, $0x9B00;
	_ =	swait.ge [sflag:s16], $0x500  }
.Ltmp0:
0x2a: {  	[sflag:s16] =	ssyncset.done $0x0;
	(pc) =	sbr.rel @p0 .LBB2_2-.Ltmp0, $4  }
0x2b: {  	s19 =	sadd.s32 $0x2710, s20;
	[sflag:s16] =	ssyncadd.s32 $0xFFFFFB00  }
0x2c: {  	[spmem:s2] =	stream.indirect.scatter.add.f32 [tilespmem:s15], [sflag:$0x2], $0x10, s19, s14, $0xb8;
	[tilespmem:$0xA320] =	vst v63  }
0x2d: {  	_ =	swait.ge [sflag:s12], $0x500  }
0x2e: {  	s19 =	smov.u32 s21;
	[sflag:s12] =	ssyncset.done $0x0  }
0x2f: {  	s18 =	sshra.s32 s18, $0x2;
	[sflag:s12] =	ssyncadd.s32 $0xFFFFFB00  }
0x30: {  	[tilespmem:s15], [sflag:$0x1] =	stream.indirect.gather [hbm4b:s4+s14], $0x10, s18, s14, $0xb8;
	[tilespmem:$0xA320] =	vst v63  }
0x31: {  	_ =	swait.ge [sflag:s16], $0x500  }
0x32: {  	[sflag:s16] =	ssyncset.done $0x0  }
0x33: {  	s18 =	sadd.s32 $0x2710, s18;
	[sflag:s16] =	ssyncadd.s32 $0xFFFFFB00  }
0x34: {  	[spmem:s2] =	stream.indirect.scatter.add.f32 [tilespmem:s15], [sflag:$0x2], $0x10, s18, s14, $0xb8;
	[tilespmem:$0xA320] =	vst v63  }
0x35: {  	_ =	swait.ge [sflag:s12], $0x500  }
0x36: {  	[sflag:s12] =	ssyncset.done $0x0  }
0x37: {  	[sflag:s12] =	ssyncadd.s32 $0xFFFFFB00  }
0x38: {  	[bflag:$0x0] =	sbarrier.arrive $0xFFFF  }
0x39: {  	[tilespmem:s11], [sflag:$0x2] =	stream.linear.gather [spmem:s6], $0x2800, $0x38;
	[tilespmem:$0xA320] =	vst v63  }
0x3a: {  	s17 =	sadd.s32 $0x1, s17;
	_ =	swait.ge [sflag:s12], $0x2800  }
0x3b: {  	p0 =	sne.s32 s17, s10;
	[sflag:s12] =	ssyncset.done $0x0  }
.Ltmp1:
0x3c: {  	[sflag:s12] =	ssyncadd.s32 $0xFFFFD800;
	(pc) =	sbr.rel @p0 .LBB2_1-.Ltmp1, $4  }
0x3d: {  	[hbm4b:s9+s3] =	stream.linear.scatter [tilespmem:s11], [sflag:$0x2], $0x2800, $0x38;
	[tilespmem:$0xA320] =	vst v63  }
0x3e: {  	_ =	swait.ge [sflag:s12], $0x2800  }
0x3f: {  	[sflag:s12] =	ssyncset.done $0x0  }
0x40: {  	[sflag:s12] =	ssyncadd.s32 $0xFFFFD800  }
0x41: {  	_ =	sfence.sel $0x180000  }
0x42: {  	[bflag:$0x0] =	sbarrier.arrive $0xFFFF  }
0x43: {  	p0 =	sne.s32 s0, $0x0;
	_ =	strace $0x90000050  }
0x44: {  	s0 =	sadd.s32 @!p0 $0x100000, s1;
	[bflag:$0x2] =	sbarrier.arrive $0xFFFF  }
0x45: {  	[sflag:s0] =	ssyncadd.tile.s32 @!p0 $0x1;
	_ =	shalt  }
.Lfunc_end2:
_tile_overlayer_lowered:
.L_overlay_start_2:
0x46: {  	(tag) =	ssettag $0x2  }
0x47: {  	s0 =	rddreg [dreg:$0x0];
	s2 =	stileid.u32  }
0x48: {  	s1 =	rddreg [dreg:$0x1];
	p0 =	sne.s32 s2, $0x0  }
0x49: {  	s3 =	rddreg [dreg:$0x2];
	[bflag:$0x3] =	sbarrier.arrive $0xFFFF;
	s2 =	simm.s32 @!p0 $0x1C02  }
0x4a: {  	[timem:s3], [sflag:s2] =	dma.local @!p0 [hbm:s0], s1  }
0x4b: {  	s0 =	simm.s32 @!p0 $0x2  }
0x4c: {  	_ =	swait.ge @!p0 [sflag:s0], s1  }
0x4d: {  	s1 =	ssub.s32 @!p0 $0x0, s1;
	[sflag:s0] =	ssyncset.done @!p0 $0x0  }
0x4e: {  	[sflag:s0] =	ssyncadd.s32 @!p0 s1  }
0x4f: {  	[bflag:$0x3] =	sbarrier.arrive $0xFFFF  }
0x50: {  	_ =	shalt  }

// kernel: kernel.30.cloned.1.call-start
scs
__scs_entry_jumppad:
0x0: {  	(pc) =	sbr.rel $0x88, $3  }
0x1: {  	(tag) =	ssettag $0x0;
	lr =	simm.s32 $0x1  }
0x2: {  	[smem:$0x3F99] =	sst lr;
	_ =	strace $0xD0000000  }
0x3: {  	_ = 	snop  }
0x4: {  	_ = 	snop  }
0x5: {  	_ = 	snop  }
0x6: {  	_ = 	snop  }
0x7: {  	_ = 	snop  }
__scs_overlays_trampoline_lowered:
0x8: {  	[smem:$0x3FA8] =	sst s0  }
0x9: {  	[smem:$0x3FA9] =	sst s1  }
0xa: {  	[smem:$0x3FAA] =	sst s2  }
0xb: {  	[smem:$0x3FAB] =	sst s3  }
0xc: {  	[smem:$0x3FAC] =	sst s4  }
0xd: {  	[smem:$0x3FAD] =	sst s5  }
0xe: {  	[smem:$0x3FAE] =	sst s6  }
0xf: {  	[smem:$0x3FAF] =	sst s7  }
0x10: {  	[smem:$0x3FB0] =	sst s8  }
0x11: {  	[smem:$0x3FB1] =	sst s9;
	s0 =	simm.s32 @!p0 $0x0  }
0x12: {  	s1 =	sld [smem:$0x3F97];
	s0 =	simm.s32 @p0 $0x1  }
0x13: {  	[smem:$0x3FB2] =	sst s0;
	s0 =	simm.s32 @!p1 $0x0  }
0x14: {  	s2 =	sld [smem:$0x3F96];
	s0 =	simm.s32 @p1 $0x1  }
0x15: {  	[smem:$0x3FB3] =	sst s0;
	s0 =	simm.s32 @!p2 $0x0  }
0x16: {  	s3 =	sld [smem:$0x3FDB];
	s0 =	simm.s32 @p2 $0x1  }
0x17: {  	s4 =	simm.s32 $0x1BF5;
	[smem:$0x3FB5] =	sst s0  }
0x18: {  	s0 =	sld [smem:$0x3F98];
	_ =	swait.ge [sflag:s4], $0x0  }
0x19: {  	s7 =	sld [smem:$0x3F99]  }
0x1a: {  	s8 =	sadd.s32 $0xFFFFE003, lr  }
0x1b: {  	s9 =	sadd.s32 $0xFFFFFEF7, lr;
	s5 =	simm.s32 $0xFFFFFFFF;
	p2 =	slt.u32 s8, $0xFFFFF086  }
0x1c: {  	p1 =	slt.u32 s9, $0xF7A;
	s5 =	simm.s32 @!p2 $0x0  }
0x1d: {  	s5 =	simm.s32 @p1 $0x1;
	p0 =	seq.s32 s7, s2  }
0x1e: {  	s7 =	smul.u32 @!p0 $0xF7A, s2;
	p2 =	seq.s32 @!p0 s5, $0x0  }
0x1f: {  	s9 =	smul.u32 $0xF7A, s1;
	s8 =	simm.s32 @!p0 $0x1BF5;
	p2 =	por !p2, p0  }
0x20: {  	[sflag:s8] =	ssyncset.s32 @!p0 $0xFFFFF086;
	s6 =	sadd.s32 @!p0 s3, s7;
	s7 =	simm.s32 @!p0 $0x108  }
0x21: {  	s3 =	sadd.s32 s3, s9;
	s6 =	sadd.s32 @!p0 $0x88, s6;
	s7 =	simm.s32 @p2 $0x1082  }
0x22: {  	[simem:s7], [sflag:s8] =	dma.local @!p0 [hbm:s6], $0xF7A  }
0x23: {  	s9 =	sor.u32 $0xD0000000, s2;
	s6 =	simm.s32 $0x108;
	_ =	swait.ge @!p0 [sflag:s8], $0x0  }
0x24: {  	s3 =	sadd.s32 $0x88, s3;
	s6 =	simm.s32 @!p1 $0x1082;
	[sflag:s4] =	ssyncset.s32 $0xFFFFF086  }
0x25: {  	[simem:s6], [sflag:s4] =	dma.local [hbm:s3], $0xF7A  }
0x26: {  	[smem:$0x3F99] =	sst s1;
	(tag) =	ssettag s2;
	_ =	strace s9  }
0x27: {  	s1 =	sld [smem:$0x3FA9]  }
0x28: {  	s2 =	sld [smem:$0x3FAA]  }
0x29: {  	s4 =	sld [smem:$0x3FAC]  }
0x2a: {  	p0 =	seq.s32 s5, $0x0;
	s5 =	sld [smem:$0x3FAD]  }
0x2b: {  	s6 =	sld [smem:$0x3FAE]  }
0x2c: {  	s7 =	sld [smem:$0x3FAF]  }
0x2d: {  	s3 =	simm.s32 $0x108;
	s8 =	sld [smem:$0x3FB0]  }
0x2e: {  	s3 =	simm.s32 @!p0 $0x1082;
	s9 =	sld [smem:$0x3FB1]  }
0x2f: {  	lr =	sadd.s32 s0, s3;
	s0 =	sld [smem:$0x3FA8]  }
0x30: {  	s3 =	sld [smem:$0x3FAB]  }
0x31: {  	[smem:$0x3FB4] =	sst s10  }
0x32: {  	s10 =	sld [smem:$0x3FB2];
	_ =	sdelay $0x3  }
0x33: {  	p0 =	seq.s32 s10, $0x1;
	s10 =	sld [smem:$0x3FB4];
	_ =	sdelay $0x3  }
0x34: {  	[smem:$0x3FB4] =	sst s10  }
0x35: {  	s10 =	sld [smem:$0x3FB3];
	_ =	sdelay $0x3  }
0x36: {  	p1 =	seq.s32 s10, $0x1;
	s10 =	sld [smem:$0x3FB4];
	_ =	sdelay $0x3  }
0x37: {  	[smem:$0x3FB4] =	sst s10  }
0x38: {  	s10 =	sld [smem:$0x3FB5]  }
0x39: {  	_ = 	snop;
	(pc) =	sbr.ind lr, $3  }
0x3a: {  	_ = 	snop  }
0x3b: {  	_ = 	snop  }
0x3c: {  	p2 =	seq.s32 s10, $0x1;
	s10 =	sld [smem:$0x3FB4]  }
0x3d: {  	_ =	shalt  }
0x3e: {  	_ =	shalt  }
0x3f: {  	_ =	shalt  }
0x40: {  	_ =	shalt  }
0x41: {  	_ =	shalt  }
0x42: {  	_ =	shalt  }
0x43: {  	_ =	shalt  }
0x44: {  	_ =	shalt  }
0x45: {  	_ =	shalt  }
0x46: {  	_ =	shalt  }
0x47: {  	_ =	shalt  }
0x48: {  	_ =	shalt  }
0x49: {  	_ =	shalt  }
0x4a: {  	_ =	shalt  }
0x4b: {  	_ =	shalt  }
0x4c: {  	_ =	shalt  }
0x4d: {  	_ =	shalt  }
0x4e: {  	_ =	shalt  }
0x4f: {  	_ =	shalt  }
0x50: {  	_ =	shalt  }
0x51: {  	_ =	shalt  }
0x52: {  	_ =	shalt  }
0x53: {  	_ =	shalt  }
0x54: {  	_ =	shalt  }
0x55: {  	_ =	shalt  }
0x56: {  	_ =	shalt  }
0x57: {  	_ =	shalt  }
0x58: {  	_ =	shalt  }
0x59: {  	_ =	shalt  }
0x5a: {  	_ =	shalt  }
0x5b: {  	_ =	shalt  }
0x5c: {  	_ =	shalt  }
0x5d: {  	_ =	shalt  }
0x5e: {  	_ =	shalt  }
0x5f: {  	_ =	shalt  }
0x60: {  	_ =	shalt  }
0x61: {  	_ =	shalt  }
0x62: {  	_ =	shalt  }
0x63: {  	_ =	shalt  }
0x64: {  	_ =	shalt  }
0x65: {  	_ =	shalt  }
0x66: {  	_ =	shalt  }
0x67: {  	_ =	shalt  }
0x68: {  	_ =	shalt  }
0x69: {  	_ =	shalt  }
0x6a: {  	_ =	shalt  }
0x6b: {  	_ =	shalt  }
0x6c: {  	_ =	shalt  }
0x6d: {  	_ =	shalt  }
0x6e: {  	_ =	shalt  }
0x6f: {  	_ =	shalt  }
0x70: {  	_ =	shalt  }
0x71: {  	_ =	shalt  }
0x72: {  	_ =	shalt  }
0x73: {  	_ =	shalt  }
0x74: {  	_ =	shalt  }
0x75: {  	_ =	shalt  }
0x76: {  	_ =	shalt  }
0x77: {  	_ =	shalt  }
0x78: {  	_ =	shalt  }
0x79: {  	_ =	shalt  }
0x7a: {  	_ =	shalt  }
0x7b: {  	_ =	shalt  }
0x7c: {  	_ =	shalt  }
0x7d: {  	_ =	shalt  }
0x7e: {  	_ =	shalt  }
0x7f: {  	_ =	shalt  }
0x80: {  	_ =	shalt  }
0x81: {  	_ =	shalt  }
0x82: {  	_ =	shalt  }
0x83: {  	_ =	shalt  }
0x84: {  	_ =	shalt  }
0x85: {  	_ =	shalt  }
0x86: {  	_ =	shalt  }
0x87: {  	_ =	shalt  }
.Lfunc_end0:
.L_simem_size_0:
called_computation.4_lowered:
.L_overlay_start_0:
0x88: {  	s2 =	sld [smem:$0x3FD9]  }
0x89: {  	s3 =	sld [smem:$0x3FFE];
	_ =	sdelay $0x1  }
0x8a: {  	s1 =	srdreg.scid  }
0x8b: {  	s0 =	sand.u32 $0x1, s1  }
0x8c: {  	s17 =	sshll.u32 s0, $0xA;
	s2 =	sadd.s32 s3, s2  }
0x8d: {  	s2 =	sadd.s32 s2, s17  }
0x8e: {  	[smem:$0x3FC0] =	sst s2  }
0x8f: {  	_ = 	snop  }
0x90: {  	s2 =	sld [smem:$0x3FD0];
	(tm) =	ssettm $0x1  }
0x91: {  	s18 =	sld [smem:$0x3FFB];
	_ =	sdelay $0x3  }
0x92: {  	_ =	strace s18  }
0x93: {  	s3 =	sld [smem:$0x3FFC];
	_ =	sdelay $0x3  }
0x94: {  	_ =	strace s3  }
0x95: {  	s3 =	sld [smem:$0x3FFD];
	_ =	sdelay $0x3  }
0x96: {  	_ =	strace s3  }
0x97: {  	_ =	strace $0x8FFFFFFF  }
0x98: {  	s19 =	sld [smem:$0x3FDB];
	_ =	sdelay $0x1  }
0x99: {  	s4 =	simm.s32 $_scs_section_size  }
0x9a: {  	s5 =	simm.s32 $_size__tile_overlayer_lowered;
	s6 =	simm.s32 $_tile_overlayer_lowered  }
0x9b: {  	s22 =	simm.s32 $0x1BFF;
	s21 =	sshll.u32 s6, $0x1;
	s3 =	sadd.s32 s4, s19  }
0x9c: {  	s7 =	simm.s32 $0x0;
	s20 =	sshll.u32 s5, $0x1;
	s5 =	sadd.s32 s21, s3  }
0x9d: {  	[timem:s7], [sflag:s22] =	dma.local [hbm:s5], s20  }
0x9e: {  	_ =	swait.ge [sflag:s22], s20  }
0x9f: {  	s4 =	ssub.s32 $0x0, s20;
	[sflag:s22] =	ssyncset.done $0x0  }
0xa0: {  	[sflag:s22] =	ssyncadd.s32 s4;
	_ =	sdelay $0x1  }
0xa1: {  	s23 =	simm.s32 $0x1B8B  }
0xa2: {  	_ =	swait.ge [sflag:s23], $0x1  }
0xa3: {  	[sflag:s23] =	ssyncset.done $0x0  }
0xa4: {  	s25 =	simm.s32 $0x1B8E;
	s24 =	sld [smem:$0x3FFE];
	[sflag:s23] =	ssyncadd.s32 $0xFFFFFFFF  }
0xa5: {  	s26 =	simm.s32 $execute0_lowered;
	[smem:$0x3FD2] =	sst s25  }
0xa6: {  	s5 =	sshll.u32 s26, $0x1;
	_ =	strace $0x80000052;
	[dreg:$0x1] =	wrdreg $0xFFFFFFFF  }
0xa7: {  	s28 =	simm.s32 $_size_execute0_lowered;
	s3 =	sadd.s32 s3, s5;
	[dreg:$0x0] =	wrdreg $0x0  }
0xa8: {  	s5 =	sshll.u32 s28, $0x1;
	[dreg:$0x2] =	wrdreg s3  }
0xa9: {  	[dreg:$0x3] =	wrdreg s5  }
0xaa: {  	[dreg:$0x4] =	wrdreg $0xC0  }
0xab: {  	_ =	task [dreg:s7], $0x5FFFF  }
0xac: {  	[dreg:$0x1] =	wrdreg $0xFFFFFFFF  }
0xad: {  	[dreg:$0x0] =	wrdreg $0x60  }
0xae: {  	[dreg:$0x2] =	wrdreg s24  }
0xaf: {  	[dreg:$0x3] =	wrdreg s2  }
0xb0: {  	[dreg:$0x4] =	wrdreg $0x7B200  }
0xb1: {  	[dreg:$0x5] =	wrdreg $0x9  }
0xb2: {  	_ =	task.clear_ibuf [dreg:s7], $0x6FFFF;
	_ =	strace $0x90000052  }
0xb3: {  	s29 =	simm.s32 $0x9;
	_ =	strace $0x80000054  }
0xb4: {  	_ =	swait.ge [sflag:s29], $0x1  }
0xb5: {  	[sflag:s29] =	ssyncadd.s32 $0xFFFFFFFF  }
0xb6: {  	_ =	strace $0x90000054  }
0xb7: {  	_ =	sfence  }
0xb8: {  	s30 =	sld [smem:$0x0];
	_ =	sdelay $0x2  }
0xb9: {  	s31 =	sshll.u32 s1, $0xD;
	s1 =	sshrl.u32 s1, $0x2  }
0xba: {  	s3 =	sand.u32 $0x4000, s31;
	s1 =	sadd.s32 s1, s30  }
0xbb: {  	s0 =	sor.u32 s3, s0;
	s1 =	sshll.u32 s1, $0x11  }
0xbc: {  	s0 =	sor.u32 s1, s0  }
0xbd: {  	s0 =	sadd.s32 $0x8F2B, s0  }
0xbe: {  	[sflag:s0] =	ssyncadd.remote.s32 $0x1  }
0xbf: {  	_ =	sfence.sel $0xFFFF  }
0xc0: {  	[dreg:$0x0] =	wrdreg $0xFFFFFFFF;
	(pc) =	sbr.abs _section_cstart, $3  }
0xc1: {  	[dreg:$0x1] =	wrdreg $0xFFFFFFFF  }
0xc2: {  	_ =	task.clear_ibuf [dreg:s7], $0x2FFFF;
	_ =	strace $0x9FFFFFFF  }
0xc3: {  	(tm) =	ssettm $0x7FFFFFFF  }
tec
execute0_lowered:
.L_overlay_start_1:
0x0: {  	(tag) =	ssettag $0x1  }
0x1: {  	s5 =	rddreg [dreg:$0x0]  }
0x2: {  	s9 =	rddreg [dreg:$0x1]  }
0x3: {  	s2 =	rddreg [dreg:$0x2]  }
0x4: {  	s0 =	rddreg [dreg:$0x3]  }
0x5: {  	s3 =	simm.s32 $0x0;
	s4 =	srdreg.scid;
	s1 =	stileid.u32  }
0x6: {  	s15 =	simm.s32 $0x7620;
	s16 =	simm.s32 $0x1;
	s17 =	simm.s32 $0x0  }
0x7: {  	[smem:$0x7FF] =	sst s3;
	s6 =	sand.u32 $0x1, s4;
	s30 =	sshll.u32 s1, $0x1  }
0x8: {  	s8 =	smul.u32 $0x2800, s1;
	s4 =	sadd.s32 $0xB8A00, s5;
	_ =	strace $0x80000053  }
0x9: {  	s7 =	sor.u32 s6, s30;
	s10 =	ssub.s32 $0x2, s6;
	s13 =	smul.u32 $0x28000, s6  }
0xa: {  	s7 =	smul.u32 $0x4E2, s7;
	s11 =	sshrl.u32 s8, $0x3;
	s12 =	sshrl.u32 s10, $0x1  }
0xb: {  	s6 =	sadd.s32 s8, s2;
	s10 =	ssub.s32 s10, s12;
	s31 =	sadd.s32 s8, s13  }
0xc: {  	s12 =	simm.s32 $0x2;
	s13 =	simm.s32 $0x2710;
	s14 =	sadd.s32 s7, s5  }
0xd: {  	s5 =	sadd.s32 s11, s5;
	s11 =	sshrl.u32 s31, $0x3;
	s10 =	smax.u32 s10, $0x1  }
0xe: {  	s5 =	sadd.s32 $0x17600, s5;
	s7 =	sadd.s32 $0x3800, s14;
	s8 =	sadd.s32 $0xD600, s14  }
0xf: {  	s9 =	sadd.s32 s9, s11;
	s11 =	simm.s32 $0x4E20;
	s14 =	simm.s32 $0x50  }
.LBB2_1:
0x10: {  	[tilespmem:s11], [sflag:$0x2] =	stream.linear.gather [hbm4b:s5+s3], $0x2800, $0x38;
	[tilespmem:$0xA320] =	vst v63  }
0x11: {  	_ =	swait.ge [sflag:s12], $0x2800  }
0x12: {  	[sflag:s12] =	ssyncset.done $0x0  }
0x13: {  	[sflag:s12] =	ssyncadd.s32 $0xFFFFD800  }
0x14: {  	[spmem:s6] =	stream.linear.scatter [tilespmem:s11], [sflag:$0x2], $0x2800, $0x38;
	[tilespmem:$0xA320] =	vst v63  }
0x15: {  	_ =	swait.ge [sflag:s12], $0x2800  }
0x16: {  	[sflag:s12] =	ssyncset.done $0x0  }
0x17: {  	[sflag:s12] =	ssyncadd.s32 $0xFFFFD800  }
0x18: {  	[bflag:$0x0] =	sbarrier.arrive $0xFFFF  }
0x19: {  	[tilespmem:s3], [sflag:$0x2] =	stream.linear.gather [hbm4b:s7+s3], $0x2710, $0x38;
	[tilespmem:$0xA320] =	vst v63  }
0x1a: {  	_ =	swait.ge [sflag:s12], $0x2710  }
0x1b: {  	[sflag:s12] =	ssyncset.done $0x0  }
0x1c: {  	[sflag:s12] =	ssyncadd.s32 $0xFFFFD8F0  }
0x1d: {  	[tilespmem:s13], [sflag:$0x2] =	stream.linear.gather [hbm4b:s8+s3], $0x2710, $0x38;
	[tilespmem:$0xA320] =	vst v63  }
0x1e: {  	_ =	swait.ge [sflag:s12], $0x2710  }
0x1f: {  	[sflag:s12] =	ssyncset.done $0x0  }
0x20: {  	s18 =	simm.s32 $0x0;
	[sflag:s12] =	ssyncadd.s32 $0xFFFFD8F0  }
0x21: {  	[tilespmem:s15], [sflag:$0x1] =	stream.indirect.gather [hbm4b:s4+s14], $0x10, s18, s14, $0xb8;
	[tilespmem:$0xA320] =	vst v63  }
0x22: {  	_ =	swait.ge [sflag:s16], $0x500  }
0x23: {  	[sflag:s16] =	ssyncset.done $0x0  }
0x24: {  	s31 =	simm.s32 $0x2710;
	[sflag:s16] =	ssyncadd.s32 $0xFFFFFB00  }
0x25: {  	[spmem:s2] =	stream.indirect.scatter.add.f32 [tilespmem:s15], [sflag:$0x2], $0x10, s31, s14, $0xb8;
	[tilespmem:$0xA320] =	vst v63  }
0x26: {  	_ =	swait.ge [sflag:s12], $0x500  }
0x27: {  	s19 =	simm.s32 $0x280;
	s18 =	simm.s32 $0x140;
	[sflag:s12] =	ssyncset.done $0x0  }
.LBB2_2:
0x28: {  	s20 =	sshra.s32 s18, $0x2  }
0x29: {  	[sflag:s12] =	ssyncadd.s32 $0xFFFFFB00;
	s18 =	smov.u32 s19;
	s21 =	sadd.s32 $0x140, s19  }
0x2a: {  	[tilespmem:s15], [sflag:$0x1] =	stream.indirect.gather [hbm4b:s4+s14], $0x10, s20, s14, $0xb8;
	[tilespmem:$0xA320] =	vst v63  }
0x2b: {  	p0 =	sne.s32 s19, $0x9B00;
	_ =	swait.ge [sflag:s16], $0x500  }
.Ltmp0:
0x2c: {  	[sflag:s16] =	ssyncset.done $0x0;
	(pc) =	sbr.rel @p0 .LBB2_2-.Ltmp0, $4  }
0x2d: {  	s19 =	sadd.s32 $0x2710, s20;
	[sflag:s16] =	ssyncadd.s32 $0xFFFFFB00  }
0x2e: {  	[spmem:s2] =	stream.indirect.scatter.add.f32 [tilespmem:s15], [sflag:$0x2], $0x10, s19, s14, $0xb8;
	[tilespmem:$0xA320] =	vst v63  }
0x2f: {  	_ =	swait.ge [sflag:s12], $0x500  }
0x30: {  	s19 =	smov.u32 s21;
	[sflag:s12] =	ssyncset.done $0x0  }
0x31: {  	s18 =	sshra.s32 s18, $0x2;
	[sflag:s12] =	ssyncadd.s32 $0xFFFFFB00  }
0x32: {  	[tilespmem:s15], [sflag:$0x1] =	stream.indirect.gather [hbm4b:s4+s14], $0x10, s18, s14, $0xb8;
	[tilespmem:$0xA320] =	vst v63  }
0x33: {  	_ =	swait.ge [sflag:s16], $0x500  }
0x34: {  	[sflag:s16] =	ssyncset.done $0x0  }
0x35: {  	s18 =	sadd.s32 $0x2710, s18;
	[sflag:s16] =	ssyncadd.s32 $0xFFFFFB00  }
0x36: {  	[spmem:s2] =	stream.indirect.scatter.add.f32 [tilespmem:s15], [sflag:$0x2], $0x10, s18, s14, $0xb8;
	[tilespmem:$0xA320] =	vst v63  }
0x37: {  	_ =	swait.ge [sflag:s12], $0x500  }
0x38: {  	[sflag:s12] =	ssyncset.done $0x0  }
0x39: {  	[sflag:s12] =	ssyncadd.s32 $0xFFFFFB00  }
0x3a: {  	[bflag:$0x0] =	sbarrier.arrive $0xFFFF  }
0x3b: {  	[tilespmem:s11], [sflag:$0x2] =	stream.linear.gather [spmem:s6], $0x2800, $0x38;
	[tilespmem:$0xA320] =	vst v63  }
0x3c: {  	s17 =	sadd.s32 $0x1, s17;
	_ =	swait.ge [sflag:s12], $0x2800  }
0x3d: {  	p0 =	sne.s32 s17, s10;
	[sflag:s12] =	ssyncset.done $0x0  }
.Ltmp1:
0x3e: {  	[sflag:s12] =	ssyncadd.s32 $0xFFFFD800;
	(pc) =	sbr.rel @p0 .LBB2_1-.Ltmp1, $4  }
0x3f: {  	[hbm4b:s9+s3] =	stream.linear.scatter [tilespmem:s11], [sflag:$0x2], $0x2800, $0x38;
	[tilespmem:$0xA320] =	vst v63  }
0x40: {  	_ =	swait.ge [sflag:s12], $0x2800  }
0x41: {  	[sflag:s12] =	ssyncset.done $0x0  }
0x42: {  	[sflag:s12] =	ssyncadd.s32 $0xFFFFD800  }
0x43: {  	_ =	sfence.sel $0x180000  }
0x44: {  	[bflag:$0x0] =	sbarrier.arrive $0xFFFF  }
0x45: {  	p0 =	sne.s32 s1, $0x0;
	_ =	strace $0x90000053  }
0x46: {  	s0 =	sadd.s32 @!p0 $0x100000, s0;
	[bflag:$0x2] =	sbarrier.arrive $0xFFFF  }
0x47: {  	[sflag:s0] =	ssyncadd.tile.s32 @!p0 $0x1;
	_ =	shalt  }
.Lfunc_end2:
_tile_overlayer_lowered:
.L_overlay_start_2:
0x48: {  	(tag) =	ssettag $0x2  }
0x49: {  	s0 =	rddreg [dreg:$0x0];
	s2 =	stileid.u32  }
0x4a: {  	s1 =	rddreg [dreg:$0x1];
	p0 =	sne.s32 s2, $0x0  }
0x4b: {  	s3 =	rddreg [dreg:$0x2];
	[bflag:$0x3] =	sbarrier.arrive $0xFFFF;
	s2 =	simm.s32 @!p0 $0x1C02  }
0x4c: {  	[timem:s3], [sflag:s2] =	dma.local @!p0 [hbm:s0], s1  }
0x4d: {  	s0 =	simm.s32 @!p0 $0x2  }
0x4e: {  	_ =	swait.ge @!p0 [sflag:s0], s1  }
0x4f: {  	s1 =	ssub.s32 @!p0 $0x0, s1;
	[sflag:s0] =	ssyncset.done @!p0 $0x0  }
0x50: {  	[sflag:s0] =	ssyncadd.s32 @!p0 s1  }
0x51: {  	[bflag:$0x3] =	sbarrier.arrive $0xFFFF  }
0x52: {  	_ =	shalt  }

// kernel: kernel.33.cloned.1.call-start
scs
__scs_entry_jumppad:
0x0: {  	(pc) =	sbr.rel $0x88, $3  }
0x1: {  	(tag) =	ssettag $0x0;
	lr =	simm.s32 $0x1  }
0x2: {  	[smem:$0x3F99] =	sst lr;
	_ =	strace $0xD0000000  }
0x3: {  	_ = 	snop  }
0x4: {  	_ = 	snop  }
0x5: {  	_ = 	snop  }
0x6: {  	_ = 	snop  }
0x7: {  	_ = 	snop  }
__scs_overlays_trampoline_lowered:
0x8: {  	[smem:$0x3FA8] =	sst s0  }
0x9: {  	[smem:$0x3FA9] =	sst s1  }
0xa: {  	[smem:$0x3FAA] =	sst s2  }
0xb: {  	[smem:$0x3FAB] =	sst s3  }
0xc: {  	[smem:$0x3FAC] =	sst s4  }
0xd: {  	[smem:$0x3FAD] =	sst s5  }
0xe: {  	[smem:$0x3FAE] =	sst s6  }
0xf: {  	[smem:$0x3FAF] =	sst s7  }
0x10: {  	[smem:$0x3FB0] =	sst s8  }
0x11: {  	[smem:$0x3FB1] =	sst s9;
	s0 =	simm.s32 @!p0 $0x0  }
0x12: {  	s1 =	sld [smem:$0x3F97];
	s0 =	simm.s32 @p0 $0x1  }
0x13: {  	[smem:$0x3FB2] =	sst s0;
	s0 =	simm.s32 @!p1 $0x0  }
0x14: {  	s2 =	sld [smem:$0x3F96];
	s0 =	simm.s32 @p1 $0x1  }
0x15: {  	[smem:$0x3FB3] =	sst s0;
	s0 =	simm.s32 @!p2 $0x0  }
0x16: {  	s3 =	sld [smem:$0x3FDB];
	s0 =	simm.s32 @p2 $0x1  }
0x17: {  	s4 =	simm.s32 $0x1BF5;
	[smem:$0x3FB5] =	sst s0  }
0x18: {  	s0 =	sld [smem:$0x3F98];
	_ =	swait.ge [sflag:s4], $0x0  }
0x19: {  	s7 =	sld [smem:$0x3F99]  }
0x1a: {  	s8 =	sadd.s32 $0xFFFFE003, lr  }
0x1b: {  	s9 =	sadd.s32 $0xFFFFFEF7, lr;
	s5 =	simm.s32 $0xFFFFFFFF;
	p2 =	slt.u32 s8, $0xFFFFF086  }
0x1c: {  	p1 =	slt.u32 s9, $0xF7A;
	s5 =	simm.s32 @!p2 $0x0  }
0x1d: {  	s5 =	simm.s32 @p1 $0x1;
	p0 =	seq.s32 s7, s2  }
0x1e: {  	s7 =	smul.u32 @!p0 $0xF7A, s2;
	p2 =	seq.s32 @!p0 s5, $0x0  }
0x1f: {  	s9 =	smul.u32 $0xF7A, s1;
	s8 =	simm.s32 @!p0 $0x1BF5;
	p2 =	por !p2, p0  }
0x20: {  	[sflag:s8] =	ssyncset.s32 @!p0 $0xFFFFF086;
	s6 =	sadd.s32 @!p0 s3, s7;
	s7 =	simm.s32 @!p0 $0x108  }
0x21: {  	s3 =	sadd.s32 s3, s9;
	s6 =	sadd.s32 @!p0 $0x88, s6;
	s7 =	simm.s32 @p2 $0x1082  }
0x22: {  	[simem:s7], [sflag:s8] =	dma.local @!p0 [hbm:s6], $0xF7A  }
0x23: {  	s9 =	sor.u32 $0xD0000000, s2;
	s6 =	simm.s32 $0x108;
	_ =	swait.ge @!p0 [sflag:s8], $0x0  }
0x24: {  	s3 =	sadd.s32 $0x88, s3;
	s6 =	simm.s32 @!p1 $0x1082;
	[sflag:s4] =	ssyncset.s32 $0xFFFFF086  }
0x25: {  	[simem:s6], [sflag:s4] =	dma.local [hbm:s3], $0xF7A  }
0x26: {  	[smem:$0x3F99] =	sst s1;
	(tag) =	ssettag s2;
	_ =	strace s9  }
0x27: {  	s1 =	sld [smem:$0x3FA9]  }
0x28: {  	s2 =	sld [smem:$0x3FAA]  }
0x29: {  	s4 =	sld [smem:$0x3FAC]  }
0x2a: {  	p0 =	seq.s32 s5, $0x0;
	s5 =	sld [smem:$0x3FAD]  }
0x2b: {  	s6 =	sld [smem:$0x3FAE]  }
0x2c: {  	s7 =	sld [smem:$0x3FAF]  }
0x2d: {  	s3 =	simm.s32 $0x108;
	s8 =	sld [smem:$0x3FB0]  }
0x2e: {  	s3 =	simm.s32 @!p0 $0x1082;
	s9 =	sld [smem:$0x3FB1]  }
0x2f: {  	lr =	sadd.s32 s0, s3;
	s0 =	sld [smem:$0x3FA8]  }
0x30: {  	s3 =	sld [smem:$0x3FAB]  }
0x31: {  	[smem:$0x3FB4] =	sst s10  }
0x32: {  	s10 =	sld [smem:$0x3FB2];
	_ =	sdelay $0x3  }
0x33: {  	p0 =	seq.s32 s10, $0x1;
	s10 =	sld [smem:$0x3FB4];
	_ =	sdelay $0x3  }
0x34: {  	[smem:$0x3FB4] =	sst s10  }
0x35: {  	s10 =	sld [smem:$0x3FB3];
	_ =	sdelay $0x3  }
0x36: {  	p1 =	seq.s32 s10, $0x1;
	s10 =	sld [smem:$0x3FB4];
	_ =	sdelay $0x3  }
0x37: {  	[smem:$0x3FB4] =	sst s10  }
0x38: {  	s10 =	sld [smem:$0x3FB5]  }
0x39: {  	_ = 	snop;
	(pc) =	sbr.ind lr, $3  }
0x3a: {  	_ = 	snop  }
0x3b: {  	_ = 	snop  }
0x3c: {  	p2 =	seq.s32 s10, $0x1;
	s10 =	sld [smem:$0x3FB4]  }
0x3d: {  	_ =	shalt  }
0x3e: {  	_ =	shalt  }
0x3f: {  	_ =	shalt  }
0x40: {  	_ =	shalt  }
0x41: {  	_ =	shalt  }
0x42: {  	_ =	shalt  }
0x43: {  	_ =	shalt  }
0x44: {  	_ =	shalt  }
0x45: {  	_ =	shalt  }
0x46: {  	_ =	shalt  }
0x47: {  	_ =	shalt  }
0x48: {  	_ =	shalt  }
0x49: {  	_ =	shalt  }
0x4a: {  	_ =	shalt  }
0x4b: {  	_ =	shalt  }
0x4c: {  	_ =	shalt  }
0x4d: {  	_ =	shalt  }
0x4e: {  	_ =	shalt  }
0x4f: {  	_ =	shalt  }
0x50: {  	_ =	shalt  }
0x51: {  	_ =	shalt  }
0x52: {  	_ =	shalt  }
0x53: {  	_ =	shalt  }
0x54: {  	_ =	shalt  }
0x55: {  	_ =	shalt  }
0x56: {  	_ =	shalt  }
0x57: {  	_ =	shalt  }
0x58: {  	_ =	shalt  }
0x59: {  	_ =	shalt  }
0x5a: {  	_ =	shalt  }
0x5b: {  	_ =	shalt  }
0x5c: {  	_ =	shalt  }
0x5d: {  	_ =	shalt  }
0x5e: {  	_ =	shalt  }
0x5f: {  	_ =	shalt  }
0x60: {  	_ =	shalt  }
0x61: {  	_ =	shalt  }
0x62: {  	_ =	shalt  }
0x63: {  	_ =	shalt  }
0x64: {  	_ =	shalt  }
0x65: {  	_ =	shalt  }
0x66: {  	_ =	shalt  }
0x67: {  	_ =	shalt  }
0x68: {  	_ =	shalt  }
0x69: {  	_ =	shalt  }
0x6a: {  	_ =	shalt  }
0x6b: {  	_ =	shalt  }
0x6c: {  	_ =	shalt  }
0x6d: {  	_ =	shalt  }
0x6e: {  	_ =	shalt  }
0x6f: {  	_ =	shalt  }
0x70: {  	_ =	shalt  }
0x71: {  	_ =	shalt  }
0x72: {  	_ =	shalt  }
0x73: {  	_ =	shalt  }
0x74: {  	_ =	shalt  }
0x75: {  	_ =	shalt  }
0x76: {  	_ =	shalt  }
0x77: {  	_ =	shalt  }
0x78: {  	_ =	shalt  }
0x79: {  	_ =	shalt  }
0x7a: {  	_ =	shalt  }
0x7b: {  	_ =	shalt  }
0x7c: {  	_ =	shalt  }
0x7d: {  	_ =	shalt  }
0x7e: {  	_ =	shalt  }
0x7f: {  	_ =	shalt  }
0x80: {  	_ =	shalt  }
0x81: {  	_ =	shalt  }
0x82: {  	_ =	shalt  }
0x83: {  	_ =	shalt  }
0x84: {  	_ =	shalt  }
0x85: {  	_ =	shalt  }
0x86: {  	_ =	shalt  }
0x87: {  	_ =	shalt  }
.Lfunc_end0:
.L_simem_size_0:
called_computation.5_lowered:
.L_overlay_start_0:
0x88: {  	s2 =	sld [smem:$0x3FD9]  }
0x89: {  	s3 =	sld [smem:$0x3FFE];
	_ =	sdelay $0x1  }
0x8a: {  	s1 =	srdreg.scid  }
0x8b: {  	s0 =	sand.u32 $0x1, s1  }
0x8c: {  	s17 =	sshll.u32 s0, $0xA;
	s2 =	sadd.s32 s3, s2  }
0x8d: {  	s2 =	sadd.s32 s2, s17  }
0x8e: {  	[smem:$0x3FC0] =	sst s2  }
0x8f: {  	_ = 	snop  }
0x90: {  	s2 =	sld [smem:$0x3FD0];
	(tm) =	ssettm $0x1  }
0x91: {  	s18 =	sld [smem:$0x3FFB];
	_ =	sdelay $0x3  }
0x92: {  	_ =	strace s18  }
0x93: {  	s3 =	sld [smem:$0x3FFC];
	_ =	sdelay $0x3  }
0x94: {  	_ =	strace s3  }
0x95: {  	s3 =	sld [smem:$0x3FFD];
	_ =	sdelay $0x3  }
0x96: {  	_ =	strace s3  }
0x97: {  	_ =	strace $0x8FFFFFFF  }
0x98: {  	s19 =	sld [smem:$0x3FDB];
	_ =	sdelay $0x1  }
0x99: {  	s4 =	simm.s32 $_scs_section_size  }
0x9a: {  	s5 =	simm.s32 $_size__tile_overlayer_lowered;
	s6 =	simm.s32 $_tile_overlayer_lowered  }
0x9b: {  	s22 =	simm.s32 $0x1BFF;
	s21 =	sshll.u32 s6, $0x1;
	s3 =	sadd.s32 s4, s19  }
0x9c: {  	s7 =	simm.s32 $0x0;
	s20 =	sshll.u32 s5, $0x1;
	s5 =	sadd.s32 s21, s3  }
0x9d: {  	[timem:s7], [sflag:s22] =	dma.local [hbm:s5], s20  }
0x9e: {  	_ =	swait.ge [sflag:s22], s20  }
0x9f: {  	s4 =	ssub.s32 $0x0, s20;
	[sflag:s22] =	ssyncset.done $0x0  }
0xa0: {  	[sflag:s22] =	ssyncadd.s32 s4;
	_ =	sdelay $0x1  }
0xa1: {  	s23 =	simm.s32 $0x1B8B  }
0xa2: {  	_ =	swait.ge [sflag:s23], $0x1  }
0xa3: {  	[sflag:s23] =	ssyncset.done $0x0  }
0xa4: {  	s25 =	simm.s32 $0x1B8E;
	s24 =	sld [smem:$0x3FFE];
	[sflag:s23] =	ssyncadd.s32 $0xFFFFFFFF  }
0xa5: {  	s26 =	simm.s32 $execute0_lowered;
	[smem:$0x3FD2] =	sst s25  }
0xa6: {  	s5 =	sshll.u32 s26, $0x1;
	_ =	strace $0x80000055;
	[dreg:$0x1] =	wrdreg $0xFFFFFFFF  }
0xa7: {  	s28 =	simm.s32 $_size_execute0_lowered;
	s3 =	sadd.s32 s3, s5;
	[dreg:$0x0] =	wrdreg $0x0  }
0xa8: {  	s5 =	sshll.u32 s28, $0x1;
	[dreg:$0x2] =	wrdreg s3  }
0xa9: {  	[dreg:$0x3] =	wrdreg s5  }
0xaa: {  	[dreg:$0x4] =	wrdreg $0xC0  }
0xab: {  	_ =	task [dreg:s7], $0x5FFFF  }
0xac: {  	[dreg:$0x1] =	wrdreg $0xFFFFFFFF  }
0xad: {  	[dreg:$0x0] =	wrdreg $0x60  }
0xae: {  	[dreg:$0x2] =	wrdreg s24  }
0xaf: {  	[dreg:$0x3] =	wrdreg s2  }
0xb0: {  	[dreg:$0x4] =	wrdreg $0x7B200  }
0xb1: {  	[dreg:$0x5] =	wrdreg $0x9  }
0xb2: {  	_ =	task.clear_ibuf [dreg:s7], $0x6FFFF;
	_ =	strace $0x90000055  }
0xb3: {  	s29 =	simm.s32 $0x9;
	_ =	strace $0x80000057  }
0xb4: {  	_ =	swait.ge [sflag:s29], $0x1  }
0xb5: {  	[sflag:s29] =	ssyncadd.s32 $0xFFFFFFFF  }
0xb6: {  	_ =	strace $0x90000057  }
0xb7: {  	_ =	sfence  }
0xb8: {  	s30 =	sld [smem:$0x0];
	_ =	sdelay $0x2  }
0xb9: {  	s31 =	sshll.u32 s1, $0xD;
	s1 =	sshrl.u32 s1, $0x2  }
0xba: {  	s3 =	sand.u32 $0x4000, s31;
	s1 =	sadd.s32 s1, s30  }
0xbb: {  	s0 =	sor.u32 s3, s0;
	s1 =	sshll.u32 s1, $0x11  }
0xbc: {  	s0 =	sor.u32 s1, s0  }
0xbd: {  	s0 =	sadd.s32 $0x8F2B, s0  }
0xbe: {  	[sflag:s0] =	ssyncadd.remote.s32 $0x1  }
0xbf: {  	_ =	sfence.sel $0xFFFF  }
0xc0: {  	[dreg:$0x0] =	wrdreg $0xFFFFFFFF;
	(pc) =	sbr.abs _section_cstart, $3  }
0xc1: {  	[dreg:$0x1] =	wrdreg $0xFFFFFFFF  }
0xc2: {  	_ =	task.clear_ibuf [dreg:s7], $0x2FFFF;
	_ =	strace $0x9FFFFFFF  }
0xc3: {  	(tm) =	ssettm $0x7FFFFFFF  }
tec
execute0_lowered:
.L_overlay_start_1:
0x0: {  	(tag) =	ssettag $0x1  }
0x1: {  	s5 =	rddreg [dreg:$0x0]  }
0x2: {  	s9 =	rddreg [dreg:$0x1]  }
0x3: {  	s2 =	rddreg [dreg:$0x2]  }
0x4: {  	s0 =	rddreg [dreg:$0x3]  }
0x5: {  	s3 =	simm.s32 $0x0;
	s4 =	srdreg.scid;
	s1 =	stileid.u32  }
0x6: {  	s15 =	simm.s32 $0x7620;
	s16 =	simm.s32 $0x1;
	s17 =	simm.s32 $0x0  }
0x7: {  	[smem:$0x7FF] =	sst s3;
	s6 =	sand.u32 $0x1, s4;
	s30 =	sshll.u32 s1, $0x1  }
0x8: {  	s8 =	smul.u32 $0x2800, s1;
	s4 =	sadd.s32 $0xB8A00, s5;
	_ =	strace $0x80000056  }
0x9: {  	s7 =	sor.u32 s6, s30;
	s10 =	ssub.s32 $0x2, s6;
	s13 =	smul.u32 $0x28000, s6  }
0xa: {  	s7 =	smul.u32 $0x4E2, s7;
	s11 =	sshrl.u32 s8, $0x3;
	s12 =	sshrl.u32 s10, $0x1  }
0xb: {  	s6 =	sadd.s32 s8, s2;
	s10 =	ssub.s32 s10, s12;
	s31 =	sadd.s32 s8, s13  }
0xc: {  	s12 =	simm.s32 $0x2;
	s13 =	simm.s32 $0x2710;
	s14 =	sadd.s32 s7, s5  }
0xd: {  	s5 =	sadd.s32 s11, s5;
	s11 =	sshrl.u32 s31, $0x3;
	s10 =	smax.u32 s10, $0x1  }
0xe: {  	s5 =	sadd.s32 $0x17600, s5;
	s7 =	sadd.s32 $0x3800, s14;
	s8 =	sadd.s32 $0xD600, s14  }
0xf: {  	s9 =	sadd.s32 s9, s11;
	s11 =	simm.s32 $0x4E20;
	s14 =	simm.s32 $0x50  }
.LBB2_1:
0x10: {  	[tilespmem:s11], [sflag:$0x2] =	stream.linear.gather [hbm4b:s5+s3], $0x2800, $0x38;
	[tilespmem:$0xA320] =	vst v63  }
0x11: {  	_ =	swait.ge [sflag:s12], $0x2800  }
0x12: {  	[sflag:s12] =	ssyncset.done $0x0  }
0x13: {  	[sflag:s12] =	ssyncadd.s32 $0xFFFFD800  }
0x14: {  	[spmem:s6] =	stream.linear.scatter [tilespmem:s11], [sflag:$0x2], $0x2800, $0x38;
	[tilespmem:$0xA320] =	vst v63  }
0x15: {  	_ =	swait.ge [sflag:s12], $0x2800  }
0x16: {  	[sflag:s12] =	ssyncset.done $0x0  }
0x17: {  	[sflag:s12] =	ssyncadd.s32 $0xFFFFD800  }
0x18: {  	[bflag:$0x0] =	sbarrier.arrive $0xFFFF  }
0x19: {  	[tilespmem:s3], [sflag:$0x2] =	stream.linear.gather [hbm4b:s7+s3], $0x2710, $0x38;
	[tilespmem:$0xA320] =	vst v63  }
0x1a: {  	_ =	swait.ge [sflag:s12], $0x2710  }
0x1b: {  	[sflag:s12] =	ssyncset.done $0x0  }
0x1c: {  	[sflag:s12] =	ssyncadd.s32 $0xFFFFD8F0  }
0x1d: {  	[tilespmem:s13], [sflag:$0x2] =	stream.linear.gather [hbm4b:s8+s3], $0x2710, $0x38;
	[tilespmem:$0xA320] =	vst v63  }
0x1e: {  	_ =	swait.ge [sflag:s12], $0x2710  }
0x1f: {  	[sflag:s12] =	ssyncset.done $0x0  }
0x20: {  	s18 =	simm.s32 $0x0;
	[sflag:s12] =	ssyncadd.s32 $0xFFFFD8F0  }
0x21: {  	[tilespmem:s15], [sflag:$0x1] =	stream.indirect.gather [hbm4b:s4+s14], $0x10, s18, s14, $0xb8;
	[tilespmem:$0xA320] =	vst v63  }
0x22: {  	_ =	swait.ge [sflag:s16], $0x500  }
0x23: {  	[sflag:s16] =	ssyncset.done $0x0  }
0x24: {  	s31 =	simm.s32 $0x2710;
	[sflag:s16] =	ssyncadd.s32 $0xFFFFFB00  }
0x25: {  	[spmem:s2] =	stream.indirect.scatter.add.f32 [tilespmem:s15], [sflag:$0x2], $0x10, s31, s14, $0xb8;
	[tilespmem:$0xA320] =	vst v63  }
0x26: {  	_ =	swait.ge [sflag:s12], $0x500  }
0x27: {  	s19 =	simm.s32 $0x280;
	s18 =	simm.s32 $0x140;
	[sflag:s12] =	ssyncset.done $0x0  }
.LBB2_2:
0x28: {  	s20 =	sshra.s32 s18, $0x2  }
0x29: {  	[sflag:s12] =	ssyncadd.s32 $0xFFFFFB00;
	s18 =	smov.u32 s19;
	s21 =	sadd.s32 $0x140, s19  }
0x2a: {  	[tilespmem:s15], [sflag:$0x1] =	stream.indirect.gather [hbm4b:s4+s14], $0x10, s20, s14, $0xb8;
	[tilespmem:$0xA320] =	vst v63  }
0x2b: {  	p0 =	sne.s32 s19, $0x9B00;
	_ =	swait.ge [sflag:s16], $0x500  }
.Ltmp0:
0x2c: {  	[sflag:s16] =	ssyncset.done $0x0;
	(pc) =	sbr.rel @p0 .LBB2_2-.Ltmp0, $4  }
0x2d: {  	s19 =	sadd.s32 $0x2710, s20;
	[sflag:s16] =	ssyncadd.s32 $0xFFFFFB00  }
0x2e: {  	[spmem:s2] =	stream.indirect.scatter.add.f32 [tilespmem:s15], [sflag:$0x2], $0x10, s19, s14, $0xb8;
	[tilespmem:$0xA320] =	vst v63  }
0x2f: {  	_ =	swait.ge [sflag:s12], $0x500  }
0x30: {  	s19 =	smov.u32 s21;
	[sflag:s12] =	ssyncset.done $0x0  }
0x31: {  	s18 =	sshra.s32 s18, $0x2;
	[sflag:s12] =	ssyncadd.s32 $0xFFFFFB00  }
0x32: {  	[tilespmem:s15], [sflag:$0x1] =	stream.indirect.gather [hbm4b:s4+s14], $0x10, s18, s14, $0xb8;
	[tilespmem:$0xA320] =	vst v63  }
0x33: {  	_ =	swait.ge [sflag:s16], $0x500  }
0x34: {  	[sflag:s16] =	ssyncset.done $0x0  }
0x35: {  	s18 =	sadd.s32 $0x2710, s18;
	[sflag:s16] =	ssyncadd.s32 $0xFFFFFB00  }
0x36: {  	[spmem:s2] =	stream.indirect.scatter.add.f32 [tilespmem:s15], [sflag:$0x2], $0x10, s18, s14, $0xb8;
	[tilespmem:$0xA320] =	vst v63  }
0x37: {  	_ =	swait.ge [sflag:s12], $0x500  }
0x38: {  	[sflag:s12] =	ssyncset.done $0x0  }
0x39: {  	[sflag:s12] =	ssyncadd.s32 $0xFFFFFB00  }
0x3a: {  	[bflag:$0x0] =	sbarrier.arrive $0xFFFF  }
0x3b: {  	[tilespmem:s11], [sflag:$0x2] =	stream.linear.gather [spmem:s6], $0x2800, $0x38;
	[tilespmem:$0xA320] =	vst v63  }
0x3c: {  	s17 =	sadd.s32 $0x1, s17;
	_ =	swait.ge [sflag:s12], $0x2800  }
0x3d: {  	p0 =	sne.s32 s17, s10;
	[sflag:s12] =	ssyncset.done $0x0  }
.Ltmp1:
0x3e: {  	[sflag:s12] =	ssyncadd.s32 $0xFFFFD800;
	(pc) =	sbr.rel @p0 .LBB2_1-.Ltmp1, $4  }
0x3f: {  	[hbm4b:s9+s3] =	stream.linear.scatter [tilespmem:s11], [sflag:$0x2], $0x2800, $0x38;
	[tilespmem:$0xA320] =	vst v63  }
0x40: {  	_ =	swait.ge [sflag:s12], $0x2800  }
0x41: {  	[sflag:s12] =	ssyncset.done $0x0  }
0x42: {  	[sflag:s12] =	ssyncadd.s32 $0xFFFFD800  }
0x43: {  	_ =	sfence.sel $0x180000  }
0x44: {  	[bflag:$0x0] =	sbarrier.arrive $0xFFFF  }
0x45: {  	p0 =	sne.s32 s1, $0x0;
	_ =	strace $0x90000056  }
0x46: {  	s0 =	sadd.s32 @!p0 $0x100000, s0;
	[bflag:$0x2] =	sbarrier.arrive $0xFFFF  }
0x47: {  	[sflag:s0] =	ssyncadd.tile.s32 @!p0 $0x1;
	_ =	shalt  }
.Lfunc_end2:
_tile_overlayer_lowered:
.L_overlay_start_2:
0x48: {  	(tag) =	ssettag $0x2  }
0x49: {  	s0 =	rddreg [dreg:$0x0];
	s2 =	stileid.u32  }
0x4a: {  	s1 =	rddreg [dreg:$0x1];
	p0 =	sne.s32 s2, $0x0  }
0x4b: {  	s3 =	rddreg [dreg:$0x2];
	[bflag:$0x3] =	sbarrier.arrive $0xFFFF;
	s2 =	simm.s32 @!p0 $0x1C02  }
0x4c: {  	[timem:s3], [sflag:s2] =	dma.local @!p0 [hbm:s0], s1  }
0x4d: {  	s0 =	simm.s32 @!p0 $0x2  }
0x4e: {  	_ =	swait.ge @!p0 [sflag:s0], s1  }
0x4f: {  	s1 =	ssub.s32 @!p0 $0x0, s1;
	[sflag:s0] =	ssyncset.done @!p0 $0x0  }
0x50: {  	[sflag:s0] =	ssyncadd.s32 @!p0 s1  }
0x51: {  	[bflag:$0x3] =	sbarrier.arrive $0xFFFF  }
0x52: {  	_ =	shalt  }

// kernel: kernel.36.cloned.1.call-start
scs
__scs_entry_jumppad:
0x0: {  	(pc) =	sbr.rel $0x88, $3  }
0x1: {  	(tag) =	ssettag $0x0;
	lr =	simm.s32 $0x1  }
0x2: {  	[smem:$0x3F99] =	sst lr;
	_ =	strace $0xD0000000  }
0x3: {  	_ = 	snop  }
0x4: {  	_ = 	snop  }
0x5: {  	_ = 	snop  }
0x6: {  	_ = 	snop  }
0x7: {  	_ = 	snop  }
__scs_overlays_trampoline_lowered:
0x8: {  	[smem:$0x3FA8] =	sst s0  }
0x9: {  	[smem:$0x3FA9] =	sst s1  }
0xa: {  	[smem:$0x3FAA] =	sst s2  }
0xb: {  	[smem:$0x3FAB] =	sst s3  }
0xc: {  	[smem:$0x3FAC] =	sst s4  }
0xd: {  	[smem:$0x3FAD] =	sst s5  }
0xe: {  	[smem:$0x3FAE] =	sst s6  }
0xf: {  	[smem:$0x3FAF] =	sst s7  }
0x10: {  	[smem:$0x3FB0] =	sst s8  }
0x11: {  	[smem:$0x3FB1] =	sst s9;
	s0 =	simm.s32 @!p0 $0x0  }
0x12: {  	s1 =	sld [smem:$0x3F97];
	s0 =	simm.s32 @p0 $0x1  }
0x13: {  	[smem:$0x3FB2] =	sst s0;
	s0 =	simm.s32 @!p1 $0x0  }
0x14: {  	s2 =	sld [smem:$0x3F96];
	s0 =	simm.s32 @p1 $0x1  }
0x15: {  	[smem:$0x3FB3] =	sst s0;
	s0 =	simm.s32 @!p2 $0x0  }
0x16: {  	s3 =	sld [smem:$0x3FDB];
	s0 =	simm.s32 @p2 $0x1  }
0x17: {  	s4 =	simm.s32 $0x1BF5;
	[smem:$0x3FB5] =	sst s0  }
0x18: {  	s0 =	sld [smem:$0x3F98];
	_ =	swait.ge [sflag:s4], $0x0  }
0x19: {  	s7 =	sld [smem:$0x3F99]  }
0x1a: {  	s8 =	sadd.s32 $0xFFFFE003, lr  }
0x1b: {  	s9 =	sadd.s32 $0xFFFFFEF7, lr;
	s5 =	simm.s32 $0xFFFFFFFF;
	p2 =	slt.u32 s8, $0xFFFFF086  }
0x1c: {  	p1 =	slt.u32 s9, $0xF7A;
	s5 =	simm.s32 @!p2 $0x0  }
0x1d: {  	s5 =	simm.s32 @p1 $0x1;
	p0 =	seq.s32 s7, s2  }
0x1e: {  	s7 =	smul.u32 @!p0 $0xF7A, s2;
	p2 =	seq.s32 @!p0 s5, $0x0  }
0x1f: {  	s9 =	smul.u32 $0xF7A, s1;
	s8 =	simm.s32 @!p0 $0x1BF5;
	p2 =	por !p2, p0  }
0x20: {  	[sflag:s8] =	ssyncset.s32 @!p0 $0xFFFFF086;
	s6 =	sadd.s32 @!p0 s3, s7;
	s7 =	simm.s32 @!p0 $0x108  }
0x21: {  	s3 =	sadd.s32 s3, s9;
	s6 =	sadd.s32 @!p0 $0x88, s6;
	s7 =	simm.s32 @p2 $0x1082  }
0x22: {  	[simem:s7], [sflag:s8] =	dma.local @!p0 [hbm:s6], $0xF7A  }
0x23: {  	s9 =	sor.u32 $0xD0000000, s2;
	s6 =	simm.s32 $0x108;
	_ =	swait.ge @!p0 [sflag:s8], $0x0  }
0x24: {  	s3 =	sadd.s32 $0x88, s3;
	s6 =	simm.s32 @!p1 $0x1082;
	[sflag:s4] =	ssyncset.s32 $0xFFFFF086  }
0x25: {  	[simem:s6], [sflag:s4] =	dma.local [hbm:s3], $0xF7A  }
0x26: {  	[smem:$0x3F99] =	sst s1;
	(tag) =	ssettag s2;
	_ =	strace s9  }
0x27: {  	s1 =	sld [smem:$0x3FA9]  }
0x28: {  	s2 =	sld [smem:$0x3FAA]  }
0x29: {  	s4 =	sld [smem:$0x3FAC]  }
0x2a: {  	p0 =	seq.s32 s5, $0x0;
	s5 =	sld [smem:$0x3FAD]  }
0x2b: {  	s6 =	sld [smem:$0x3FAE]  }
0x2c: {  	s7 =	sld [smem:$0x3FAF]  }
0x2d: {  	s3 =	simm.s32 $0x108;
	s8 =	sld [smem:$0x3FB0]  }
0x2e: {  	s3 =	simm.s32 @!p0 $0x1082;
	s9 =	sld [smem:$0x3FB1]  }
0x2f: {  	lr =	sadd.s32 s0, s3;
	s0 =	sld [smem:$0x3FA8]  }
0x30: {  	s3 =	sld [smem:$0x3FAB]  }
0x31: {  	[smem:$0x3FB4] =	sst s10  }
0x32: {  	s10 =	sld [smem:$0x3FB2];
	_ =	sdelay $0x3  }
0x33: {  	p0 =	seq.s32 s10, $0x1;
	s10 =	sld [smem:$0x3FB4];
	_ =	sdelay $0x3  }
0x34: {  	[smem:$0x3FB4] =	sst s10  }
0x35: {  	s10 =	sld [smem:$0x3FB3];
	_ =	sdelay $0x3  }
0x36: {  	p1 =	seq.s32 s10, $0x1;
	s10 =	sld [smem:$0x3FB4];
	_ =	sdelay $0x3  }
0x37: {  	[smem:$0x3FB4] =	sst s10  }
0x38: {  	s10 =	sld [smem:$0x3FB5]  }
0x39: {  	_ = 	snop;
	(pc) =	sbr.ind lr, $3  }
0x3a: {  	_ = 	snop  }
0x3b: {  	_ = 	snop  }
0x3c: {  	p2 =	seq.s32 s10, $0x1;
	s10 =	sld [smem:$0x3FB4]  }
0x3d: {  	_ =	shalt  }
0x3e: {  	_ =	shalt  }
0x3f: {  	_ =	shalt  }
0x40: {  	_ =	shalt  }
0x41: {  	_ =	shalt  }
0x42: {  	_ =	shalt  }
0x43: {  	_ =	shalt  }
0x44: {  	_ =	shalt  }
0x45: {  	_ =	shalt  }
0x46: {  	_ =	shalt  }
0x47: {  	_ =	shalt  }
0x48: {  	_ =	shalt  }
0x49: {  	_ =	shalt  }
0x4a: {  	_ =	shalt  }
0x4b: {  	_ =	shalt  }
0x4c: {  	_ =	shalt  }
0x4d: {  	_ =	shalt  }
0x4e: {  	_ =	shalt  }
0x4f: {  	_ =	shalt  }
0x50: {  	_ =	shalt  }
0x51: {  	_ =	shalt  }
0x52: {  	_ =	shalt  }
0x53: {  	_ =	shalt  }
0x54: {  	_ =	shalt  }
0x55: {  	_ =	shalt  }
0x56: {  	_ =	shalt  }
0x57: {  	_ =	shalt  }
0x58: {  	_ =	shalt  }
0x59: {  	_ =	shalt  }
0x5a: {  	_ =	shalt  }
0x5b: {  	_ =	shalt  }
0x5c: {  	_ =	shalt  }
0x5d: {  	_ =	shalt  }
0x5e: {  	_ =	shalt  }
0x5f: {  	_ =	shalt  }
0x60: {  	_ =	shalt  }
0x61: {  	_ =	shalt  }
0x62: {  	_ =	shalt  }
0x63: {  	_ =	shalt  }
0x64: {  	_ =	shalt  }
0x65: {  	_ =	shalt  }
0x66: {  	_ =	shalt  }
0x67: {  	_ =	shalt  }
0x68: {  	_ =	shalt  }
0x69: {  	_ =	shalt  }
0x6a: {  	_ =	shalt  }
0x6b: {  	_ =	shalt  }
0x6c: {  	_ =	shalt  }
0x6d: {  	_ =	shalt  }
0x6e: {  	_ =	shalt  }
0x6f: {  	_ =	shalt  }
0x70: {  	_ =	shalt  }
0x71: {  	_ =	shalt  }
0x72: {  	_ =	shalt  }
0x73: {  	_ =	shalt  }
0x74: {  	_ =	shalt  }
0x75: {  	_ =	shalt  }
0x76: {  	_ =	shalt  }
0x77: {  	_ =	shalt  }
0x78: {  	_ =	shalt  }
0x79: {  	_ =	shalt  }
0x7a: {  	_ =	shalt  }
0x7b: {  	_ =	shalt  }
0x7c: {  	_ =	shalt  }
0x7d: {  	_ =	shalt  }
0x7e: {  	_ =	shalt  }
0x7f: {  	_ =	shalt  }
0x80: {  	_ =	shalt  }
0x81: {  	_ =	shalt  }
0x82: {  	_ =	shalt  }
0x83: {  	_ =	shalt  }
0x84: {  	_ =	shalt  }
0x85: {  	_ =	shalt  }
0x86: {  	_ =	shalt  }
0x87: {  	_ =	shalt  }
.Lfunc_end0:
.L_simem_size_0:
called_computation.6_lowered:
.L_overlay_start_0:
0x88: {  	s2 =	sld [smem:$0x3FD9]  }
0x89: {  	s3 =	sld [smem:$0x3FFE];
	_ =	sdelay $0x1  }
0x8a: {  	s1 =	srdreg.scid  }
0x8b: {  	s0 =	sand.u32 $0x1, s1  }
0x8c: {  	s17 =	sshll.u32 s0, $0xA;
	s2 =	sadd.s32 s3, s2  }
0x8d: {  	s2 =	sadd.s32 s2, s17  }
0x8e: {  	[smem:$0x3FC0] =	sst s2  }
0x8f: {  	_ = 	snop  }
0x90: {  	s2 =	sld [smem:$0x3FD0];
	(tm) =	ssettm $0x1  }
0x91: {  	s18 =	sld [smem:$0x3FFB];
	_ =	sdelay $0x3  }
0x92: {  	_ =	strace s18  }
0x93: {  	s3 =	sld [smem:$0x3FFC];
	_ =	sdelay $0x3  }
0x94: {  	_ =	strace s3  }
0x95: {  	s3 =	sld [smem:$0x3FFD];
	_ =	sdelay $0x3  }
0x96: {  	_ =	strace s3  }
0x97: {  	_ =	strace $0x8FFFFFFF  }
0x98: {  	s19 =	sld [smem:$0x3FDB];
	_ =	sdelay $0x1  }
0x99: {  	s4 =	simm.s32 $_scs_section_size  }
0x9a: {  	s5 =	simm.s32 $_size__tile_overlayer_lowered;
	s6 =	simm.s32 $_tile_overlayer_lowered  }
0x9b: {  	s22 =	simm.s32 $0x1BFF;
	s21 =	sshll.u32 s6, $0x1;
	s3 =	sadd.s32 s4, s19  }
0x9c: {  	s7 =	simm.s32 $0x0;
	s20 =	sshll.u32 s5, $0x1;
	s5 =	sadd.s32 s21, s3  }
0x9d: {  	[timem:s7], [sflag:s22] =	dma.local [hbm:s5], s20  }
0x9e: {  	_ =	swait.ge [sflag:s22], s20  }
0x9f: {  	s4 =	ssub.s32 $0x0, s20;
	[sflag:s22] =	ssyncset.done $0x0  }
0xa0: {  	[sflag:s22] =	ssyncadd.s32 s4;
	_ =	sdelay $0x1  }
0xa1: {  	s23 =	simm.s32 $0x1B8B  }
0xa2: {  	_ =	swait.ge [sflag:s23], $0x1  }
0xa3: {  	[sflag:s23] =	ssyncset.done $0x0  }
0xa4: {  	s25 =	simm.s32 $0x1B8E;
	s24 =	sld [smem:$0x3FFE];
	[sflag:s23] =	ssyncadd.s32 $0xFFFFFFFF  }
0xa5: {  	s26 =	simm.s32 $execute0_lowered;
	[smem:$0x3FD2] =	sst s25  }
0xa6: {  	s5 =	sshll.u32 s26, $0x1;
	_ =	strace $0x80000058;
	[dreg:$0x1] =	wrdreg $0xFFFFFFFF  }
0xa7: {  	s28 =	simm.s32 $_size_execute0_lowered;
	s3 =	sadd.s32 s3, s5;
	[dreg:$0x0] =	wrdreg $0x0  }
0xa8: {  	s5 =	sshll.u32 s28, $0x1;
	[dreg:$0x2] =	wrdreg s3  }
0xa9: {  	[dreg:$0x3] =	wrdreg s5  }
0xaa: {  	[dreg:$0x4] =	wrdreg $0xC0  }
0xab: {  	_ =	task [dreg:s7], $0x5FFFF  }
0xac: {  	[dreg:$0x1] =	wrdreg $0xFFFFFFFF  }
0xad: {  	[dreg:$0x0] =	wrdreg $0x60  }
0xae: {  	[dreg:$0x2] =	wrdreg s2  }
0xaf: {  	[dreg:$0x3] =	wrdreg s24  }
0xb0: {  	[dreg:$0x4] =	wrdreg $0x7B200  }
0xb1: {  	[dreg:$0x5] =	wrdreg $0x9  }
0xb2: {  	_ =	task.clear_ibuf [dreg:s7], $0x6FFFF;
	_ =	strace $0x90000058  }
0xb3: {  	s29 =	simm.s32 $0x9;
	_ =	strace $0x8000005A  }
0xb4: {  	_ =	swait.ge [sflag:s29], $0x1  }
0xb5: {  	[sflag:s29] =	ssyncadd.s32 $0xFFFFFFFF  }
0xb6: {  	_ =	strace $0x9000005A  }
0xb7: {  	_ =	sfence  }
0xb8: {  	s30 =	sld [smem:$0x0];
	_ =	sdelay $0x2  }
0xb9: {  	s31 =	sshll.u32 s1, $0xD;
	s1 =	sshrl.u32 s1, $0x2  }
0xba: {  	s3 =	sand.u32 $0x4000, s31;
	s1 =	sadd.s32 s1, s30  }
0xbb: {  	s0 =	sor.u32 s3, s0;
	s1 =	sshll.u32 s1, $0x11  }
0xbc: {  	s0 =	sor.u32 s1, s0  }
0xbd: {  	s0 =	sadd.s32 $0x8F2B, s0  }
0xbe: {  	[sflag:s0] =	ssyncadd.remote.s32 $0x1  }
0xbf: {  	_ =	sfence.sel $0xFFFF  }
0xc0: {  	[dreg:$0x0] =	wrdreg $0xFFFFFFFF;
	(pc) =	sbr.abs _section_cstart, $3  }
0xc1: {  	[dreg:$0x1] =	wrdreg $0xFFFFFFFF  }
0xc2: {  	_ =	task.clear_ibuf [dreg:s7], $0x2FFFF;
	_ =	strace $0x9FFFFFFF  }
0xc3: {  	(tm) =	ssettm $0x7FFFFFFF  }
tec
execute0_lowered:
.L_overlay_start_1:
0x0: {  	(tag) =	ssettag $0x1  }
0x1: {  	s2 =	srdreg.scid;
	s1 =	rddreg [dreg:$0x0]  }
0x2: {  	s0 =	stileid.u32;
	s6 =	rddreg [dreg:$0x1]  }
0x3: {  	s3 =	rddreg [dreg:$0x2];
	s4 =	simm.s32 $0x0;
	s12 =	simm.s32 $0x2  }
0x4: {  	s13 =	simm.s32 $0x2710;
	s14 =	simm.s32 $0x50;
	s15 =	simm.s32 $0x7620  }
0x5: {  	s16 =	simm.s32 $0x1;
	s17 =	simm.s32 $0x0;
	s5 =	sand.u32 $0x1, s2  }
0x6: {  	s30 =	sshll.u32 s0, $0x1;
	s8 =	smul.u32 $0x2800, s0;
	[smem:$0x7FF] =	sst s4  }
0x7: {  	s2 =	sor.u32 s5, s30;
	s9 =	smul.u32 $0x28000, s5;
	s5 =	ssub.s32 $0x2, s5  }
0x8: {  	s7 =	smul.u32 $0x4E2, s2;
	s2 =	rddreg [dreg:$0x3];
	_ =	strace $0x80000059  }
0x9: {  	s31 =	sshrl.u32 s8, $0x3;
	s11 =	sshrl.u32 s5, $0x1;
	s9 =	sadd.s32 s8, s9  }
0xa: {  	s10 =	sadd.s32 s7, s6;
	s7 =	sadd.s32 s31, s6;
	s9 =	sshrl.u32 s9, $0x3  }
0xb: {  	s11 =	ssub.s32 s5, s11;
	s9 =	sadd.s32 s9, s6;
	s5 =	sadd.s32 $0x17600, s7  }
0xc: {  	s6 =	sadd.s32 s8, s3;
	s7 =	sadd.s32 $0x3800, s10;
	s8 =	sadd.s32 $0xD600, s10  }
0xd: {  	s10 =	smax.u32 s11, $0x1;
	s11 =	simm.s32 $0x4E20;
	s9 =	sadd.s32 $0xB8A00, s9  }
.LBB2_1:
0xe: {  	[tilespmem:s11], [sflag:$0x2] =	stream.linear.gather [hbm4b:s5+s4], $0x2800, $0x38;
	[tilespmem:$0xA320] =	vst v63  }
0xf: {  	_ =	swait.ge [sflag:s12], $0x2800  }
0x10: {  	[sflag:s12] =	ssyncset.done $0x0  }
0x11: {  	[sflag:s12] =	ssyncadd.s32 $0xFFFFD800  }
0x12: {  	[spmem:s6] =	stream.linear.scatter [tilespmem:s11], [sflag:$0x2], $0x2800, $0x38;
	[tilespmem:$0xA320] =	vst v63  }
0x13: {  	_ =	swait.ge [sflag:s12], $0x2800  }
0x14: {  	[sflag:s12] =	ssyncset.done $0x0  }
0x15: {  	[sflag:s12] =	ssyncadd.s32 $0xFFFFD800  }
0x16: {  	[bflag:$0x0] =	sbarrier.arrive $0xFFFF  }
0x17: {  	[tilespmem:s4], [sflag:$0x2] =	stream.linear.gather [hbm4b:s7+s4], $0x2710, $0x38;
	[tilespmem:$0xA320] =	vst v63  }
0x18: {  	_ =	swait.ge [sflag:s12], $0x2710  }
0x19: {  	[sflag:s12] =	ssyncset.done $0x0  }
0x1a: {  	[sflag:s12] =	ssyncadd.s32 $0xFFFFD8F0  }
0x1b: {  	[tilespmem:s13], [sflag:$0x2] =	stream.linear.gather [hbm4b:s8+s4], $0x2710, $0x38;
	[tilespmem:$0xA320] =	vst v63  }
0x1c: {  	_ =	swait.ge [sflag:s12], $0x2710  }
0x1d: {  	[sflag:s12] =	ssyncset.done $0x0  }
0x1e: {  	s18 =	simm.s32 $0x0;
	[sflag:s12] =	ssyncadd.s32 $0xFFFFD8F0  }
0x1f: {  	[tilespmem:s15], [sflag:$0x1] =	stream.indirect.gather [hbm4b:s1+s14], $0x10, s18, s14, $0xb8;
	[tilespmem:$0xA320] =	vst v63  }
0x20: {  	_ =	swait.ge [sflag:s16], $0x500  }
0x21: {  	[sflag:s16] =	ssyncset.done $0x0  }
0x22: {  	s31 =	simm.s32 $0x2710;
	[sflag:s16] =	ssyncadd.s32 $0xFFFFFB00  }
0x23: {  	[spmem:s3] =	stream.indirect.scatter.add.f32 [tilespmem:s15], [sflag:$0x2], $0x10, s31, s14, $0xb8;
	[tilespmem:$0xA320] =	vst v63  }
0x24: {  	_ =	swait.ge [sflag:s12], $0x500  }
0x25: {  	s19 =	simm.s32 $0x280;
	s18 =	simm.s32 $0x140;
	[sflag:s12] =	ssyncset.done $0x0  }
.LBB2_2:
0x26: {  	s20 =	sshra.s32 s18, $0x2  }
0x27: {  	[sflag:s12] =	ssyncadd.s32 $0xFFFFFB00;
	s18 =	smov.u32 s19;
	s21 =	sadd.s32 $0x140, s19  }
0x28: {  	[tilespmem:s15], [sflag:$0x1] =	stream.indirect.gather [hbm4b:s1+s14], $0x10, s20, s14, $0xb8;
	[tilespmem:$0xA320] =	vst v63  }
0x29: {  	p0 =	sne.s32 s19, $0x9B00;
	_ =	swait.ge [sflag:s16], $0x500  }
.Ltmp0:
0x2a: {  	[sflag:s16] =	ssyncset.done $0x0;
	(pc) =	sbr.rel @p0 .LBB2_2-.Ltmp0, $4  }
0x2b: {  	s19 =	sadd.s32 $0x2710, s20;
	[sflag:s16] =	ssyncadd.s32 $0xFFFFFB00  }
0x2c: {  	[spmem:s3] =	stream.indirect.scatter.add.f32 [tilespmem:s15], [sflag:$0x2], $0x10, s19, s14, $0xb8;
	[tilespmem:$0xA320] =	vst v63  }
0x2d: {  	_ =	swait.ge [sflag:s12], $0x500  }
0x2e: {  	s19 =	smov.u32 s21;
	[sflag:s12] =	ssyncset.done $0x0  }
0x2f: {  	s18 =	sshra.s32 s18, $0x2;
	[sflag:s12] =	ssyncadd.s32 $0xFFFFFB00  }
0x30: {  	[tilespmem:s15], [sflag:$0x1] =	stream.indirect.gather [hbm4b:s1+s14], $0x10, s18, s14, $0xb8;
	[tilespmem:$0xA320] =	vst v63  }
0x31: {  	_ =	swait.ge [sflag:s16], $0x500  }
0x32: {  	[sflag:s16] =	ssyncset.done $0x0  }
0x33: {  	s18 =	sadd.s32 $0x2710, s18;
	[sflag:s16] =	ssyncadd.s32 $0xFFFFFB00  }
0x34: {  	[spmem:s3] =	stream.indirect.scatter.add.f32 [tilespmem:s15], [sflag:$0x2], $0x10, s18, s14, $0xb8;
	[tilespmem:$0xA320] =	vst v63  }
0x35: {  	_ =	swait.ge [sflag:s12], $0x500  }
0x36: {  	[sflag:s12] =	ssyncset.done $0x0  }
0x37: {  	[sflag:s12] =	ssyncadd.s32 $0xFFFFFB00  }
0x38: {  	[bflag:$0x0] =	sbarrier.arrive $0xFFFF  }
0x39: {  	[tilespmem:s11], [sflag:$0x2] =	stream.linear.gather [spmem:s6], $0x2800, $0x38;
	[tilespmem:$0xA320] =	vst v63  }
0x3a: {  	s17 =	sadd.s32 $0x1, s17;
	_ =	swait.ge [sflag:s12], $0x2800  }
0x3b: {  	p0 =	sne.s32 s17, s10;
	[sflag:s12] =	ssyncset.done $0x0  }
.Ltmp1:
0x3c: {  	[sflag:s12] =	ssyncadd.s32 $0xFFFFD800;
	(pc) =	sbr.rel @p0 .LBB2_1-.Ltmp1, $4  }
0x3d: {  	[hbm4b:s9+s4] =	stream.linear.scatter [tilespmem:s11], [sflag:$0x2], $0x2800, $0x38;
	[tilespmem:$0xA320] =	vst v63  }
0x3e: {  	_ =	swait.ge [sflag:s12], $0x2800  }
0x3f: {  	[sflag:s12] =	ssyncset.done $0x0  }
0x40: {  	[sflag:s12] =	ssyncadd.s32 $0xFFFFD800  }
0x41: {  	_ =	sfence.sel $0x180000  }
0x42: {  	[bflag:$0x0] =	sbarrier.arrive $0xFFFF  }
0x43: {  	p0 =	sne.s32 s0, $0x0;
	_ =	strace $0x90000059  }
0x44: {  	s0 =	sadd.s32 @!p0 $0x100000, s2;
	[bflag:$0x2] =	sbarrier.arrive $0xFFFF  }
0x45: {  	[sflag:s0] =	ssyncadd.tile.s32 @!p0 $0x1;
	_ =	shalt  }
.Lfunc_end2:
_tile_overlayer_lowered:
.L_overlay_start_2:
0x46: {  	(tag) =	ssettag $0x2  }
0x47: {  	s0 =	rddreg [dreg:$0x0];
	s2 =	stileid.u32  }
0x48: {  	s1 =	rddreg [dreg:$0x1];
	p0 =	sne.s32 s2, $0x0  }
0x49: {  	s3 =	rddreg [dreg:$0x2];
	[bflag:$0x3] =	sbarrier.arrive $0xFFFF;
	s2 =	simm.s32 @!p0 $0x1C02  }
0x4a: {  	[timem:s3], [sflag:s2] =	dma.local @!p0 [hbm:s0], s1  }
0x4b: {  	s0 =	simm.s32 @!p0 $0x2  }
0x4c: {  	_ =	swait.ge @!p0 [sflag:s0], s1  }
0x4d: {  	s1 =	ssub.s32 @!p0 $0x0, s1;
	[sflag:s0] =	ssyncset.done @!p0 $0x0  }
0x4e: {  	[sflag:s0] =	ssyncadd.s32 @!p0 s1  }
0x4f: {  	[bflag:$0x3] =	sbarrier.arrive $0xFFFF  }
0x50: {  	_ =	shalt  }

// kernel: kernel.39.cloned.1.call-start
scs
__scs_entry_jumppad:
0x0: {  	(pc) =	sbr.rel $0x88, $3  }
0x1: {  	(tag) =	ssettag $0x0;
	lr =	simm.s32 $0x1  }
0x2: {  	[smem:$0x3F99] =	sst lr;
	_ =	strace $0xD0000000  }
0x3: {  	_ = 	snop  }
0x4: {  	_ = 	snop  }
0x5: {  	_ = 	snop  }
0x6: {  	_ = 	snop  }
0x7: {  	_ = 	snop  }
__scs_overlays_trampoline_lowered:
0x8: {  	[smem:$0x3FA8] =	sst s0  }
0x9: {  	[smem:$0x3FA9] =	sst s1  }
0xa: {  	[smem:$0x3FAA] =	sst s2  }
0xb: {  	[smem:$0x3FAB] =	sst s3  }
0xc: {  	[smem:$0x3FAC] =	sst s4  }
0xd: {  	[smem:$0x3FAD] =	sst s5  }
0xe: {  	[smem:$0x3FAE] =	sst s6  }
0xf: {  	[smem:$0x3FAF] =	sst s7  }
0x10: {  	[smem:$0x3FB0] =	sst s8  }
0x11: {  	[smem:$0x3FB1] =	sst s9;
	s0 =	simm.s32 @!p0 $0x0  }
0x12: {  	s1 =	sld [smem:$0x3F97];
	s0 =	simm.s32 @p0 $0x1  }
0x13: {  	[smem:$0x3FB2] =	sst s0;
	s0 =	simm.s32 @!p1 $0x0  }
0x14: {  	s2 =	sld [smem:$0x3F96];
	s0 =	simm.s32 @p1 $0x1  }
0x15: {  	[smem:$0x3FB3] =	sst s0;
	s0 =	simm.s32 @!p2 $0x0  }
0x16: {  	s3 =	sld [smem:$0x3FDB];
	s0 =	simm.s32 @p2 $0x1  }
0x17: {  	s4 =	simm.s32 $0x1BF5;
	[smem:$0x3FB5] =	sst s0  }
0x18: {  	s0 =	sld [smem:$0x3F98];
	_ =	swait.ge [sflag:s4], $0x0  }
0x19: {  	s7 =	sld [smem:$0x3F99]  }
0x1a: {  	s8 =	sadd.s32 $0xFFFFE003, lr  }
0x1b: {  	s9 =	sadd.s32 $0xFFFFFEF7, lr;
	s5 =	simm.s32 $0xFFFFFFFF;
	p2 =	slt.u32 s8, $0xFFFFF086  }
0x1c: {  	p1 =	slt.u32 s9, $0xF7A;
	s5 =	simm.s32 @!p2 $0x0  }
0x1d: {  	s5 =	simm.s32 @p1 $0x1;
	p0 =	seq.s32 s7, s2  }
0x1e: {  	s7 =	smul.u32 @!p0 $0xF7A, s2;
	p2 =	seq.s32 @!p0 s5, $0x0  }
0x1f: {  	s9 =	smul.u32 $0xF7A, s1;
	s8 =	simm.s32 @!p0 $0x1BF5;
	p2 =	por !p2, p0  }
0x20: {  	[sflag:s8] =	ssyncset.s32 @!p0 $0xFFFFF086;
	s6 =	sadd.s32 @!p0 s3, s7;
	s7 =	simm.s32 @!p0 $0x108  }
0x21: {  	s3 =	sadd.s32 s3, s9;
	s6 =	sadd.s32 @!p0 $0x88, s6;
	s7 =	simm.s32 @p2 $0x1082  }
0x22: {  	[simem:s7], [sflag:s8] =	dma.local @!p0 [hbm:s6], $0xF7A  }
0x23: {  	s9 =	sor.u32 $0xD0000000, s2;
	s6 =	simm.s32 $0x108;
	_ =	swait.ge @!p0 [sflag:s8], $0x0  }
0x24: {  	s3 =	sadd.s32 $0x88, s3;
	s6 =	simm.s32 @!p1 $0x1082;
	[sflag:s4] =	ssyncset.s32 $0xFFFFF086  }
0x25: {  	[simem:s6], [sflag:s4] =	dma.local [hbm:s3], $0xF7A  }
0x26: {  	[smem:$0x3F99] =	sst s1;
	(tag) =	ssettag s2;
	_ =	strace s9  }
0x27: {  	s1 =	sld [smem:$0x3FA9]  }
0x28: {  	s2 =	sld [smem:$0x3FAA]  }
0x29: {  	s4 =	sld [smem:$0x3FAC]  }
0x2a: {  	p0 =	seq.s32 s5, $0x0;
	s5 =	sld [smem:$0x3FAD]  }
0x2b: {  	s6 =	sld [smem:$0x3FAE]  }
0x2c: {  	s7 =	sld [smem:$0x3FAF]  }
0x2d: {  	s3 =	simm.s32 $0x108;
	s8 =	sld [smem:$0x3FB0]  }
0x2e: {  	s3 =	simm.s32 @!p0 $0x1082;
	s9 =	sld [smem:$0x3FB1]  }
0x2f: {  	lr =	sadd.s32 s0, s3;
	s0 =	sld [smem:$0x3FA8]  }
0x30: {  	s3 =	sld [smem:$0x3FAB]  }
0x31: {  	[smem:$0x3FB4] =	sst s10  }
0x32: {  	s10 =	sld [smem:$0x3FB2];
	_ =	sdelay $0x3  }
0x33: {  	p0 =	seq.s32 s10, $0x1;
	s10 =	sld [smem:$0x3FB4];
	_ =	sdelay $0x3  }
0x34: {  	[smem:$0x3FB4] =	sst s10  }
0x35: {  	s10 =	sld [smem:$0x3FB3];
	_ =	sdelay $0x3  }
0x36: {  	p1 =	seq.s32 s10, $0x1;
	s10 =	sld [smem:$0x3FB4];
	_ =	sdelay $0x3  }
0x37: {  	[smem:$0x3FB4] =	sst s10  }
0x38: {  	s10 =	sld [smem:$0x3FB5]  }
0x39: {  	_ = 	snop;
	(pc) =	sbr.ind lr, $3  }
0x3a: {  	_ = 	snop  }
0x3b: {  	_ = 	snop  }
0x3c: {  	p2 =	seq.s32 s10, $0x1;
	s10 =	sld [smem:$0x3FB4]  }
0x3d: {  	_ =	shalt  }
0x3e: {  	_ =	shalt  }
0x3f: {  	_ =	shalt  }
0x40: {  	_ =	shalt  }
0x41: {  	_ =	shalt  }
0x42: {  	_ =	shalt  }
0x43: {  	_ =	shalt  }
0x44: {  	_ =	shalt  }
0x45: {  	_ =	shalt  }
0x46: {  	_ =	shalt  }
0x47: {  	_ =	shalt  }
0x48: {  	_ =	shalt  }
0x49: {  	_ =	shalt  }
0x4a: {  	_ =	shalt  }
0x4b: {  	_ =	shalt  }
0x4c: {  	_ =	shalt  }
0x4d: {  	_ =	shalt  }
0x4e: {  	_ =	shalt  }
0x4f: {  	_ =	shalt  }
0x50: {  	_ =	shalt  }
0x51: {  	_ =	shalt  }
0x52: {  	_ =	shalt  }
0x53: {  	_ =	shalt  }
0x54: {  	_ =	shalt  }
0x55: {  	_ =	shalt  }
0x56: {  	_ =	shalt  }
0x57: {  	_ =	shalt  }
0x58: {  	_ =	shalt  }
0x59: {  	_ =	shalt  }
0x5a: {  	_ =	shalt  }
0x5b: {  	_ =	shalt  }
0x5c: {  	_ =	shalt  }
0x5d: {  	_ =	shalt  }
0x5e: {  	_ =	shalt  }
0x5f: {  	_ =	shalt  }
0x60: {  	_ =	shalt  }
0x61: {  	_ =	shalt  }
0x62: {  	_ =	shalt  }
0x63: {  	_ =	shalt  }
0x64: {  	_ =	shalt  }
0x65: {  	_ =	shalt  }
0x66: {  	_ =	shalt  }
0x67: {  	_ =	shalt  }
0x68: {  	_ =	shalt  }
0x69: {  	_ =	shalt  }
0x6a: {  	_ =	shalt  }
0x6b: {  	_ =	shalt  }
0x6c: {  	_ =	shalt  }
0x6d: {  	_ =	shalt  }
0x6e: {  	_ =	shalt  }
0x6f: {  	_ =	shalt  }
0x70: {  	_ =	shalt  }
0x71: {  	_ =	shalt  }
0x72: {  	_ =	shalt  }
0x73: {  	_ =	shalt  }
0x74: {  	_ =	shalt  }
0x75: {  	_ =	shalt  }
0x76: {  	_ =	shalt  }
0x77: {  	_ =	shalt  }
0x78: {  	_ =	shalt  }
0x79: {  	_ =	shalt  }
0x7a: {  	_ =	shalt  }
0x7b: {  	_ =	shalt  }
0x7c: {  	_ =	shalt  }
0x7d: {  	_ =	shalt  }
0x7e: {  	_ =	shalt  }
0x7f: {  	_ =	shalt  }
0x80: {  	_ =	shalt  }
0x81: {  	_ =	shalt  }
0x82: {  	_ =	shalt  }
0x83: {  	_ =	shalt  }
0x84: {  	_ =	shalt  }
0x85: {  	_ =	shalt  }
0x86: {  	_ =	shalt  }
0x87: {  	_ =	shalt  }
.Lfunc_end0:
.L_simem_size_0:
called_computation.7_lowered:
.L_overlay_start_0:
0x88: {  	s2 =	sld [smem:$0x3FD9]  }
0x89: {  	s3 =	sld [smem:$0x3FFE];
	_ =	sdelay $0x1  }
0x8a: {  	s1 =	srdreg.scid  }
0x8b: {  	s0 =	sand.u32 $0x1, s1  }
0x8c: {  	s17 =	sshll.u32 s0, $0xA;
	s2 =	sadd.s32 s3, s2  }
0x8d: {  	s2 =	sadd.s32 s2, s17  }
0x8e: {  	[smem:$0x3FC0] =	sst s2  }
0x8f: {  	_ = 	snop  }
0x90: {  	s2 =	sld [smem:$0x3FD0];
	(tm) =	ssettm $0x1  }
0x91: {  	s18 =	sld [smem:$0x3FFB];
	_ =	sdelay $0x3  }
0x92: {  	_ =	strace s18  }
0x93: {  	s3 =	sld [smem:$0x3FFC];
	_ =	sdelay $0x3  }
0x94: {  	_ =	strace s3  }
0x95: {  	s3 =	sld [smem:$0x3FFD];
	_ =	sdelay $0x3  }
0x96: {  	_ =	strace s3  }
0x97: {  	_ =	strace $0x8FFFFFFF  }
0x98: {  	s19 =	sld [smem:$0x3FDB];
	_ =	sdelay $0x1  }
0x99: {  	s4 =	simm.s32 $_scs_section_size  }
0x9a: {  	s5 =	simm.s32 $_size__tile_overlayer_lowered;
	s6 =	simm.s32 $_tile_overlayer_lowered  }
0x9b: {  	s22 =	simm.s32 $0x1BFF;
	s21 =	sshll.u32 s6, $0x1;
	s3 =	sadd.s32 s4, s19  }
0x9c: {  	s7 =	simm.s32 $0x0;
	s20 =	sshll.u32 s5, $0x1;
	s5 =	sadd.s32 s21, s3  }
0x9d: {  	[timem:s7], [sflag:s22] =	dma.local [hbm:s5], s20  }
0x9e: {  	_ =	swait.ge [sflag:s22], s20  }
0x9f: {  	s4 =	ssub.s32 $0x0, s20;
	[sflag:s22] =	ssyncset.done $0x0  }
0xa0: {  	[sflag:s22] =	ssyncadd.s32 s4;
	_ =	sdelay $0x1  }
0xa1: {  	s23 =	simm.s32 $0x1B8B  }
0xa2: {  	_ =	swait.ge [sflag:s23], $0x1  }
0xa3: {  	[sflag:s23] =	ssyncset.done $0x0  }
0xa4: {  	s25 =	simm.s32 $0x1B8E;
	s24 =	sld [smem:$0x3FFE];
	[sflag:s23] =	ssyncadd.s32 $0xFFFFFFFF  }
0xa5: {  	s26 =	simm.s32 $execute0_lowered;
	[smem:$0x3FD2] =	sst s25  }
0xa6: {  	s5 =	sshll.u32 s26, $0x1;
	_ =	strace $0x8000005B;
	[dreg:$0x1] =	wrdreg $0xFFFFFFFF  }
0xa7: {  	s28 =	simm.s32 $_size_execute0_lowered;
	s3 =	sadd.s32 s3, s5;
	[dreg:$0x0] =	wrdreg $0x0  }
0xa8: {  	s5 =	sshll.u32 s28, $0x1;
	[dreg:$0x2] =	wrdreg s3  }
0xa9: {  	[dreg:$0x3] =	wrdreg s5  }
0xaa: {  	[dreg:$0x4] =	wrdreg $0xC0  }
0xab: {  	_ =	task [dreg:s7], $0x5FFFF  }
0xac: {  	[dreg:$0x1] =	wrdreg $0xFFFFFFFF  }
0xad: {  	[dreg:$0x0] =	wrdreg $0x60  }
0xae: {  	[dreg:$0x2] =	wrdreg s24  }
0xaf: {  	[dreg:$0x3] =	wrdreg s2  }
0xb0: {  	[dreg:$0x4] =	wrdreg $0x9  }
0xb1: {  	_ =	task.clear_ibuf [dreg:s7], $0x5FFFF;
	_ =	strace $0x9000005B  }
0xb2: {  	s29 =	simm.s32 $0x9;
	_ =	strace $0x8000005D  }
0xb3: {  	_ =	swait.ge [sflag:s29], $0x1  }
0xb4: {  	[sflag:s29] =	ssyncadd.s32 $0xFFFFFFFF  }
0xb5: {  	_ =	strace $0x9000005D  }
0xb6: {  	_ =	sfence  }
0xb7: {  	s30 =	sld [smem:$0x0];
	_ =	sdelay $0x2  }
0xb8: {  	s31 =	sshll.u32 s1, $0xD;
	s1 =	sshrl.u32 s1, $0x2  }
0xb9: {  	s3 =	sand.u32 $0x4000, s31;
	s1 =	sadd.s32 s1, s30  }
0xba: {  	s0 =	sor.u32 s3, s0;
	s1 =	sshll.u32 s1, $0x11  }
0xbb: {  	s0 =	sor.u32 s1, s0  }
0xbc: {  	s0 =	sadd.s32 $0x8F2B, s0  }
0xbd: {  	[sflag:s0] =	ssyncadd.remote.s32 $0x1  }
0xbe: {  	_ =	sfence.sel $0xFFFF  }
0xbf: {  	[dreg:$0x0] =	wrdreg $0xFFFFFFFF;
	(pc) =	sbr.abs _section_cstart, $3  }
0xc0: {  	[dreg:$0x1] =	wrdreg $0xFFFFFFFF  }
0xc1: {  	_ =	task.clear_ibuf [dreg:s7], $0x2FFFF;
	_ =	strace $0x9FFFFFFF  }
0xc2: {  	(tm) =	ssettm $0x7FFFFFFF  }
0xc3: {  	_ =	shalt  }
tec
execute0_lowered:
.L_overlay_start_1:
0x0: {  	(tag) =	ssettag $0x1  }
0x1: {  	s5 =	rddreg [dreg:$0x0]  }
0x2: {  	s1 =	srdreg.scid;
	s0 =	stileid.u32  }
0x3: {  	s8 =	rddreg [dreg:$0x1];
	s2 =	simm.s32 $0x0;
	s13 =	simm.s32 $0x5320  }
0x4: {  	s14 =	simm.s32 $0x1;
	s15 =	simm.s32 $0x2;
	s16 =	simm.s32 $0x0  }
0x5: {  	s6 =	sand.u32 $0x1, s1;
	s3 =	sshll.u32 s0, $0x1;
	s1 =	rddreg [dreg:$0x2]  }
0x6: {  	[smem:$0x7FF] =	sst s2;
	s9 =	smul.u32 $0x9C40, s0;
	s3 =	sor.u32 s6, s3  }
0x7: {  	_ =	strace $0x8000005C;
	s10 =	ssub.s32 $0x2, s6;
	s12 =	smul.u32 $0x4E20, s6  }
0x8: {  	s4 =	smul.u32 $0x2710, s3;
	s3 =	sadd.s32 $0x17400, s5;
	s30 =	sshrl.u32 s10, $0x1  }
0x9: {  	s11 =	sadd.s32 s9, s5;
	s9 =	sadd.s32 s9, s8;
	s10 =	ssub.s32 s10, s30  }
0xa: {  	s31 =	sadd.s32 s12, s11;
	s9 =	sadd.s32 s12, s9;
	s7 =	sshrl.u32 s4, $0x3  }
0xb: {  	s11 =	simm.s32 $0x50;
	s12 =	simm.s32 $0x4E20;
	s7 =	sadd.s32 s7, s5  }
0xc: {  	s4 =	sadd.s32 $0x1C400, s5;
	s8 =	sadd.s32 $0x21400, s31;
	s5 =	sadd.s32 $0x3800, s7  }
0xd: {  	s6 =	sadd.s32 $0xD600, s7;
	s7 =	smax.u32 s10, $0x1;
	s10 =	simm.s32 $0x3  }
.LBB2_1:
0xe: {  	[tilespmem:s2], [sflag:$0x3] =	stream.linear.gather [hbm4b:s5+s2], $0x2710, $0x38;
	[tilespmem:$0x5820] =	vst v63  }
0xf: {  	_ =	swait.ge [sflag:s10], $0x2710  }
0x10: {  	[sflag:s10] =	ssyncset.done $0x0  }
0x11: {  	s17 =	simm.s32 $0x2710;
	[sflag:s10] =	ssyncadd.s32 $0xFFFFD8F0  }
0x12: {  	[tilespmem:s17], [sflag:$0x3] =	stream.linear.gather [hbm4b:s6+s2], $0x2710, $0x38;
	[tilespmem:$0x5820] =	vst v63  }
0x13: {  	_ =	swait.ge [sflag:s10], $0x2710  }
0x14: {  	[sflag:s10] =	ssyncset.done $0x0  }
0x15: {  	[sflag:s10] =	ssyncadd.s32 $0xFFFFD8F0  }
0x16: {  	[tilespmem:s12], [sflag:$0x1] =	stream.indirect.gather [hbm4b:s3+s11], $0x10, s2, s11, $0xb8;
	[tilespmem:$0x5820] =	vst v63  }
0x17: {  	_ = 	snop  }
0x18: {  	[tilespmem:s13], [sflag:$0x2] =	stream.indirect.gather [hbm4b:s4+s11], $0x10, s17, s11, $0xb8;
	[tilespmem:$0x5820] =	vst v63  }
0x19: {  	_ =	swait.ge [sflag:s14], $0x500  }
0x1a: {  	[sflag:s14] =	ssyncset.done $0x0  }
0x1b: {  	[sflag:s14] =	ssyncadd.s32 $0xFFFFFB00  }
0x1c: {  	_ =	swait.ge [sflag:s15], $0x500  }
0x1d: {  	[sflag:s15] =	ssyncset.done $0x0  }
0x1e: {  	s18 =	sadd.s32 $0x0, s9;
	[sflag:s15] =	ssyncadd.s32 $0xFFFFFB00  }
0x1f: {  	[hbm4b:s18+s2] =	stream.linear.scatter [tilespmem:s12], [sflag:$0x3], $0x500, $0x38;
	[tilespmem:$0x5820] =	vst v63  }
0x20: {  	_ =	swait.ge [sflag:s10], $0x500  }
0x21: {  	[sflag:s10] =	ssyncset.done $0x0  }
0x22: {  	s31 =	sadd.s32 $0x0, s8;
	[sflag:s10] =	ssyncadd.s32 $0xFFFFFB00  }
0x23: {  	[hbm4b:s31+s2] =	stream.linear.scatter [tilespmem:s13], [sflag:$0x3], $0x500, $0x38;
	[tilespmem:$0x5820] =	vst v63  }
0x24: {  	_ =	swait.ge [sflag:s10], $0x500  }
0x25: {  	s19 =	simm.s32 $0x0;
	s18 =	simm.s32 $0xA0;
	[sflag:s10] =	ssyncset.done $0x0  }
.LBB2_2:
0x26: {  	[sflag:s10] =	ssyncadd.s32 $0xFFFFFB00;
	s17 =	sadd.s32 $0x50, s17;
	s19 =	sadd.s32 $0x50, s19  }
0x27: {  	[tilespmem:s12], [sflag:$0x1] =	stream.indirect.gather [hbm4b:s3+s11], $0x10, s19, s11, $0xb8;
	[tilespmem:$0x5820] =	vst v63  }
0x28: {  	p0 =	sne.s32 s18, $0x4D80;
	s20 =	smov.u32 s18;
	s18 =	sadd.s32 $0xA0, s18  }
0x29: {  	[tilespmem:s13], [sflag:$0x2] =	stream.indirect.gather [hbm4b:s4+s11], $0x10, s17, s11, $0xb8;
	[tilespmem:$0x5820] =	vst v63  }
0x2a: {  	_ =	swait.ge [sflag:s14], $0x500  }
0x2b: {  	[sflag:s14] =	ssyncset.done $0x0  }
0x2c: {  	[sflag:s14] =	ssyncadd.s32 $0xFFFFFB00  }
0x2d: {  	_ =	swait.ge [sflag:s15], $0x500  }
0x2e: {  	[sflag:s15] =	ssyncset.done $0x0  }
0x2f: {  	s21 =	sadd.s32 s20, s9;
	[sflag:s15] =	ssyncadd.s32 $0xFFFFFB00  }
0x30: {  	[hbm4b:s21+s2] =	stream.linear.scatter [tilespmem:s12], [sflag:$0x3], $0x500, $0x38;
	[tilespmem:$0x5820] =	vst v63  }
0x31: {  	_ =	swait.ge [sflag:s10], $0x500  }
.Ltmp0:
0x32: {  	[sflag:s10] =	ssyncset.done $0x0;
	(pc) =	sbr.rel @p0 .LBB2_2-.Ltmp0, $4  }
0x33: {  	s20 =	sadd.s32 s20, s8;
	[sflag:s10] =	ssyncadd.s32 $0xFFFFFB00  }
0x34: {  	[hbm4b:s20+s2] =	stream.linear.scatter [tilespmem:s13], [sflag:$0x3], $0x500, $0x38;
	[tilespmem:$0x5820] =	vst v63  }
0x35: {  	_ =	swait.ge [sflag:s10], $0x500  }
0x36: {  	[sflag:s10] =	ssyncset.done $0x0  }
0x37: {  	s16 =	sadd.s32 $0x1, s16  }
0x38: {  	p0 =	sne.s32 s16, s7  }
.Ltmp1:
0x39: {  	_ = 	snop;
	(pc) =	sbr.rel @p0 .LBB2_1-.Ltmp1, $2  }
0x3a: {  	_ =	sdelay $0x2  }
0x3b: {  	[sflag:s10] =	ssyncadd.s32 $0xFFFFFB00  }
0x3c: {  	_ =	sfence.sel $0x180000  }
0x3d: {  	[bflag:$0x0] =	sbarrier.arrive $0xFFFF  }
0x3e: {  	p0 =	sne.s32 s0, $0x0;
	_ =	strace $0x9000005C  }
0x3f: {  	s0 =	sadd.s32 @!p0 $0x100000, s1;
	[bflag:$0x2] =	sbarrier.arrive $0xFFFF  }
0x40: {  	[sflag:s0] =	ssyncadd.tile.s32 @!p0 $0x1;
	_ =	shalt  }
.Lfunc_end2:
_tile_overlayer_lowered:
.L_overlay_start_2:
0x41: {  	(tag) =	ssettag $0x2  }
0x42: {  	s0 =	rddreg [dreg:$0x0];
	s2 =	stileid.u32  }
0x43: {  	s1 =	rddreg [dreg:$0x1];
	p0 =	sne.s32 s2, $0x0  }
0x44: {  	s3 =	rddreg [dreg:$0x2];
	[bflag:$0x3] =	sbarrier.arrive $0xFFFF;
	s2 =	simm.s32 @!p0 $0x1C03  }
0x45: {  	[timem:s3], [sflag:s2] =	dma.local @!p0 [hbm:s0], s1  }
0x46: {  	s0 =	simm.s32 @!p0 $0x3  }
0x47: {  	_ =	swait.ge @!p0 [sflag:s0], s1  }
0x48: {  	s1 =	ssub.s32 @!p0 $0x0, s1;
	[sflag:s0] =	ssyncset.done @!p0 $0x0  }
0x49: {  	[sflag:s0] =	ssyncadd.s32 @!p0 s1  }
0x4a: {  	[bflag:$0x3] =	sbarrier.arrive $0xFFFF  }
0x4b: {  	_ =	shalt  }

</sc_bundles>
